<compile_context>
chip_gen: v7x
topology: tpu7x:2x2x1
jax: 0.10.2.dev20260603
libtpu: 0.0.44.dev20260713+nightly
codegen_flags: <defaults>
</compile_context>

<pallas_src>
import functools

import jax
import jax.numpy as jnp
from jax import lax
from jax.experimental import pallas as pl
from jax.experimental.pallas import tpu as pltpu
from jax.experimental.pallas import tpu_sc as plsc

NC = 2
NS = 16
LANES = 16

NP = 122880
BK1, NB1 = 10240, 12
BK2, NB2 = 20480, 6
CH = 2048
ROWB = 64
RING = 4

MBLK = 512


def _segsum_sc(width, bk, nb, np_, e_pad, ring):
    ept = e_pad // NS
    nch = ept // CH
    accr = bk + 128
    zpt = accr // NS
    wpt = bk // NS
    nbc = (nb + 1) // NC
    shf = ROWB.bit_length() - 1
    zr = 8
    cflat = CH + ROWB
    mesh = plsc.VectorSubcoreMesh(core_axis_name="c", subcore_axis_name="s")

    @functools.partial(
        pl.kernel,
        out_type=jax.ShapeDtypeStruct((np_, width), jnp.float32),
        mesh=mesh,
        compiler_params=pltpu.CompilerParams(
            needs_layout_passes=False, use_tc_tiling_on_sc=False),
        scratch_types=[
            pltpu.VMEM_SHARED((accr, width), jnp.float32),
            pltpu.VMEM((2, CH), jnp.int32),
            pltpu.VMEM((2, CH), jnp.int32),
            pltpu.VMEM((cflat,), jnp.int32),
            pltpu.VMEM((cflat,), jnp.int32),
            pltpu.VMEM((ring, ROWB, width), jnp.float32),
            pltpu.VMEM((zr, width), jnp.float32),
            pltpu.SemaphoreType.DMA,
            pltpu.SemaphoreType.DMA,
            pltpu.SemaphoreType.DMA,
            pltpu.SemaphoreType.DMA,
            pltpu.SemaphoreType.DMA,
            pltpu.SemaphoreType.DMA,
            pltpu.SemaphoreType.DMA,
            pltpu.SemaphoreType.DMA,
            pltpu.SemaphoreType.DMA,
            pltpu.SemaphoreType.DMA,
            pltpu.SemaphoreType.DMA,
        ],
    )
    def seg(x_hbm, src_hbm, dst_hbm, out_hbm,
            acc, dstb, srcb, csrc, cdst, rows, zbuf,
            esem0, esem1, g0, g1, g2, g3, s0, s1, s2, s3, zsem):
        c = lax.axis_index("c")
        s = lax.axis_index("s")
        zero_f = jnp.zeros((LANES,), jnp.float32)
        zero_i = jnp.zeros((LANES,), jnp.int32)
        iota = lax.iota(jnp.int32, LANES)
        dummy = bk + s * 8
        ebase = s * ept
        esems = (esem0, esem1)
        gsems = (g0, g1, g2, g3)
        ssems = (s0, s1, s2, s3)

        def zb_body(r, carry):
            for k in range(width // LANES):
                zbuf[r, pl.ds(k * LANES, LANES)] = zero_f
            return carry
        lax.fori_loop(0, zr, zb_body, 0)

        def start_edges(chi, eb):
            off = ebase + chi * CH
            pltpu.async_copy(dst_hbm.at[pl.ds(off, CH)], dstb.at[eb],
                             esems[eb])
            pltpu.async_copy(src_hbm.at[pl.ds(off, CH)], srcb.at[eb],
                             esems[eb])

        def wait_edges(chi, eb):
            off = ebase + chi * CH
            pltpu.make_async_copy(dst_hbm.at[pl.ds(off, CH)], dstb.at[eb],
                                  esems[eb]).wait()
            pltpu.make_async_copy(src_hbm.at[pl.ds(off, CH)], srcb.at[eb],
                                  esems[eb]).wait()

        def start_gather(g, r):
            pltpu.async_copy(x_hbm.at[csrc.at[pl.ds(g * ROWB, ROWB)]],
                             rows.at[r], gsems[r])

        def wait_gather(g, r):
            pltpu.make_async_copy(x_hbm.at[csrc.at[pl.ds(g * ROWB, ROWB)]],
                                  rows.at[r], gsems[r]).wait()

        def start_scatter(g, r):
            pltpu.async_copy(rows.at[r],
                             acc.at[cdst.at[pl.ds(g * ROWB, ROWB)]],
                             ssems[r], add=True)

        def wait_scatter(g, r):
            pltpu.make_async_copy(rows.at[r],
                                  acc.at[cdst.at[pl.ds(g * ROWB, ROWB)]],
                                  ssems[r]).wait()

        def pass_body(p, carry):
            b = c * nbc + p
            lo = b * bk

            @pl.when(b < nb)
            def _do_pass():
                def z_start(i, cz):
                    pltpu.async_copy(
                        zbuf, acc.at[pl.ds(s * zpt + i * zr, zr)], zsem)
                    return cz
                lax.fori_loop(0, zpt // zr, z_start, 0)

                def z_drain(i, cz):
                    pltpu.make_async_copy(
                        zbuf, acc.at[pl.ds(s * zpt + i * zr, zr)],
                        zsem).wait()
                    return cz
                lax.fori_loop(0, zpt // zr, z_drain, 0)
                plsc.subcore_barrier()

                start_edges(0, 0)

                def chunk_body(chi, cc):
                    eb = chi & 1

                    @pl.when(eb == 0)
                    def _w0():
                        wait_edges(chi, 0)

                        @pl.when(chi + 1 < nch)
                        def _p1():
                            start_edges(chi + 1, 1)

                    @pl.when(eb == 1)
                    def _w1():
                        wait_edges(chi, 1)

                        @pl.when(chi + 1 < nch)
                        def _p0():
                            start_edges(chi + 1, 0)

                    @plsc.parallel_loop(0, CH // LANES, 1, unroll=8,
                                        carry=jnp.int32(0))
                    def k_in(j, kacc):
                        dv = dstb[eb, pl.ds(j * LANES, LANES)]
                        sv = srcb[eb, pl.ds(j * LANES, LANES)]
                        dvl = dv - lo
                        m = (dvl >= 0) & (dvl < bk)
                        cnt = plsc.all_reduce_population_count(m)
                        nhit = cnt[0]

                        @pl.when(nhit > 0)
                        def _store():
                            plsc.store_compressed(
                                csrc.at[pl.ds(kacc, LANES)], sv, mask=m)
                            plsc.store_compressed(
                                cdst.at[pl.ds(kacc, LANES)], dvl, mask=m)
                        return kacc + nhit

                    ng = (k_in + (ROWB - 1)) >> shf
                    kpad = ng << shf
                    for t in range(ROWB // LANES):
                        pos = k_in + t * LANES + iota
                        mm = pos < kpad
                        plsc.store_scatter(csrc, [pos], zero_i, mask=mm)
                        plsc.store_scatter(cdst, [pos], zero_i + dummy,
                                           mask=mm)

                    for gg in range(ring - 1):
                        @pl.when(gg < ng)
                        def _pro(gg=gg):
                            start_gather(gg, gg)

                    def gs_body(g, cg):
                        sl = g & (ring - 1)
                        for r in range(ring):
                            @pl.when(sl == r)
                            def _gs(r=r):
                                wait_gather(g, r)
                                start_scatter(g, r)

                        @pl.when(g + ring - 1 < ng)
                        def _next():
                            sl2 = (g + ring - 1) & (ring - 1)
                            for r in range(ring):
                                @pl.when(sl2 == r)
                                def _n(r=r):
                                    @pl.when(g >= 1)
                                    def _ws():
                                        wait_scatter(g - 1, r)
                                    start_gather(g + RING - 1, r)
                        return cg
                    lax.fori_loop(0, ng, gs_body, 0)

                    for t in range(ring):
                        @pl.when(ng - 1 - t >= 0)
                        def _dr(t=t):
                            gd = ng - 1 - t
                            sl = gd & (ring - 1)
                            for r in range(ring):
                                @pl.when(sl == r)
                                def _d(r=r):
                                    wait_scatter(gd, r)
                    return cc
                lax.fori_loop(0, nch, chunk_body, 0)
                plsc.subcore_barrier()

                pltpu.sync_copy(acc.at[pl.ds(s * wpt, wpt)],
                                out_hbm.at[pl.ds(lo + s * wpt, wpt)])
                plsc.subcore_barrier()
            return carry

        lax.fori_loop(0, nbc, pass_body, 0)

    return seg



def _degree_sc(np_, e_pad):
    npp = np_ + 512
    ept = e_pad // NS
    nch = ept // CH
    mesh = plsc.VectorSubcoreMesh(core_axis_name="c", subcore_axis_name="s")

    @functools.partial(
        pl.kernel,
        out_type=jax.ShapeDtypeStruct((NC * NS, npp), jnp.float32),
        mesh=mesh,
        compiler_params=pltpu.CompilerParams(
            needs_layout_passes=False, use_tc_tiling_on_sc=False),
        scratch_types=[
            pltpu.VMEM((npp,), jnp.float32),
            pltpu.VMEM((2, CH), jnp.int32),
            pltpu.SemaphoreType.DMA,
            pltpu.SemaphoreType.DMA,
        ],
    )
    def deg(dst_hbm, out_hbm, histo, dstb, esem0, esem1):
        c = lax.axis_index("c")
        s = lax.axis_index("s")
        zero_f = jnp.zeros((LANES,), jnp.float32)
        ones_f = jnp.full((LANES,), 1.0, jnp.float32)
        ebase = s * ept
        esems = (esem0, esem1)

        @plsc.parallel_loop(0, npp // LANES, 1, unroll=8)
        def _zero(i):
            histo[pl.ds(i * LANES, LANES)] = zero_f

        def start_edges(chi, eb):
            off = ebase + chi * CH
            pltpu.async_copy(dst_hbm.at[pl.ds(off, CH)], dstb.at[eb],
                             esems[eb])

        def wait_edges(chi, eb):
            off = ebase + chi * CH
            pltpu.make_async_copy(dst_hbm.at[pl.ds(off, CH)], dstb.at[eb],
                                  esems[eb]).wait()

        start_edges(0, 0)

        def chunk_body(chi, cc):
            eb = chi & 1

            @pl.when(eb == 0)
            def _w0():
                wait_edges(chi, 0)

                @pl.when(chi + 1 < nch)
                def _p1():
                    start_edges(chi + 1, 1)

            @pl.when(eb == 1)
            def _w1():
                wait_edges(chi, 1)

                @pl.when(chi + 1 < nch)
                def _p0():
                    start_edges(chi + 1, 0)

            def h_body(j, ch):
                dv = dstb[eb, pl.ds(j * LANES, LANES)]
                plsc.addupdate_scatter(histo, [dv], ones_f)
                return ch
            lax.fori_loop(0, CH // LANES, h_body, 0)
            return cc
        lax.fori_loop(0, nch, chunk_body, 0)

        pltpu.sync_copy(histo, out_hbm.at[c * NS + s])

    return deg


def _fuse_mm(x_ref, w_ref, o_ref):
    o_ref[...] = jnp.dot(x_ref[...], w_ref[...],
                         preferred_element_type=jnp.float32)


def _layer1_body(s_ref, deg_ref, x0_ref, wl1_ref, b1_ref, wr1_ref,
                 wl2_ref, wr2_ref, b2_ref, y1_ref, r1b_ref):
    deg2 = jnp.sum(deg_ref[...], axis=0)
    inv = (2.0 / jnp.maximum(deg2, 2.0))[:, None]
    agg = s_ref[...] * inv
    x1 = (jnp.dot(agg, wl1_ref[...], preferred_element_type=jnp.float32)
          + b1_ref[...]
          + jnp.dot(x0_ref[...], wr1_ref[...],
                    preferred_element_type=jnp.float32))
    x1 = jnp.where(x1 > 0, x1, 0.01 * x1)
    y1_ref[...] = jnp.dot(x1, wl2_ref[...], preferred_element_type=jnp.float32)
    r1b_ref[...] = (jnp.dot(x1, wr2_ref[...],
                            preferred_element_type=jnp.float32) + b2_ref[...])


def _layer2_body(s1_ref, deg_ref, r1b_ref, o_ref):
    deg2 = jnp.sum(deg_ref[...], axis=0)
    inv = (2.0 / jnp.maximum(deg2, 2.0))[:, None]
    o_ref[...] = s1_ref[...] * inv + r1b_ref[...]


def kernel(feature, edge_index, user, W_fuse, W_l1, b_l1, W_r1,
           W_l2, b_l2, W_r2):
    n_user = user.shape[0]
    n_item = feature.shape[0]
    n = n_user + n_item
    e = edge_index.shape[1]

    e_pad = -(-e // (NS * CH)) * (NS * CH)
    src = jnp.pad(edge_index[0], (0, e_pad - e))
    dst = jnp.pad(edge_index[1], (0, e_pad - e), constant_values=NP)

    item_pad = -(-n_item // MBLK) * MBLK
    feat_p = jnp.pad(feature, ((0, item_pad - n_item), (0, 0)))
    item_x = pl.pallas_call(
        _fuse_mm,
        grid=(item_pad // MBLK,),
        in_specs=[pl.BlockSpec((MBLK, 384), lambda i: (i, 0)),
                  pl.BlockSpec((384, 128), lambda i: (0, 0))],
        out_specs=pl.BlockSpec((MBLK, 128), lambda i: (i, 0)),
        out_shape=jax.ShapeDtypeStruct((item_pad, 128), jnp.float32),
    )(feat_p, W_fuse.T)

    x0 = jnp.concatenate([user, item_x[:n_item]], axis=0)
    x0 = jnp.pad(x0, ((0, NP - n), (0, 0)))

    degp = _degree_sc(NP, e_pad)(dst)
    s0 = _segsum_sc(128, BK1, NB1, NP, e_pad, 4)(x0, src, dst)

    y1, r1b = pl.pallas_call(
        _layer1_body,
        grid=(NP // MBLK,),
        in_specs=[pl.BlockSpec((MBLK, 128), lambda i: (i, 0)),
                  pl.BlockSpec((32, MBLK), lambda i: (0, i)),
                  pl.BlockSpec((MBLK, 128), lambda i: (i, 0)),
                  pl.BlockSpec((128, 128), lambda i: (0, 0)),
                  pl.BlockSpec((1, 128), lambda i: (0, 0)),
                  pl.BlockSpec((128, 128), lambda i: (0, 0)),
                  pl.BlockSpec((128, 64), lambda i: (0, 0)),
                  pl.BlockSpec((128, 64), lambda i: (0, 0)),
                  pl.BlockSpec((1, 64), lambda i: (0, 0))],
        out_specs=[pl.BlockSpec((MBLK, 64), lambda i: (i, 0)),
                   pl.BlockSpec((MBLK, 64), lambda i: (i, 0))],
        out_shape=[jax.ShapeDtypeStruct((NP, 64), jnp.float32),
                   jax.ShapeDtypeStruct((NP, 64), jnp.float32)],
    )(s0, degp, x0, W_l1.T, b_l1.reshape(1, 128), W_r1.T,
      W_l2.T, W_r2.T, b_l2.reshape(1, 64))

    s1 = _segsum_sc(64, BK2, NB2, NP, e_pad, 4)(y1, src, dst)

    x2 = pl.pallas_call(
        _layer2_body,
        grid=(NP // MBLK,),
        in_specs=[pl.BlockSpec((MBLK, 64), lambda i: (i, 0)),
                  pl.BlockSpec((32, MBLK), lambda i: (0, i)),
                  pl.BlockSpec((MBLK, 64), lambda i: (i, 0))],
        out_specs=pl.BlockSpec((MBLK, 64), lambda i: (i, 0)),
        out_shape=jax.ShapeDtypeStruct((NP, 64), jnp.float32),
    )(s1, degp, r1b)

    return x2[:n]

# --- scband reference (transcript-rebuilt; emitter-appended) ---
"""Pipeline reference for scband-gcn-31903017075080 (READ-ONLY COPY).

The authoritative reference and input builder live on the scoring server;
editing this copy changes nothing except your own understanding.
"""

import jax, jax.numpy as jnp
import numpy as np

USER_NUM = 36656
ITEM_NUM = 76085
N = USER_NUM + ITEM_NUM
E = 600000


def setup_inputs(seed: int = 0) -> dict:
    key = jax.random.key(seed)
    ks = jax.random.split(key, 12)
    inp = {}
    inp["feature"] = jax.random.normal(ks[0], (ITEM_NUM, 384), dtype=jnp.float32)
    inp["edge_index"] = jax.random.randint(ks[1], (2, E), 0, N, dtype=jnp.int32)
    inp["user"] = jax.random.normal(ks[2], (USER_NUM, 128), dtype=jnp.float32) * (1.0 / np.sqrt(128))
    inp["W_fuse"] = jax.random.normal(ks[3], (128, 384), dtype=jnp.float32) * (1.0 / np.sqrt(384))
    inp["W_l1"] = jax.random.normal(ks[4], (128, 128), dtype=jnp.float32) * (1.0 / np.sqrt(128))
    inp["b_l1"] = jnp.zeros((128,), dtype=jnp.float32)
    inp["W_r1"] = jax.random.normal(ks[5], (128, 128), dtype=jnp.float32) * (1.0 / np.sqrt(128))
    inp["W_l2"] = jax.random.normal(ks[6], (64, 128), dtype=jnp.float32) * (1.0 / np.sqrt(128))
    inp["b_l2"] = jnp.zeros((64,), dtype=jnp.float32)
    inp["W_r2"] = jax.random.normal(ks[7], (64, 128), dtype=jnp.float32) * (1.0 / np.sqrt(128))
    return inp


def _sage_conv(x, src, dst, W_l, b_l, W_r):
    # PyG SAGEConv with mean aggregation:
    # out = lin_l(mean_{j in N(i)} x_j) + lin_r(x_i)
    msgs = x[src]
    agg = jax.ops.segment_sum(msgs, dst, num_segments=N)
    deg = jax.ops.segment_sum(jnp.ones((src.shape[0],), dtype=x.dtype), dst, num_segments=N)
    agg = agg / jnp.clip(deg, 1.0, None)[:, None]
    return agg @ W_l.T + b_l + x @ W_r.T


def reference(feature, edge_index, user, W_fuse, W_l1, b_l1, W_r1, W_l2, b_l2, W_r2):
    src = edge_index[0]
    dst = edge_index[1]
    x0 = jnp.concatenate([user, feature @ W_fuse.T], axis=0)
    x1 = _sage_conv(x0, src, dst, W_l1, b_l1, W_r1)
    x1 = jax.nn.leaky_relu(x1, negative_slope=0.01)
    # dropout is identity in inference mode
    x2 = _sage_conv(x1, src, dst, W_l2, b_l2, W_r2)
    return x2

if __name__ == "__main__":
    import jax
    _d = setup_inputs()
    print(jax.jit(kernel)(*tuple(_d.values())))

</pallas_src>

<mosaic_0001>
#map = affine_map<(d0, d1) -> (0, 0)>
#map1 = affine_map<(d0, d1) -> (0)>
module attributes {stable_mosaic.version = 14 : i64} {
  func.func @seg(%arg0: i32, %arg1: i32, %arg2: memref<122880x64xf32, #tpu.memory_space<hbm>>, %arg3: memref<622592xi32, #tpu.memory_space<hbm>>, %arg4: memref<622592xi32, #tpu.memory_space<hbm>>, %arg5: memref<122880x64xf32, #tpu.memory_space<hbm>>, %arg6: memref<20608x64xf32, #tpu.memory_space<vmem_shared>>, %arg7: memref<2x2048xi32, #tpu.memory_space<vmem>>, %arg8: memref<2x2048xi32, #tpu.memory_space<vmem>>, %arg9: memref<2112xi32, #tpu.memory_space<vmem>>, %arg10: memref<2112xi32, #tpu.memory_space<vmem>>, %arg11: memref<4x64x64xf32, #tpu.memory_space<vmem>>, %arg12: memref<8x64xf32, #tpu.memory_space<vmem>>, %arg13: memref<!tpu.dma_semaphore, #tpu.memory_space<semaphore_mem>>, %arg14: memref<!tpu.dma_semaphore, #tpu.memory_space<semaphore_mem>>, %arg15: memref<!tpu.dma_semaphore, #tpu.memory_space<semaphore_mem>>, %arg16: memref<!tpu.dma_semaphore, #tpu.memory_space<semaphore_mem>>, %arg17: memref<!tpu.dma_semaphore, #tpu.memory_space<semaphore_mem>>, %arg18: memref<!tpu.dma_semaphore, #tpu.memory_space<semaphore_mem>>, %arg19: memref<!tpu.dma_semaphore, #tpu.memory_space<semaphore_mem>>, %arg20: memref<!tpu.dma_semaphore, #tpu.memory_space<semaphore_mem>>, %arg21: memref<!tpu.dma_semaphore, #tpu.memory_space<semaphore_mem>>, %arg22: memref<!tpu.dma_semaphore, #tpu.memory_space<semaphore_mem>>, %arg23: memref<!tpu.dma_semaphore, #tpu.memory_space<semaphore_mem>>) attributes {dimension_semantics = [#tpu.dimension_semantics<core_parallel>, #tpu.dimension_semantics<subcore_parallel>], iteration_bounds = array<i64: 2, 16>, scalar_prefetch = 0 : i64, scratch_operands = 18 : i64, tpu.core_type = #tpu.core_type<sc_vector_subcore>, window_params = [{transform_indices = #map}, {transform_indices = #map1}, {transform_indices = #map1}, {transform_indices = #map}]} {
    %broadcast_in_dim3A = arith.constant 0.000000e+00 : f32
    %broadcast_in_dim3A_0 = vector.broadcast %broadcast_in_dim3A : f32 to vector<16xf32>
    %broadcast_in_dim3A_1 = arith.constant 0 : i32
    %broadcast_in_dim3A_2 = vector.broadcast %broadcast_in_dim3A_1 : i32 to vector<16xi32>
    %iota3A = tpu.iota {dimensions = array<i32: 0>} : vector<16xi32>
    %mul3A = arith.constant 8 : i32
    %mul3A_3 = arith.muli %arg1, %mul3A : i32
    %add3A = arith.constant 20480 : i32
    %add3A_4 = arith.addi %add3A, %mul3A_3 : i32
    %mul3A_5 = arith.constant 38912 : i32
    %mul3A_6 = arith.muli %arg1, %mul3A_5 : i32
    %scan3A = arith.constant 0 : i32
    %scan3A_7 = arith.constant 0 : i32
    %scan3A_8 = arith.constant 8 : i32
    %scan3A_9 = arith.addi %scan3A_7, %scan3A_8 : i32
    %scan3A_10 = arith.constant 1 : i32
    scf.for %scan3A_18 = %scan3A_7 to %scan3A_9 step %scan3A_10  : i32 {
      %swap3A = arith.index_cast %scan3A_18 : i32 to index
      %swap3A_19 = arith.constant 0 : index
      %swap3A_20 = tpu.vector_load %arg12[%swap3A, %swap3A_19] {strides = array<i32>} : memref<8x64xf32, #tpu.memory_space<vmem>>, vector<16xf32>,
      tpu.vector_store %arg12[%swap3A, %swap3A_19], %broadcast_in_dim3A_0 {strides = array<i32>} : memref<8x64xf32, #tpu.memory_space<vmem>>, vector<16xf32>,
      %swap3A_21 = arith.index_cast %scan3A_18 : i32 to index
      %swap3A_22 = arith.constant 16 : index
      %swap3A_23 = tpu.vector_load %arg12[%swap3A_21, %swap3A_22] {strides = array<i32>} : memref<8x64xf32, #tpu.memory_space<vmem>>, vector<16xf32>,
      tpu.vector_store %arg12[%swap3A_21, %swap3A_22], %broadcast_in_dim3A_0 {strides = array<i32>} : memref<8x64xf32, #tpu.memory_space<vmem>>, vector<16xf32>,
      %swap3A_24 = arith.index_cast %scan3A_18 : i32 to index
      %swap3A_25 = arith.constant 32 : index
      %swap3A_26 = tpu.vector_load %arg12[%swap3A_24, %swap3A_25] {strides = array<i32>} : memref<8x64xf32, #tpu.memory_space<vmem>>, vector<16xf32>,
      tpu.vector_store %arg12[%swap3A_24, %swap3A_25], %broadcast_in_dim3A_0 {strides = array<i32>} : memref<8x64xf32, #tpu.memory_space<vmem>>, vector<16xf32>,
      %swap3A_27 = arith.index_cast %scan3A_18 : i32 to index
      %swap3A_28 = arith.constant 48 : index
      %swap3A_29 = tpu.vector_load %arg12[%swap3A_27, %swap3A_28] {strides = array<i32>} : memref<8x64xf32, #tpu.memory_space<vmem>>, vector<16xf32>,
      tpu.vector_store %arg12[%swap3A_27, %swap3A_28], %broadcast_in_dim3A_0 {strides = array<i32>} : memref<8x64xf32, #tpu.memory_space<vmem>>, vector<16xf32>,
    }
    %scan3A_11 = arith.constant 8 : i32
    %scan3A_12 = arith.constant 0 : i32
    %scan3A_13 = arith.constant 0 : i32
    %scan3A_14 = arith.constant 3 : i32
    %scan3A_15 = arith.addi %scan3A_13, %scan3A_14 : i32
    %scan3A_16 = arith.constant 1 : i32
    scf.for %scan3A_18 = %scan3A_13 to %scan3A_15 step %scan3A_16  : i32 {
      %mul3A_19 = arith.constant 3 : i32
      %mul3A_20 = arith.muli %arg0, %mul3A_19 : i32
      %add3A_21 = arith.addi %mul3A_20, %scan3A_18 : i32
      %mul3A_22 = arith.constant 20480 : i32
      %mul3A_23 = arith.muli %add3A_21, %mul3A_22 : i32
      %lt3A = arith.constant 6 : i32
      %lt3A_24 = arith.cmpi slt, %add3A_21, %lt3A : i32
      %convert_element_type3A = arith.extui %lt3A_24 : i1 to i32
      %cond3A = arith.constant 0 : i32
      %cond3A_25 = arith.cmpi ne, %convert_element_type3A, %cond3A : i32
      scf.if %cond3A_25 {
        %scan3A_26 = arith.constant 0 : i32
        %scan3A_27 = arith.constant 0 : i32
        %scan3A_28 = arith.constant 161 : i32
        %scan3A_29 = arith.addi %scan3A_27, %scan3A_28 : i32
        %scan3A_30 = arith.constant 1 : i32
        scf.for %scan3A_70 = %scan3A_27 to %scan3A_29 step %scan3A_30  : i32 {
          %mul3A_71 = arith.constant 1288 : i32
          %mul3A_72 = arith.muli %arg1, %mul3A_71 : i32
          %mul3A_73 = arith.constant 8 : i32
          %mul3A_74 = arith.muli %scan3A_70, %mul3A_73 : i32
          %add3A_75 = arith.addi %mul3A_72, %mul3A_74 : i32
          %dma_start3A_76 = arith.constant 0 : i32
          %dma_start3A_77 = tpu.memref_slice %arg6[%add3A_75, %dma_start3A_76] : memref<20608x64xf32, #tpu.memory_space<vmem_shared>> -> memref<8x64xf32, #tpu.memory_space<vmem_shared>>
          %dma_start3A_78 = arith.constant 0 : i32
          %dma_start3A_79 = tpu.memref_slice %arg6[%add3A_75, %dma_start3A_78] : memref<20608x64xf32, #tpu.memory_space<vmem_shared>> -> memref<8x64xf32, #tpu.memory_space<vmem_shared>>
          tpu.enqueue_dma source(%arg12 : memref<8x64xf32, #tpu.memory_space<vmem>>) target(%dma_start3A_79 : memref<8x64xf32, #tpu.memory_space<vmem_shared>>) target_semaphore(%arg23 : memref<!tpu.dma_semaphore, #tpu.memory_space<semaphore_mem>>)
        }
        %scan3A_31 = arith.constant 161 : i32
        %scan3A_32 = arith.constant 0 : i32
        %scan3A_33 = arith.constant 0 : i32
        %scan3A_34 = arith.constant 161 : i32
        %scan3A_35 = arith.addi %scan3A_33, %scan3A_34 : i32
        %scan3A_36 = arith.constant 1 : i32
        scf.for %scan3A_70 = %scan3A_33 to %scan3A_35 step %scan3A_36  : i32 {
          %mul3A_71 = arith.constant 1288 : i32
          %mul3A_72 = arith.muli %arg1, %mul3A_71 : i32
          %mul3A_73 = arith.constant 8 : i32
          %mul3A_74 = arith.muli %scan3A_70, %mul3A_73 : i32
          %add3A_75 = arith.addi %mul3A_72, %mul3A_74 : i32
          %dma_wait3A = arith.constant 0 : i32
          %dma_wait3A_76 = tpu.memref_slice %arg6[%add3A_75, %dma_wait3A] : memref<20608x64xf32, #tpu.memory_space<vmem_shared>> -> memref<8x64xf32, #tpu.memory_space<vmem_shared>>
          %dma_wait3A_77 = arith.constant 0 : i32
          %dma_wait3A_78 = tpu.memref_slice %arg6[%add3A_75, %dma_wait3A_77] : memref<20608x64xf32, #tpu.memory_space<vmem_shared>> -> memref<8x64xf32, #tpu.memory_space<vmem_shared>>
          tpu.wait_dma2 semaphore(%arg23 : memref<!tpu.dma_semaphore, #tpu.memory_space<semaphore_mem>>) src(%arg12 : memref<8x64xf32, #tpu.memory_space<vmem>>) dst(%dma_wait3A_78 : memref<8x64xf32, #tpu.memory_space<vmem_shared>>)
        }
        %scan3A_37 = arith.constant 161 : i32
        %barrier3A = arith.constant 0 : index
        tpu.barrier barrier_id(%barrier3A)
        %add3A_38 = arith.constant 0 : i32
        %add3A_39 = arith.addi %mul3A_6, %add3A_38 : i32
        %dma_start3A = arith.constant 0 : i32
        %dma_start3A_40 = arith.constant 0 : i32
        %dma_start3A_41 = tpu.memref_slice %arg7[%dma_start3A, %dma_start3A_40] : memref<2x2048xi32, #tpu.memory_space<vmem>> -> memref<1x2048xi32, #tpu.memory_space<vmem>>
        %dma_start3A_42 = tpu.memref_squeeze %dma_start3A_41 : memref<1x2048xi32, #tpu.memory_space<vmem>> -> memref<2048xi32, #tpu.memory_space<vmem>>
        %dma_start3A_43 = tpu.memref_slice %arg4[%add3A_39] : memref<622592xi32, #tpu.memory_space<hbm>> -> memref<2048xi32, #tpu.memory_space<hbm>>
        %dma_start3A_44 = arith.constant 0 : i32
        %dma_start3A_45 = tpu.memref_slice %arg7[%dma_start3A, %dma_start3A_44] : memref<2x2048xi32, #tpu.memory_space<vmem>> -> memref<1x2048xi32, #tpu.memory_space<vmem>>
        %dma_start3A_46 = tpu.memref_squeeze %dma_start3A_45 : memref<1x2048xi32, #tpu.memory_space<vmem>> -> memref<2048xi32, #tpu.memory_space<vmem>>
        %dma_start3A_47 = tpu.memref_slice %arg4[%add3A_39] : memref<622592xi32, #tpu.memory_space<hbm>> -> memref<2048xi32, #tpu.memory_space<hbm>>
        tpu.enqueue_dma source(%dma_start3A_47 : memref<2048xi32, #tpu.memory_space<hbm>>) target(%dma_start3A_46 : memref<2048xi32, #tpu.memory_space<vmem>>) target_semaphore(%arg13 : memref<!tpu.dma_semaphore, #tpu.memory_space<semaphore_mem>>)
        %dma_start3A_48 = arith.constant 0 : i32
        %dma_start3A_49 = arith.constant 0 : i32
        %dma_start3A_50 = tpu.memref_slice %arg8[%dma_start3A_48, %dma_start3A_49] : memref<2x2048xi32, #tpu.memory_space<vmem>> -> memref<1x2048xi32, #tpu.memory_space<vmem>>
        %dma_start3A_51 = tpu.memref_squeeze %dma_start3A_50 : memref<1x2048xi32, #tpu.memory_space<vmem>> -> memref<2048xi32, #tpu.memory_space<vmem>>
        %dma_start3A_52 = tpu.memref_slice %arg3[%add3A_39] : memref<622592xi32, #tpu.memory_space<hbm>> -> memref<2048xi32, #tpu.memory_space<hbm>>
        %dma_start3A_53 = arith.constant 0 : i32
        %dma_start3A_54 = tpu.memref_slice %arg8[%dma_start3A_48, %dma_start3A_53] : memref<2x2048xi32, #tpu.memory_space<vmem>> -> memref<1x2048xi32, #tpu.memory_space<vmem>>
        %dma_start3A_55 = tpu.memref_squeeze %dma_start3A_54 : memref<1x2048xi32, #tpu.memory_space<vmem>> -> memref<2048xi32, #tpu.memory_space<vmem>>
        %dma_start3A_56 = tpu.memref_slice %arg3[%add3A_39] : memref<622592xi32, #tpu.memory_space<hbm>> -> memref<2048xi32, #tpu.memory_space<hbm>>
        tpu.enqueue_dma source(%dma_start3A_56 : memref<2048xi32, #tpu.memory_space<hbm>>) target(%dma_start3A_55 : memref<2048xi32, #tpu.memory_space<vmem>>) target_semaphore(%arg13 : memref<!tpu.dma_semaphore, #tpu.memory_space<semaphore_mem>>)
        %scan3A_57 = arith.constant 0 : i32
        %scan3A_58 = arith.constant 0 : i32
        %scan3A_59 = arith.constant 19 : i32
        %scan3A_60 = arith.addi %scan3A_58, %scan3A_59 : i32
        %scan3A_61 = arith.constant 1 : i32
        scf.for %scan3A_70 = %scan3A_58 to %scan3A_60 step %scan3A_61  : i32 {
          %and3A = arith.constant 1 : i32
          %and3A_71 = arith.andi %scan3A_70, %and3A : i32
          %eq3A = arith.constant 0 : i32
          %eq3A_72 = arith.cmpi eq, %and3A_71, %eq3A : i32
          %convert_element_type3A_73 = arith.extui %eq3A_72 : i1 to i32
          %cond3A_74 = arith.constant 0 : i32
          %cond3A_75 = arith.cmpi ne, %convert_element_type3A_73, %cond3A_74 : i32
          scf.if %cond3A_75 {
            %mul3A_178 = arith.constant 2048 : i32
            %mul3A_179 = arith.muli %scan3A_70, %mul3A_178 : i32
            %add3A_180 = arith.addi %mul3A_6, %mul3A_179 : i32
            %dma_wait3A = arith.constant 0 : i32
            %dma_wait3A_181 = arith.constant 0 : i32
            %dma_wait3A_182 = tpu.memref_slice %arg7[%dma_wait3A, %dma_wait3A_181] : memref<2x2048xi32, #tpu.memory_space<vmem>> -> memref<1x2048xi32, #tpu.memory_space<vmem>>
            %dma_wait3A_183 = tpu.memref_squeeze %dma_wait3A_182 : memref<1x2048xi32, #tpu.memory_space<vmem>> -> memref<2048xi32, #tpu.memory_space<vmem>>
            %dma_wait3A_184 = tpu.memref_slice %arg4[%add3A_180] : memref<622592xi32, #tpu.memory_space<hbm>> -> memref<2048xi32, #tpu.memory_space<hbm>>
            %dma_wait3A_185 = arith.constant 0 : i32
            %dma_wait3A_186 = tpu.memref_slice %arg7[%dma_wait3A, %dma_wait3A_185] : memref<2x2048xi32, #tpu.memory_space<vmem>> -> memref<1x2048xi32, #tpu.memory_space<vmem>>
            %dma_wait3A_187 = tpu.memref_squeeze %dma_wait3A_186 : memref<1x2048xi32, #tpu.memory_space<vmem>> -> memref<2048xi32, #tpu.memory_space<vmem>>
            %dma_wait3A_188 = tpu.memref_slice %arg4[%add3A_180] : memref<622592xi32, #tpu.memory_space<hbm>> -> memref<2048xi32, #tpu.memory_space<hbm>>
            tpu.wait_dma2 semaphore(%arg13 : memref<!tpu.dma_semaphore, #tpu.memory_space<semaphore_mem>>) src(%dma_wait3A_188 : memref<2048xi32, #tpu.memory_space<hbm>>) dst(%dma_wait3A_187 : memref<2048xi32, #tpu.memory_space<vmem>>)
            %dma_wait3A_189 = arith.constant 0 : i32
            %dma_wait3A_190 = arith.constant 0 : i32
            %dma_wait3A_191 = tpu.memref_slice %arg8[%dma_wait3A_189, %dma_wait3A_190] : memref<2x2048xi32, #tpu.memory_space<vmem>> -> memref<1x2048xi32, #tpu.memory_space<vmem>>
            %dma_wait3A_192 = tpu.memref_squeeze %dma_wait3A_191 : memref<1x2048xi32, #tpu.memory_space<vmem>> -> memref<2048xi32, #tpu.memory_space<vmem>>
            %dma_wait3A_193 = tpu.memref_slice %arg3[%add3A_180] : memref<622592xi32, #tpu.memory_space<hbm>> -> memref<2048xi32, #tpu.memory_space<hbm>>
            %dma_wait3A_194 = arith.constant 0 : i32
            %dma_wait3A_195 = tpu.memref_slice %arg8[%dma_wait3A_189, %dma_wait3A_194] : memref<2x2048xi32, #tpu.memory_space<vmem>> -> memref<1x2048xi32, #tpu.memory_space<vmem>>
            %dma_wait3A_196 = tpu.memref_squeeze %dma_wait3A_195 : memref<1x2048xi32, #tpu.memory_space<vmem>> -> memref<2048xi32, #tpu.memory_space<vmem>>
            %dma_wait3A_197 = tpu.memref_slice %arg3[%add3A_180] : memref<622592xi32, #tpu.memory_space<hbm>> -> memref<2048xi32, #tpu.memory_space<hbm>>
            tpu.wait_dma2 semaphore(%arg13 : memref<!tpu.dma_semaphore, #tpu.memory_space<semaphore_mem>>) src(%dma_wait3A_197 : memref<2048xi32, #tpu.memory_space<hbm>>) dst(%dma_wait3A_196 : memref<2048xi32, #tpu.memory_space<vmem>>)
            %add3A_198 = arith.constant 1 : i32
            %add3A_199 = arith.addi %scan3A_70, %add3A_198 : i32
            %lt3A_200 = arith.constant 19 : i32
            %lt3A_201 = arith.cmpi slt, %add3A_199, %lt3A_200 : i32
            %convert_element_type3A_202 = arith.extui %lt3A_201 : i1 to i32
            %cond3A_203 = arith.constant 0 : i32
            %cond3A_204 = arith.cmpi ne, %convert_element_type3A_202, %cond3A_203 : i32
            scf.if %cond3A_204 {
              %add3A_205 = arith.constant 1 : i32
              %add3A_206 = arith.addi %scan3A_70, %add3A_205 : i32
              %mul3A_207 = arith.constant 2048 : i32
              %mul3A_208 = arith.muli %add3A_206, %mul3A_207 : i32
              %add3A_209 = arith.addi %mul3A_6, %mul3A_208 : i32
              %dma_start3A_210 = arith.constant 1 : i32
              %dma_start3A_211 = arith.constant 0 : i32
              %dma_start3A_212 = tpu.memref_slice %arg7[%dma_start3A_210, %dma_start3A_211] : memref<2x2048xi32, #tpu.memory_space<vmem>> -> memref<1x2048xi32, #tpu.memory_space<vmem>>
              %dma_start3A_213 = tpu.memref_squeeze %dma_start3A_212 : memref<1x2048xi32, #tpu.memory_space<vmem>> -> memref<2048xi32, #tpu.memory_space<vmem>>
              %dma_start3A_214 = tpu.memref_slice %arg4[%add3A_209] : memref<622592xi32, #tpu.memory_space<hbm>> -> memref<2048xi32, #tpu.memory_space<hbm>>
              %dma_start3A_215 = arith.constant 0 : i32
              %dma_start3A_216 = tpu.memref_slice %arg7[%dma_start3A_210, %dma_start3A_215] : memref<2x2048xi32, #tpu.memory_space<vmem>> -> memref<1x2048xi32, #tpu.memory_space<vmem>>
              %dma_start3A_217 = tpu.memref_squeeze %dma_start3A_216 : memref<1x2048xi32, #tpu.memory_space<vmem>> -> memref<2048xi32, #tpu.memory_space<vmem>>
              %dma_start3A_218 = tpu.memref_slice %arg4[%add3A_209] : memref<622592xi32, #tpu.memory_space<hbm>> -> memref<2048xi32, #tpu.memory_space<hbm>>
              tpu.enqueue_dma source(%dma_start3A_218 : memref<2048xi32, #tpu.memory_space<hbm>>) target(%dma_start3A_217 : memref<2048xi32, #tpu.memory_space<vmem>>) target_semaphore(%arg14 : memref<!tpu.dma_semaphore, #tpu.memory_space<semaphore_mem>>)
              %dma_start3A_219 = arith.constant 1 : i32
              %dma_start3A_220 = arith.constant 0 : i32
              %dma_start3A_221 = tpu.memref_slice %arg8[%dma_start3A_219, %dma_start3A_220] : memref<2x2048xi32, #tpu.memory_space<vmem>> -> memref<1x2048xi32, #tpu.memory_space<vmem>>
              %dma_start3A_222 = tpu.memref_squeeze %dma_start3A_221 : memref<1x2048xi32, #tpu.memory_space<vmem>> -> memref<2048xi32, #tpu.memory_space<vmem>>
              %dma_start3A_223 = tpu.memref_slice %arg3[%add3A_209] : memref<622592xi32, #tpu.memory_space<hbm>> -> memref<2048xi32, #tpu.memory_space<hbm>>
              %dma_start3A_224 = arith.constant 0 : i32
              %dma_start3A_225 = tpu.memref_slice %arg8[%dma_start3A_219, %dma_start3A_224] : memref<2x2048xi32, #tpu.memory_space<vmem>> -> memref<1x2048xi32, #tpu.memory_space<vmem>>
              %dma_start3A_226 = tpu.memref_squeeze %dma_start3A_225 : memref<1x2048xi32, #tpu.memory_space<vmem>> -> memref<2048xi32, #tpu.memory_space<vmem>>
              %dma_start3A_227 = tpu.memref_slice %arg3[%add3A_209] : memref<622592xi32, #tpu.memory_space<hbm>> -> memref<2048xi32, #tpu.memory_space<hbm>>
              tpu.enqueue_dma source(%dma_start3A_227 : memref<2048xi32, #tpu.memory_space<hbm>>) target(%dma_start3A_226 : memref<2048xi32, #tpu.memory_space<vmem>>) target_semaphore(%arg14 : memref<!tpu.dma_semaphore, #tpu.memory_space<semaphore_mem>>)
            } else {
            }
          } else {
          }
          %eq3A_76 = arith.constant 1 : i32
          %eq3A_77 = arith.cmpi eq, %and3A_71, %eq3A_76 : i32
          %convert_element_type3A_78 = arith.extui %eq3A_77 : i1 to i32
          %cond3A_79 = arith.constant 0 : i32
          %cond3A_80 = arith.cmpi ne, %convert_element_type3A_78, %cond3A_79 : i32
          scf.if %cond3A_80 {
            %mul3A_178 = arith.constant 2048 : i32
            %mul3A_179 = arith.muli %scan3A_70, %mul3A_178 : i32
            %add3A_180 = arith.addi %mul3A_6, %mul3A_179 : i32
            %dma_wait3A = arith.constant 1 : i32
            %dma_wait3A_181 = arith.constant 0 : i32
            %dma_wait3A_182 = tpu.memref_slice %arg7[%dma_wait3A, %dma_wait3A_181] : memref<2x2048xi32, #tpu.memory_space<vmem>> -> memref<1x2048xi32, #tpu.memory_space<vmem>>
            %dma_wait3A_183 = tpu.memref_squeeze %dma_wait3A_182 : memref<1x2048xi32, #tpu.memory_space<vmem>> -> memref<2048xi32, #tpu.memory_space<vmem>>
            %dma_wait3A_184 = tpu.memref_slice %arg4[%add3A_180] : memref<622592xi32, #tpu.memory_space<hbm>> -> memref<2048xi32, #tpu.memory_space<hbm>>
            %dma_wait3A_185 = arith.constant 0 : i32
            %dma_wait3A_186 = tpu.memref_slice %arg7[%dma_wait3A, %dma_wait3A_185] : memref<2x2048xi32, #tpu.memory_space<vmem>> -> memref<1x2048xi32, #tpu.memory_space<vmem>>
            %dma_wait3A_187 = tpu.memref_squeeze %dma_wait3A_186 : memref<1x2048xi32, #tpu.memory_space<vmem>> -> memref<2048xi32, #tpu.memory_space<vmem>>
            %dma_wait3A_188 = tpu.memref_slice %arg4[%add3A_180] : memref<622592xi32, #tpu.memory_space<hbm>> -> memref<2048xi32, #tpu.memory_space<hbm>>
            tpu.wait_dma2 semaphore(%arg14 : memref<!tpu.dma_semaphore, #tpu.memory_space<semaphore_mem>>) src(%dma_wait3A_188 : memref<2048xi32, #tpu.memory_space<hbm>>) dst(%dma_wait3A_187 : memref<2048xi32, #tpu.memory_space<vmem>>)
            %dma_wait3A_189 = arith.constant 1 : i32
            %dma_wait3A_190 = arith.constant 0 : i32
            %dma_wait3A_191 = tpu.memref_slice %arg8[%dma_wait3A_189, %dma_wait3A_190] : memref<2x2048xi32, #tpu.memory_space<vmem>> -> memref<1x2048xi32, #tpu.memory_space<vmem>>
            %dma_wait3A_192 = tpu.memref_squeeze %dma_wait3A_191 : memref<1x2048xi32, #tpu.memory_space<vmem>> -> memref<2048xi32, #tpu.memory_space<vmem>>
            %dma_wait3A_193 = tpu.memref_slice %arg3[%add3A_180] : memref<622592xi32, #tpu.memory_space<hbm>> -> memref<2048xi32, #tpu.memory_space<hbm>>
            %dma_wait3A_194 = arith.constant 0 : i32
            %dma_wait3A_195 = tpu.memref_slice %arg8[%dma_wait3A_189, %dma_wait3A_194] : memref<2x2048xi32, #tpu.memory_space<vmem>> -> memref<1x2048xi32, #tpu.memory_space<vmem>>
            %dma_wait3A_196 = tpu.memref_squeeze %dma_wait3A_195 : memref<1x2048xi32, #tpu.memory_space<vmem>> -> memref<2048xi32, #tpu.memory_space<vmem>>
            %dma_wait3A_197 = tpu.memref_slice %arg3[%add3A_180] : memref<622592xi32, #tpu.memory_space<hbm>> -> memref<2048xi32, #tpu.memory_space<hbm>>
            tpu.wait_dma2 semaphore(%arg14 : memref<!tpu.dma_semaphore, #tpu.memory_space<semaphore_mem>>) src(%dma_wait3A_197 : memref<2048xi32, #tpu.memory_space<hbm>>) dst(%dma_wait3A_196 : memref<2048xi32, #tpu.memory_space<vmem>>)
            %add3A_198 = arith.constant 1 : i32
            %add3A_199 = arith.addi %scan3A_70, %add3A_198 : i32
            %lt3A_200 = arith.constant 19 : i32
            %lt3A_201 = arith.cmpi slt, %add3A_199, %lt3A_200 : i32
            %convert_element_type3A_202 = arith.extui %lt3A_201 : i1 to i32
            %cond3A_203 = arith.constant 0 : i32
            %cond3A_204 = arith.cmpi ne, %convert_element_type3A_202, %cond3A_203 : i32
            scf.if %cond3A_204 {
              %add3A_205 = arith.constant 1 : i32
              %add3A_206 = arith.addi %scan3A_70, %add3A_205 : i32
              %mul3A_207 = arith.constant 2048 : i32
              %mul3A_208 = arith.muli %add3A_206, %mul3A_207 : i32
              %add3A_209 = arith.addi %mul3A_6, %mul3A_208 : i32
              %dma_start3A_210 = arith.constant 0 : i32
              %dma_start3A_211 = arith.constant 0 : i32
              %dma_start3A_212 = tpu.memref_slice %arg7[%dma_start3A_210, %dma_start3A_211] : memref<2x2048xi32, #tpu.memory_space<vmem>> -> memref<1x2048xi32, #tpu.memory_space<vmem>>
              %dma_start3A_213 = tpu.memref_squeeze %dma_start3A_212 : memref<1x2048xi32, #tpu.memory_space<vmem>> -> memref<2048xi32, #tpu.memory_space<vmem>>
              %dma_start3A_214 = tpu.memref_slice %arg4[%add3A_209] : memref<622592xi32, #tpu.memory_space<hbm>> -> memref<2048xi32, #tpu.memory_space<hbm>>
              %dma_start3A_215 = arith.constant 0 : i32
              %dma_start3A_216 = tpu.memref_slice %arg7[%dma_start3A_210, %dma_start3A_215] : memref<2x2048xi32, #tpu.memory_space<vmem>> -> memref<1x2048xi32, #tpu.memory_space<vmem>>
              %dma_start3A_217 = tpu.memref_squeeze %dma_start3A_216 : memref<1x2048xi32, #tpu.memory_space<vmem>> -> memref<2048xi32, #tpu.memory_space<vmem>>
              %dma_start3A_218 = tpu.memref_slice %arg4[%add3A_209] : memref<622592xi32, #tpu.memory_space<hbm>> -> memref<2048xi32, #tpu.memory_space<hbm>>
              tpu.enqueue_dma source(%dma_start3A_218 : memref<2048xi32, #tpu.memory_space<hbm>>) target(%dma_start3A_217 : memref<2048xi32, #tpu.memory_space<vmem>>) target_semaphore(%arg13 : memref<!tpu.dma_semaphore, #tpu.memory_space<semaphore_mem>>)
              %dma_start3A_219 = arith.constant 0 : i32
              %dma_start3A_220 = arith.constant 0 : i32
              %dma_start3A_221 = tpu.memref_slice %arg8[%dma_start3A_219, %dma_start3A_220] : memref<2x2048xi32, #tpu.memory_space<vmem>> -> memref<1x2048xi32, #tpu.memory_space<vmem>>
              %dma_start3A_222 = tpu.memref_squeeze %dma_start3A_221 : memref<1x2048xi32, #tpu.memory_space<vmem>> -> memref<2048xi32, #tpu.memory_space<vmem>>
              %dma_start3A_223 = tpu.memref_slice %arg3[%add3A_209] : memref<622592xi32, #tpu.memory_space<hbm>> -> memref<2048xi32, #tpu.memory_space<hbm>>
              %dma_start3A_224 = arith.constant 0 : i32
              %dma_start3A_225 = tpu.memref_slice %arg8[%dma_start3A_219, %dma_start3A_224] : memref<2x2048xi32, #tpu.memory_space<vmem>> -> memref<1x2048xi32, #tpu.memory_space<vmem>>
              %dma_start3A_226 = tpu.memref_squeeze %dma_start3A_225 : memref<1x2048xi32, #tpu.memory_space<vmem>> -> memref<2048xi32, #tpu.memory_space<vmem>>
              %dma_start3A_227 = tpu.memref_slice %arg3[%add3A_209] : memref<622592xi32, #tpu.memory_space<hbm>> -> memref<2048xi32, #tpu.memory_space<hbm>>
              tpu.enqueue_dma source(%dma_start3A_227 : memref<2048xi32, #tpu.memory_space<hbm>>) target(%dma_start3A_226 : memref<2048xi32, #tpu.memory_space<vmem>>) target_semaphore(%arg13 : memref<!tpu.dma_semaphore, #tpu.memory_space<semaphore_mem>>)
            } else {
            }
          } else {
          }
          %parallel_loop3A = arith.constant 0 : i32
          %parallel_loop3A_81 = arith.constant 128 : i32
          %parallel_loop3A_82 = arith.constant 1 : i32
          %parallel_loop3A_83 = arith.constant 0 : i32
          %parallel_loop3A_84 = scf.for %parallel_loop3A_178 = %parallel_loop3A to %parallel_loop3A_81 step %parallel_loop3A_82 iter_args(%parallel_loop3A_179 = %parallel_loop3A_83) -> (i32)  : i32 {
            %parallel_loop3A_180 = arith.constant 16 : i32
            %parallel_loop3A_181 = arith.muli %parallel_loop3A_178, %parallel_loop3A_180 : i32
            %parallel_loop3A_182 = arith.index_cast %and3A_71 : i32 to index
            %parallel_loop3A_183 = arith.index_cast %parallel_loop3A_181 : i32 to index
            %parallel_loop3A_184 = tpu.vector_load %arg7[%parallel_loop3A_182, %parallel_loop3A_183] {strides = array<i32>} : memref<2x2048xi32, #tpu.memory_space<vmem>>, vector<16xi32>,
            %parallel_loop3A_185 = arith.constant 16 : i32
            %parallel_loop3A_186 = arith.muli %parallel_loop3A_178, %parallel_loop3A_185 : i32
            %parallel_loop3A_187 = arith.index_cast %and3A_71 : i32 to index
            %parallel_loop3A_188 = arith.index_cast %parallel_loop3A_186 : i32 to index
            %parallel_loop3A_189 = tpu.vector_load %arg8[%parallel_loop3A_187, %parallel_loop3A_188] {strides = array<i32>} : memref<2x2048xi32, #tpu.memory_space<vmem>>, vector<16xi32>,
            %parallel_loop3A_190 = vector.broadcast %mul3A_23 : i32 to vector<16xi32>
            %parallel_loop3A_191 = arith.subi %parallel_loop3A_184, %parallel_loop3A_190 : vector<16xi32>
            %parallel_loop3A_192 = arith.constant 0 : i32
            %parallel_loop3A_193 = vector.broadcast %parallel_loop3A_192 : i32 to vector<16xi32>
            %parallel_loop3A_194 = arith.cmpi sge, %parallel_loop3A_191, %parallel_loop3A_193 : vector<16xi32>
            %parallel_loop3A_195 = arith.constant 20480 : i32
            %parallel_loop3A_196 = vector.broadcast %parallel_loop3A_195 : i32 to vector<16xi32>
            %parallel_loop3A_197 = arith.cmpi slt, %parallel_loop3A_191, %parallel_loop3A_196 : vector<16xi32>
            %parallel_loop3A_198 = arith.andi %parallel_loop3A_194, %parallel_loop3A_197 : vector<16xi1>
            %parallel_loop3A_199 = tpu.all_reduce %parallel_loop3A_198 {dim = 0 : i64, kind = #tpu.reduction_kind<sum>} : vector<16xi1> -> vector<16xi32>
            %parallel_loop3A_200 = vector.extract_strided_slice %parallel_loop3A_199 {offsets = [0], sizes = [1], strides = [1]} : vector<16xi32> to vector<1xi32>
            %parallel_loop3A_201 = vector.extract %parallel_loop3A_200[0] : i32 from vector<1xi32>
            %parallel_loop3A_202 = arith.constant 0 : i32
            %parallel_loop3A_203 = arith.cmpi sgt, %parallel_loop3A_201, %parallel_loop3A_202 : i32
            %parallel_loop3A_204 = arith.extui %parallel_loop3A_203 : i1 to i32
            %parallel_loop3A_205 = arith.constant 0 : i32
            %parallel_loop3A_206 = arith.cmpi ne, %parallel_loop3A_204, %parallel_loop3A_205 : i32
            scf.if %parallel_loop3A_206 {
              %parallel_loop3A_208 = arith.index_cast %parallel_loop3A_179 : i32 to index
              %parallel_loop3A_209 = tpu.vector_load %arg9[%parallel_loop3A_208] masked %parallel_loop3A_198 {strides = array<i32>} : memref<2112xi32, #tpu.memory_space<vmem>>, vector<16xi32>, vector<16xi1>
              tpu.vector_store %arg9[%parallel_loop3A_208], %parallel_loop3A_189 masked %parallel_loop3A_198 {strides = array<i32>} : memref<2112xi32, #tpu.memory_space<vmem>>, vector<16xi32>, vector<16xi1>
              %parallel_loop3A_210 = arith.index_cast %parallel_loop3A_179 : i32 to index
              %parallel_loop3A_211 = tpu.vector_load %arg10[%parallel_loop3A_210] masked %parallel_loop3A_198 {strides = array<i32>} : memref<2112xi32, #tpu.memory_space<vmem>>, vector<16xi32>, vector<16xi1>
              tpu.vector_store %arg10[%parallel_loop3A_210], %parallel_loop3A_191 masked %parallel_loop3A_198 {strides = array<i32>} : memref<2112xi32, #tpu.memory_space<vmem>>, vector<16xi32>, vector<16xi1>
            } else {
            }
            %parallel_loop3A_207 = arith.addi %parallel_loop3A_179, %parallel_loop3A_201 : i32
            scf.yield %parallel_loop3A_207 : i32
          } {sc.loop_unroll_factor = 8 : i64, sc.parallel_access}
          %add3A_85 = arith.constant 63 : i32
          %add3A_86 = arith.addi %parallel_loop3A_84, %add3A_85 : i32
          %shift_right_arithmetic3A = arith.constant 6 : i32
          %shift_right_arithmetic3A_87 = arith.shrsi %add3A_86, %shift_right_arithmetic3A : i32
          %shift_left3A = arith.constant 6 : i32
          %shift_left3A_88 = arith.shli %shift_right_arithmetic3A_87, %shift_left3A : i32
          %add3A_89 = arith.constant 0 : i32
          %add3A_90 = arith.addi %parallel_loop3A_84, %add3A_89 : i32
          %add3A_91 = vector.broadcast %add3A_90 : i32 to vector<16xi32>
          %add3A_92 = arith.addi %add3A_91, %iota3A : vector<16xi32>
          %lt3A_93 = vector.broadcast %shift_left3A_88 : i32 to vector<16xi32>
          %lt3A_94 = arith.cmpi slt, %add3A_92, %lt3A_93 : vector<16xi32>
          tpu.vector_store_idx %arg9[%add3A_92], %broadcast_in_dim3A_2 masked %lt3A_94 : memref<2112xi32, #tpu.memory_space<vmem>>[vector<16xi32>], vector<16xi32>, vector<16xi1>
          %add3A_95 = vector.broadcast %add3A_4 : i32 to vector<16xi32>
          %add3A_96 = arith.addi %broadcast_in_dim3A_2, %add3A_95 : vector<16xi32>
          tpu.vector_store_idx %arg10[%add3A_92], %add3A_96 masked %lt3A_94 : memref<2112xi32, #tpu.memory_space<vmem>>[vector<16xi32>], vector<16xi32>, vector<16xi1>
          %add3A_97 = arith.constant 16 : i32
          %add3A_98 = arith.addi %parallel_loop3A_84, %add3A_97 : i32
          %add3A_99 = vector.broadcast %add3A_98 : i32 to vector<16xi32>
          %add3A_100 = arith.addi %add3A_99, %iota3A : vector<16xi32>
          %lt3A_101 = vector.broadcast %shift_left3A_88 : i32 to vector<16xi32>
          %lt3A_102 = arith.cmpi slt, %add3A_100, %lt3A_101 : vector<16xi32>
          tpu.vector_store_idx %arg9[%add3A_100], %broadcast_in_dim3A_2 masked %lt3A_102 : memref<2112xi32, #tpu.memory_space<vmem>>[vector<16xi32>], vector<16xi32>, vector<16xi1>
          %add3A_103 = vector.broadcast %add3A_4 : i32 to vector<16xi32>
          %add3A_104 = arith.addi %broadcast_in_dim3A_2, %add3A_103 : vector<16xi32>
          tpu.vector_store_idx %arg10[%add3A_100], %add3A_104 masked %lt3A_102 : memref<2112xi32, #tpu.memory_space<vmem>>[vector<16xi32>], vector<16xi32>, vector<16xi1>
          %add3A_105 = arith.constant 32 : i32
          %add3A_106 = arith.addi %parallel_loop3A_84, %add3A_105 : i32
          %add3A_107 = vector.broadcast %add3A_106 : i32 to vector<16xi32>
          %add3A_108 = arith.addi %add3A_107, %iota3A : vector<16xi32>
          %lt3A_109 = vector.broadcast %shift_left3A_88 : i32 to vector<16xi32>
          %lt3A_110 = arith.cmpi slt, %add3A_108, %lt3A_109 : vector<16xi32>
          tpu.vector_store_idx %arg9[%add3A_108], %broadcast_in_dim3A_2 masked %lt3A_110 : memref<2112xi32, #tpu.memory_space<vmem>>[vector<16xi32>], vector<16xi32>, vector<16xi1>
          %add3A_111 = vector.broadcast %add3A_4 : i32 to vector<16xi32>
          %add3A_112 = arith.addi %broadcast_in_dim3A_2, %add3A_111 : vector<16xi32>
          tpu.vector_store_idx %arg10[%add3A_108], %add3A_112 masked %lt3A_110 : memref<2112xi32, #tpu.memory_space<vmem>>[vector<16xi32>], vector<16xi32>, vector<16xi1>
          %add3A_113 = arith.constant 48 : i32
          %add3A_114 = arith.addi %parallel_loop3A_84, %add3A_113 : i32
          %add3A_115 = vector.broadcast %add3A_114 : i32 to vector<16xi32>
          %add3A_116 = arith.addi %add3A_115, %iota3A : vector<16xi32>
          %lt3A_117 = vector.broadcast %shift_left3A_88 : i32 to vector<16xi32>
          %lt3A_118 = arith.cmpi slt, %add3A_116, %lt3A_117 : vector<16xi32>
          tpu.vector_store_idx %arg9[%add3A_116], %broadcast_in_dim3A_2 masked %lt3A_118 : memref<2112xi32, #tpu.memory_space<vmem>>[vector<16xi32>], vector<16xi32>, vector<16xi1>
          %add3A_119 = vector.broadcast %add3A_4 : i32 to vector<16xi32>
          %add3A_120 = arith.addi %broadcast_in_dim3A_2, %add3A_119 : vector<16xi32>
          tpu.vector_store_idx %arg10[%add3A_116], %add3A_120 masked %lt3A_118 : memref<2112xi32, #tpu.memory_space<vmem>>[vector<16xi32>], vector<16xi32>, vector<16xi1>
          %gt3A = arith.constant 0 : i32
          %gt3A_121 = arith.cmpi sgt, %shift_right_arithmetic3A_87, %gt3A : i32
          %convert_element_type3A_122 = arith.extui %gt3A_121 : i1 to i32
          %cond3A_123 = arith.constant 0 : i32
          %cond3A_124 = arith.cmpi ne, %convert_element_type3A_122, %cond3A_123 : i32
          scf.if %cond3A_124 {
            %dma_start3A_178 = arith.constant 0 : i32
            %dma_start3A_179 = arith.constant 0 : i32
            %dma_start3A_180 = arith.constant 0 : i32
            %dma_start3A_181 = tpu.memref_slice %arg11[%dma_start3A_178, %dma_start3A_179, %dma_start3A_180] : memref<4x64x64xf32, #tpu.memory_space<vmem>> -> memref<1x64x64xf32, #tpu.memory_space<vmem>>
            %dma_start3A_182 = tpu.memref_squeeze %dma_start3A_181 : memref<1x64x64xf32, #tpu.memory_space<vmem>> -> memref<64x64xf32, #tpu.memory_space<vmem>>
            %dma_start3A_183 = arith.constant 0 : i32
            %dma_start3A_184 = tpu.memref_slice %arg9[%dma_start3A_183] : memref<2112xi32, #tpu.memory_space<vmem>> -> memref<64xi32, #tpu.memory_space<vmem>>
            %dma_start3A_185 = arith.constant 0 : i32
            %dma_start3A_186 = arith.constant 0 : i32
            %dma_start3A_187 = tpu.memref_slice %arg2[%dma_start3A_185, %dma_start3A_186] : memref<122880x64xf32, #tpu.memory_space<hbm>> -> memref<122880x64xf32, #tpu.memory_space<hbm>>
            tpu.enqueue_indirect_dma source(%dma_start3A_187 : memref<122880x64xf32, #tpu.memory_space<hbm>>) target(%dma_start3A_182 : memref<64x64xf32, #tpu.memory_space<vmem>>) offsets(%dma_start3A_184 : memref<64xi32, #tpu.memory_space<vmem>>) semaphore(%arg15 : memref<!tpu.dma_semaphore, #tpu.memory_space<semaphore_mem>>)
          } else {
          }
          %gt3A_125 = arith.constant 1 : i32
          %gt3A_126 = arith.cmpi sgt, %shift_right_arithmetic3A_87, %gt3A_125 : i32
          %convert_element_type3A_127 = arith.extui %gt3A_126 : i1 to i32
          %cond3A_128 = arith.constant 0 : i32
          %cond3A_129 = arith.cmpi ne, %convert_element_type3A_127, %cond3A_128 : i32
          scf.if %cond3A_129 {
            %dma_start3A_178 = arith.constant 1 : i32
            %dma_start3A_179 = arith.constant 0 : i32
            %dma_start3A_180 = arith.constant 0 : i32
            %dma_start3A_181 = tpu.memref_slice %arg11[%dma_start3A_178, %dma_start3A_179, %dma_start3A_180] : memref<4x64x64xf32, #tpu.memory_space<vmem>> -> memref<1x64x64xf32, #tpu.memory_space<vmem>>
            %dma_start3A_182 = tpu.memref_squeeze %dma_start3A_181 : memref<1x64x64xf32, #tpu.memory_space<vmem>> -> memref<64x64xf32, #tpu.memory_space<vmem>>
            %dma_start3A_183 = arith.constant 64 : i32
            %dma_start3A_184 = tpu.memref_slice %arg9[%dma_start3A_183] : memref<2112xi32, #tpu.memory_space<vmem>> -> memref<64xi32, #tpu.memory_space<vmem>>
            %dma_start3A_185 = arith.constant 0 : i32
            %dma_start3A_186 = arith.constant 0 : i32
            %dma_start3A_187 = tpu.memref_slice %arg2[%dma_start3A_185, %dma_start3A_186] : memref<122880x64xf32, #tpu.memory_space<hbm>> -> memref<122880x64xf32, #tpu.memory_space<hbm>>
            tpu.enqueue_indirect_dma source(%dma_start3A_187 : memref<122880x64xf32, #tpu.memory_space<hbm>>) target(%dma_start3A_182 : memref<64x64xf32, #tpu.memory_space<vmem>>) offsets(%dma_start3A_184 : memref<64xi32, #tpu.memory_space<vmem>>) semaphore(%arg16 : memref<!tpu.dma_semaphore, #tpu.memory_space<semaphore_mem>>)
          } else {
          }
          %gt3A_130 = arith.constant 2 : i32
          %gt3A_131 = arith.cmpi sgt, %shift_right_arithmetic3A_87, %gt3A_130 : i32
          %convert_element_type3A_132 = arith.extui %gt3A_131 : i1 to i32
          %cond3A_133 = arith.constant 0 : i32
          %cond3A_134 = arith.cmpi ne, %convert_element_type3A_132, %cond3A_133 : i32
          scf.if %cond3A_134 {
            %dma_start3A_178 = arith.constant 2 : i32
            %dma_start3A_179 = arith.constant 0 : i32
            %dma_start3A_180 = arith.constant 0 : i32
            %dma_start3A_181 = tpu.memref_slice %arg11[%dma_start3A_178, %dma_start3A_179, %dma_start3A_180] : memref<4x64x64xf32, #tpu.memory_space<vmem>> -> memref<1x64x64xf32, #tpu.memory_space<vmem>>
            %dma_start3A_182 = tpu.memref_squeeze %dma_start3A_181 : memref<1x64x64xf32, #tpu.memory_space<vmem>> -> memref<64x64xf32, #tpu.memory_space<vmem>>
            %dma_start3A_183 = arith.constant 128 : i32
            %dma_start3A_184 = tpu.memref_slice %arg9[%dma_start3A_183] : memref<2112xi32, #tpu.memory_space<vmem>> -> memref<64xi32, #tpu.memory_space<vmem>>
            %dma_start3A_185 = arith.constant 0 : i32
            %dma_start3A_186 = arith.constant 0 : i32
            %dma_start3A_187 = tpu.memref_slice %arg2[%dma_start3A_185, %dma_start3A_186] : memref<122880x64xf32, #tpu.memory_space<hbm>> -> memref<122880x64xf32, #tpu.memory_space<hbm>>
            tpu.enqueue_indirect_dma source(%dma_start3A_187 : memref<122880x64xf32, #tpu.memory_space<hbm>>) target(%dma_start3A_182 : memref<64x64xf32, #tpu.memory_space<vmem>>) offsets(%dma_start3A_184 : memref<64xi32, #tpu.memory_space<vmem>>) semaphore(%arg17 : memref<!tpu.dma_semaphore, #tpu.memory_space<semaphore_mem>>)
          } else {
          }
          %while3A = arith.constant 0 : i32
          %while3A_135 = arith.constant 0 : i32
          %while3A_136 = arith.subi %shift_right_arithmetic3A_87, %while3A_135 : i32
          %while3A_137 = arith.addi %while3A_135, %while3A_136 : i32
          %while3A_138 = arith.constant 1 : i32
          %while3A_139 = arith.divsi %while3A_136, %while3A_138 : i32
          %while3A_140 = arith.muli %while3A_139, %while3A_138 : i32
          %while3A_141 = arith.addi %while3A_135, %while3A_140 : i32
          %while3A_142 = arith.constant 1 : i32
          scf.for %while3A_178 = %while3A_135 to %while3A_141 step %while3A_142  : i32 {
            %and3A_179 = arith.constant 3 : i32
            %and3A_180 = arith.andi %while3A_178, %and3A_179 : i32
            %eq3A_181 = arith.constant 0 : i32
            %eq3A_182 = arith.cmpi eq, %and3A_180, %eq3A_181 : i32
            %convert_element_type3A_183 = arith.extui %eq3A_182 : i1 to i32
            %cond3A_184 = arith.constant 0 : i32
            %cond3A_185 = arith.cmpi ne, %convert_element_type3A_183, %cond3A_184 : i32
            scf.if %cond3A_185 {
              %mul3A_209 = arith.constant 64 : i32
              %mul3A_210 = arith.muli %while3A_178, %mul3A_209 : i32
              %dma_wait3A = arith.constant 0 : i32
              %dma_wait3A_211 = arith.constant 0 : i32
              %dma_wait3A_212 = arith.constant 0 : i32
              %dma_wait3A_213 = tpu.memref_slice %arg11[%dma_wait3A, %dma_wait3A_211, %dma_wait3A_212] : memref<4x64x64xf32, #tpu.memory_space<vmem>> -> memref<1x64x64xf32, #tpu.memory_space<vmem>>
              %dma_wait3A_214 = tpu.memref_squeeze %dma_wait3A_213 : memref<1x64x64xf32, #tpu.memory_space<vmem>> -> memref<64x64xf32, #tpu.memory_space<vmem>>
              %dma_wait3A_215 = tpu.memref_slice %arg9[%mul3A_210] : memref<2112xi32, #tpu.memory_space<vmem>> -> memref<64xi32, #tpu.memory_space<vmem>>
              %dma_wait3A_216 = arith.constant 0 : i32
              %dma_wait3A_217 = arith.constant 0 : i32
              %dma_wait3A_218 = tpu.memref_slice %arg2[%dma_wait3A_216, %dma_wait3A_217] : memref<122880x64xf32, #tpu.memory_space<hbm>> -> memref<122880x64xf32, #tpu.memory_space<hbm>>
              tpu.wait_indirect_dma semaphore(%arg15 : memref<!tpu.dma_semaphore, #tpu.memory_space<semaphore_mem>>) src(%dma_wait3A_218 : memref<122880x64xf32, #tpu.memory_space<hbm>>) dst(%dma_wait3A_214 : memref<64x64xf32, #tpu.memory_space<vmem>>)
              %mul3A_219 = arith.constant 64 : i32
              %mul3A_220 = arith.muli %while3A_178, %mul3A_219 : i32
              %dma_start3A_221 = arith.constant 0 : i32
              %dma_start3A_222 = arith.constant 0 : i32
              %dma_start3A_223 = arith.constant 0 : i32
              %dma_start3A_224 = tpu.memref_slice %arg11[%dma_start3A_221, %dma_start3A_222, %dma_start3A_223] : memref<4x64x64xf32, #tpu.memory_space<vmem>> -> memref<1x64x64xf32, #tpu.memory_space<vmem>>
              %dma_start3A_225 = tpu.memref_squeeze %dma_start3A_224 : memref<1x64x64xf32, #tpu.memory_space<vmem>> -> memref<64x64xf32, #tpu.memory_space<vmem>>
              %dma_start3A_226 = tpu.memref_slice %arg10[%mul3A_220] : memref<2112xi32, #tpu.memory_space<vmem>> -> memref<64xi32, #tpu.memory_space<vmem>>
              %dma_start3A_227 = arith.constant 0 : i32
              %dma_start3A_228 = arith.constant 0 : i32
              %dma_start3A_229 = tpu.memref_slice %arg6[%dma_start3A_227, %dma_start3A_228] : memref<20608x64xf32, #tpu.memory_space<vmem_shared>> -> memref<20608x64xf32, #tpu.memory_space<vmem_shared>>
              tpu.enqueue_indirect_dma source(%dma_start3A_225 : memref<64x64xf32, #tpu.memory_space<vmem>>) target(%dma_start3A_229 : memref<20608x64xf32, #tpu.memory_space<vmem_shared>>) offsets(%dma_start3A_226 : memref<64xi32, #tpu.memory_space<vmem>>) semaphore(%arg19 : memref<!tpu.dma_semaphore, #tpu.memory_space<semaphore_mem>>) {add = true}
            } else {
            }
            %eq3A_186 = arith.constant 1 : i32
            %eq3A_187 = arith.cmpi eq, %and3A_180, %eq3A_186 : i32
            %convert_element_type3A_188 = arith.extui %eq3A_187 : i1 to i32
            %cond3A_189 = arith.constant 0 : i32
            %cond3A_190 = arith.cmpi ne, %convert_element_type3A_188, %cond3A_189 : i32
            scf.if %cond3A_190 {
              %mul3A_209 = arith.constant 64 : i32
              %mul3A_210 = arith.muli %while3A_178, %mul3A_209 : i32
              %dma_wait3A = arith.constant 1 : i32
              %dma_wait3A_211 = arith.constant 0 : i32
              %dma_wait3A_212 = arith.constant 0 : i32
              %dma_wait3A_213 = tpu.memref_slice %arg11[%dma_wait3A, %dma_wait3A_211, %dma_wait3A_212] : memref<4x64x64xf32, #tpu.memory_space<vmem>> -> memref<1x64x64xf32, #tpu.memory_space<vmem>>
              %dma_wait3A_214 = tpu.memref_squeeze %dma_wait3A_213 : memref<1x64x64xf32, #tpu.memory_space<vmem>> -> memref<64x64xf32, #tpu.memory_space<vmem>>
              %dma_wait3A_215 = tpu.memref_slice %arg9[%mul3A_210] : memref<2112xi32, #tpu.memory_space<vmem>> -> memref<64xi32, #tpu.memory_space<vmem>>
              %dma_wait3A_216 = arith.constant 0 : i32
              %dma_wait3A_217 = arith.constant 0 : i32
              %dma_wait3A_218 = tpu.memref_slice %arg2[%dma_wait3A_216, %dma_wait3A_217] : memref<122880x64xf32, #tpu.memory_space<hbm>> -> memref<122880x64xf32, #tpu.memory_space<hbm>>
              tpu.wait_indirect_dma semaphore(%arg16 : memref<!tpu.dma_semaphore, #tpu.memory_space<semaphore_mem>>) src(%dma_wait3A_218 : memref<122880x64xf32, #tpu.memory_space<hbm>>) dst(%dma_wait3A_214 : memref<64x64xf32, #tpu.memory_space<vmem>>)
              %mul3A_219 = arith.constant 64 : i32
              %mul3A_220 = arith.muli %while3A_178, %mul3A_219 : i32
              %dma_start3A_221 = arith.constant 1 : i32
              %dma_start3A_222 = arith.constant 0 : i32
              %dma_start3A_223 = arith.constant 0 : i32
              %dma_start3A_224 = tpu.memref_slice %arg11[%dma_start3A_221, %dma_start3A_222, %dma_start3A_223] : memref<4x64x64xf32, #tpu.memory_space<vmem>> -> memref<1x64x64xf32, #tpu.memory_space<vmem>>
              %dma_start3A_225 = tpu.memref_squeeze %dma_start3A_224 : memref<1x64x64xf32, #tpu.memory_space<vmem>> -> memref<64x64xf32, #tpu.memory_space<vmem>>
              %dma_start3A_226 = tpu.memref_slice %arg10[%mul3A_220] : memref<2112xi32, #tpu.memory_space<vmem>> -> memref<64xi32, #tpu.memory_space<vmem>>
              %dma_start3A_227 = arith.constant 0 : i32
              %dma_start3A_228 = arith.constant 0 : i32
              %dma_start3A_229 = tpu.memref_slice %arg6[%dma_start3A_227, %dma_start3A_228] : memref<20608x64xf32, #tpu.memory_space<vmem_shared>> -> memref<20608x64xf32, #tpu.memory_space<vmem_shared>>
              tpu.enqueue_indirect_dma source(%dma_start3A_225 : memref<64x64xf32, #tpu.memory_space<vmem>>) target(%dma_start3A_229 : memref<20608x64xf32, #tpu.memory_space<vmem_shared>>) offsets(%dma_start3A_226 : memref<64xi32, #tpu.memory_space<vmem>>) semaphore(%arg20 : memref<!tpu.dma_semaphore, #tpu.memory_space<semaphore_mem>>) {add = true}
            } else {
            }
            %eq3A_191 = arith.constant 2 : i32
            %eq3A_192 = arith.cmpi eq, %and3A_180, %eq3A_191 : i32
            %convert_element_type3A_193 = arith.extui %eq3A_192 : i1 to i32
            %cond3A_194 = arith.constant 0 : i32
            %cond3A_195 = arith.cmpi ne, %convert_element_type3A_193, %cond3A_194 : i32
            scf.if %cond3A_195 {
              %mul3A_209 = arith.constant 64 : i32
              %mul3A_210 = arith.muli %while3A_178, %mul3A_209 : i32
              %dma_wait3A = arith.constant 2 : i32
              %dma_wait3A_211 = arith.constant 0 : i32
              %dma_wait3A_212 = arith.constant 0 : i32
              %dma_wait3A_213 = tpu.memref_slice %arg11[%dma_wait3A, %dma_wait3A_211, %dma_wait3A_212] : memref<4x64x64xf32, #tpu.memory_space<vmem>> -> memref<1x64x64xf32, #tpu.memory_space<vmem>>
              %dma_wait3A_214 = tpu.memref_squeeze %dma_wait3A_213 : memref<1x64x64xf32, #tpu.memory_space<vmem>> -> memref<64x64xf32, #tpu.memory_space<vmem>>
              %dma_wait3A_215 = tpu.memref_slice %arg9[%mul3A_210] : memref<2112xi32, #tpu.memory_space<vmem>> -> memref<64xi32, #tpu.memory_space<vmem>>
              %dma_wait3A_216 = arith.constant 0 : i32
              %dma_wait3A_217 = arith.constant 0 : i32
              %dma_wait3A_218 = tpu.memref_slice %arg2[%dma_wait3A_216, %dma_wait3A_217] : memref<122880x64xf32, #tpu.memory_space<hbm>> -> memref<122880x64xf32, #tpu.memory_space<hbm>>
              tpu.wait_indirect_dma semaphore(%arg17 : memref<!tpu.dma_semaphore, #tpu.memory_space<semaphore_mem>>) src(%dma_wait3A_218 : memref<122880x64xf32, #tpu.memory_space<hbm>>) dst(%dma_wait3A_214 : memref<64x64xf32, #tpu.memory_space<vmem>>)
              %mul3A_219 = arith.constant 64 : i32
              %mul3A_220 = arith.muli %while3A_178, %mul3A_219 : i32
              %dma_start3A_221 = arith.constant 2 : i32
              %dma_start3A_222 = arith.constant 0 : i32
              %dma_start3A_223 = arith.constant 0 : i32
              %dma_start3A_224 = tpu.memref_slice %arg11[%dma_start3A_221, %dma_start3A_222, %dma_start3A_223] : memref<4x64x64xf32, #tpu.memory_space<vmem>> -> memref<1x64x64xf32, #tpu.memory_space<vmem>>
              %dma_start3A_225 = tpu.memref_squeeze %dma_start3A_224 : memref<1x64x64xf32, #tpu.memory_space<vmem>> -> memref<64x64xf32, #tpu.memory_space<vmem>>
              %dma_start3A_226 = tpu.memref_slice %arg10[%mul3A_220] : memref<2112xi32, #tpu.memory_space<vmem>> -> memref<64xi32, #tpu.memory_space<vmem>>
              %dma_start3A_227 = arith.constant 0 : i32
              %dma_start3A_228 = arith.constant 0 : i32
              %dma_start3A_229 = tpu.memref_slice %arg6[%dma_start3A_227, %dma_start3A_228] : memref<20608x64xf32, #tpu.memory_space<vmem_shared>> -> memref<20608x64xf32, #tpu.memory_space<vmem_shared>>
              tpu.enqueue_indirect_dma source(%dma_start3A_225 : memref<64x64xf32, #tpu.memory_space<vmem>>) target(%dma_start3A_229 : memref<20608x64xf32, #tpu.memory_space<vmem_shared>>) offsets(%dma_start3A_226 : memref<64xi32, #tpu.memory_space<vmem>>) semaphore(%arg21 : memref<!tpu.dma_semaphore, #tpu.memory_space<semaphore_mem>>) {add = true}
            } else {
            }
            %eq3A_196 = arith.constant 3 : i32
            %eq3A_197 = arith.cmpi eq, %and3A_180, %eq3A_196 : i32
            %convert_element_type3A_198 = arith.extui %eq3A_197 : i1 to i32
            %cond3A_199 = arith.constant 0 : i32
            %cond3A_200 = arith.cmpi ne, %convert_element_type3A_198, %cond3A_199 : i32
            scf.if %cond3A_200 {
              %mul3A_209 = arith.constant 64 : i32
              %mul3A_210 = arith.muli %while3A_178, %mul3A_209 : i32
              %dma_wait3A = arith.constant 3 : i32
              %dma_wait3A_211 = arith.constant 0 : i32
              %dma_wait3A_212 = arith.constant 0 : i32
              %dma_wait3A_213 = tpu.memref_slice %arg11[%dma_wait3A, %dma_wait3A_211, %dma_wait3A_212] : memref<4x64x64xf32, #tpu.memory_space<vmem>> -> memref<1x64x64xf32, #tpu.memory_space<vmem>>
              %dma_wait3A_214 = tpu.memref_squeeze %dma_wait3A_213 : memref<1x64x64xf32, #tpu.memory_space<vmem>> -> memref<64x64xf32, #tpu.memory_space<vmem>>
              %dma_wait3A_215 = tpu.memref_slice %arg9[%mul3A_210] : memref<2112xi32, #tpu.memory_space<vmem>> -> memref<64xi32, #tpu.memory_space<vmem>>
              %dma_wait3A_216 = arith.constant 0 : i32
              %dma_wait3A_217 = arith.constant 0 : i32
              %dma_wait3A_218 = tpu.memref_slice %arg2[%dma_wait3A_216, %dma_wait3A_217] : memref<122880x64xf32, #tpu.memory_space<hbm>> -> memref<122880x64xf32, #tpu.memory_space<hbm>>
              tpu.wait_indirect_dma semaphore(%arg18 : memref<!tpu.dma_semaphore, #tpu.memory_space<semaphore_mem>>) src(%dma_wait3A_218 : memref<122880x64xf32, #tpu.memory_space<hbm>>) dst(%dma_wait3A_214 : memref<64x64xf32, #tpu.memory_space<vmem>>)
              %mul3A_219 = arith.constant 64 : i32
              %mul3A_220 = arith.muli %while3A_178, %mul3A_219 : i32
              %dma_start3A_221 = arith.constant 3 : i32
              %dma_start3A_222 = arith.constant 0 : i32
              %dma_start3A_223 = arith.constant 0 : i32
              %dma_start3A_224 = tpu.memref_slice %arg11[%dma_start3A_221, %dma_start3A_222, %dma_start3A_223] : memref<4x64x64xf32, #tpu.memory_space<vmem>> -> memref<1x64x64xf32, #tpu.memory_space<vmem>>
              %dma_start3A_225 = tpu.memref_squeeze %dma_start3A_224 : memref<1x64x64xf32, #tpu.memory_space<vmem>> -> memref<64x64xf32, #tpu.memory_space<vmem>>
              %dma_start3A_226 = tpu.memref_slice %arg10[%mul3A_220] : memref<2112xi32, #tpu.memory_space<vmem>> -> memref<64xi32, #tpu.memory_space<vmem>>
              %dma_start3A_227 = arith.constant 0 : i32
              %dma_start3A_228 = arith.constant 0 : i32
              %dma_start3A_229 = tpu.memref_slice %arg6[%dma_start3A_227, %dma_start3A_228] : memref<20608x64xf32, #tpu.memory_space<vmem_shared>> -> memref<20608x64xf32, #tpu.memory_space<vmem_shared>>
              tpu.enqueue_indirect_dma source(%dma_start3A_225 : memref<64x64xf32, #tpu.memory_space<vmem>>) target(%dma_start3A_229 : memref<20608x64xf32, #tpu.memory_space<vmem_shared>>) offsets(%dma_start3A_226 : memref<64xi32, #tpu.memory_space<vmem>>) semaphore(%arg22 : memref<!tpu.dma_semaphore, #tpu.memory_space<semaphore_mem>>) {add = true}
            } else {
            }
            %add3A_201 = arith.constant 4 : i32
            %add3A_202 = arith.addi %while3A_178, %add3A_201 : i32
            %sub3A_203 = arith.constant 1 : i32
            %sub3A_204 = arith.subi %add3A_202, %sub3A_203 : i32
            %lt3A_205 = arith.cmpi slt, %sub3A_204, %shift_right_arithmetic3A_87 : i32
            %convert_element_type3A_206 = arith.extui %lt3A_205 : i1 to i32
            %cond3A_207 = arith.constant 0 : i32
            %cond3A_208 = arith.cmpi ne, %convert_element_type3A_206, %cond3A_207 : i32
            scf.if %cond3A_208 {
              %add3A_209 = arith.constant 4 : i32
              %add3A_210 = arith.addi %while3A_178, %add3A_209 : i32
              %sub3A_211 = arith.constant 1 : i32
              %sub3A_212 = arith.subi %add3A_210, %sub3A_211 : i32
              %and3A_213 = arith.constant 3 : i32
              %and3A_214 = arith.andi %sub3A_212, %and3A_213 : i32
              %eq3A_215 = arith.constant 0 : i32
              %eq3A_216 = arith.cmpi eq, %and3A_214, %eq3A_215 : i32
              %convert_element_type3A_217 = arith.extui %eq3A_216 : i1 to i32
              %cond3A_218 = arith.constant 0 : i32
              %cond3A_219 = arith.cmpi ne, %convert_element_type3A_217, %cond3A_218 : i32
              scf.if %cond3A_219 {
                %ge3A_235 = arith.constant 1 : i32
                %ge3A_236 = arith.cmpi sge, %while3A_178, %ge3A_235 : i32
                %convert_element_type3A_237 = arith.extui %ge3A_236 : i1 to i32
                %cond3A_238 = arith.constant 0 : i32
                %cond3A_239 = arith.cmpi ne, %convert_element_type3A_237, %cond3A_238 : i32
                scf.if %cond3A_239 {
                  %sub3A_255 = arith.constant 1 : i32
                  %sub3A_256 = arith.subi %while3A_178, %sub3A_255 : i32
                  %mul3A_257 = arith.constant 64 : i32
                  %mul3A_258 = arith.muli %sub3A_256, %mul3A_257 : i32
                  %dma_wait3A = arith.constant 0 : i32
                  %dma_wait3A_259 = arith.constant 0 : i32
                  %dma_wait3A_260 = arith.constant 0 : i32
                  %dma_wait3A_261 = tpu.memref_slice %arg11[%dma_wait3A, %dma_wait3A_259, %dma_wait3A_260] : memref<4x64x64xf32, #tpu.memory_space<vmem>> -> memref<1x64x64xf32, #tpu.memory_space<vmem>>
                  %dma_wait3A_262 = tpu.memref_squeeze %dma_wait3A_261 : memref<1x64x64xf32, #tpu.memory_space<vmem>> -> memref<64x64xf32, #tpu.memory_space<vmem>>
                  %dma_wait3A_263 = tpu.memref_slice %arg10[%mul3A_258] : memref<2112xi32, #tpu.memory_space<vmem>> -> memref<64xi32, #tpu.memory_space<vmem>>
                  %dma_wait3A_264 = arith.constant 0 : i32
                  %dma_wait3A_265 = arith.constant 0 : i32
                  %dma_wait3A_266 = tpu.memref_slice %arg6[%dma_wait3A_264, %dma_wait3A_265] : memref<20608x64xf32, #tpu.memory_space<vmem_shared>> -> memref<20608x64xf32, #tpu.memory_space<vmem_shared>>
                  tpu.wait_indirect_dma semaphore(%arg19 : memref<!tpu.dma_semaphore, #tpu.memory_space<semaphore_mem>>) src(%dma_wait3A_262 : memref<64x64xf32, #tpu.memory_space<vmem>>) dst(%dma_wait3A_266 : memref<20608x64xf32, #tpu.memory_space<vmem_shared>>)
                } else {
                }
                %add3A_240 = arith.constant 4 : i32
                %add3A_241 = arith.addi %while3A_178, %add3A_240 : i32
                %sub3A_242 = arith.constant 1 : i32
                %sub3A_243 = arith.subi %add3A_241, %sub3A_242 : i32
                %mul3A_244 = arith.constant 64 : i32
                %mul3A_245 = arith.muli %sub3A_243, %mul3A_244 : i32
                %dma_start3A_246 = arith.constant 0 : i32
                %dma_start3A_247 = arith.constant 0 : i32
                %dma_start3A_248 = arith.constant 0 : i32
                %dma_start3A_249 = tpu.memref_slice %arg11[%dma_start3A_246, %dma_start3A_247, %dma_start3A_248] : memref<4x64x64xf32, #tpu.memory_space<vmem>> -> memref<1x64x64xf32, #tpu.memory_space<vmem>>
                %dma_start3A_250 = tpu.memref_squeeze %dma_start3A_249 : memref<1x64x64xf32, #tpu.memory_space<vmem>> -> memref<64x64xf32, #tpu.memory_space<vmem>>
                %dma_start3A_251 = tpu.memref_slice %arg9[%mul3A_245] : memref<2112xi32, #tpu.memory_space<vmem>> -> memref<64xi32, #tpu.memory_space<vmem>>
                %dma_start3A_252 = arith.constant 0 : i32
                %dma_start3A_253 = arith.constant 0 : i32
                %dma_start3A_254 = tpu.memref_slice %arg2[%dma_start3A_252, %dma_start3A_253] : memref<122880x64xf32, #tpu.memory_space<hbm>> -> memref<122880x64xf32, #tpu.memory_space<hbm>>
                tpu.enqueue_indirect_dma source(%dma_start3A_254 : memref<122880x64xf32, #tpu.memory_space<hbm>>) target(%dma_start3A_250 : memref<64x64xf32, #tpu.memory_space<vmem>>) offsets(%dma_start3A_251 : memref<64xi32, #tpu.memory_space<vmem>>) semaphore(%arg15 : memref<!tpu.dma_semaphore, #tpu.memory_space<semaphore_mem>>)
              } else {
              }
              %eq3A_220 = arith.constant 1 : i32
              %eq3A_221 = arith.cmpi eq, %and3A_214, %eq3A_220 : i32
              %convert_element_type3A_222 = arith.extui %eq3A_221 : i1 to i32
              %cond3A_223 = arith.constant 0 : i32
              %cond3A_224 = arith.cmpi ne, %convert_element_type3A_222, %cond3A_223 : i32
              scf.if %cond3A_224 {
                %ge3A_235 = arith.constant 1 : i32
                %ge3A_236 = arith.cmpi sge, %while3A_178, %ge3A_235 : i32
                %convert_element_type3A_237 = arith.extui %ge3A_236 : i1 to i32
                %cond3A_238 = arith.constant 0 : i32
                %cond3A_239 = arith.cmpi ne, %convert_element_type3A_237, %cond3A_238 : i32
                scf.if %cond3A_239 {
                  %sub3A_255 = arith.constant 1 : i32
                  %sub3A_256 = arith.subi %while3A_178, %sub3A_255 : i32
                  %mul3A_257 = arith.constant 64 : i32
                  %mul3A_258 = arith.muli %sub3A_256, %mul3A_257 : i32
                  %dma_wait3A = arith.constant 1 : i32
                  %dma_wait3A_259 = arith.constant 0 : i32
                  %dma_wait3A_260 = arith.constant 0 : i32
                  %dma_wait3A_261 = tpu.memref_slice %arg11[%dma_wait3A, %dma_wait3A_259, %dma_wait3A_260] : memref<4x64x64xf32, #tpu.memory_space<vmem>> -> memref<1x64x64xf32, #tpu.memory_space<vmem>>
                  %dma_wait3A_262 = tpu.memref_squeeze %dma_wait3A_261 : memref<1x64x64xf32, #tpu.memory_space<vmem>> -> memref<64x64xf32, #tpu.memory_space<vmem>>
                  %dma_wait3A_263 = tpu.memref_slice %arg10[%mul3A_258] : memref<2112xi32, #tpu.memory_space<vmem>> -> memref<64xi32, #tpu.memory_space<vmem>>
                  %dma_wait3A_264 = arith.constant 0 : i32
                  %dma_wait3A_265 = arith.constant 0 : i32
                  %dma_wait3A_266 = tpu.memref_slice %arg6[%dma_wait3A_264, %dma_wait3A_265] : memref<20608x64xf32, #tpu.memory_space<vmem_shared>> -> memref<20608x64xf32, #tpu.memory_space<vmem_shared>>
                  tpu.wait_indirect_dma semaphore(%arg20 : memref<!tpu.dma_semaphore, #tpu.memory_space<semaphore_mem>>) src(%dma_wait3A_262 : memref<64x64xf32, #tpu.memory_space<vmem>>) dst(%dma_wait3A_266 : memref<20608x64xf32, #tpu.memory_space<vmem_shared>>)
                } else {
                }
                %add3A_240 = arith.constant 4 : i32
                %add3A_241 = arith.addi %while3A_178, %add3A_240 : i32
                %sub3A_242 = arith.constant 1 : i32
                %sub3A_243 = arith.subi %add3A_241, %sub3A_242 : i32
                %mul3A_244 = arith.constant 64 : i32
                %mul3A_245 = arith.muli %sub3A_243, %mul3A_244 : i32
                %dma_start3A_246 = arith.constant 1 : i32
                %dma_start3A_247 = arith.constant 0 : i32
                %dma_start3A_248 = arith.constant 0 : i32
                %dma_start3A_249 = tpu.memref_slice %arg11[%dma_start3A_246, %dma_start3A_247, %dma_start3A_248] : memref<4x64x64xf32, #tpu.memory_space<vmem>> -> memref<1x64x64xf32, #tpu.memory_space<vmem>>
                %dma_start3A_250 = tpu.memref_squeeze %dma_start3A_249 : memref<1x64x64xf32, #tpu.memory_space<vmem>> -> memref<64x64xf32, #tpu.memory_space<vmem>>
                %dma_start3A_251 = tpu.memref_slice %arg9[%mul3A_245] : memref<2112xi32, #tpu.memory_space<vmem>> -> memref<64xi32, #tpu.memory_space<vmem>>
                %dma_start3A_252 = arith.constant 0 : i32
                %dma_start3A_253 = arith.constant 0 : i32
                %dma_start3A_254 = tpu.memref_slice %arg2[%dma_start3A_252, %dma_start3A_253] : memref<122880x64xf32, #tpu.memory_space<hbm>> -> memref<122880x64xf32, #tpu.memory_space<hbm>>
                tpu.enqueue_indirect_dma source(%dma_start3A_254 : memref<122880x64xf32, #tpu.memory_space<hbm>>) target(%dma_start3A_250 : memref<64x64xf32, #tpu.memory_space<vmem>>) offsets(%dma_start3A_251 : memref<64xi32, #tpu.memory_space<vmem>>) semaphore(%arg16 : memref<!tpu.dma_semaphore, #tpu.memory_space<semaphore_mem>>)
              } else {
              }
              %eq3A_225 = arith.constant 2 : i32
              %eq3A_226 = arith.cmpi eq, %and3A_214, %eq3A_225 : i32
              %convert_element_type3A_227 = arith.extui %eq3A_226 : i1 to i32
              %cond3A_228 = arith.constant 0 : i32
              %cond3A_229 = arith.cmpi ne, %convert_element_type3A_227, %cond3A_228 : i32
              scf.if %cond3A_229 {
                %ge3A_235 = arith.constant 1 : i32
                %ge3A_236 = arith.cmpi sge, %while3A_178, %ge3A_235 : i32
                %convert_element_type3A_237 = arith.extui %ge3A_236 : i1 to i32
                %cond3A_238 = arith.constant 0 : i32
                %cond3A_239 = arith.cmpi ne, %convert_element_type3A_237, %cond3A_238 : i32
                scf.if %cond3A_239 {
                  %sub3A_255 = arith.constant 1 : i32
                  %sub3A_256 = arith.subi %while3A_178, %sub3A_255 : i32
                  %mul3A_257 = arith.constant 64 : i32
                  %mul3A_258 = arith.muli %sub3A_256, %mul3A_257 : i32
                  %dma_wait3A = arith.constant 2 : i32
                  %dma_wait3A_259 = arith.constant 0 : i32
                  %dma_wait3A_260 = arith.constant 0 : i32
                  %dma_wait3A_261 = tpu.memref_slice %arg11[%dma_wait3A, %dma_wait3A_259, %dma_wait3A_260] : memref<4x64x64xf32, #tpu.memory_space<vmem>> -> memref<1x64x64xf32, #tpu.memory_space<vmem>>
                  %dma_wait3A_262 = tpu.memref_squeeze %dma_wait3A_261 : memref<1x64x64xf32, #tpu.memory_space<vmem>> -> memref<64x64xf32, #tpu.memory_space<vmem>>
                  %dma_wait3A_263 = tpu.memref_slice %arg10[%mul3A_258] : memref<2112xi32, #tpu.memory_space<vmem>> -> memref<64xi32, #tpu.memory_space<vmem>>
                  %dma_wait3A_264 = arith.constant 0 : i32
                  %dma_wait3A_265 = arith.constant 0 : i32
                  %dma_wait3A_266 = tpu.memref_slice %arg6[%dma_wait3A_264, %dma_wait3A_265] : memref<20608x64xf32, #tpu.memory_space<vmem_shared>> -> memref<20608x64xf32, #tpu.memory_space<vmem_shared>>
                  tpu.wait_indirect_dma semaphore(%arg21 : memref<!tpu.dma_semaphore, #tpu.memory_space<semaphore_mem>>) src(%dma_wait3A_262 : memref<64x64xf32, #tpu.memory_space<vmem>>) dst(%dma_wait3A_266 : memref<20608x64xf32, #tpu.memory_space<vmem_shared>>)
                } else {
                }
                %add3A_240 = arith.constant 4 : i32
                %add3A_241 = arith.addi %while3A_178, %add3A_240 : i32
                %sub3A_242 = arith.constant 1 : i32
                %sub3A_243 = arith.subi %add3A_241, %sub3A_242 : i32
                %mul3A_244 = arith.constant 64 : i32
                %mul3A_245 = arith.muli %sub3A_243, %mul3A_244 : i32
                %dma_start3A_246 = arith.constant 2 : i32
                %dma_start3A_247 = arith.constant 0 : i32
                %dma_start3A_248 = arith.constant 0 : i32
                %dma_start3A_249 = tpu.memref_slice %arg11[%dma_start3A_246, %dma_start3A_247, %dma_start3A_248] : memref<4x64x64xf32, #tpu.memory_space<vmem>> -> memref<1x64x64xf32, #tpu.memory_space<vmem>>
                %dma_start3A_250 = tpu.memref_squeeze %dma_start3A_249 : memref<1x64x64xf32, #tpu.memory_space<vmem>> -> memref<64x64xf32, #tpu.memory_space<vmem>>
                %dma_start3A_251 = tpu.memref_slice %arg9[%mul3A_245] : memref<2112xi32, #tpu.memory_space<vmem>> -> memref<64xi32, #tpu.memory_space<vmem>>
                %dma_start3A_252 = arith.constant 0 : i32
                %dma_start3A_253 = arith.constant 0 : i32
                %dma_start3A_254 = tpu.memref_slice %arg2[%dma_start3A_252, %dma_start3A_253] : memref<122880x64xf32, #tpu.memory_space<hbm>> -> memref<122880x64xf32, #tpu.memory_space<hbm>>
                tpu.enqueue_indirect_dma source(%dma_start3A_254 : memref<122880x64xf32, #tpu.memory_space<hbm>>) target(%dma_start3A_250 : memref<64x64xf32, #tpu.memory_space<vmem>>) offsets(%dma_start3A_251 : memref<64xi32, #tpu.memory_space<vmem>>) semaphore(%arg17 : memref<!tpu.dma_semaphore, #tpu.memory_space<semaphore_mem>>)
              } else {
              }
              %eq3A_230 = arith.constant 3 : i32
              %eq3A_231 = arith.cmpi eq, %and3A_214, %eq3A_230 : i32
              %convert_element_type3A_232 = arith.extui %eq3A_231 : i1 to i32
              %cond3A_233 = arith.constant 0 : i32
              %cond3A_234 = arith.cmpi ne, %convert_element_type3A_232, %cond3A_233 : i32
              scf.if %cond3A_234 {
                %ge3A_235 = arith.constant 1 : i32
                %ge3A_236 = arith.cmpi sge, %while3A_178, %ge3A_235 : i32
                %convert_element_type3A_237 = arith.extui %ge3A_236 : i1 to i32
                %cond3A_238 = arith.constant 0 : i32
                %cond3A_239 = arith.cmpi ne, %convert_element_type3A_237, %cond3A_238 : i32
                scf.if %cond3A_239 {
                  %sub3A_255 = arith.constant 1 : i32
                  %sub3A_256 = arith.subi %while3A_178, %sub3A_255 : i32
                  %mul3A_257 = arith.constant 64 : i32
                  %mul3A_258 = arith.muli %sub3A_256, %mul3A_257 : i32
                  %dma_wait3A = arith.constant 3 : i32
                  %dma_wait3A_259 = arith.constant 0 : i32
                  %dma_wait3A_260 = arith.constant 0 : i32
                  %dma_wait3A_261 = tpu.memref_slice %arg11[%dma_wait3A, %dma_wait3A_259, %dma_wait3A_260] : memref<4x64x64xf32, #tpu.memory_space<vmem>> -> memref<1x64x64xf32, #tpu.memory_space<vmem>>
                  %dma_wait3A_262 = tpu.memref_squeeze %dma_wait3A_261 : memref<1x64x64xf32, #tpu.memory_space<vmem>> -> memref<64x64xf32, #tpu.memory_space<vmem>>
                  %dma_wait3A_263 = tpu.memref_slice %arg10[%mul3A_258] : memref<2112xi32, #tpu.memory_space<vmem>> -> memref<64xi32, #tpu.memory_space<vmem>>
                  %dma_wait3A_264 = arith.constant 0 : i32
                  %dma_wait3A_265 = arith.constant 0 : i32
                  %dma_wait3A_266 = tpu.memref_slice %arg6[%dma_wait3A_264, %dma_wait3A_265] : memref<20608x64xf32, #tpu.memory_space<vmem_shared>> -> memref<20608x64xf32, #tpu.memory_space<vmem_shared>>
                  tpu.wait_indirect_dma semaphore(%arg22 : memref<!tpu.dma_semaphore, #tpu.memory_space<semaphore_mem>>) src(%dma_wait3A_262 : memref<64x64xf32, #tpu.memory_space<vmem>>) dst(%dma_wait3A_266 : memref<20608x64xf32, #tpu.memory_space<vmem_shared>>)
                } else {
                }
                %add3A_240 = arith.constant 4 : i32
                %add3A_241 = arith.addi %while3A_178, %add3A_240 : i32
                %sub3A_242 = arith.constant 1 : i32
                %sub3A_243 = arith.subi %add3A_241, %sub3A_242 : i32
                %mul3A_244 = arith.constant 64 : i32
                %mul3A_245 = arith.muli %sub3A_243, %mul3A_244 : i32
                %dma_start3A_246 = arith.constant 3 : i32
                %dma_start3A_247 = arith.constant 0 : i32
                %dma_start3A_248 = arith.constant 0 : i32
                %dma_start3A_249 = tpu.memref_slice %arg11[%dma_start3A_246, %dma_start3A_247, %dma_start3A_248] : memref<4x64x64xf32, #tpu.memory_space<vmem>> -> memref<1x64x64xf32, #tpu.memory_space<vmem>>
                %dma_start3A_250 = tpu.memref_squeeze %dma_start3A_249 : memref<1x64x64xf32, #tpu.memory_space<vmem>> -> memref<64x64xf32, #tpu.memory_space<vmem>>
                %dma_start3A_251 = tpu.memref_slice %arg9[%mul3A_245] : memref<2112xi32, #tpu.memory_space<vmem>> -> memref<64xi32, #tpu.memory_space<vmem>>
                %dma_start3A_252 = arith.constant 0 : i32
                %dma_start3A_253 = arith.constant 0 : i32
                %dma_start3A_254 = tpu.memref_slice %arg2[%dma_start3A_252, %dma_start3A_253] : memref<122880x64xf32, #tpu.memory_space<hbm>> -> memref<122880x64xf32, #tpu.memory_space<hbm>>
                tpu.enqueue_indirect_dma source(%dma_start3A_254 : memref<122880x64xf32, #tpu.memory_space<hbm>>) target(%dma_start3A_250 : memref<64x64xf32, #tpu.memory_space<vmem>>) offsets(%dma_start3A_251 : memref<64xi32, #tpu.memory_space<vmem>>) semaphore(%arg18 : memref<!tpu.dma_semaphore, #tpu.memory_space<semaphore_mem>>)
              } else {
              }
            } else {
            }
          }
          %while3A_143 = arith.constant 1 : i32
          scf.for %while3A_178 = %while3A_141 to %while3A_137 step %while3A_143  : i32 {
            %and3A_179 = arith.constant 3 : i32
            %and3A_180 = arith.andi %while3A_178, %and3A_179 : i32
            %eq3A_181 = arith.constant 0 : i32
            %eq3A_182 = arith.cmpi eq, %and3A_180, %eq3A_181 : i32
            %convert_element_type3A_183 = arith.extui %eq3A_182 : i1 to i32
            %cond3A_184 = arith.constant 0 : i32
            %cond3A_185 = arith.cmpi ne, %convert_element_type3A_183, %cond3A_184 : i32
            scf.if %cond3A_185 {
              %mul3A_209 = arith.constant 64 : i32
              %mul3A_210 = arith.muli %while3A_178, %mul3A_209 : i32
              %dma_wait3A = arith.constant 0 : i32
              %dma_wait3A_211 = arith.constant 0 : i32
              %dma_wait3A_212 = arith.constant 0 : i32
              %dma_wait3A_213 = tpu.memref_slice %arg11[%dma_wait3A, %dma_wait3A_211, %dma_wait3A_212] : memref<4x64x64xf32, #tpu.memory_space<vmem>> -> memref<1x64x64xf32, #tpu.memory_space<vmem>>
              %dma_wait3A_214 = tpu.memref_squeeze %dma_wait3A_213 : memref<1x64x64xf32, #tpu.memory_space<vmem>> -> memref<64x64xf32, #tpu.memory_space<vmem>>
              %dma_wait3A_215 = tpu.memref_slice %arg9[%mul3A_210] : memref<2112xi32, #tpu.memory_space<vmem>> -> memref<64xi32, #tpu.memory_space<vmem>>
              %dma_wait3A_216 = arith.constant 0 : i32
              %dma_wait3A_217 = arith.constant 0 : i32
              %dma_wait3A_218 = tpu.memref_slice %arg2[%dma_wait3A_216, %dma_wait3A_217] : memref<122880x64xf32, #tpu.memory_space<hbm>> -> memref<122880x64xf32, #tpu.memory_space<hbm>>
              tpu.wait_indirect_dma semaphore(%arg15 : memref<!tpu.dma_semaphore, #tpu.memory_space<semaphore_mem>>) src(%dma_wait3A_218 : memref<122880x64xf32, #tpu.memory_space<hbm>>) dst(%dma_wait3A_214 : memref<64x64xf32, #tpu.memory_space<vmem>>)
              %mul3A_219 = arith.constant 64 : i32
              %mul3A_220 = arith.muli %while3A_178, %mul3A_219 : i32
              %dma_start3A_221 = arith.constant 0 : i32
              %dma_start3A_222 = arith.constant 0 : i32
              %dma_start3A_223 = arith.constant 0 : i32
              %dma_start3A_224 = tpu.memref_slice %arg11[%dma_start3A_221, %dma_start3A_222, %dma_start3A_223] : memref<4x64x64xf32, #tpu.memory_space<vmem>> -> memref<1x64x64xf32, #tpu.memory_space<vmem>>
              %dma_start3A_225 = tpu.memref_squeeze %dma_start3A_224 : memref<1x64x64xf32, #tpu.memory_space<vmem>> -> memref<64x64xf32, #tpu.memory_space<vmem>>
              %dma_start3A_226 = tpu.memref_slice %arg10[%mul3A_220] : memref<2112xi32, #tpu.memory_space<vmem>> -> memref<64xi32, #tpu.memory_space<vmem>>
              %dma_start3A_227 = arith.constant 0 : i32
              %dma_start3A_228 = arith.constant 0 : i32
              %dma_start3A_229 = tpu.memref_slice %arg6[%dma_start3A_227, %dma_start3A_228] : memref<20608x64xf32, #tpu.memory_space<vmem_shared>> -> memref<20608x64xf32, #tpu.memory_space<vmem_shared>>
              tpu.enqueue_indirect_dma source(%dma_start3A_225 : memref<64x64xf32, #tpu.memory_space<vmem>>) target(%dma_start3A_229 : memref<20608x64xf32, #tpu.memory_space<vmem_shared>>) offsets(%dma_start3A_226 : memref<64xi32, #tpu.memory_space<vmem>>) semaphore(%arg19 : memref<!tpu.dma_semaphore, #tpu.memory_space<semaphore_mem>>) {add = true}
            } else {
            }
            %eq3A_186 = arith.constant 1 : i32
            %eq3A_187 = arith.cmpi eq, %and3A_180, %eq3A_186 : i32
            %convert_element_type3A_188 = arith.extui %eq3A_187 : i1 to i32
            %cond3A_189 = arith.constant 0 : i32
            %cond3A_190 = arith.cmpi ne, %convert_element_type3A_188, %cond3A_189 : i32
            scf.if %cond3A_190 {
              %mul3A_209 = arith.constant 64 : i32
              %mul3A_210 = arith.muli %while3A_178, %mul3A_209 : i32
              %dma_wait3A = arith.constant 1 : i32
              %dma_wait3A_211 = arith.constant 0 : i32
              %dma_wait3A_212 = arith.constant 0 : i32
              %dma_wait3A_213 = tpu.memref_slice %arg11[%dma_wait3A, %dma_wait3A_211, %dma_wait3A_212] : memref<4x64x64xf32, #tpu.memory_space<vmem>> -> memref<1x64x64xf32, #tpu.memory_space<vmem>>
              %dma_wait3A_214 = tpu.memref_squeeze %dma_wait3A_213 : memref<1x64x64xf32, #tpu.memory_space<vmem>> -> memref<64x64xf32, #tpu.memory_space<vmem>>
              %dma_wait3A_215 = tpu.memref_slice %arg9[%mul3A_210] : memref<2112xi32, #tpu.memory_space<vmem>> -> memref<64xi32, #tpu.memory_space<vmem>>
              %dma_wait3A_216 = arith.constant 0 : i32
              %dma_wait3A_217 = arith.constant 0 : i32
              %dma_wait3A_218 = tpu.memref_slice %arg2[%dma_wait3A_216, %dma_wait3A_217] : memref<122880x64xf32, #tpu.memory_space<hbm>> -> memref<122880x64xf32, #tpu.memory_space<hbm>>
              tpu.wait_indirect_dma semaphore(%arg16 : memref<!tpu.dma_semaphore, #tpu.memory_space<semaphore_mem>>) src(%dma_wait3A_218 : memref<122880x64xf32, #tpu.memory_space<hbm>>) dst(%dma_wait3A_214 : memref<64x64xf32, #tpu.memory_space<vmem>>)
              %mul3A_219 = arith.constant 64 : i32
              %mul3A_220 = arith.muli %while3A_178, %mul3A_219 : i32
              %dma_start3A_221 = arith.constant 1 : i32
              %dma_start3A_222 = arith.constant 0 : i32
              %dma_start3A_223 = arith.constant 0 : i32
              %dma_start3A_224 = tpu.memref_slice %arg11[%dma_start3A_221, %dma_start3A_222, %dma_start3A_223] : memref<4x64x64xf32, #tpu.memory_space<vmem>> -> memref<1x64x64xf32, #tpu.memory_space<vmem>>
              %dma_start3A_225 = tpu.memref_squeeze %dma_start3A_224 : memref<1x64x64xf32, #tpu.memory_space<vmem>> -> memref<64x64xf32, #tpu.memory_space<vmem>>
              %dma_start3A_226 = tpu.memref_slice %arg10[%mul3A_220] : memref<2112xi32, #tpu.memory_space<vmem>> -> memref<64xi32, #tpu.memory_space<vmem>>
              %dma_start3A_227 = arith.constant 0 : i32
              %dma_start3A_228 = arith.constant 0 : i32
              %dma_start3A_229 = tpu.memref_slice %arg6[%dma_start3A_227, %dma_start3A_228] : memref<20608x64xf32, #tpu.memory_space<vmem_shared>> -> memref<20608x64xf32, #tpu.memory_space<vmem_shared>>
              tpu.enqueue_indirect_dma source(%dma_start3A_225 : memref<64x64xf32, #tpu.memory_space<vmem>>) target(%dma_start3A_229 : memref<20608x64xf32, #tpu.memory_space<vmem_shared>>) offsets(%dma_start3A_226 : memref<64xi32, #tpu.memory_space<vmem>>) semaphore(%arg20 : memref<!tpu.dma_semaphore, #tpu.memory_space<semaphore_mem>>) {add = true}
            } else {
            }
            %eq3A_191 = arith.constant 2 : i32
            %eq3A_192 = arith.cmpi eq, %and3A_180, %eq3A_191 : i32
            %convert_element_type3A_193 = arith.extui %eq3A_192 : i1 to i32
            %cond3A_194 = arith.constant 0 : i32
            %cond3A_195 = arith.cmpi ne, %convert_element_type3A_193, %cond3A_194 : i32
            scf.if %cond3A_195 {
              %mul3A_209 = arith.constant 64 : i32
              %mul3A_210 = arith.muli %while3A_178, %mul3A_209 : i32
              %dma_wait3A = arith.constant 2 : i32
              %dma_wait3A_211 = arith.constant 0 : i32
              %dma_wait3A_212 = arith.constant 0 : i32
              %dma_wait3A_213 = tpu.memref_slice %arg11[%dma_wait3A, %dma_wait3A_211, %dma_wait3A_212] : memref<4x64x64xf32, #tpu.memory_space<vmem>> -> memref<1x64x64xf32, #tpu.memory_space<vmem>>
              %dma_wait3A_214 = tpu.memref_squeeze %dma_wait3A_213 : memref<1x64x64xf32, #tpu.memory_space<vmem>> -> memref<64x64xf32, #tpu.memory_space<vmem>>
              %dma_wait3A_215 = tpu.memref_slice %arg9[%mul3A_210] : memref<2112xi32, #tpu.memory_space<vmem>> -> memref<64xi32, #tpu.memory_space<vmem>>
              %dma_wait3A_216 = arith.constant 0 : i32
              %dma_wait3A_217 = arith.constant 0 : i32
              %dma_wait3A_218 = tpu.memref_slice %arg2[%dma_wait3A_216, %dma_wait3A_217] : memref<122880x64xf32, #tpu.memory_space<hbm>> -> memref<122880x64xf32, #tpu.memory_space<hbm>>
              tpu.wait_indirect_dma semaphore(%arg17 : memref<!tpu.dma_semaphore, #tpu.memory_space<semaphore_mem>>) src(%dma_wait3A_218 : memref<122880x64xf32, #tpu.memory_space<hbm>>) dst(%dma_wait3A_214 : memref<64x64xf32, #tpu.memory_space<vmem>>)
              %mul3A_219 = arith.constant 64 : i32
              %mul3A_220 = arith.muli %while3A_178, %mul3A_219 : i32
              %dma_start3A_221 = arith.constant 2 : i32
              %dma_start3A_222 = arith.constant 0 : i32
              %dma_start3A_223 = arith.constant 0 : i32
              %dma_start3A_224 = tpu.memref_slice %arg11[%dma_start3A_221, %dma_start3A_222, %dma_start3A_223] : memref<4x64x64xf32, #tpu.memory_space<vmem>> -> memref<1x64x64xf32, #tpu.memory_space<vmem>>
              %dma_start3A_225 = tpu.memref_squeeze %dma_start3A_224 : memref<1x64x64xf32, #tpu.memory_space<vmem>> -> memref<64x64xf32, #tpu.memory_space<vmem>>
              %dma_start3A_226 = tpu.memref_slice %arg10[%mul3A_220] : memref<2112xi32, #tpu.memory_space<vmem>> -> memref<64xi32, #tpu.memory_space<vmem>>
              %dma_start3A_227 = arith.constant 0 : i32
              %dma_start3A_228 = arith.constant 0 : i32
              %dma_start3A_229 = tpu.memref_slice %arg6[%dma_start3A_227, %dma_start3A_228] : memref<20608x64xf32, #tpu.memory_space<vmem_shared>> -> memref<20608x64xf32, #tpu.memory_space<vmem_shared>>
              tpu.enqueue_indirect_dma source(%dma_start3A_225 : memref<64x64xf32, #tpu.memory_space<vmem>>) target(%dma_start3A_229 : memref<20608x64xf32, #tpu.memory_space<vmem_shared>>) offsets(%dma_start3A_226 : memref<64xi32, #tpu.memory_space<vmem>>) semaphore(%arg21 : memref<!tpu.dma_semaphore, #tpu.memory_space<semaphore_mem>>) {add = true}
            } else {
            }
            %eq3A_196 = arith.constant 3 : i32
            %eq3A_197 = arith.cmpi eq, %and3A_180, %eq3A_196 : i32
            %convert_element_type3A_198 = arith.extui %eq3A_197 : i1 to i32
            %cond3A_199 = arith.constant 0 : i32
            %cond3A_200 = arith.cmpi ne, %convert_element_type3A_198, %cond3A_199 : i32
            scf.if %cond3A_200 {
              %mul3A_209 = arith.constant 64 : i32
              %mul3A_210 = arith.muli %while3A_178, %mul3A_209 : i32
              %dma_wait3A = arith.constant 3 : i32
              %dma_wait3A_211 = arith.constant 0 : i32
              %dma_wait3A_212 = arith.constant 0 : i32
              %dma_wait3A_213 = tpu.memref_slice %arg11[%dma_wait3A, %dma_wait3A_211, %dma_wait3A_212] : memref<4x64x64xf32, #tpu.memory_space<vmem>> -> memref<1x64x64xf32, #tpu.memory_space<vmem>>
              %dma_wait3A_214 = tpu.memref_squeeze %dma_wait3A_213 : memref<1x64x64xf32, #tpu.memory_space<vmem>> -> memref<64x64xf32, #tpu.memory_space<vmem>>
              %dma_wait3A_215 = tpu.memref_slice %arg9[%mul3A_210] : memref<2112xi32, #tpu.memory_space<vmem>> -> memref<64xi32, #tpu.memory_space<vmem>>
              %dma_wait3A_216 = arith.constant 0 : i32
              %dma_wait3A_217 = arith.constant 0 : i32
              %dma_wait3A_218 = tpu.memref_slice %arg2[%dma_wait3A_216, %dma_wait3A_217] : memref<122880x64xf32, #tpu.memory_space<hbm>> -> memref<122880x64xf32, #tpu.memory_space<hbm>>
              tpu.wait_indirect_dma semaphore(%arg18 : memref<!tpu.dma_semaphore, #tpu.memory_space<semaphore_mem>>) src(%dma_wait3A_218 : memref<122880x64xf32, #tpu.memory_space<hbm>>) dst(%dma_wait3A_214 : memref<64x64xf32, #tpu.memory_space<vmem>>)
              %mul3A_219 = arith.constant 64 : i32
              %mul3A_220 = arith.muli %while3A_178, %mul3A_219 : i32
              %dma_start3A_221 = arith.constant 3 : i32
              %dma_start3A_222 = arith.constant 0 : i32
              %dma_start3A_223 = arith.constant 0 : i32
              %dma_start3A_224 = tpu.memref_slice %arg11[%dma_start3A_221, %dma_start3A_222, %dma_start3A_223] : memref<4x64x64xf32, #tpu.memory_space<vmem>> -> memref<1x64x64xf32, #tpu.memory_space<vmem>>
              %dma_start3A_225 = tpu.memref_squeeze %dma_start3A_224 : memref<1x64x64xf32, #tpu.memory_space<vmem>> -> memref<64x64xf32, #tpu.memory_space<vmem>>
              %dma_start3A_226 = tpu.memref_slice %arg10[%mul3A_220] : memref<2112xi32, #tpu.memory_space<vmem>> -> memref<64xi32, #tpu.memory_space<vmem>>
              %dma_start3A_227 = arith.constant 0 : i32
              %dma_start3A_228 = arith.constant 0 : i32
              %dma_start3A_229 = tpu.memref_slice %arg6[%dma_start3A_227, %dma_start3A_228] : memref<20608x64xf32, #tpu.memory_space<vmem_shared>> -> memref<20608x64xf32, #tpu.memory_space<vmem_shared>>
              tpu.enqueue_indirect_dma source(%dma_start3A_225 : memref<64x64xf32, #tpu.memory_space<vmem>>) target(%dma_start3A_229 : memref<20608x64xf32, #tpu.memory_space<vmem_shared>>) offsets(%dma_start3A_226 : memref<64xi32, #tpu.memory_space<vmem>>) semaphore(%arg22 : memref<!tpu.dma_semaphore, #tpu.memory_space<semaphore_mem>>) {add = true}
            } else {
            }
            %add3A_201 = arith.constant 4 : i32
            %add3A_202 = arith.addi %while3A_178, %add3A_201 : i32
            %sub3A_203 = arith.constant 1 : i32
            %sub3A_204 = arith.subi %add3A_202, %sub3A_203 : i32
            %lt3A_205 = arith.cmpi slt, %sub3A_204, %shift_right_arithmetic3A_87 : i32
            %convert_element_type3A_206 = arith.extui %lt3A_205 : i1 to i32
            %cond3A_207 = arith.constant 0 : i32
            %cond3A_208 = arith.cmpi ne, %convert_element_type3A_206, %cond3A_207 : i32
            scf.if %cond3A_208 {
              %add3A_209 = arith.constant 4 : i32
              %add3A_210 = arith.addi %while3A_178, %add3A_209 : i32
              %sub3A_211 = arith.constant 1 : i32
              %sub3A_212 = arith.subi %add3A_210, %sub3A_211 : i32
              %and3A_213 = arith.constant 3 : i32
              %and3A_214 = arith.andi %sub3A_212, %and3A_213 : i32
              %eq3A_215 = arith.constant 0 : i32
              %eq3A_216 = arith.cmpi eq, %and3A_214, %eq3A_215 : i32
              %convert_element_type3A_217 = arith.extui %eq3A_216 : i1 to i32
              %cond3A_218 = arith.constant 0 : i32
              %cond3A_219 = arith.cmpi ne, %convert_element_type3A_217, %cond3A_218 : i32
              scf.if %cond3A_219 {
                %ge3A_235 = arith.constant 1 : i32
                %ge3A_236 = arith.cmpi sge, %while3A_178, %ge3A_235 : i32
                %convert_element_type3A_237 = arith.extui %ge3A_236 : i1 to i32
                %cond3A_238 = arith.constant 0 : i32
                %cond3A_239 = arith.cmpi ne, %convert_element_type3A_237, %cond3A_238 : i32
                scf.if %cond3A_239 {
                  %sub3A_255 = arith.constant 1 : i32
                  %sub3A_256 = arith.subi %while3A_178, %sub3A_255 : i32
                  %mul3A_257 = arith.constant 64 : i32
                  %mul3A_258 = arith.muli %sub3A_256, %mul3A_257 : i32
                  %dma_wait3A = arith.constant 0 : i32
                  %dma_wait3A_259 = arith.constant 0 : i32
                  %dma_wait3A_260 = arith.constant 0 : i32
                  %dma_wait3A_261 = tpu.memref_slice %arg11[%dma_wait3A, %dma_wait3A_259, %dma_wait3A_260] : memref<4x64x64xf32, #tpu.memory_space<vmem>> -> memref<1x64x64xf32, #tpu.memory_space<vmem>>
                  %dma_wait3A_262 = tpu.memref_squeeze %dma_wait3A_261 : memref<1x64x64xf32, #tpu.memory_space<vmem>> -> memref<64x64xf32, #tpu.memory_space<vmem>>
                  %dma_wait3A_263 = tpu.memref_slice %arg10[%mul3A_258] : memref<2112xi32, #tpu.memory_space<vmem>> -> memref<64xi32, #tpu.memory_space<vmem>>
                  %dma_wait3A_264 = arith.constant 0 : i32
                  %dma_wait3A_265 = arith.constant 0 : i32
                  %dma_wait3A_266 = tpu.memref_slice %arg6[%dma_wait3A_264, %dma_wait3A_265] : memref<20608x64xf32, #tpu.memory_space<vmem_shared>> -> memref<20608x64xf32, #tpu.memory_space<vmem_shared>>
                  tpu.wait_indirect_dma semaphore(%arg19 : memref<!tpu.dma_semaphore, #tpu.memory_space<semaphore_mem>>) src(%dma_wait3A_262 : memref<64x64xf32, #tpu.memory_space<vmem>>) dst(%dma_wait3A_266 : memref<20608x64xf32, #tpu.memory_space<vmem_shared>>)
                } else {
                }
                %add3A_240 = arith.constant 4 : i32
                %add3A_241 = arith.addi %while3A_178, %add3A_240 : i32
                %sub3A_242 = arith.constant 1 : i32
                %sub3A_243 = arith.subi %add3A_241, %sub3A_242 : i32
                %mul3A_244 = arith.constant 64 : i32
                %mul3A_245 = arith.muli %sub3A_243, %mul3A_244 : i32
                %dma_start3A_246 = arith.constant 0 : i32
                %dma_start3A_247 = arith.constant 0 : i32
                %dma_start3A_248 = arith.constant 0 : i32
                %dma_start3A_249 = tpu.memref_slice %arg11[%dma_start3A_246, %dma_start3A_247, %dma_start3A_248] : memref<4x64x64xf32, #tpu.memory_space<vmem>> -> memref<1x64x64xf32, #tpu.memory_space<vmem>>
                %dma_start3A_250 = tpu.memref_squeeze %dma_start3A_249 : memref<1x64x64xf32, #tpu.memory_space<vmem>> -> memref<64x64xf32, #tpu.memory_space<vmem>>
                %dma_start3A_251 = tpu.memref_slice %arg9[%mul3A_245] : memref<2112xi32, #tpu.memory_space<vmem>> -> memref<64xi32, #tpu.memory_space<vmem>>
                %dma_start3A_252 = arith.constant 0 : i32
                %dma_start3A_253 = arith.constant 0 : i32
                %dma_start3A_254 = tpu.memref_slice %arg2[%dma_start3A_252, %dma_start3A_253] : memref<122880x64xf32, #tpu.memory_space<hbm>> -> memref<122880x64xf32, #tpu.memory_space<hbm>>
                tpu.enqueue_indirect_dma source(%dma_start3A_254 : memref<122880x64xf32, #tpu.memory_space<hbm>>) target(%dma_start3A_250 : memref<64x64xf32, #tpu.memory_space<vmem>>) offsets(%dma_start3A_251 : memref<64xi32, #tpu.memory_space<vmem>>) semaphore(%arg15 : memref<!tpu.dma_semaphore, #tpu.memory_space<semaphore_mem>>)
              } else {
              }
              %eq3A_220 = arith.constant 1 : i32
              %eq3A_221 = arith.cmpi eq, %and3A_214, %eq3A_220 : i32
              %convert_element_type3A_222 = arith.extui %eq3A_221 : i1 to i32
              %cond3A_223 = arith.constant 0 : i32
              %cond3A_224 = arith.cmpi ne, %convert_element_type3A_222, %cond3A_223 : i32
              scf.if %cond3A_224 {
                %ge3A_235 = arith.constant 1 : i32
                %ge3A_236 = arith.cmpi sge, %while3A_178, %ge3A_235 : i32
                %convert_element_type3A_237 = arith.extui %ge3A_236 : i1 to i32
                %cond3A_238 = arith.constant 0 : i32
                %cond3A_239 = arith.cmpi ne, %convert_element_type3A_237, %cond3A_238 : i32
                scf.if %cond3A_239 {
                  %sub3A_255 = arith.constant 1 : i32
                  %sub3A_256 = arith.subi %while3A_178, %sub3A_255 : i32
                  %mul3A_257 = arith.constant 64 : i32
                  %mul3A_258 = arith.muli %sub3A_256, %mul3A_257 : i32
                  %dma_wait3A = arith.constant 1 : i32
                  %dma_wait3A_259 = arith.constant 0 : i32
                  %dma_wait3A_260 = arith.constant 0 : i32
                  %dma_wait3A_261 = tpu.memref_slice %arg11[%dma_wait3A, %dma_wait3A_259, %dma_wait3A_260] : memref<4x64x64xf32, #tpu.memory_space<vmem>> -> memref<1x64x64xf32, #tpu.memory_space<vmem>>
                  %dma_wait3A_262 = tpu.memref_squeeze %dma_wait3A_261 : memref<1x64x64xf32, #tpu.memory_space<vmem>> -> memref<64x64xf32, #tpu.memory_space<vmem>>
                  %dma_wait3A_263 = tpu.memref_slice %arg10[%mul3A_258] : memref<2112xi32, #tpu.memory_space<vmem>> -> memref<64xi32, #tpu.memory_space<vmem>>
                  %dma_wait3A_264 = arith.constant 0 : i32
                  %dma_wait3A_265 = arith.constant 0 : i32
                  %dma_wait3A_266 = tpu.memref_slice %arg6[%dma_wait3A_264, %dma_wait3A_265] : memref<20608x64xf32, #tpu.memory_space<vmem_shared>> -> memref<20608x64xf32, #tpu.memory_space<vmem_shared>>
                  tpu.wait_indirect_dma semaphore(%arg20 : memref<!tpu.dma_semaphore, #tpu.memory_space<semaphore_mem>>) src(%dma_wait3A_262 : memref<64x64xf32, #tpu.memory_space<vmem>>) dst(%dma_wait3A_266 : memref<20608x64xf32, #tpu.memory_space<vmem_shared>>)
                } else {
                }
                %add3A_240 = arith.constant 4 : i32
                %add3A_241 = arith.addi %while3A_178, %add3A_240 : i32
                %sub3A_242 = arith.constant 1 : i32
                %sub3A_243 = arith.subi %add3A_241, %sub3A_242 : i32
                %mul3A_244 = arith.constant 64 : i32
                %mul3A_245 = arith.muli %sub3A_243, %mul3A_244 : i32
                %dma_start3A_246 = arith.constant 1 : i32
                %dma_start3A_247 = arith.constant 0 : i32
                %dma_start3A_248 = arith.constant 0 : i32
                %dma_start3A_249 = tpu.memref_slice %arg11[%dma_start3A_246, %dma_start3A_247, %dma_start3A_248] : memref<4x64x64xf32, #tpu.memory_space<vmem>> -> memref<1x64x64xf32, #tpu.memory_space<vmem>>
                %dma_start3A_250 = tpu.memref_squeeze %dma_start3A_249 : memref<1x64x64xf32, #tpu.memory_space<vmem>> -> memref<64x64xf32, #tpu.memory_space<vmem>>
                %dma_start3A_251 = tpu.memref_slice %arg9[%mul3A_245] : memref<2112xi32, #tpu.memory_space<vmem>> -> memref<64xi32, #tpu.memory_space<vmem>>
                %dma_start3A_252 = arith.constant 0 : i32
                %dma_start3A_253 = arith.constant 0 : i32
                %dma_start3A_254 = tpu.memref_slice %arg2[%dma_start3A_252, %dma_start3A_253] : memref<122880x64xf32, #tpu.memory_space<hbm>> -> memref<122880x64xf32, #tpu.memory_space<hbm>>
                tpu.enqueue_indirect_dma source(%dma_start3A_254 : memref<122880x64xf32, #tpu.memory_space<hbm>>) target(%dma_start3A_250 : memref<64x64xf32, #tpu.memory_space<vmem>>) offsets(%dma_start3A_251 : memref<64xi32, #tpu.memory_space<vmem>>) semaphore(%arg16 : memref<!tpu.dma_semaphore, #tpu.memory_space<semaphore_mem>>)
              } else {
              }
              %eq3A_225 = arith.constant 2 : i32
              %eq3A_226 = arith.cmpi eq, %and3A_214, %eq3A_225 : i32
              %convert_element_type3A_227 = arith.extui %eq3A_226 : i1 to i32
              %cond3A_228 = arith.constant 0 : i32
              %cond3A_229 = arith.cmpi ne, %convert_element_type3A_227, %cond3A_228 : i32
              scf.if %cond3A_229 {
                %ge3A_235 = arith.constant 1 : i32
                %ge3A_236 = arith.cmpi sge, %while3A_178, %ge3A_235 : i32
                %convert_element_type3A_237 = arith.extui %ge3A_236 : i1 to i32
                %cond3A_238 = arith.constant 0 : i32
                %cond3A_239 = arith.cmpi ne, %convert_element_type3A_237, %cond3A_238 : i32
                scf.if %cond3A_239 {
                  %sub3A_255 = arith.constant 1 : i32
                  %sub3A_256 = arith.subi %while3A_178, %sub3A_255 : i32
                  %mul3A_257 = arith.constant 64 : i32
                  %mul3A_258 = arith.muli %sub3A_256, %mul3A_257 : i32
                  %dma_wait3A = arith.constant 2 : i32
                  %dma_wait3A_259 = arith.constant 0 : i32
                  %dma_wait3A_260 = arith.constant 0 : i32
                  %dma_wait3A_261 = tpu.memref_slice %arg11[%dma_wait3A, %dma_wait3A_259, %dma_wait3A_260] : memref<4x64x64xf32, #tpu.memory_space<vmem>> -> memref<1x64x64xf32, #tpu.memory_space<vmem>>
                  %dma_wait3A_262 = tpu.memref_squeeze %dma_wait3A_261 : memref<1x64x64xf32, #tpu.memory_space<vmem>> -> memref<64x64xf32, #tpu.memory_space<vmem>>
                  %dma_wait3A_263 = tpu.memref_slice %arg10[%mul3A_258] : memref<2112xi32, #tpu.memory_space<vmem>> -> memref<64xi32, #tpu.memory_space<vmem>>
                  %dma_wait3A_264 = arith.constant 0 : i32
                  %dma_wait3A_265 = arith.constant 0 : i32
                  %dma_wait3A_266 = tpu.memref_slice %arg6[%dma_wait3A_264, %dma_wait3A_265] : memref<20608x64xf32, #tpu.memory_space<vmem_shared>> -> memref<20608x64xf32, #tpu.memory_space<vmem_shared>>
                  tpu.wait_indirect_dma semaphore(%arg21 : memref<!tpu.dma_semaphore, #tpu.memory_space<semaphore_mem>>) src(%dma_wait3A_262 : memref<64x64xf32, #tpu.memory_space<vmem>>) dst(%dma_wait3A_266 : memref<20608x64xf32, #tpu.memory_space<vmem_shared>>)
                } else {
                }
                %add3A_240 = arith.constant 4 : i32
                %add3A_241 = arith.addi %while3A_178, %add3A_240 : i32
                %sub3A_242 = arith.constant 1 : i32
                %sub3A_243 = arith.subi %add3A_241, %sub3A_242 : i32
                %mul3A_244 = arith.constant 64 : i32
                %mul3A_245 = arith.muli %sub3A_243, %mul3A_244 : i32
                %dma_start3A_246 = arith.constant 2 : i32
                %dma_start3A_247 = arith.constant 0 : i32
                %dma_start3A_248 = arith.constant 0 : i32
                %dma_start3A_249 = tpu.memref_slice %arg11[%dma_start3A_246, %dma_start3A_247, %dma_start3A_248] : memref<4x64x64xf32, #tpu.memory_space<vmem>> -> memref<1x64x64xf32, #tpu.memory_space<vmem>>
                %dma_start3A_250 = tpu.memref_squeeze %dma_start3A_249 : memref<1x64x64xf32, #tpu.memory_space<vmem>> -> memref<64x64xf32, #tpu.memory_space<vmem>>
                %dma_start3A_251 = tpu.memref_slice %arg9[%mul3A_245] : memref<2112xi32, #tpu.memory_space<vmem>> -> memref<64xi32, #tpu.memory_space<vmem>>
                %dma_start3A_252 = arith.constant 0 : i32
                %dma_start3A_253 = arith.constant 0 : i32
                %dma_start3A_254 = tpu.memref_slice %arg2[%dma_start3A_252, %dma_start3A_253] : memref<122880x64xf32, #tpu.memory_space<hbm>> -> memref<122880x64xf32, #tpu.memory_space<hbm>>
                tpu.enqueue_indirect_dma source(%dma_start3A_254 : memref<122880x64xf32, #tpu.memory_space<hbm>>) target(%dma_start3A_250 : memref<64x64xf32, #tpu.memory_space<vmem>>) offsets(%dma_start3A_251 : memref<64xi32, #tpu.memory_space<vmem>>) semaphore(%arg17 : memref<!tpu.dma_semaphore, #tpu.memory_space<semaphore_mem>>)
              } else {
              }
              %eq3A_230 = arith.constant 3 : i32
              %eq3A_231 = arith.cmpi eq, %and3A_214, %eq3A_230 : i32
              %convert_element_type3A_232 = arith.extui %eq3A_231 : i1 to i32
              %cond3A_233 = arith.constant 0 : i32
              %cond3A_234 = arith.cmpi ne, %convert_element_type3A_232, %cond3A_233 : i32
              scf.if %cond3A_234 {
                %ge3A_235 = arith.constant 1 : i32
                %ge3A_236 = arith.cmpi sge, %while3A_178, %ge3A_235 : i32
                %convert_element_type3A_237 = arith.extui %ge3A_236 : i1 to i32
                %cond3A_238 = arith.constant 0 : i32
                %cond3A_239 = arith.cmpi ne, %convert_element_type3A_237, %cond3A_238 : i32
                scf.if %cond3A_239 {
                  %sub3A_255 = arith.constant 1 : i32
                  %sub3A_256 = arith.subi %while3A_178, %sub3A_255 : i32
                  %mul3A_257 = arith.constant 64 : i32
                  %mul3A_258 = arith.muli %sub3A_256, %mul3A_257 : i32
                  %dma_wait3A = arith.constant 3 : i32
                  %dma_wait3A_259 = arith.constant 0 : i32
                  %dma_wait3A_260 = arith.constant 0 : i32
                  %dma_wait3A_261 = tpu.memref_slice %arg11[%dma_wait3A, %dma_wait3A_259, %dma_wait3A_260] : memref<4x64x64xf32, #tpu.memory_space<vmem>> -> memref<1x64x64xf32, #tpu.memory_space<vmem>>
                  %dma_wait3A_262 = tpu.memref_squeeze %dma_wait3A_261 : memref<1x64x64xf32, #tpu.memory_space<vmem>> -> memref<64x64xf32, #tpu.memory_space<vmem>>
                  %dma_wait3A_263 = tpu.memref_slice %arg10[%mul3A_258] : memref<2112xi32, #tpu.memory_space<vmem>> -> memref<64xi32, #tpu.memory_space<vmem>>
                  %dma_wait3A_264 = arith.constant 0 : i32
                  %dma_wait3A_265 = arith.constant 0 : i32
                  %dma_wait3A_266 = tpu.memref_slice %arg6[%dma_wait3A_264, %dma_wait3A_265] : memref<20608x64xf32, #tpu.memory_space<vmem_shared>> -> memref<20608x64xf32, #tpu.memory_space<vmem_shared>>
                  tpu.wait_indirect_dma semaphore(%arg22 : memref<!tpu.dma_semaphore, #tpu.memory_space<semaphore_mem>>) src(%dma_wait3A_262 : memref<64x64xf32, #tpu.memory_space<vmem>>) dst(%dma_wait3A_266 : memref<20608x64xf32, #tpu.memory_space<vmem_shared>>)
                } else {
                }
                %add3A_240 = arith.constant 4 : i32
                %add3A_241 = arith.addi %while3A_178, %add3A_240 : i32
                %sub3A_242 = arith.constant 1 : i32
                %sub3A_243 = arith.subi %add3A_241, %sub3A_242 : i32
                %mul3A_244 = arith.constant 64 : i32
                %mul3A_245 = arith.muli %sub3A_243, %mul3A_244 : i32
                %dma_start3A_246 = arith.constant 3 : i32
                %dma_start3A_247 = arith.constant 0 : i32
                %dma_start3A_248 = arith.constant 0 : i32
                %dma_start3A_249 = tpu.memref_slice %arg11[%dma_start3A_246, %dma_start3A_247, %dma_start3A_248] : memref<4x64x64xf32, #tpu.memory_space<vmem>> -> memref<1x64x64xf32, #tpu.memory_space<vmem>>
                %dma_start3A_250 = tpu.memref_squeeze %dma_start3A_249 : memref<1x64x64xf32, #tpu.memory_space<vmem>> -> memref<64x64xf32, #tpu.memory_space<vmem>>
                %dma_start3A_251 = tpu.memref_slice %arg9[%mul3A_245] : memref<2112xi32, #tpu.memory_space<vmem>> -> memref<64xi32, #tpu.memory_space<vmem>>
                %dma_start3A_252 = arith.constant 0 : i32
                %dma_start3A_253 = arith.constant 0 : i32
                %dma_start3A_254 = tpu.memref_slice %arg2[%dma_start3A_252, %dma_start3A_253] : memref<122880x64xf32, #tpu.memory_space<hbm>> -> memref<122880x64xf32, #tpu.memory_space<hbm>>
                tpu.enqueue_indirect_dma source(%dma_start3A_254 : memref<122880x64xf32, #tpu.memory_space<hbm>>) target(%dma_start3A_250 : memref<64x64xf32, #tpu.memory_space<vmem>>) offsets(%dma_start3A_251 : memref<64xi32, #tpu.memory_space<vmem>>) semaphore(%arg18 : memref<!tpu.dma_semaphore, #tpu.memory_space<semaphore_mem>>)
              } else {
              }
            } else {
            }
          }
          %sub3A = arith.constant 1 : i32
          %sub3A_144 = arith.subi %shift_right_arithmetic3A_87, %sub3A : i32
          %sub3A_145 = arith.constant 0 : i32
          %sub3A_146 = arith.subi %sub3A_144, %sub3A_145 : i32
          %ge3A = arith.constant 0 : i32
          %ge3A_147 = arith.cmpi sge, %sub3A_146, %ge3A : i32
          %convert_element_type3A_148 = arith.extui %ge3A_147 : i1 to i32
          %cond3A_149 = arith.constant 0 : i32
          %cond3A_150 = arith.cmpi ne, %convert_element_type3A_148, %cond3A_149 : i32
          scf.if %cond3A_150 {
            %sub3A_178 = arith.constant 1 : i32
            %sub3A_179 = arith.subi %shift_right_arithmetic3A_87, %sub3A_178 : i32
            %sub3A_180 = arith.constant 0 : i32
            %sub3A_181 = arith.subi %sub3A_179, %sub3A_180 : i32
            %and3A_182 = arith.constant 3 : i32
            %and3A_183 = arith.andi %sub3A_181, %and3A_182 : i32
            %eq3A_184 = arith.constant 0 : i32
            %eq3A_185 = arith.cmpi eq, %and3A_183, %eq3A_184 : i32
            %convert_element_type3A_186 = arith.extui %eq3A_185 : i1 to i32
            %cond3A_187 = arith.constant 0 : i32
            %cond3A_188 = arith.cmpi ne, %convert_element_type3A_186, %cond3A_187 : i32
            scf.if %cond3A_188 {
              %mul3A_204 = arith.constant 64 : i32
              %mul3A_205 = arith.muli %sub3A_181, %mul3A_204 : i32
              %dma_wait3A = arith.constant 0 : i32
              %dma_wait3A_206 = arith.constant 0 : i32
              %dma_wait3A_207 = arith.constant 0 : i32
              %dma_wait3A_208 = tpu.memref_slice %arg11[%dma_wait3A, %dma_wait3A_206, %dma_wait3A_207] : memref<4x64x64xf32, #tpu.memory_space<vmem>> -> memref<1x64x64xf32, #tpu.memory_space<vmem>>
              %dma_wait3A_209 = tpu.memref_squeeze %dma_wait3A_208 : memref<1x64x64xf32, #tpu.memory_space<vmem>> -> memref<64x64xf32, #tpu.memory_space<vmem>>
              %dma_wait3A_210 = tpu.memref_slice %arg10[%mul3A_205] : memref<2112xi32, #tpu.memory_space<vmem>> -> memref<64xi32, #tpu.memory_space<vmem>>
              %dma_wait3A_211 = arith.constant 0 : i32
              %dma_wait3A_212 = arith.constant 0 : i32
              %dma_wait3A_213 = tpu.memref_slice %arg6[%dma_wait3A_211, %dma_wait3A_212] : memref<20608x64xf32, #tpu.memory_space<vmem_shared>> -> memref<20608x64xf32, #tpu.memory_space<vmem_shared>>
              tpu.wait_indirect_dma semaphore(%arg19 : memref<!tpu.dma_semaphore, #tpu.memory_space<semaphore_mem>>) src(%dma_wait3A_209 : memref<64x64xf32, #tpu.memory_space<vmem>>) dst(%dma_wait3A_213 : memref<20608x64xf32, #tpu.memory_space<vmem_shared>>)
            } else {
            }
            %eq3A_189 = arith.constant 1 : i32
            %eq3A_190 = arith.cmpi eq, %and3A_183, %eq3A_189 : i32
            %convert_element_type3A_191 = arith.extui %eq3A_190 : i1 to i32
            %cond3A_192 = arith.constant 0 : i32
            %cond3A_193 = arith.cmpi ne, %convert_element_type3A_191, %cond3A_192 : i32
            scf.if %cond3A_193 {
              %mul3A_204 = arith.constant 64 : i32
              %mul3A_205 = arith.muli %sub3A_181, %mul3A_204 : i32
              %dma_wait3A = arith.constant 1 : i32
              %dma_wait3A_206 = arith.constant 0 : i32
              %dma_wait3A_207 = arith.constant 0 : i32
              %dma_wait3A_208 = tpu.memref_slice %arg11[%dma_wait3A, %dma_wait3A_206, %dma_wait3A_207] : memref<4x64x64xf32, #tpu.memory_space<vmem>> -> memref<1x64x64xf32, #tpu.memory_space<vmem>>
              %dma_wait3A_209 = tpu.memref_squeeze %dma_wait3A_208 : memref<1x64x64xf32, #tpu.memory_space<vmem>> -> memref<64x64xf32, #tpu.memory_space<vmem>>
              %dma_wait3A_210 = tpu.memref_slice %arg10[%mul3A_205] : memref<2112xi32, #tpu.memory_space<vmem>> -> memref<64xi32, #tpu.memory_space<vmem>>
              %dma_wait3A_211 = arith.constant 0 : i32
              %dma_wait3A_212 = arith.constant 0 : i32
              %dma_wait3A_213 = tpu.memref_slice %arg6[%dma_wait3A_211, %dma_wait3A_212] : memref<20608x64xf32, #tpu.memory_space<vmem_shared>> -> memref<20608x64xf32, #tpu.memory_space<vmem_shared>>
              tpu.wait_indirect_dma semaphore(%arg20 : memref<!tpu.dma_semaphore, #tpu.memory_space<semaphore_mem>>) src(%dma_wait3A_209 : memref<64x64xf32, #tpu.memory_space<vmem>>) dst(%dma_wait3A_213 : memref<20608x64xf32, #tpu.memory_space<vmem_shared>>)
            } else {
            }
            %eq3A_194 = arith.constant 2 : i32
            %eq3A_195 = arith.cmpi eq, %and3A_183, %eq3A_194 : i32
            %convert_element_type3A_196 = arith.extui %eq3A_195 : i1 to i32
            %cond3A_197 = arith.constant 0 : i32
            %cond3A_198 = arith.cmpi ne, %convert_element_type3A_196, %cond3A_197 : i32
            scf.if %cond3A_198 {
              %mul3A_204 = arith.constant 64 : i32
              %mul3A_205 = arith.muli %sub3A_181, %mul3A_204 : i32
              %dma_wait3A = arith.constant 2 : i32
              %dma_wait3A_206 = arith.constant 0 : i32
              %dma_wait3A_207 = arith.constant 0 : i32
              %dma_wait3A_208 = tpu.memref_slice %arg11[%dma_wait3A, %dma_wait3A_206, %dma_wait3A_207] : memref<4x64x64xf32, #tpu.memory_space<vmem>> -> memref<1x64x64xf32, #tpu.memory_space<vmem>>
              %dma_wait3A_209 = tpu.memref_squeeze %dma_wait3A_208 : memref<1x64x64xf32, #tpu.memory_space<vmem>> -> memref<64x64xf32, #tpu.memory_space<vmem>>
              %dma_wait3A_210 = tpu.memref_slice %arg10[%mul3A_205] : memref<2112xi32, #tpu.memory_space<vmem>> -> memref<64xi32, #tpu.memory_space<vmem>>
              %dma_wait3A_211 = arith.constant 0 : i32
              %dma_wait3A_212 = arith.constant 0 : i32
              %dma_wait3A_213 = tpu.memref_slice %arg6[%dma_wait3A_211, %dma_wait3A_212] : memref<20608x64xf32, #tpu.memory_space<vmem_shared>> -> memref<20608x64xf32, #tpu.memory_space<vmem_shared>>
              tpu.wait_indirect_dma semaphore(%arg21 : memref<!tpu.dma_semaphore, #tpu.memory_space<semaphore_mem>>) src(%dma_wait3A_209 : memref<64x64xf32, #tpu.memory_space<vmem>>) dst(%dma_wait3A_213 : memref<20608x64xf32, #tpu.memory_space<vmem_shared>>)
            } else {
            }
            %eq3A_199 = arith.constant 3 : i32
            %eq3A_200 = arith.cmpi eq, %and3A_183, %eq3A_199 : i32
            %convert_element_type3A_201 = arith.extui %eq3A_200 : i1 to i32
            %cond3A_202 = arith.constant 0 : i32
            %cond3A_203 = arith.cmpi ne, %convert_element_type3A_201, %cond3A_202 : i32
            scf.if %cond3A_203 {
              %mul3A_204 = arith.constant 64 : i32
              %mul3A_205 = arith.muli %sub3A_181, %mul3A_204 : i32
              %dma_wait3A = arith.constant 3 : i32
              %dma_wait3A_206 = arith.constant 0 : i32
              %dma_wait3A_207 = arith.constant 0 : i32
              %dma_wait3A_208 = tpu.memref_slice %arg11[%dma_wait3A, %dma_wait3A_206, %dma_wait3A_207] : memref<4x64x64xf32, #tpu.memory_space<vmem>> -> memref<1x64x64xf32, #tpu.memory_space<vmem>>
              %dma_wait3A_209 = tpu.memref_squeeze %dma_wait3A_208 : memref<1x64x64xf32, #tpu.memory_space<vmem>> -> memref<64x64xf32, #tpu.memory_space<vmem>>
              %dma_wait3A_210 = tpu.memref_slice %arg10[%mul3A_205] : memref<2112xi32, #tpu.memory_space<vmem>> -> memref<64xi32, #tpu.memory_space<vmem>>
              %dma_wait3A_211 = arith.constant 0 : i32
              %dma_wait3A_212 = arith.constant 0 : i32
              %dma_wait3A_213 = tpu.memref_slice %arg6[%dma_wait3A_211, %dma_wait3A_212] : memref<20608x64xf32, #tpu.memory_space<vmem_shared>> -> memref<20608x64xf32, #tpu.memory_space<vmem_shared>>
              tpu.wait_indirect_dma semaphore(%arg22 : memref<!tpu.dma_semaphore, #tpu.memory_space<semaphore_mem>>) src(%dma_wait3A_209 : memref<64x64xf32, #tpu.memory_space<vmem>>) dst(%dma_wait3A_213 : memref<20608x64xf32, #tpu.memory_space<vmem_shared>>)
            } else {
            }
          } else {
          }
          %sub3A_151 = arith.constant 1 : i32
          %sub3A_152 = arith.subi %shift_right_arithmetic3A_87, %sub3A_151 : i32
          %sub3A_153 = arith.constant 1 : i32
          %sub3A_154 = arith.subi %sub3A_152, %sub3A_153 : i32
          %ge3A_155 = arith.constant 0 : i32
          %ge3A_156 = arith.cmpi sge, %sub3A_154, %ge3A_155 : i32
          %convert_element_type3A_157 = arith.extui %ge3A_156 : i1 to i32
          %cond3A_158 = arith.constant 0 : i32
          %cond3A_159 = arith.cmpi ne, %convert_element_type3A_157, %cond3A_158 : i32
          scf.if %cond3A_159 {
            %sub3A_178 = arith.constant 1 : i32
            %sub3A_179 = arith.subi %shift_right_arithmetic3A_87, %sub3A_178 : i32
            %sub3A_180 = arith.constant 1 : i32
            %sub3A_181 = arith.subi %sub3A_179, %sub3A_180 : i32
            %and3A_182 = arith.constant 3 : i32
            %and3A_183 = arith.andi %sub3A_181, %and3A_182 : i32
            %eq3A_184 = arith.constant 0 : i32
            %eq3A_185 = arith.cmpi eq, %and3A_183, %eq3A_184 : i32
            %convert_element_type3A_186 = arith.extui %eq3A_185 : i1 to i32
            %cond3A_187 = arith.constant 0 : i32
            %cond3A_188 = arith.cmpi ne, %convert_element_type3A_186, %cond3A_187 : i32
            scf.if %cond3A_188 {
              %mul3A_204 = arith.constant 64 : i32
              %mul3A_205 = arith.muli %sub3A_181, %mul3A_204 : i32
              %dma_wait3A = arith.constant 0 : i32
              %dma_wait3A_206 = arith.constant 0 : i32
              %dma_wait3A_207 = arith.constant 0 : i32
              %dma_wait3A_208 = tpu.memref_slice %arg11[%dma_wait3A, %dma_wait3A_206, %dma_wait3A_207] : memref<4x64x64xf32, #tpu.memory_space<vmem>> -> memref<1x64x64xf32, #tpu.memory_space<vmem>>
              %dma_wait3A_209 = tpu.memref_squeeze %dma_wait3A_208 : memref<1x64x64xf32, #tpu.memory_space<vmem>> -> memref<64x64xf32, #tpu.memory_space<vmem>>
              %dma_wait3A_210 = tpu.memref_slice %arg10[%mul3A_205] : memref<2112xi32, #tpu.memory_space<vmem>> -> memref<64xi32, #tpu.memory_space<vmem>>
              %dma_wait3A_211 = arith.constant 0 : i32
              %dma_wait3A_212 = arith.constant 0 : i32
              %dma_wait3A_213 = tpu.memref_slice %arg6[%dma_wait3A_211, %dma_wait3A_212] : memref<20608x64xf32, #tpu.memory_space<vmem_shared>> -> memref<20608x64xf32, #tpu.memory_space<vmem_shared>>
              tpu.wait_indirect_dma semaphore(%arg19 : memref<!tpu.dma_semaphore, #tpu.memory_space<semaphore_mem>>) src(%dma_wait3A_209 : memref<64x64xf32, #tpu.memory_space<vmem>>) dst(%dma_wait3A_213 : memref<20608x64xf32, #tpu.memory_space<vmem_shared>>)
            } else {
            }
            %eq3A_189 = arith.constant 1 : i32
            %eq3A_190 = arith.cmpi eq, %and3A_183, %eq3A_189 : i32
            %convert_element_type3A_191 = arith.extui %eq3A_190 : i1 to i32
            %cond3A_192 = arith.constant 0 : i32
            %cond3A_193 = arith.cmpi ne, %convert_element_type3A_191, %cond3A_192 : i32
            scf.if %cond3A_193 {
              %mul3A_204 = arith.constant 64 : i32
              %mul3A_205 = arith.muli %sub3A_181, %mul3A_204 : i32
              %dma_wait3A = arith.constant 1 : i32
              %dma_wait3A_206 = arith.constant 0 : i32
              %dma_wait3A_207 = arith.constant 0 : i32
              %dma_wait3A_208 = tpu.memref_slice %arg11[%dma_wait3A, %dma_wait3A_206, %dma_wait3A_207] : memref<4x64x64xf32, #tpu.memory_space<vmem>> -> memref<1x64x64xf32, #tpu.memory_space<vmem>>
              %dma_wait3A_209 = tpu.memref_squeeze %dma_wait3A_208 : memref<1x64x64xf32, #tpu.memory_space<vmem>> -> memref<64x64xf32, #tpu.memory_space<vmem>>
              %dma_wait3A_210 = tpu.memref_slice %arg10[%mul3A_205] : memref<2112xi32, #tpu.memory_space<vmem>> -> memref<64xi32, #tpu.memory_space<vmem>>
              %dma_wait3A_211 = arith.constant 0 : i32
              %dma_wait3A_212 = arith.constant 0 : i32
              %dma_wait3A_213 = tpu.memref_slice %arg6[%dma_wait3A_211, %dma_wait3A_212] : memref<20608x64xf32, #tpu.memory_space<vmem_shared>> -> memref<20608x64xf32, #tpu.memory_space<vmem_shared>>
              tpu.wait_indirect_dma semaphore(%arg20 : memref<!tpu.dma_semaphore, #tpu.memory_space<semaphore_mem>>) src(%dma_wait3A_209 : memref<64x64xf32, #tpu.memory_space<vmem>>) dst(%dma_wait3A_213 : memref<20608x64xf32, #tpu.memory_space<vmem_shared>>)
            } else {
            }
            %eq3A_194 = arith.constant 2 : i32
            %eq3A_195 = arith.cmpi eq, %and3A_183, %eq3A_194 : i32
            %convert_element_type3A_196 = arith.extui %eq3A_195 : i1 to i32
            %cond3A_197 = arith.constant 0 : i32
            %cond3A_198 = arith.cmpi ne, %convert_element_type3A_196, %cond3A_197 : i32
            scf.if %cond3A_198 {
              %mul3A_204 = arith.constant 64 : i32
              %mul3A_205 = arith.muli %sub3A_181, %mul3A_204 : i32
              %dma_wait3A = arith.constant 2 : i32
              %dma_wait3A_206 = arith.constant 0 : i32
              %dma_wait3A_207 = arith.constant 0 : i32
              %dma_wait3A_208 = tpu.memref_slice %arg11[%dma_wait3A, %dma_wait3A_206, %dma_wait3A_207] : memref<4x64x64xf32, #tpu.memory_space<vmem>> -> memref<1x64x64xf32, #tpu.memory_space<vmem>>
              %dma_wait3A_209 = tpu.memref_squeeze %dma_wait3A_208 : memref<1x64x64xf32, #tpu.memory_space<vmem>> -> memref<64x64xf32, #tpu.memory_space<vmem>>
              %dma_wait3A_210 = tpu.memref_slice %arg10[%mul3A_205] : memref<2112xi32, #tpu.memory_space<vmem>> -> memref<64xi32, #tpu.memory_space<vmem>>
              %dma_wait3A_211 = arith.constant 0 : i32
              %dma_wait3A_212 = arith.constant 0 : i32
              %dma_wait3A_213 = tpu.memref_slice %arg6[%dma_wait3A_211, %dma_wait3A_212] : memref<20608x64xf32, #tpu.memory_space<vmem_shared>> -> memref<20608x64xf32, #tpu.memory_space<vmem_shared>>
              tpu.wait_indirect_dma semaphore(%arg21 : memref<!tpu.dma_semaphore, #tpu.memory_space<semaphore_mem>>) src(%dma_wait3A_209 : memref<64x64xf32, #tpu.memory_space<vmem>>) dst(%dma_wait3A_213 : memref<20608x64xf32, #tpu.memory_space<vmem_shared>>)
            } else {
            }
            %eq3A_199 = arith.constant 3 : i32
            %eq3A_200 = arith.cmpi eq, %and3A_183, %eq3A_199 : i32
            %convert_element_type3A_201 = arith.extui %eq3A_200 : i1 to i32
            %cond3A_202 = arith.constant 0 : i32
            %cond3A_203 = arith.cmpi ne, %convert_element_type3A_201, %cond3A_202 : i32
            scf.if %cond3A_203 {
              %mul3A_204 = arith.constant 64 : i32
              %mul3A_205 = arith.muli %sub3A_181, %mul3A_204 : i32
              %dma_wait3A = arith.constant 3 : i32
              %dma_wait3A_206 = arith.constant 0 : i32
              %dma_wait3A_207 = arith.constant 0 : i32
              %dma_wait3A_208 = tpu.memref_slice %arg11[%dma_wait3A, %dma_wait3A_206, %dma_wait3A_207] : memref<4x64x64xf32, #tpu.memory_space<vmem>> -> memref<1x64x64xf32, #tpu.memory_space<vmem>>
              %dma_wait3A_209 = tpu.memref_squeeze %dma_wait3A_208 : memref<1x64x64xf32, #tpu.memory_space<vmem>> -> memref<64x64xf32, #tpu.memory_space<vmem>>
              %dma_wait3A_210 = tpu.memref_slice %arg10[%mul3A_205] : memref<2112xi32, #tpu.memory_space<vmem>> -> memref<64xi32, #tpu.memory_space<vmem>>
              %dma_wait3A_211 = arith.constant 0 : i32
              %dma_wait3A_212 = arith.constant 0 : i32
              %dma_wait3A_213 = tpu.memref_slice %arg6[%dma_wait3A_211, %dma_wait3A_212] : memref<20608x64xf32, #tpu.memory_space<vmem_shared>> -> memref<20608x64xf32, #tpu.memory_space<vmem_shared>>
              tpu.wait_indirect_dma semaphore(%arg22 : memref<!tpu.dma_semaphore, #tpu.memory_space<semaphore_mem>>) src(%dma_wait3A_209 : memref<64x64xf32, #tpu.memory_space<vmem>>) dst(%dma_wait3A_213 : memref<20608x64xf32, #tpu.memory_space<vmem_shared>>)
            } else {
            }
          } else {
          }
          %sub3A_160 = arith.constant 1 : i32
          %sub3A_161 = arith.subi %shift_right_arithmetic3A_87, %sub3A_160 : i32
          %sub3A_162 = arith.constant 2 : i32
          %sub3A_163 = arith.subi %sub3A_161, %sub3A_162 : i32
          %ge3A_164 = arith.constant 0 : i32
          %ge3A_165 = arith.cmpi sge, %sub3A_163, %ge3A_164 : i32
          %convert_element_type3A_166 = arith.extui %ge3A_165 : i1 to i32
          %cond3A_167 = arith.constant 0 : i32
          %cond3A_168 = arith.cmpi ne, %convert_element_type3A_166, %cond3A_167 : i32
          scf.if %cond3A_168 {
            %sub3A_178 = arith.constant 1 : i32
            %sub3A_179 = arith.subi %shift_right_arithmetic3A_87, %sub3A_178 : i32
            %sub3A_180 = arith.constant 2 : i32
            %sub3A_181 = arith.subi %sub3A_179, %sub3A_180 : i32
            %and3A_182 = arith.constant 3 : i32
            %and3A_183 = arith.andi %sub3A_181, %and3A_182 : i32
            %eq3A_184 = arith.constant 0 : i32
            %eq3A_185 = arith.cmpi eq, %and3A_183, %eq3A_184 : i32
            %convert_element_type3A_186 = arith.extui %eq3A_185 : i1 to i32
            %cond3A_187 = arith.constant 0 : i32
            %cond3A_188 = arith.cmpi ne, %convert_element_type3A_186, %cond3A_187 : i32
            scf.if %cond3A_188 {
              %mul3A_204 = arith.constant 64 : i32
              %mul3A_205 = arith.muli %sub3A_181, %mul3A_204 : i32
              %dma_wait3A = arith.constant 0 : i32
              %dma_wait3A_206 = arith.constant 0 : i32
              %dma_wait3A_207 = arith.constant 0 : i32
              %dma_wait3A_208 = tpu.memref_slice %arg11[%dma_wait3A, %dma_wait3A_206, %dma_wait3A_207] : memref<4x64x64xf32, #tpu.memory_space<vmem>> -> memref<1x64x64xf32, #tpu.memory_space<vmem>>
              %dma_wait3A_209 = tpu.memref_squeeze %dma_wait3A_208 : memref<1x64x64xf32, #tpu.memory_space<vmem>> -> memref<64x64xf32, #tpu.memory_space<vmem>>
              %dma_wait3A_210 = tpu.memref_slice %arg10[%mul3A_205] : memref<2112xi32, #tpu.memory_space<vmem>> -> memref<64xi32, #tpu.memory_space<vmem>>
              %dma_wait3A_211 = arith.constant 0 : i32
              %dma_wait3A_212 = arith.constant 0 : i32
              %dma_wait3A_213 = tpu.memref_slice %arg6[%dma_wait3A_211, %dma_wait3A_212] : memref<20608x64xf32, #tpu.memory_space<vmem_shared>> -> memref<20608x64xf32, #tpu.memory_space<vmem_shared>>
              tpu.wait_indirect_dma semaphore(%arg19 : memref<!tpu.dma_semaphore, #tpu.memory_space<semaphore_mem>>) src(%dma_wait3A_209 : memref<64x64xf32, #tpu.memory_space<vmem>>) dst(%dma_wait3A_213 : memref<20608x64xf32, #tpu.memory_space<vmem_shared>>)
            } else {
            }
            %eq3A_189 = arith.constant 1 : i32
            %eq3A_190 = arith.cmpi eq, %and3A_183, %eq3A_189 : i32
            %convert_element_type3A_191 = arith.extui %eq3A_190 : i1 to i32
            %cond3A_192 = arith.constant 0 : i32
            %cond3A_193 = arith.cmpi ne, %convert_element_type3A_191, %cond3A_192 : i32
            scf.if %cond3A_193 {
              %mul3A_204 = arith.constant 64 : i32
              %mul3A_205 = arith.muli %sub3A_181, %mul3A_204 : i32
              %dma_wait3A = arith.constant 1 : i32
              %dma_wait3A_206 = arith.constant 0 : i32
              %dma_wait3A_207 = arith.constant 0 : i32
              %dma_wait3A_208 = tpu.memref_slice %arg11[%dma_wait3A, %dma_wait3A_206, %dma_wait3A_207] : memref<4x64x64xf32, #tpu.memory_space<vmem>> -> memref<1x64x64xf32, #tpu.memory_space<vmem>>
              %dma_wait3A_209 = tpu.memref_squeeze %dma_wait3A_208 : memref<1x64x64xf32, #tpu.memory_space<vmem>> -> memref<64x64xf32, #tpu.memory_space<vmem>>
              %dma_wait3A_210 = tpu.memref_slice %arg10[%mul3A_205] : memref<2112xi32, #tpu.memory_space<vmem>> -> memref<64xi32, #tpu.memory_space<vmem>>
              %dma_wait3A_211 = arith.constant 0 : i32
              %dma_wait3A_212 = arith.constant 0 : i32
              %dma_wait3A_213 = tpu.memref_slice %arg6[%dma_wait3A_211, %dma_wait3A_212] : memref<20608x64xf32, #tpu.memory_space<vmem_shared>> -> memref<20608x64xf32, #tpu.memory_space<vmem_shared>>
              tpu.wait_indirect_dma semaphore(%arg20 : memref<!tpu.dma_semaphore, #tpu.memory_space<semaphore_mem>>) src(%dma_wait3A_209 : memref<64x64xf32, #tpu.memory_space<vmem>>) dst(%dma_wait3A_213 : memref<20608x64xf32, #tpu.memory_space<vmem_shared>>)
            } else {
            }
            %eq3A_194 = arith.constant 2 : i32
            %eq3A_195 = arith.cmpi eq, %and3A_183, %eq3A_194 : i32
            %convert_element_type3A_196 = arith.extui %eq3A_195 : i1 to i32
            %cond3A_197 = arith.constant 0 : i32
            %cond3A_198 = arith.cmpi ne, %convert_element_type3A_196, %cond3A_197 : i32
            scf.if %cond3A_198 {
              %mul3A_204 = arith.constant 64 : i32
              %mul3A_205 = arith.muli %sub3A_181, %mul3A_204 : i32
              %dma_wait3A = arith.constant 2 : i32
              %dma_wait3A_206 = arith.constant 0 : i32
              %dma_wait3A_207 = arith.constant 0 : i32
              %dma_wait3A_208 = tpu.memref_slice %arg11[%dma_wait3A, %dma_wait3A_206, %dma_wait3A_207] : memref<4x64x64xf32, #tpu.memory_space<vmem>> -> memref<1x64x64xf32, #tpu.memory_space<vmem>>
              %dma_wait3A_209 = tpu.memref_squeeze %dma_wait3A_208 : memref<1x64x64xf32, #tpu.memory_space<vmem>> -> memref<64x64xf32, #tpu.memory_space<vmem>>
              %dma_wait3A_210 = tpu.memref_slice %arg10[%mul3A_205] : memref<2112xi32, #tpu.memory_space<vmem>> -> memref<64xi32, #tpu.memory_space<vmem>>
              %dma_wait3A_211 = arith.constant 0 : i32
              %dma_wait3A_212 = arith.constant 0 : i32
              %dma_wait3A_213 = tpu.memref_slice %arg6[%dma_wait3A_211, %dma_wait3A_212] : memref<20608x64xf32, #tpu.memory_space<vmem_shared>> -> memref<20608x64xf32, #tpu.memory_space<vmem_shared>>
              tpu.wait_indirect_dma semaphore(%arg21 : memref<!tpu.dma_semaphore, #tpu.memory_space<semaphore_mem>>) src(%dma_wait3A_209 : memref<64x64xf32, #tpu.memory_space<vmem>>) dst(%dma_wait3A_213 : memref<20608x64xf32, #tpu.memory_space<vmem_shared>>)
            } else {
            }
            %eq3A_199 = arith.constant 3 : i32
            %eq3A_200 = arith.cmpi eq, %and3A_183, %eq3A_199 : i32
            %convert_element_type3A_201 = arith.extui %eq3A_200 : i1 to i32
            %cond3A_202 = arith.constant 0 : i32
            %cond3A_203 = arith.cmpi ne, %convert_element_type3A_201, %cond3A_202 : i32
            scf.if %cond3A_203 {
              %mul3A_204 = arith.constant 64 : i32
              %mul3A_205 = arith.muli %sub3A_181, %mul3A_204 : i32
              %dma_wait3A = arith.constant 3 : i32
              %dma_wait3A_206 = arith.constant 0 : i32
              %dma_wait3A_207 = arith.constant 0 : i32
              %dma_wait3A_208 = tpu.memref_slice %arg11[%dma_wait3A, %dma_wait3A_206, %dma_wait3A_207] : memref<4x64x64xf32, #tpu.memory_space<vmem>> -> memref<1x64x64xf32, #tpu.memory_space<vmem>>
              %dma_wait3A_209 = tpu.memref_squeeze %dma_wait3A_208 : memref<1x64x64xf32, #tpu.memory_space<vmem>> -> memref<64x64xf32, #tpu.memory_space<vmem>>
              %dma_wait3A_210 = tpu.memref_slice %arg10[%mul3A_205] : memref<2112xi32, #tpu.memory_space<vmem>> -> memref<64xi32, #tpu.memory_space<vmem>>
              %dma_wait3A_211 = arith.constant 0 : i32
              %dma_wait3A_212 = arith.constant 0 : i32
              %dma_wait3A_213 = tpu.memref_slice %arg6[%dma_wait3A_211, %dma_wait3A_212] : memref<20608x64xf32, #tpu.memory_space<vmem_shared>> -> memref<20608x64xf32, #tpu.memory_space<vmem_shared>>
              tpu.wait_indirect_dma semaphore(%arg22 : memref<!tpu.dma_semaphore, #tpu.memory_space<semaphore_mem>>) src(%dma_wait3A_209 : memref<64x64xf32, #tpu.memory_space<vmem>>) dst(%dma_wait3A_213 : memref<20608x64xf32, #tpu.memory_space<vmem_shared>>)
            } else {
            }
          } else {
          }
          %sub3A_169 = arith.constant 1 : i32
          %sub3A_170 = arith.subi %shift_right_arithmetic3A_87, %sub3A_169 : i32
          %sub3A_171 = arith.constant 3 : i32
          %sub3A_172 = arith.subi %sub3A_170, %sub3A_171 : i32
          %ge3A_173 = arith.constant 0 : i32
          %ge3A_174 = arith.cmpi sge, %sub3A_172, %ge3A_173 : i32
          %convert_element_type3A_175 = arith.extui %ge3A_174 : i1 to i32
          %cond3A_176 = arith.constant 0 : i32
          %cond3A_177 = arith.cmpi ne, %convert_element_type3A_175, %cond3A_176 : i32
          scf.if %cond3A_177 {
            %sub3A_178 = arith.constant 1 : i32
            %sub3A_179 = arith.subi %shift_right_arithmetic3A_87, %sub3A_178 : i32
            %sub3A_180 = arith.constant 3 : i32
            %sub3A_181 = arith.subi %sub3A_179, %sub3A_180 : i32
            %and3A_182 = arith.constant 3 : i32
            %and3A_183 = arith.andi %sub3A_181, %and3A_182 : i32
            %eq3A_184 = arith.constant 0 : i32
            %eq3A_185 = arith.cmpi eq, %and3A_183, %eq3A_184 : i32
            %convert_element_type3A_186 = arith.extui %eq3A_185 : i1 to i32
            %cond3A_187 = arith.constant 0 : i32
            %cond3A_188 = arith.cmpi ne, %convert_element_type3A_186, %cond3A_187 : i32
            scf.if %cond3A_188 {
              %mul3A_204 = arith.constant 64 : i32
              %mul3A_205 = arith.muli %sub3A_181, %mul3A_204 : i32
              %dma_wait3A = arith.constant 0 : i32
              %dma_wait3A_206 = arith.constant 0 : i32
              %dma_wait3A_207 = arith.constant 0 : i32
              %dma_wait3A_208 = tpu.memref_slice %arg11[%dma_wait3A, %dma_wait3A_206, %dma_wait3A_207] : memref<4x64x64xf32, #tpu.memory_space<vmem>> -> memref<1x64x64xf32, #tpu.memory_space<vmem>>
              %dma_wait3A_209 = tpu.memref_squeeze %dma_wait3A_208 : memref<1x64x64xf32, #tpu.memory_space<vmem>> -> memref<64x64xf32, #tpu.memory_space<vmem>>
              %dma_wait3A_210 = tpu.memref_slice %arg10[%mul3A_205] : memref<2112xi32, #tpu.memory_space<vmem>> -> memref<64xi32, #tpu.memory_space<vmem>>
              %dma_wait3A_211 = arith.constant 0 : i32
              %dma_wait3A_212 = arith.constant 0 : i32
              %dma_wait3A_213 = tpu.memref_slice %arg6[%dma_wait3A_211, %dma_wait3A_212] : memref<20608x64xf32, #tpu.memory_space<vmem_shared>> -> memref<20608x64xf32, #tpu.memory_space<vmem_shared>>
              tpu.wait_indirect_dma semaphore(%arg19 : memref<!tpu.dma_semaphore, #tpu.memory_space<semaphore_mem>>) src(%dma_wait3A_209 : memref<64x64xf32, #tpu.memory_space<vmem>>) dst(%dma_wait3A_213 : memref<20608x64xf32, #tpu.memory_space<vmem_shared>>)
            } else {
            }
            %eq3A_189 = arith.constant 1 : i32
            %eq3A_190 = arith.cmpi eq, %and3A_183, %eq3A_189 : i32
            %convert_element_type3A_191 = arith.extui %eq3A_190 : i1 to i32
            %cond3A_192 = arith.constant 0 : i32
            %cond3A_193 = arith.cmpi ne, %convert_element_type3A_191, %cond3A_192 : i32
            scf.if %cond3A_193 {
              %mul3A_204 = arith.constant 64 : i32
              %mul3A_205 = arith.muli %sub3A_181, %mul3A_204 : i32
              %dma_wait3A = arith.constant 1 : i32
              %dma_wait3A_206 = arith.constant 0 : i32
              %dma_wait3A_207 = arith.constant 0 : i32
              %dma_wait3A_208 = tpu.memref_slice %arg11[%dma_wait3A, %dma_wait3A_206, %dma_wait3A_207] : memref<4x64x64xf32, #tpu.memory_space<vmem>> -> memref<1x64x64xf32, #tpu.memory_space<vmem>>
              %dma_wait3A_209 = tpu.memref_squeeze %dma_wait3A_208 : memref<1x64x64xf32, #tpu.memory_space<vmem>> -> memref<64x64xf32, #tpu.memory_space<vmem>>
              %dma_wait3A_210 = tpu.memref_slice %arg10[%mul3A_205] : memref<2112xi32, #tpu.memory_space<vmem>> -> memref<64xi32, #tpu.memory_space<vmem>>
              %dma_wait3A_211 = arith.constant 0 : i32
              %dma_wait3A_212 = arith.constant 0 : i32
              %dma_wait3A_213 = tpu.memref_slice %arg6[%dma_wait3A_211, %dma_wait3A_212] : memref<20608x64xf32, #tpu.memory_space<vmem_shared>> -> memref<20608x64xf32, #tpu.memory_space<vmem_shared>>
              tpu.wait_indirect_dma semaphore(%arg20 : memref<!tpu.dma_semaphore, #tpu.memory_space<semaphore_mem>>) src(%dma_wait3A_209 : memref<64x64xf32, #tpu.memory_space<vmem>>) dst(%dma_wait3A_213 : memref<20608x64xf32, #tpu.memory_space<vmem_shared>>)
            } else {
            }
            %eq3A_194 = arith.constant 2 : i32
            %eq3A_195 = arith.cmpi eq, %and3A_183, %eq3A_194 : i32
            %convert_element_type3A_196 = arith.extui %eq3A_195 : i1 to i32
            %cond3A_197 = arith.constant 0 : i32
            %cond3A_198 = arith.cmpi ne, %convert_element_type3A_196, %cond3A_197 : i32
            scf.if %cond3A_198 {
              %mul3A_204 = arith.constant 64 : i32
              %mul3A_205 = arith.muli %sub3A_181, %mul3A_204 : i32
              %dma_wait3A = arith.constant 2 : i32
              %dma_wait3A_206 = arith.constant 0 : i32
              %dma_wait3A_207 = arith.constant 0 : i32
              %dma_wait3A_208 = tpu.memref_slice %arg11[%dma_wait3A, %dma_wait3A_206, %dma_wait3A_207] : memref<4x64x64xf32, #tpu.memory_space<vmem>> -> memref<1x64x64xf32, #tpu.memory_space<vmem>>
              %dma_wait3A_209 = tpu.memref_squeeze %dma_wait3A_208 : memref<1x64x64xf32, #tpu.memory_space<vmem>> -> memref<64x64xf32, #tpu.memory_space<vmem>>
              %dma_wait3A_210 = tpu.memref_slice %arg10[%mul3A_205] : memref<2112xi32, #tpu.memory_space<vmem>> -> memref<64xi32, #tpu.memory_space<vmem>>
              %dma_wait3A_211 = arith.constant 0 : i32
              %dma_wait3A_212 = arith.constant 0 : i32
              %dma_wait3A_213 = tpu.memref_slice %arg6[%dma_wait3A_211, %dma_wait3A_212] : memref<20608x64xf32, #tpu.memory_space<vmem_shared>> -> memref<20608x64xf32, #tpu.memory_space<vmem_shared>>
              tpu.wait_indirect_dma semaphore(%arg21 : memref<!tpu.dma_semaphore, #tpu.memory_space<semaphore_mem>>) src(%dma_wait3A_209 : memref<64x64xf32, #tpu.memory_space<vmem>>) dst(%dma_wait3A_213 : memref<20608x64xf32, #tpu.memory_space<vmem_shared>>)
            } else {
            }
            %eq3A_199 = arith.constant 3 : i32
            %eq3A_200 = arith.cmpi eq, %and3A_183, %eq3A_199 : i32
            %convert_element_type3A_201 = arith.extui %eq3A_200 : i1 to i32
            %cond3A_202 = arith.constant 0 : i32
            %cond3A_203 = arith.cmpi ne, %convert_element_type3A_201, %cond3A_202 : i32
            scf.if %cond3A_203 {
              %mul3A_204 = arith.constant 64 : i32
              %mul3A_205 = arith.muli %sub3A_181, %mul3A_204 : i32
              %dma_wait3A = arith.constant 3 : i32
              %dma_wait3A_206 = arith.constant 0 : i32
              %dma_wait3A_207 = arith.constant 0 : i32
              %dma_wait3A_208 = tpu.memref_slice %arg11[%dma_wait3A, %dma_wait3A_206, %dma_wait3A_207] : memref<4x64x64xf32, #tpu.memory_space<vmem>> -> memref<1x64x64xf32, #tpu.memory_space<vmem>>
              %dma_wait3A_209 = tpu.memref_squeeze %dma_wait3A_208 : memref<1x64x64xf32, #tpu.memory_space<vmem>> -> memref<64x64xf32, #tpu.memory_space<vmem>>
              %dma_wait3A_210 = tpu.memref_slice %arg10[%mul3A_205] : memref<2112xi32, #tpu.memory_space<vmem>> -> memref<64xi32, #tpu.memory_space<vmem>>
              %dma_wait3A_211 = arith.constant 0 : i32
              %dma_wait3A_212 = arith.constant 0 : i32
              %dma_wait3A_213 = tpu.memref_slice %arg6[%dma_wait3A_211, %dma_wait3A_212] : memref<20608x64xf32, #tpu.memory_space<vmem_shared>> -> memref<20608x64xf32, #tpu.memory_space<vmem_shared>>
              tpu.wait_indirect_dma semaphore(%arg22 : memref<!tpu.dma_semaphore, #tpu.memory_space<semaphore_mem>>) src(%dma_wait3A_209 : memref<64x64xf32, #tpu.memory_space<vmem>>) dst(%dma_wait3A_213 : memref<20608x64xf32, #tpu.memory_space<vmem_shared>>)
            } else {
            }
          } else {
          }
        }
        %scan3A_62 = arith.constant 19 : i32
        %barrier3A_63 = arith.constant 0 : index
        tpu.barrier barrier_id(%barrier3A_63)
        %mul3A_64 = arith.constant 1280 : i32
        %mul3A_65 = arith.muli %arg1, %mul3A_64 : i32
        %mul3A_66 = arith.constant 1280 : i32
        %mul3A_67 = arith.muli %arg1, %mul3A_66 : i32
        %add3A_68 = arith.addi %mul3A_23, %mul3A_67 : i32
        "tpu.region"() ({
          %run_scoped3A = tpu.sem_alloc : memref<!tpu.dma_semaphore, #tpu.memory_space<semaphore_mem>>
          %dma_start3A_70 = arith.constant 0 : i32
          %dma_start3A_71 = tpu.memref_slice %arg5[%add3A_68, %dma_start3A_70] : memref<122880x64xf32, #tpu.memory_space<hbm>> -> memref<1280x64xf32, #tpu.memory_space<hbm>>
          %dma_start3A_72 = arith.constant 0 : i32
          %dma_start3A_73 = tpu.memref_slice %arg6[%mul3A_65, %dma_start3A_72] : memref<20608x64xf32, #tpu.memory_space<vmem_shared>> -> memref<1280x64xf32, #tpu.memory_space<vmem_shared>>
          tpu.enqueue_dma source(%dma_start3A_73 : memref<1280x64xf32, #tpu.memory_space<vmem_shared>>) target(%dma_start3A_71 : memref<1280x64xf32, #tpu.memory_space<hbm>>) target_semaphore(%run_scoped3A : memref<!tpu.dma_semaphore, #tpu.memory_space<semaphore_mem>>)
          %dma_wait3A = arith.constant 0 : i32
          %dma_wait3A_74 = tpu.memref_slice %arg5[%add3A_68, %dma_wait3A] : memref<122880x64xf32, #tpu.memory_space<hbm>> -> memref<1280x64xf32, #tpu.memory_space<hbm>>
          %dma_wait3A_75 = arith.constant 0 : i32
          %dma_wait3A_76 = tpu.memref_slice %arg6[%mul3A_65, %dma_wait3A_75] : memref<20608x64xf32, #tpu.memory_space<vmem_shared>> -> memref<1280x64xf32, #tpu.memory_space<vmem_shared>>
          tpu.wait_dma2 semaphore(%run_scoped3A : memref<!tpu.dma_semaphore, #tpu.memory_space<semaphore_mem>>) src(%dma_wait3A_76 : memref<1280x64xf32, #tpu.memory_space<vmem_shared>>) dst(%dma_wait3A_74 : memref<1280x64xf32, #tpu.memory_space<hbm>>)
          tpu.yield
        }) : () -> ()
        %barrier3A_69 = arith.constant 0 : index
        tpu.barrier barrier_id(%barrier3A_69)
      } else {
      }
    }
    %scan3A_17 = arith.constant 3 : i32
    return
  }
}

#map = affine_map<(d0, d1) -> (0, 0)>
#map1 = affine_map<(d0, d1) -> (0)>
module attributes {stable_mosaic.version = 14 : i64} {
  func.func @seg(%arg0: i32, %arg1: i32, %arg2: memref<122880x128xf32, #tpu.memory_space<hbm>>, %arg3: memref<622592xi32, #tpu.memory_space<hbm>>, %arg4: memref<622592xi32, #tpu.memory_space<hbm>>, %arg5: memref<122880x128xf32, #tpu.memory_space<hbm>>, %arg6: memref<10368x128xf32, #tpu.memory_space<vmem_shared>>, %arg7: memref<2x2048xi32, #tpu.memory_space<vmem>>, %arg8: memref<2x2048xi32, #tpu.memory_space<vmem>>, %arg9: memref<2112xi32, #tpu.memory_space<vmem>>, %arg10: memref<2112xi32, #tpu.memory_space<vmem>>, %arg11: memref<4x64x128xf32, #tpu.memory_space<vmem>>, %arg12: memref<8x128xf32, #tpu.memory_space<vmem>>, %arg13: memref<!tpu.dma_semaphore, #tpu.memory_space<semaphore_mem>>, %arg14: memref<!tpu.dma_semaphore, #tpu.memory_space<semaphore_mem>>, %arg15: memref<!tpu.dma_semaphore, #tpu.memory_space<semaphore_mem>>, %arg16: memref<!tpu.dma_semaphore, #tpu.memory_space<semaphore_mem>>, %arg17: memref<!tpu.dma_semaphore, #tpu.memory_space<semaphore_mem>>, %arg18: memref<!tpu.dma_semaphore, #tpu.memory_space<semaphore_mem>>, %arg19: memref<!tpu.dma_semaphore, #tpu.memory_space<semaphore_mem>>, %arg20: memref<!tpu.dma_semaphore, #tpu.memory_space<semaphore_mem>>, %arg21: memref<!tpu.dma_semaphore, #tpu.memory_space<semaphore_mem>>, %arg22: memref<!tpu.dma_semaphore, #tpu.memory_space<semaphore_mem>>, %arg23: memref<!tpu.dma_semaphore, #tpu.memory_space<semaphore_mem>>) attributes {dimension_semantics = [#tpu.dimension_semantics<core_parallel>, #tpu.dimension_semantics<subcore_parallel>], iteration_bounds = array<i64: 2, 16>, scalar_prefetch = 0 : i64, scratch_operands = 18 : i64, tpu.core_type = #tpu.core_type<sc_vector_subcore>, window_params = [{transform_indices = #map}, {transform_indices = #map1}, {transform_indices = #map1}, {transform_indices = #map}]} {
    %broadcast_in_dim3A = arith.constant 0.000000e+00 : f32
    %broadcast_in_dim3A_0 = vector.broadcast %broadcast_in_dim3A : f32 to vector<16xf32>
    %broadcast_in_dim3A_1 = arith.constant 0 : i32
    %broadcast_in_dim3A_2 = vector.broadcast %broadcast_in_dim3A_1 : i32 to vector<16xi32>
    %iota3A = tpu.iota {dimensions = array<i32: 0>} : vector<16xi32>
    %mul3A = arith.constant 8 : i32
    %mul3A_3 = arith.muli %arg1, %mul3A : i32
    %add3A = arith.constant 10240 : i32
    %add3A_4 = arith.addi %add3A, %mul3A_3 : i32
    %mul3A_5 = arith.constant 38912 : i32
    %mul3A_6 = arith.muli %arg1, %mul3A_5 : i32
    %scan3A = arith.constant 0 : i32
    %scan3A_7 = arith.constant 0 : i32
    %scan3A_8 = arith.constant 8 : i32
    %scan3A_9 = arith.addi %scan3A_7, %scan3A_8 : i32
    %scan3A_10 = arith.constant 1 : i32
    scf.for %scan3A_18 = %scan3A_7 to %scan3A_9 step %scan3A_10  : i32 {
      %swap3A = arith.index_cast %scan3A_18 : i32 to index
      %swap3A_19 = arith.constant 0 : index
      %swap3A_20 = tpu.vector_load %arg12[%swap3A, %swap3A_19] {strides = array<i32>} : memref<8x128xf32, #tpu.memory_space<vmem>>, vector<16xf32>,
      tpu.vector_store %arg12[%swap3A, %swap3A_19], %broadcast_in_dim3A_0 {strides = array<i32>} : memref<8x128xf32, #tpu.memory_space<vmem>>, vector<16xf32>,
      %swap3A_21 = arith.index_cast %scan3A_18 : i32 to index
      %swap3A_22 = arith.constant 16 : index
      %swap3A_23 = tpu.vector_load %arg12[%swap3A_21, %swap3A_22] {strides = array<i32>} : memref<8x128xf32, #tpu.memory_space<vmem>>, vector<16xf32>,
      tpu.vector_store %arg12[%swap3A_21, %swap3A_22], %broadcast_in_dim3A_0 {strides = array<i32>} : memref<8x128xf32, #tpu.memory_space<vmem>>, vector<16xf32>,
      %swap3A_24 = arith.index_cast %scan3A_18 : i32 to index
      %swap3A_25 = arith.constant 32 : index
      %swap3A_26 = tpu.vector_load %arg12[%swap3A_24, %swap3A_25] {strides = array<i32>} : memref<8x128xf32, #tpu.memory_space<vmem>>, vector<16xf32>,
      tpu.vector_store %arg12[%swap3A_24, %swap3A_25], %broadcast_in_dim3A_0 {strides = array<i32>} : memref<8x128xf32, #tpu.memory_space<vmem>>, vector<16xf32>,
      %swap3A_27 = arith.index_cast %scan3A_18 : i32 to index
      %swap3A_28 = arith.constant 48 : index
      %swap3A_29 = tpu.vector_load %arg12[%swap3A_27, %swap3A_28] {strides = array<i32>} : memref<8x128xf32, #tpu.memory_space<vmem>>, vector<16xf32>,
      tpu.vector_store %arg12[%swap3A_27, %swap3A_28], %broadcast_in_dim3A_0 {strides = array<i32>} : memref<8x128xf32, #tpu.memory_space<vmem>>, vector<16xf32>,
      %swap3A_30 = arith.index_cast %scan3A_18 : i32 to index
      %swap3A_31 = arith.constant 64 : index
      %swap3A_32 = tpu.vector_load %arg12[%swap3A_30, %swap3A_31] {strides = array<i32>} : memref<8x128xf32, #tpu.memory_space<vmem>>, vector<16xf32>,
      tpu.vector_store %arg12[%swap3A_30, %swap3A_31], %broadcast_in_dim3A_0 {strides = array<i32>} : memref<8x128xf32, #tpu.memory_space<vmem>>, vector<16xf32>,
      %swap3A_33 = arith.index_cast %scan3A_18 : i32 to index
      %swap3A_34 = arith.constant 80 : index
      %swap3A_35 = tpu.vector_load %arg12[%swap3A_33, %swap3A_34] {strides = array<i32>} : memref<8x128xf32, #tpu.memory_space<vmem>>, vector<16xf32>,
      tpu.vector_store %arg12[%swap3A_33, %swap3A_34], %broadcast_in_dim3A_0 {strides = array<i32>} : memref<8x128xf32, #tpu.memory_space<vmem>>, vector<16xf32>,
      %swap3A_36 = arith.index_cast %scan3A_18 : i32 to index
      %swap3A_37 = arith.constant 96 : index
      %swap3A_38 = tpu.vector_load %arg12[%swap3A_36, %swap3A_37] {strides = array<i32>} : memref<8x128xf32, #tpu.memory_space<vmem>>, vector<16xf32>,
      tpu.vector_store %arg12[%swap3A_36, %swap3A_37], %broadcast_in_dim3A_0 {strides = array<i32>} : memref<8x128xf32, #tpu.memory_space<vmem>>, vector<16xf32>,
      %swap3A_39 = arith.index_cast %scan3A_18 : i32 to index
      %swap3A_40 = arith.constant 112 : index
      %swap3A_41 = tpu.vector_load %arg12[%swap3A_39, %swap3A_40] {strides = array<i32>} : memref<8x128xf32, #tpu.memory_space<vmem>>, vector<16xf32>,
      tpu.vector_store %arg12[%swap3A_39, %swap3A_40], %broadcast_in_dim3A_0 {strides = array<i32>} : memref<8x128xf32, #tpu.memory_space<vmem>>, vector<16xf32>,
    }
    %scan3A_11 = arith.constant 8 : i32
    %scan3A_12 = arith.constant 0 : i32
    %scan3A_13 = arith.constant 0 : i32
    %scan3A_14 = arith.constant 6 : i32
    %scan3A_15 = arith.addi %scan3A_13, %scan3A_14 : i32
    %scan3A_16 = arith.constant 1 : i32
    scf.for %scan3A_18 = %scan3A_13 to %scan3A_15 step %scan3A_16  : i32 {
      %mul3A_19 = arith.constant 6 : i32
      %mul3A_20 = arith.muli %arg0, %mul3A_19 : i32
      %add3A_21 = arith.addi %mul3A_20, %scan3A_18 : i32
      %mul3A_22 = arith.constant 10240 : i32
      %mul3A_23 = arith.muli %add3A_21, %mul3A_22 : i32
      %lt3A = arith.constant 12 : i32
      %lt3A_24 = arith.cmpi slt, %add3A_21, %lt3A : i32
      %convert_element_type3A = arith.extui %lt3A_24 : i1 to i32
      %cond3A = arith.constant 0 : i32
      %cond3A_25 = arith.cmpi ne, %convert_element_type3A, %cond3A : i32
      scf.if %cond3A_25 {
        %scan3A_26 = arith.constant 0 : i32
        %scan3A_27 = arith.constant 0 : i32
        %scan3A_28 = arith.constant 81 : i32
        %scan3A_29 = arith.addi %scan3A_27, %scan3A_28 : i32
        %scan3A_30 = arith.constant 1 : i32
        scf.for %scan3A_70 = %scan3A_27 to %scan3A_29 step %scan3A_30  : i32 {
          %mul3A_71 = arith.constant 648 : i32
          %mul3A_72 = arith.muli %arg1, %mul3A_71 : i32
          %mul3A_73 = arith.constant 8 : i32
          %mul3A_74 = arith.muli %scan3A_70, %mul3A_73 : i32
          %add3A_75 = arith.addi %mul3A_72, %mul3A_74 : i32
          %dma_start3A_76 = arith.constant 0 : i32
          %dma_start3A_77 = tpu.memref_slice %arg6[%add3A_75, %dma_start3A_76] : memref<10368x128xf32, #tpu.memory_space<vmem_shared>> -> memref<8x128xf32, #tpu.memory_space<vmem_shared>>
          %dma_start3A_78 = arith.constant 0 : i32
          %dma_start3A_79 = tpu.memref_slice %arg6[%add3A_75, %dma_start3A_78] : memref<10368x128xf32, #tpu.memory_space<vmem_shared>> -> memref<8x128xf32, #tpu.memory_space<vmem_shared>>
          tpu.enqueue_dma source(%arg12 : memref<8x128xf32, #tpu.memory_space<vmem>>) target(%dma_start3A_79 : memref<8x128xf32, #tpu.memory_space<vmem_shared>>) target_semaphore(%arg23 : memref<!tpu.dma_semaphore, #tpu.memory_space<semaphore_mem>>)
        }
        %scan3A_31 = arith.constant 81 : i32
        %scan3A_32 = arith.constant 0 : i32
        %scan3A_33 = arith.constant 0 : i32
        %scan3A_34 = arith.constant 81 : i32
        %scan3A_35 = arith.addi %scan3A_33, %scan3A_34 : i32
        %scan3A_36 = arith.constant 1 : i32
        scf.for %scan3A_70 = %scan3A_33 to %scan3A_35 step %scan3A_36  : i32 {
          %mul3A_71 = arith.constant 648 : i32
          %mul3A_72 = arith.muli %arg1, %mul3A_71 : i32
          %mul3A_73 = arith.constant 8 : i32
          %mul3A_74 = arith.muli %scan3A_70, %mul3A_73 : i32
          %add3A_75 = arith.addi %mul3A_72, %mul3A_74 : i32
          %dma_wait3A = arith.constant 0 : i32
          %dma_wait3A_76 = tpu.memref_slice %arg6[%add3A_75, %dma_wait3A] : memref<10368x128xf32, #tpu.memory_space<vmem_shared>> -> memref<8x128xf32, #tpu.memory_space<vmem_shared>>
          %dma_wait3A_77 = arith.constant 0 : i32
          %dma_wait3A_78 = tpu.memref_slice %arg6[%add3A_75, %dma_wait3A_77] : memref<10368x128xf32, #tpu.memory_space<vmem_shared>> -> memref<8x128xf32, #tpu.memory_space<vmem_shared>>
          tpu.wait_dma2 semaphore(%arg23 : memref<!tpu.dma_semaphore, #tpu.memory_space<semaphore_mem>>) src(%arg12 : memref<8x128xf32, #tpu.memory_space<vmem>>) dst(%dma_wait3A_78 : memref<8x128xf32, #tpu.memory_space<vmem_shared>>)
        }
        %scan3A_37 = arith.constant 81 : i32
        %barrier3A = arith.constant 0 : index
        tpu.barrier barrier_id(%barrier3A)
        %add3A_38 = arith.constant 0 : i32
        %add3A_39 = arith.addi %mul3A_6, %add3A_38 : i32
        %dma_start3A = arith.constant 0 : i32
        %dma_start3A_40 = arith.constant 0 : i32
        %dma_start3A_41 = tpu.memref_slice %arg7[%dma_start3A, %dma_start3A_40] : memref<2x2048xi32, #tpu.memory_space<vmem>> -> memref<1x2048xi32, #tpu.memory_space<vmem>>
        %dma_start3A_42 = tpu.memref_squeeze %dma_start3A_41 : memref<1x2048xi32, #tpu.memory_space<vmem>> -> memref<2048xi32, #tpu.memory_space<vmem>>
        %dma_start3A_43 = tpu.memref_slice %arg4[%add3A_39] : memref<622592xi32, #tpu.memory_space<hbm>> -> memref<2048xi32, #tpu.memory_space<hbm>>
        %dma_start3A_44 = arith.constant 0 : i32
        %dma_start3A_45 = tpu.memref_slice %arg7[%dma_start3A, %dma_start3A_44] : memref<2x2048xi32, #tpu.memory_space<vmem>> -> memref<1x2048xi32, #tpu.memory_space<vmem>>
        %dma_start3A_46 = tpu.memref_squeeze %dma_start3A_45 : memref<1x2048xi32, #tpu.memory_space<vmem>> -> memref<2048xi32, #tpu.memory_space<vmem>>
        %dma_start3A_47 = tpu.memref_slice %arg4[%add3A_39] : memref<622592xi32, #tpu.memory_space<hbm>> -> memref<2048xi32, #tpu.memory_space<hbm>>
        tpu.enqueue_dma source(%dma_start3A_47 : memref<2048xi32, #tpu.memory_space<hbm>>) target(%dma_start3A_46 : memref<2048xi32, #tpu.memory_space<vmem>>) target_semaphore(%arg13 : memref<!tpu.dma_semaphore, #tpu.memory_space<semaphore_mem>>)
        %dma_start3A_48 = arith.constant 0 : i32
        %dma_start3A_49 = arith.constant 0 : i32
        %dma_start3A_50 = tpu.memref_slice %arg8[%dma_start3A_48, %dma_start3A_49] : memref<2x2048xi32, #tpu.memory_space<vmem>> -> memref<1x2048xi32, #tpu.memory_space<vmem>>
        %dma_start3A_51 = tpu.memref_squeeze %dma_start3A_50 : memref<1x2048xi32, #tpu.memory_space<vmem>> -> memref<2048xi32, #tpu.memory_space<vmem>>
        %dma_start3A_52 = tpu.memref_slice %arg3[%add3A_39] : memref<622592xi32, #tpu.memory_space<hbm>> -> memref<2048xi32, #tpu.memory_space<hbm>>
        %dma_start3A_53 = arith.constant 0 : i32
        %dma_start3A_54 = tpu.memref_slice %arg8[%dma_start3A_48, %dma_start3A_53] : memref<2x2048xi32, #tpu.memory_space<vmem>> -> memref<1x2048xi32, #tpu.memory_space<vmem>>
        %dma_start3A_55 = tpu.memref_squeeze %dma_start3A_54 : memref<1x2048xi32, #tpu.memory_space<vmem>> -> memref<2048xi32, #tpu.memory_space<vmem>>
        %dma_start3A_56 = tpu.memref_slice %arg3[%add3A_39] : memref<622592xi32, #tpu.memory_space<hbm>> -> memref<2048xi32, #tpu.memory_space<hbm>>
        tpu.enqueue_dma source(%dma_start3A_56 : memref<2048xi32, #tpu.memory_space<hbm>>) target(%dma_start3A_55 : memref<2048xi32, #tpu.memory_space<vmem>>) target_semaphore(%arg13 : memref<!tpu.dma_semaphore, #tpu.memory_space<semaphore_mem>>)
        %scan3A_57 = arith.constant 0 : i32
        %scan3A_58 = arith.constant 0 : i32
        %scan3A_59 = arith.constant 19 : i32
        %scan3A_60 = arith.addi %scan3A_58, %scan3A_59 : i32
        %scan3A_61 = arith.constant 1 : i32
        scf.for %scan3A_70 = %scan3A_58 to %scan3A_60 step %scan3A_61  : i32 {
          %and3A = arith.constant 1 : i32
          %and3A_71 = arith.andi %scan3A_70, %and3A : i32
          %eq3A = arith.constant 0 : i32
          %eq3A_72 = arith.cmpi eq, %and3A_71, %eq3A : i32
          %convert_element_type3A_73 = arith.extui %eq3A_72 : i1 to i32
          %cond3A_74 = arith.constant 0 : i32
          %cond3A_75 = arith.cmpi ne, %convert_element_type3A_73, %cond3A_74 : i32
          scf.if %cond3A_75 {
            %mul3A_178 = arith.constant 2048 : i32
            %mul3A_179 = arith.muli %scan3A_70, %mul3A_178 : i32
            %add3A_180 = arith.addi %mul3A_6, %mul3A_179 : i32
            %dma_wait3A = arith.constant 0 : i32
            %dma_wait3A_181 = arith.constant 0 : i32
            %dma_wait3A_182 = tpu.memref_slice %arg7[%dma_wait3A, %dma_wait3A_181] : memref<2x2048xi32, #tpu.memory_space<vmem>> -> memref<1x2048xi32, #tpu.memory_space<vmem>>
            %dma_wait3A_183 = tpu.memref_squeeze %dma_wait3A_182 : memref<1x2048xi32, #tpu.memory_space<vmem>> -> memref<2048xi32, #tpu.memory_space<vmem>>
            %dma_wait3A_184 = tpu.memref_slice %arg4[%add3A_180] : memref<622592xi32, #tpu.memory_space<hbm>> -> memref<2048xi32, #tpu.memory_space<hbm>>
            %dma_wait3A_185 = arith.constant 0 : i32
            %dma_wait3A_186 = tpu.memref_slice %arg7[%dma_wait3A, %dma_wait3A_185] : memref<2x2048xi32, #tpu.memory_space<vmem>> -> memref<1x2048xi32, #tpu.memory_space<vmem>>
            %dma_wait3A_187 = tpu.memref_squeeze %dma_wait3A_186 : memref<1x2048xi32, #tpu.memory_space<vmem>> -> memref<2048xi32, #tpu.memory_space<vmem>>
            %dma_wait3A_188 = tpu.memref_slice %arg4[%add3A_180] : memref<622592xi32, #tpu.memory_space<hbm>> -> memref<2048xi32, #tpu.memory_space<hbm>>
            tpu.wait_dma2 semaphore(%arg13 : memref<!tpu.dma_semaphore, #tpu.memory_space<semaphore_mem>>) src(%dma_wait3A_188 : memref<2048xi32, #tpu.memory_space<hbm>>) dst(%dma_wait3A_187 : memref<2048xi32, #tpu.memory_space<vmem>>)
            %dma_wait3A_189 = arith.constant 0 : i32
            %dma_wait3A_190 = arith.constant 0 : i32
            %dma_wait3A_191 = tpu.memref_slice %arg8[%dma_wait3A_189, %dma_wait3A_190] : memref<2x2048xi32, #tpu.memory_space<vmem>> -> memref<1x2048xi32, #tpu.memory_space<vmem>>
            %dma_wait3A_192 = tpu.memref_squeeze %dma_wait3A_191 : memref<1x2048xi32, #tpu.memory_space<vmem>> -> memref<2048xi32, #tpu.memory_space<vmem>>
            %dma_wait3A_193 = tpu.memref_slice %arg3[%add3A_180] : memref<622592xi32, #tpu.memory_space<hbm>> -> memref<2048xi32, #tpu.memory_space<hbm>>
            %dma_wait3A_194 = arith.constant 0 : i32
            %dma_wait3A_195 = tpu.memref_slice %arg8[%dma_wait3A_189, %dma_wait3A_194] : memref<2x2048xi32, #tpu.memory_space<vmem>> -> memref<1x2048xi32, #tpu.memory_space<vmem>>
            %dma_wait3A_196 = tpu.memref_squeeze %dma_wait3A_195 : memref<1x2048xi32, #tpu.memory_space<vmem>> -> memref<2048xi32, #tpu.memory_space<vmem>>
            %dma_wait3A_197 = tpu.memref_slice %arg3[%add3A_180] : memref<622592xi32, #tpu.memory_space<hbm>> -> memref<2048xi32, #tpu.memory_space<hbm>>
            tpu.wait_dma2 semaphore(%arg13 : memref<!tpu.dma_semaphore, #tpu.memory_space<semaphore_mem>>) src(%dma_wait3A_197 : memref<2048xi32, #tpu.memory_space<hbm>>) dst(%dma_wait3A_196 : memref<2048xi32, #tpu.memory_space<vmem>>)
            %add3A_198 = arith.constant 1 : i32
            %add3A_199 = arith.addi %scan3A_70, %add3A_198 : i32
            %lt3A_200 = arith.constant 19 : i32
            %lt3A_201 = arith.cmpi slt, %add3A_199, %lt3A_200 : i32
            %convert_element_type3A_202 = arith.extui %lt3A_201 : i1 to i32
            %cond3A_203 = arith.constant 0 : i32
            %cond3A_204 = arith.cmpi ne, %convert_element_type3A_202, %cond3A_203 : i32
            scf.if %cond3A_204 {
              %add3A_205 = arith.constant 1 : i32
              %add3A_206 = arith.addi %scan3A_70, %add3A_205 : i32
              %mul3A_207 = arith.constant 2048 : i32
              %mul3A_208 = arith.muli %add3A_206, %mul3A_207 : i32
              %add3A_209 = arith.addi %mul3A_6, %mul3A_208 : i32
              %dma_start3A_210 = arith.constant 1 : i32
              %dma_start3A_211 = arith.constant 0 : i32
              %dma_start3A_212 = tpu.memref_slice %arg7[%dma_start3A_210, %dma_start3A_211] : memref<2x2048xi32, #tpu.memory_space<vmem>> -> memref<1x2048xi32, #tpu.memory_space<vmem>>
              %dma_start3A_213 = tpu.memref_squeeze %dma_start3A_212 : memref<1x2048xi32, #tpu.memory_space<vmem>> -> memref<2048xi32, #tpu.memory_space<vmem>>
              %dma_start3A_214 = tpu.memref_slice %arg4[%add3A_209] : memref<622592xi32, #tpu.memory_space<hbm>> -> memref<2048xi32, #tpu.memory_space<hbm>>
              %dma_start3A_215 = arith.constant 0 : i32
              %dma_start3A_216 = tpu.memref_slice %arg7[%dma_start3A_210, %dma_start3A_215] : memref<2x2048xi32, #tpu.memory_space<vmem>> -> memref<1x2048xi32, #tpu.memory_space<vmem>>
              %dma_start3A_217 = tpu.memref_squeeze %dma_start3A_216 : memref<1x2048xi32, #tpu.memory_space<vmem>> -> memref<2048xi32, #tpu.memory_space<vmem>>
              %dma_start3A_218 = tpu.memref_slice %arg4[%add3A_209] : memref<622592xi32, #tpu.memory_space<hbm>> -> memref<2048xi32, #tpu.memory_space<hbm>>
              tpu.enqueue_dma source(%dma_start3A_218 : memref<2048xi32, #tpu.memory_space<hbm>>) target(%dma_start3A_217 : memref<2048xi32, #tpu.memory_space<vmem>>) target_semaphore(%arg14 : memref<!tpu.dma_semaphore, #tpu.memory_space<semaphore_mem>>)
              %dma_start3A_219 = arith.constant 1 : i32
              %dma_start3A_220 = arith.constant 0 : i32
              %dma_start3A_221 = tpu.memref_slice %arg8[%dma_start3A_219, %dma_start3A_220] : memref<2x2048xi32, #tpu.memory_space<vmem>> -> memref<1x2048xi32, #tpu.memory_space<vmem>>
              %dma_start3A_222 = tpu.memref_squeeze %dma_start3A_221 : memref<1x2048xi32, #tpu.memory_space<vmem>> -> memref<2048xi32, #tpu.memory_space<vmem>>
              %dma_start3A_223 = tpu.memref_slice %arg3[%add3A_209] : memref<622592xi32, #tpu.memory_space<hbm>> -> memref<2048xi32, #tpu.memory_space<hbm>>
              %dma_start3A_224 = arith.constant 0 : i32
              %dma_start3A_225 = tpu.memref_slice %arg8[%dma_start3A_219, %dma_start3A_224] : memref<2x2048xi32, #tpu.memory_space<vmem>> -> memref<1x2048xi32, #tpu.memory_space<vmem>>
              %dma_start3A_226 = tpu.memref_squeeze %dma_start3A_225 : memref<1x2048xi32, #tpu.memory_space<vmem>> -> memref<2048xi32, #tpu.memory_space<vmem>>
              %dma_start3A_227 = tpu.memref_slice %arg3[%add3A_209] : memref<622592xi32, #tpu.memory_space<hbm>> -> memref<2048xi32, #tpu.memory_space<hbm>>
              tpu.enqueue_dma source(%dma_start3A_227 : memref<2048xi32, #tpu.memory_space<hbm>>) target(%dma_start3A_226 : memref<2048xi32, #tpu.memory_space<vmem>>) target_semaphore(%arg14 : memref<!tpu.dma_semaphore, #tpu.memory_space<semaphore_mem>>)
            } else {
            }
          } else {
          }
          %eq3A_76 = arith.constant 1 : i32
          %eq3A_77 = arith.cmpi eq, %and3A_71, %eq3A_76 : i32
          %convert_element_type3A_78 = arith.extui %eq3A_77 : i1 to i32
          %cond3A_79 = arith.constant 0 : i32
          %cond3A_80 = arith.cmpi ne, %convert_element_type3A_78, %cond3A_79 : i32
          scf.if %cond3A_80 {
            %mul3A_178 = arith.constant 2048 : i32
            %mul3A_179 = arith.muli %scan3A_70, %mul3A_178 : i32
            %add3A_180 = arith.addi %mul3A_6, %mul3A_179 : i32
            %dma_wait3A = arith.constant 1 : i32
            %dma_wait3A_181 = arith.constant 0 : i32
            %dma_wait3A_182 = tpu.memref_slice %arg7[%dma_wait3A, %dma_wait3A_181] : memref<2x2048xi32, #tpu.memory_space<vmem>> -> memref<1x2048xi32, #tpu.memory_space<vmem>>
            %dma_wait3A_183 = tpu.memref_squeeze %dma_wait3A_182 : memref<1x2048xi32, #tpu.memory_space<vmem>> -> memref<2048xi32, #tpu.memory_space<vmem>>
            %dma_wait3A_184 = tpu.memref_slice %arg4[%add3A_180] : memref<622592xi32, #tpu.memory_space<hbm>> -> memref<2048xi32, #tpu.memory_space<hbm>>
            %dma_wait3A_185 = arith.constant 0 : i32
            %dma_wait3A_186 = tpu.memref_slice %arg7[%dma_wait3A, %dma_wait3A_185] : memref<2x2048xi32, #tpu.memory_space<vmem>> -> memref<1x2048xi32, #tpu.memory_space<vmem>>
            %dma_wait3A_187 = tpu.memref_squeeze %dma_wait3A_186 : memref<1x2048xi32, #tpu.memory_space<vmem>> -> memref<2048xi32, #tpu.memory_space<vmem>>
            %dma_wait3A_188 = tpu.memref_slice %arg4[%add3A_180] : memref<622592xi32, #tpu.memory_space<hbm>> -> memref<2048xi32, #tpu.memory_space<hbm>>
            tpu.wait_dma2 semaphore(%arg14 : memref<!tpu.dma_semaphore, #tpu.memory_space<semaphore_mem>>) src(%dma_wait3A_188 : memref<2048xi32, #tpu.memory_space<hbm>>) dst(%dma_wait3A_187 : memref<2048xi32, #tpu.memory_space<vmem>>)
            %dma_wait3A_189 = arith.constant 1 : i32
            %dma_wait3A_190 = arith.constant 0 : i32
            %dma_wait3A_191 = tpu.memref_slice %arg8[%dma_wait3A_189, %dma_wait3A_190] : memref<2x2048xi32, #tpu.memory_space<vmem>> -> memref<1x2048xi32, #tpu.memory_space<vmem>>
            %dma_wait3A_192 = tpu.memref_squeeze %dma_wait3A_191 : memref<1x2048xi32, #tpu.memory_space<vmem>> -> memref<2048xi32, #tpu.memory_space<vmem>>
            %dma_wait3A_193 = tpu.memref_slice %arg3[%add3A_180] : memref<622592xi32, #tpu.memory_space<hbm>> -> memref<2048xi32, #tpu.memory_space<hbm>>
            %dma_wait3A_194 = arith.constant 0 : i32
            %dma_wait3A_195 = tpu.memref_slice %arg8[%dma_wait3A_189, %dma_wait3A_194] : memref<2x2048xi32, #tpu.memory_space<vmem>> -> memref<1x2048xi32, #tpu.memory_space<vmem>>
            %dma_wait3A_196 = tpu.memref_squeeze %dma_wait3A_195 : memref<1x2048xi32, #tpu.memory_space<vmem>> -> memref<2048xi32, #tpu.memory_space<vmem>>
            %dma_wait3A_197 = tpu.memref_slice %arg3[%add3A_180] : memref<622592xi32, #tpu.memory_space<hbm>> -> memref<2048xi32, #tpu.memory_space<hbm>>
            tpu.wait_dma2 semaphore(%arg14 : memref<!tpu.dma_semaphore, #tpu.memory_space<semaphore_mem>>) src(%dma_wait3A_197 : memref<2048xi32, #tpu.memory_space<hbm>>) dst(%dma_wait3A_196 : memref<2048xi32, #tpu.memory_space<vmem>>)
            %add3A_198 = arith.constant 1 : i32
            %add3A_199 = arith.addi %scan3A_70, %add3A_198 : i32
            %lt3A_200 = arith.constant 19 : i32
            %lt3A_201 = arith.cmpi slt, %add3A_199, %lt3A_200 : i32
            %convert_element_type3A_202 = arith.extui %lt3A_201 : i1 to i32
            %cond3A_203 = arith.constant 0 : i32
            %cond3A_204 = arith.cmpi ne, %convert_element_type3A_202, %cond3A_203 : i32
            scf.if %cond3A_204 {
              %add3A_205 = arith.constant 1 : i32
              %add3A_206 = arith.addi %scan3A_70, %add3A_205 : i32
              %mul3A_207 = arith.constant 2048 : i32
              %mul3A_208 = arith.muli %add3A_206, %mul3A_207 : i32
              %add3A_209 = arith.addi %mul3A_6, %mul3A_208 : i32
              %dma_start3A_210 = arith.constant 0 : i32
              %dma_start3A_211 = arith.constant 0 : i32
              %dma_start3A_212 = tpu.memref_slice %arg7[%dma_start3A_210, %dma_start3A_211] : memref<2x2048xi32, #tpu.memory_space<vmem>> -> memref<1x2048xi32, #tpu.memory_space<vmem>>
              %dma_start3A_213 = tpu.memref_squeeze %dma_start3A_212 : memref<1x2048xi32, #tpu.memory_space<vmem>> -> memref<2048xi32, #tpu.memory_space<vmem>>
              %dma_start3A_214 = tpu.memref_slice %arg4[%add3A_209] : memref<622592xi32, #tpu.memory_space<hbm>> -> memref<2048xi32, #tpu.memory_space<hbm>>
              %dma_start3A_215 = arith.constant 0 : i32
              %dma_start3A_216 = tpu.memref_slice %arg7[%dma_start3A_210, %dma_start3A_215] : memref<2x2048xi32, #tpu.memory_space<vmem>> -> memref<1x2048xi32, #tpu.memory_space<vmem>>
              %dma_start3A_217 = tpu.memref_squeeze %dma_start3A_216 : memref<1x2048xi32, #tpu.memory_space<vmem>> -> memref<2048xi32, #tpu.memory_space<vmem>>
              %dma_start3A_218 = tpu.memref_slice %arg4[%add3A_209] : memref<622592xi32, #tpu.memory_space<hbm>> -> memref<2048xi32, #tpu.memory_space<hbm>>
              tpu.enqueue_dma source(%dma_start3A_218 : memref<2048xi32, #tpu.memory_space<hbm>>) target(%dma_start3A_217 : memref<2048xi32, #tpu.memory_space<vmem>>) target_semaphore(%arg13 : memref<!tpu.dma_semaphore, #tpu.memory_space<semaphore_mem>>)
              %dma_start3A_219 = arith.constant 0 : i32
              %dma_start3A_220 = arith.constant 0 : i32
              %dma_start3A_221 = tpu.memref_slice %arg8[%dma_start3A_219, %dma_start3A_220] : memref<2x2048xi32, #tpu.memory_space<vmem>> -> memref<1x2048xi32, #tpu.memory_space<vmem>>
              %dma_start3A_222 = tpu.memref_squeeze %dma_start3A_221 : memref<1x2048xi32, #tpu.memory_space<vmem>> -> memref<2048xi32, #tpu.memory_space<vmem>>
              %dma_start3A_223 = tpu.memref_slice %arg3[%add3A_209] : memref<622592xi32, #tpu.memory_space<hbm>> -> memref<2048xi32, #tpu.memory_space<hbm>>
              %dma_start3A_224 = arith.constant 0 : i32
              %dma_start3A_225 = tpu.memref_slice %arg8[%dma_start3A_219, %dma_start3A_224] : memref<2x2048xi32, #tpu.memory_space<vmem>> -> memref<1x2048xi32, #tpu.memory_space<vmem>>
              %dma_start3A_226 = tpu.memref_squeeze %dma_start3A_225 : memref<1x2048xi32, #tpu.memory_space<vmem>> -> memref<2048xi32, #tpu.memory_space<vmem>>
              %dma_start3A_227 = tpu.memref_slice %arg3[%add3A_209] : memref<622592xi32, #tpu.memory_space<hbm>> -> memref<2048xi32, #tpu.memory_space<hbm>>
              tpu.enqueue_dma source(%dma_start3A_227 : memref<2048xi32, #tpu.memory_space<hbm>>) target(%dma_start3A_226 : memref<2048xi32, #tpu.memory_space<vmem>>) target_semaphore(%arg13 : memref<!tpu.dma_semaphore, #tpu.memory_space<semaphore_mem>>)
            } else {
            }
          } else {
          }
          %parallel_loop3A = arith.constant 0 : i32
          %parallel_loop3A_81 = arith.constant 128 : i32
          %parallel_loop3A_82 = arith.constant 1 : i32
          %parallel_loop3A_83 = arith.constant 0 : i32
          %parallel_loop3A_84 = scf.for %parallel_loop3A_178 = %parallel_loop3A to %parallel_loop3A_81 step %parallel_loop3A_82 iter_args(%parallel_loop3A_179 = %parallel_loop3A_83) -> (i32)  : i32 {
            %parallel_loop3A_180 = arith.constant 16 : i32
            %parallel_loop3A_181 = arith.muli %parallel_loop3A_178, %parallel_loop3A_180 : i32
            %parallel_loop3A_182 = arith.index_cast %and3A_71 : i32 to index
            %parallel_loop3A_183 = arith.index_cast %parallel_loop3A_181 : i32 to index
            %parallel_loop3A_184 = tpu.vector_load %arg7[%parallel_loop3A_182, %parallel_loop3A_183] {strides = array<i32>} : memref<2x2048xi32, #tpu.memory_space<vmem>>, vector<16xi32>,
            %parallel_loop3A_185 = arith.constant 16 : i32
            %parallel_loop3A_186 = arith.muli %parallel_loop3A_178, %parallel_loop3A_185 : i32
            %parallel_loop3A_187 = arith.index_cast %and3A_71 : i32 to index
            %parallel_loop3A_188 = arith.index_cast %parallel_loop3A_186 : i32 to index
            %parallel_loop3A_189 = tpu.vector_load %arg8[%parallel_loop3A_187, %parallel_loop3A_188] {strides = array<i32>} : memref<2x2048xi32, #tpu.memory_space<vmem>>, vector<16xi32>,
            %parallel_loop3A_190 = vector.broadcast %mul3A_23 : i32 to vector<16xi32>
            %parallel_loop3A_191 = arith.subi %parallel_loop3A_184, %parallel_loop3A_190 : vector<16xi32>
            %parallel_loop3A_192 = arith.constant 0 : i32
            %parallel_loop3A_193 = vector.broadcast %parallel_loop3A_192 : i32 to vector<16xi32>
            %parallel_loop3A_194 = arith.cmpi sge, %parallel_loop3A_191, %parallel_loop3A_193 : vector<16xi32>
            %parallel_loop3A_195 = arith.constant 10240 : i32
            %parallel_loop3A_196 = vector.broadcast %parallel_loop3A_195 : i32 to vector<16xi32>
            %parallel_loop3A_197 = arith.cmpi slt, %parallel_loop3A_191, %parallel_loop3A_196 : vector<16xi32>
            %parallel_loop3A_198 = arith.andi %parallel_loop3A_194, %parallel_loop3A_197 : vector<16xi1>
            %parallel_loop3A_199 = tpu.all_reduce %parallel_loop3A_198 {dim = 0 : i64, kind = #tpu.reduction_kind<sum>} : vector<16xi1> -> vector<16xi32>
            %parallel_loop3A_200 = vector.extract_strided_slice %parallel_loop3A_199 {offsets = [0], sizes = [1], strides = [1]} : vector<16xi32> to vector<1xi32>
            %parallel_loop3A_201 = vector.extract %parallel_loop3A_200[0] : i32 from vector<1xi32>
            %parallel_loop3A_202 = arith.constant 0 : i32
            %parallel_loop3A_203 = arith.cmpi sgt, %parallel_loop3A_201, %parallel_loop3A_202 : i32
            %parallel_loop3A_204 = arith.extui %parallel_loop3A_203 : i1 to i32
            %parallel_loop3A_205 = arith.constant 0 : i32
            %parallel_loop3A_206 = arith.cmpi ne, %parallel_loop3A_204, %parallel_loop3A_205 : i32
            scf.if %parallel_loop3A_206 {
              %parallel_loop3A_208 = arith.index_cast %parallel_loop3A_179 : i32 to index
              %parallel_loop3A_209 = tpu.vector_load %arg9[%parallel_loop3A_208] masked %parallel_loop3A_198 {strides = array<i32>} : memref<2112xi32, #tpu.memory_space<vmem>>, vector<16xi32>, vector<16xi1>
              tpu.vector_store %arg9[%parallel_loop3A_208], %parallel_loop3A_189 masked %parallel_loop3A_198 {strides = array<i32>} : memref<2112xi32, #tpu.memory_space<vmem>>, vector<16xi32>, vector<16xi1>
              %parallel_loop3A_210 = arith.index_cast %parallel_loop3A_179 : i32 to index
              %parallel_loop3A_211 = tpu.vector_load %arg10[%parallel_loop3A_210] masked %parallel_loop3A_198 {strides = array<i32>} : memref<2112xi32, #tpu.memory_space<vmem>>, vector<16xi32>, vector<16xi1>
              tpu.vector_store %arg10[%parallel_loop3A_210], %parallel_loop3A_191 masked %parallel_loop3A_198 {strides = array<i32>} : memref<2112xi32, #tpu.memory_space<vmem>>, vector<16xi32>, vector<16xi1>
            } else {
            }
            %parallel_loop3A_207 = arith.addi %parallel_loop3A_179, %parallel_loop3A_201 : i32
            scf.yield %parallel_loop3A_207 : i32
          } {sc.loop_unroll_factor = 8 : i64, sc.parallel_access}
          %add3A_85 = arith.constant 63 : i32
          %add3A_86 = arith.addi %parallel_loop3A_84, %add3A_85 : i32
          %shift_right_arithmetic3A = arith.constant 6 : i32
          %shift_right_arithmetic3A_87 = arith.shrsi %add3A_86, %shift_right_arithmetic3A : i32
          %shift_left3A = arith.constant 6 : i32
          %shift_left3A_88 = arith.shli %shift_right_arithmetic3A_87, %shift_left3A : i32
          %add3A_89 = arith.constant 0 : i32
          %add3A_90 = arith.addi %parallel_loop3A_84, %add3A_89 : i32
          %add3A_91 = vector.broadcast %add3A_90 : i32 to vector<16xi32>
          %add3A_92 = arith.addi %add3A_91, %iota3A : vector<16xi32>
          %lt3A_93 = vector.broadcast %shift_left3A_88 : i32 to vector<16xi32>
          %lt3A_94 = arith.cmpi slt, %add3A_92, %lt3A_93 : vector<16xi32>
          tpu.vector_store_idx %arg9[%add3A_92], %broadcast_in_dim3A_2 masked %lt3A_94 : memref<2112xi32, #tpu.memory_space<vmem>>[vector<16xi32>], vector<16xi32>, vector<16xi1>
          %add3A_95 = vector.broadcast %add3A_4 : i32 to vector<16xi32>
          %add3A_96 = arith.addi %broadcast_in_dim3A_2, %add3A_95 : vector<16xi32>
          tpu.vector_store_idx %arg10[%add3A_92], %add3A_96 masked %lt3A_94 : memref<2112xi32, #tpu.memory_space<vmem>>[vector<16xi32>], vector<16xi32>, vector<16xi1>
          %add3A_97 = arith.constant 16 : i32
          %add3A_98 = arith.addi %parallel_loop3A_84, %add3A_97 : i32
          %add3A_99 = vector.broadcast %add3A_98 : i32 to vector<16xi32>
          %add3A_100 = arith.addi %add3A_99, %iota3A : vector<16xi32>
          %lt3A_101 = vector.broadcast %shift_left3A_88 : i32 to vector<16xi32>
          %lt3A_102 = arith.cmpi slt, %add3A_100, %lt3A_101 : vector<16xi32>
          tpu.vector_store_idx %arg9[%add3A_100], %broadcast_in_dim3A_2 masked %lt3A_102 : memref<2112xi32, #tpu.memory_space<vmem>>[vector<16xi32>], vector<16xi32>, vector<16xi1>
          %add3A_103 = vector.broadcast %add3A_4 : i32 to vector<16xi32>
          %add3A_104 = arith.addi %broadcast_in_dim3A_2, %add3A_103 : vector<16xi32>
          tpu.vector_store_idx %arg10[%add3A_100], %add3A_104 masked %lt3A_102 : memref<2112xi32, #tpu.memory_space<vmem>>[vector<16xi32>], vector<16xi32>, vector<16xi1>
          %add3A_105 = arith.constant 32 : i32
          %add3A_106 = arith.addi %parallel_loop3A_84, %add3A_105 : i32
          %add3A_107 = vector.broadcast %add3A_106 : i32 to vector<16xi32>
          %add3A_108 = arith.addi %add3A_107, %iota3A : vector<16xi32>
          %lt3A_109 = vector.broadcast %shift_left3A_88 : i32 to vector<16xi32>
          %lt3A_110 = arith.cmpi slt, %add3A_108, %lt3A_109 : vector<16xi32>
          tpu.vector_store_idx %arg9[%add3A_108], %broadcast_in_dim3A_2 masked %lt3A_110 : memref<2112xi32, #tpu.memory_space<vmem>>[vector<16xi32>], vector<16xi32>, vector<16xi1>
          %add3A_111 = vector.broadcast %add3A_4 : i32 to vector<16xi32>
          %add3A_112 = arith.addi %broadcast_in_dim3A_2, %add3A_111 : vector<16xi32>
          tpu.vector_store_idx %arg10[%add3A_108], %add3A_112 masked %lt3A_110 : memref<2112xi32, #tpu.memory_space<vmem>>[vector<16xi32>], vector<16xi32>, vector<16xi1>
          %add3A_113 = arith.constant 48 : i32
          %add3A_114 = arith.addi %parallel_loop3A_84, %add3A_113 : i32
          %add3A_115 = vector.broadcast %add3A_114 : i32 to vector<16xi32>
          %add3A_116 = arith.addi %add3A_115, %iota3A : vector<16xi32>
          %lt3A_117 = vector.broadcast %shift_left3A_88 : i32 to vector<16xi32>
          %lt3A_118 = arith.cmpi slt, %add3A_116, %lt3A_117 : vector<16xi32>
          tpu.vector_store_idx %arg9[%add3A_116], %broadcast_in_dim3A_2 masked %lt3A_118 : memref<2112xi32, #tpu.memory_space<vmem>>[vector<16xi32>], vector<16xi32>, vector<16xi1>
          %add3A_119 = vector.broadcast %add3A_4 : i32 to vector<16xi32>
          %add3A_120 = arith.addi %broadcast_in_dim3A_2, %add3A_119 : vector<16xi32>
          tpu.vector_store_idx %arg10[%add3A_116], %add3A_120 masked %lt3A_118 : memref<2112xi32, #tpu.memory_space<vmem>>[vector<16xi32>], vector<16xi32>, vector<16xi1>
          %gt3A = arith.constant 0 : i32
          %gt3A_121 = arith.cmpi sgt, %shift_right_arithmetic3A_87, %gt3A : i32
          %convert_element_type3A_122 = arith.extui %gt3A_121 : i1 to i32
          %cond3A_123 = arith.constant 0 : i32
          %cond3A_124 = arith.cmpi ne, %convert_element_type3A_122, %cond3A_123 : i32
          scf.if %cond3A_124 {
            %dma_start3A_178 = arith.constant 0 : i32
            %dma_start3A_179 = arith.constant 0 : i32
            %dma_start3A_180 = arith.constant 0 : i32
            %dma_start3A_181 = tpu.memref_slice %arg11[%dma_start3A_178, %dma_start3A_179, %dma_start3A_180] : memref<4x64x128xf32, #tpu.memory_space<vmem>> -> memref<1x64x128xf32, #tpu.memory_space<vmem>>
            %dma_start3A_182 = tpu.memref_squeeze %dma_start3A_181 : memref<1x64x128xf32, #tpu.memory_space<vmem>> -> memref<64x128xf32, #tpu.memory_space<vmem>>
            %dma_start3A_183 = arith.constant 0 : i32
            %dma_start3A_184 = tpu.memref_slice %arg9[%dma_start3A_183] : memref<2112xi32, #tpu.memory_space<vmem>> -> memref<64xi32, #tpu.memory_space<vmem>>
            %dma_start3A_185 = arith.constant 0 : i32
            %dma_start3A_186 = arith.constant 0 : i32
            %dma_start3A_187 = tpu.memref_slice %arg2[%dma_start3A_185, %dma_start3A_186] : memref<122880x128xf32, #tpu.memory_space<hbm>> -> memref<122880x128xf32, #tpu.memory_space<hbm>>
            tpu.enqueue_indirect_dma source(%dma_start3A_187 : memref<122880x128xf32, #tpu.memory_space<hbm>>) target(%dma_start3A_182 : memref<64x128xf32, #tpu.memory_space<vmem>>) offsets(%dma_start3A_184 : memref<64xi32, #tpu.memory_space<vmem>>) semaphore(%arg15 : memref<!tpu.dma_semaphore, #tpu.memory_space<semaphore_mem>>)
          } else {
          }
          %gt3A_125 = arith.constant 1 : i32
          %gt3A_126 = arith.cmpi sgt, %shift_right_arithmetic3A_87, %gt3A_125 : i32
          %convert_element_type3A_127 = arith.extui %gt3A_126 : i1 to i32
          %cond3A_128 = arith.constant 0 : i32
          %cond3A_129 = arith.cmpi ne, %convert_element_type3A_127, %cond3A_128 : i32
          scf.if %cond3A_129 {
            %dma_start3A_178 = arith.constant 1 : i32
            %dma_start3A_179 = arith.constant 0 : i32
            %dma_start3A_180 = arith.constant 0 : i32
            %dma_start3A_181 = tpu.memref_slice %arg11[%dma_start3A_178, %dma_start3A_179, %dma_start3A_180] : memref<4x64x128xf32, #tpu.memory_space<vmem>> -> memref<1x64x128xf32, #tpu.memory_space<vmem>>
            %dma_start3A_182 = tpu.memref_squeeze %dma_start3A_181 : memref<1x64x128xf32, #tpu.memory_space<vmem>> -> memref<64x128xf32, #tpu.memory_space<vmem>>
            %dma_start3A_183 = arith.constant 64 : i32
            %dma_start3A_184 = tpu.memref_slice %arg9[%dma_start3A_183] : memref<2112xi32, #tpu.memory_space<vmem>> -> memref<64xi32, #tpu.memory_space<vmem>>
            %dma_start3A_185 = arith.constant 0 : i32
            %dma_start3A_186 = arith.constant 0 : i32
            %dma_start3A_187 = tpu.memref_slice %arg2[%dma_start3A_185, %dma_start3A_186] : memref<122880x128xf32, #tpu.memory_space<hbm>> -> memref<122880x128xf32, #tpu.memory_space<hbm>>
            tpu.enqueue_indirect_dma source(%dma_start3A_187 : memref<122880x128xf32, #tpu.memory_space<hbm>>) target(%dma_start3A_182 : memref<64x128xf32, #tpu.memory_space<vmem>>) offsets(%dma_start3A_184 : memref<64xi32, #tpu.memory_space<vmem>>) semaphore(%arg16 : memref<!tpu.dma_semaphore, #tpu.memory_space<semaphore_mem>>)
          } else {
          }
          %gt3A_130 = arith.constant 2 : i32
          %gt3A_131 = arith.cmpi sgt, %shift_right_arithmetic3A_87, %gt3A_130 : i32
          %convert_element_type3A_132 = arith.extui %gt3A_131 : i1 to i32
          %cond3A_133 = arith.constant 0 : i32
          %cond3A_134 = arith.cmpi ne, %convert_element_type3A_132, %cond3A_133 : i32
          scf.if %cond3A_134 {
            %dma_start3A_178 = arith.constant 2 : i32
            %dma_start3A_179 = arith.constant 0 : i32
            %dma_start3A_180 = arith.constant 0 : i32
            %dma_start3A_181 = tpu.memref_slice %arg11[%dma_start3A_178, %dma_start3A_179, %dma_start3A_180] : memref<4x64x128xf32, #tpu.memory_space<vmem>> -> memref<1x64x128xf32, #tpu.memory_space<vmem>>
            %dma_start3A_182 = tpu.memref_squeeze %dma_start3A_181 : memref<1x64x128xf32, #tpu.memory_space<vmem>> -> memref<64x128xf32, #tpu.memory_space<vmem>>
            %dma_start3A_183 = arith.constant 128 : i32
            %dma_start3A_184 = tpu.memref_slice %arg9[%dma_start3A_183] : memref<2112xi32, #tpu.memory_space<vmem>> -> memref<64xi32, #tpu.memory_space<vmem>>
            %dma_start3A_185 = arith.constant 0 : i32
            %dma_start3A_186 = arith.constant 0 : i32
            %dma_start3A_187 = tpu.memref_slice %arg2[%dma_start3A_185, %dma_start3A_186] : memref<122880x128xf32, #tpu.memory_space<hbm>> -> memref<122880x128xf32, #tpu.memory_space<hbm>>
            tpu.enqueue_indirect_dma source(%dma_start3A_187 : memref<122880x128xf32, #tpu.memory_space<hbm>>) target(%dma_start3A_182 : memref<64x128xf32, #tpu.memory_space<vmem>>) offsets(%dma_start3A_184 : memref<64xi32, #tpu.memory_space<vmem>>) semaphore(%arg17 : memref<!tpu.dma_semaphore, #tpu.memory_space<semaphore_mem>>)
          } else {
          }
          %while3A = arith.constant 0 : i32
          %while3A_135 = arith.constant 0 : i32
          %while3A_136 = arith.subi %shift_right_arithmetic3A_87, %while3A_135 : i32
          %while3A_137 = arith.addi %while3A_135, %while3A_136 : i32
          %while3A_138 = arith.constant 1 : i32
          %while3A_139 = arith.divsi %while3A_136, %while3A_138 : i32
          %while3A_140 = arith.muli %while3A_139, %while3A_138 : i32
          %while3A_141 = arith.addi %while3A_135, %while3A_140 : i32
          %while3A_142 = arith.constant 1 : i32
          scf.for %while3A_178 = %while3A_135 to %while3A_141 step %while3A_142  : i32 {
            %and3A_179 = arith.constant 3 : i32
            %and3A_180 = arith.andi %while3A_178, %and3A_179 : i32
            %eq3A_181 = arith.constant 0 : i32
            %eq3A_182 = arith.cmpi eq, %and3A_180, %eq3A_181 : i32
            %convert_element_type3A_183 = arith.extui %eq3A_182 : i1 to i32
            %cond3A_184 = arith.constant 0 : i32
            %cond3A_185 = arith.cmpi ne, %convert_element_type3A_183, %cond3A_184 : i32
            scf.if %cond3A_185 {
              %mul3A_209 = arith.constant 64 : i32
              %mul3A_210 = arith.muli %while3A_178, %mul3A_209 : i32
              %dma_wait3A = arith.constant 0 : i32
              %dma_wait3A_211 = arith.constant 0 : i32
              %dma_wait3A_212 = arith.constant 0 : i32
              %dma_wait3A_213 = tpu.memref_slice %arg11[%dma_wait3A, %dma_wait3A_211, %dma_wait3A_212] : memref<4x64x128xf32, #tpu.memory_space<vmem>> -> memref<1x64x128xf32, #tpu.memory_space<vmem>>
              %dma_wait3A_214 = tpu.memref_squeeze %dma_wait3A_213 : memref<1x64x128xf32, #tpu.memory_space<vmem>> -> memref<64x128xf32, #tpu.memory_space<vmem>>
              %dma_wait3A_215 = tpu.memref_slice %arg9[%mul3A_210] : memref<2112xi32, #tpu.memory_space<vmem>> -> memref<64xi32, #tpu.memory_space<vmem>>
              %dma_wait3A_216 = arith.constant 0 : i32
              %dma_wait3A_217 = arith.constant 0 : i32
              %dma_wait3A_218 = tpu.memref_slice %arg2[%dma_wait3A_216, %dma_wait3A_217] : memref<122880x128xf32, #tpu.memory_space<hbm>> -> memref<122880x128xf32, #tpu.memory_space<hbm>>
              tpu.wait_indirect_dma semaphore(%arg15 : memref<!tpu.dma_semaphore, #tpu.memory_space<semaphore_mem>>) src(%dma_wait3A_218 : memref<122880x128xf32, #tpu.memory_space<hbm>>) dst(%dma_wait3A_214 : memref<64x128xf32, #tpu.memory_space<vmem>>)
              %mul3A_219 = arith.constant 64 : i32
              %mul3A_220 = arith.muli %while3A_178, %mul3A_219 : i32
              %dma_start3A_221 = arith.constant 0 : i32
              %dma_start3A_222 = arith.constant 0 : i32
              %dma_start3A_223 = arith.constant 0 : i32
              %dma_start3A_224 = tpu.memref_slice %arg11[%dma_start3A_221, %dma_start3A_222, %dma_start3A_223] : memref<4x64x128xf32, #tpu.memory_space<vmem>> -> memref<1x64x128xf32, #tpu.memory_space<vmem>>
              %dma_start3A_225 = tpu.memref_squeeze %dma_start3A_224 : memref<1x64x128xf32, #tpu.memory_space<vmem>> -> memref<64x128xf32, #tpu.memory_space<vmem>>
              %dma_start3A_226 = tpu.memref_slice %arg10[%mul3A_220] : memref<2112xi32, #tpu.memory_space<vmem>> -> memref<64xi32, #tpu.memory_space<vmem>>
              %dma_start3A_227 = arith.constant 0 : i32
              %dma_start3A_228 = arith.constant 0 : i32
              %dma_start3A_229 = tpu.memref_slice %arg6[%dma_start3A_227, %dma_start3A_228] : memref<10368x128xf32, #tpu.memory_space<vmem_shared>> -> memref<10368x128xf32, #tpu.memory_space<vmem_shared>>
              tpu.enqueue_indirect_dma source(%dma_start3A_225 : memref<64x128xf32, #tpu.memory_space<vmem>>) target(%dma_start3A_229 : memref<10368x128xf32, #tpu.memory_space<vmem_shared>>) offsets(%dma_start3A_226 : memref<64xi32, #tpu.memory_space<vmem>>) semaphore(%arg19 : memref<!tpu.dma_semaphore, #tpu.memory_space<semaphore_mem>>) {add = true}
            } else {
            }
            %eq3A_186 = arith.constant 1 : i32
            %eq3A_187 = arith.cmpi eq, %and3A_180, %eq3A_186 : i32
            %convert_element_type3A_188 = arith.extui %eq3A_187 : i1 to i32
            %cond3A_189 = arith.constant 0 : i32
            %cond3A_190 = arith.cmpi ne, %convert_element_type3A_188, %cond3A_189 : i32
            scf.if %cond3A_190 {
              %mul3A_209 = arith.constant 64 : i32
              %mul3A_210 = arith.muli %while3A_178, %mul3A_209 : i32
              %dma_wait3A = arith.constant 1 : i32
              %dma_wait3A_211 = arith.constant 0 : i32
              %dma_wait3A_212 = arith.constant 0 : i32
              %dma_wait3A_213 = tpu.memref_slice %arg11[%dma_wait3A, %dma_wait3A_211, %dma_wait3A_212] : memref<4x64x128xf32, #tpu.memory_space<vmem>> -> memref<1x64x128xf32, #tpu.memory_space<vmem>>
              %dma_wait3A_214 = tpu.memref_squeeze %dma_wait3A_213 : memref<1x64x128xf32, #tpu.memory_space<vmem>> -> memref<64x128xf32, #tpu.memory_space<vmem>>
              %dma_wait3A_215 = tpu.memref_slice %arg9[%mul3A_210] : memref<2112xi32, #tpu.memory_space<vmem>> -> memref<64xi32, #tpu.memory_space<vmem>>
              %dma_wait3A_216 = arith.constant 0 : i32
              %dma_wait3A_217 = arith.constant 0 : i32
              %dma_wait3A_218 = tpu.memref_slice %arg2[%dma_wait3A_216, %dma_wait3A_217] : memref<122880x128xf32, #tpu.memory_space<hbm>> -> memref<122880x128xf32, #tpu.memory_space<hbm>>
              tpu.wait_indirect_dma semaphore(%arg16 : memref<!tpu.dma_semaphore, #tpu.memory_space<semaphore_mem>>) src(%dma_wait3A_218 : memref<122880x128xf32, #tpu.memory_space<hbm>>) dst(%dma_wait3A_214 : memref<64x128xf32, #tpu.memory_space<vmem>>)
              %mul3A_219 = arith.constant 64 : i32
              %mul3A_220 = arith.muli %while3A_178, %mul3A_219 : i32
              %dma_start3A_221 = arith.constant 1 : i32
              %dma_start3A_222 = arith.constant 0 : i32
              %dma_start3A_223 = arith.constant 0 : i32
              %dma_start3A_224 = tpu.memref_slice %arg11[%dma_start3A_221, %dma_start3A_222, %dma_start3A_223] : memref<4x64x128xf32, #tpu.memory_space<vmem>> -> memref<1x64x128xf32, #tpu.memory_space<vmem>>
              %dma_start3A_225 = tpu.memref_squeeze %dma_start3A_224 : memref<1x64x128xf32, #tpu.memory_space<vmem>> -> memref<64x128xf32, #tpu.memory_space<vmem>>
              %dma_start3A_226 = tpu.memref_slice %arg10[%mul3A_220] : memref<2112xi32, #tpu.memory_space<vmem>> -> memref<64xi32, #tpu.memory_space<vmem>>
              %dma_start3A_227 = arith.constant 0 : i32
              %dma_start3A_228 = arith.constant 0 : i32
              %dma_start3A_229 = tpu.memref_slice %arg6[%dma_start3A_227, %dma_start3A_228] : memref<10368x128xf32, #tpu.memory_space<vmem_shared>> -> memref<10368x128xf32, #tpu.memory_space<vmem_shared>>
              tpu.enqueue_indirect_dma source(%dma_start3A_225 : memref<64x128xf32, #tpu.memory_space<vmem>>) target(%dma_start3A_229 : memref<10368x128xf32, #tpu.memory_space<vmem_shared>>) offsets(%dma_start3A_226 : memref<64xi32, #tpu.memory_space<vmem>>) semaphore(%arg20 : memref<!tpu.dma_semaphore, #tpu.memory_space<semaphore_mem>>) {add = true}
            } else {
            }
            %eq3A_191 = arith.constant 2 : i32
            %eq3A_192 = arith.cmpi eq, %and3A_180, %eq3A_191 : i32
            %convert_element_type3A_193 = arith.extui %eq3A_192 : i1 to i32
            %cond3A_194 = arith.constant 0 : i32
            %cond3A_195 = arith.cmpi ne, %convert_element_type3A_193, %cond3A_194 : i32
            scf.if %cond3A_195 {
              %mul3A_209 = arith.constant 64 : i32
              %mul3A_210 = arith.muli %while3A_178, %mul3A_209 : i32
              %dma_wait3A = arith.constant 2 : i32
              %dma_wait3A_211 = arith.constant 0 : i32
              %dma_wait3A_212 = arith.constant 0 : i32
              %dma_wait3A_213 = tpu.memref_slice %arg11[%dma_wait3A, %dma_wait3A_211, %dma_wait3A_212] : memref<4x64x128xf32, #tpu.memory_space<vmem>> -> memref<1x64x128xf32, #tpu.memory_space<vmem>>
              %dma_wait3A_214 = tpu.memref_squeeze %dma_wait3A_213 : memref<1x64x128xf32, #tpu.memory_space<vmem>> -> memref<64x128xf32, #tpu.memory_space<vmem>>
              %dma_wait3A_215 = tpu.memref_slice %arg9[%mul3A_210] : memref<2112xi32, #tpu.memory_space<vmem>> -> memref<64xi32, #tpu.memory_space<vmem>>
              %dma_wait3A_216 = arith.constant 0 : i32
              %dma_wait3A_217 = arith.constant 0 : i32
              %dma_wait3A_218 = tpu.memref_slice %arg2[%dma_wait3A_216, %dma_wait3A_217] : memref<122880x128xf32, #tpu.memory_space<hbm>> -> memref<122880x128xf32, #tpu.memory_space<hbm>>
              tpu.wait_indirect_dma semaphore(%arg17 : memref<!tpu.dma_semaphore, #tpu.memory_space<semaphore_mem>>) src(%dma_wait3A_218 : memref<122880x128xf32, #tpu.memory_space<hbm>>) dst(%dma_wait3A_214 : memref<64x128xf32, #tpu.memory_space<vmem>>)
              %mul3A_219 = arith.constant 64 : i32
              %mul3A_220 = arith.muli %while3A_178, %mul3A_219 : i32
              %dma_start3A_221 = arith.constant 2 : i32
              %dma_start3A_222 = arith.constant 0 : i32
              %dma_start3A_223 = arith.constant 0 : i32
              %dma_start3A_224 = tpu.memref_slice %arg11[%dma_start3A_221, %dma_start3A_222, %dma_start3A_223] : memref<4x64x128xf32, #tpu.memory_space<vmem>> -> memref<1x64x128xf32, #tpu.memory_space<vmem>>
              %dma_start3A_225 = tpu.memref_squeeze %dma_start3A_224 : memref<1x64x128xf32, #tpu.memory_space<vmem>> -> memref<64x128xf32, #tpu.memory_space<vmem>>
              %dma_start3A_226 = tpu.memref_slice %arg10[%mul3A_220] : memref<2112xi32, #tpu.memory_space<vmem>> -> memref<64xi32, #tpu.memory_space<vmem>>
              %dma_start3A_227 = arith.constant 0 : i32
              %dma_start3A_228 = arith.constant 0 : i32
              %dma_start3A_229 = tpu.memref_slice %arg6[%dma_start3A_227, %dma_start3A_228] : memref<10368x128xf32, #tpu.memory_space<vmem_shared>> -> memref<10368x128xf32, #tpu.memory_space<vmem_shared>>
              tpu.enqueue_indirect_dma source(%dma_start3A_225 : memref<64x128xf32, #tpu.memory_space<vmem>>) target(%dma_start3A_229 : memref<10368x128xf32, #tpu.memory_space<vmem_shared>>) offsets(%dma_start3A_226 : memref<64xi32, #tpu.memory_space<vmem>>) semaphore(%arg21 : memref<!tpu.dma_semaphore, #tpu.memory_space<semaphore_mem>>) {add = true}
            } else {
            }
            %eq3A_196 = arith.constant 3 : i32
            %eq3A_197 = arith.cmpi eq, %and3A_180, %eq3A_196 : i32
            %convert_element_type3A_198 = arith.extui %eq3A_197 : i1 to i32
            %cond3A_199 = arith.constant 0 : i32
            %cond3A_200 = arith.cmpi ne, %convert_element_type3A_198, %cond3A_199 : i32
            scf.if %cond3A_200 {
              %mul3A_209 = arith.constant 64 : i32
              %mul3A_210 = arith.muli %while3A_178, %mul3A_209 : i32
              %dma_wait3A = arith.constant 3 : i32
              %dma_wait3A_211 = arith.constant 0 : i32
              %dma_wait3A_212 = arith.constant 0 : i32
              %dma_wait3A_213 = tpu.memref_slice %arg11[%dma_wait3A, %dma_wait3A_211, %dma_wait3A_212] : memref<4x64x128xf32, #tpu.memory_space<vmem>> -> memref<1x64x128xf32, #tpu.memory_space<vmem>>
              %dma_wait3A_214 = tpu.memref_squeeze %dma_wait3A_213 : memref<1x64x128xf32, #tpu.memory_space<vmem>> -> memref<64x128xf32, #tpu.memory_space<vmem>>
              %dma_wait3A_215 = tpu.memref_slice %arg9[%mul3A_210] : memref<2112xi32, #tpu.memory_space<vmem>> -> memref<64xi32, #tpu.memory_space<vmem>>
              %dma_wait3A_216 = arith.constant 0 : i32
              %dma_wait3A_217 = arith.constant 0 : i32
              %dma_wait3A_218 = tpu.memref_slice %arg2[%dma_wait3A_216, %dma_wait3A_217] : memref<122880x128xf32, #tpu.memory_space<hbm>> -> memref<122880x128xf32, #tpu.memory_space<hbm>>
              tpu.wait_indirect_dma semaphore(%arg18 : memref<!tpu.dma_semaphore, #tpu.memory_space<semaphore_mem>>) src(%dma_wait3A_218 : memref<122880x128xf32, #tpu.memory_space<hbm>>) dst(%dma_wait3A_214 : memref<64x128xf32, #tpu.memory_space<vmem>>)
              %mul3A_219 = arith.constant 64 : i32
              %mul3A_220 = arith.muli %while3A_178, %mul3A_219 : i32
              %dma_start3A_221 = arith.constant 3 : i32
              %dma_start3A_222 = arith.constant 0 : i32
              %dma_start3A_223 = arith.constant 0 : i32
              %dma_start3A_224 = tpu.memref_slice %arg11[%dma_start3A_221, %dma_start3A_222, %dma_start3A_223] : memref<4x64x128xf32, #tpu.memory_space<vmem>> -> memref<1x64x128xf32, #tpu.memory_space<vmem>>
              %dma_start3A_225 = tpu.memref_squeeze %dma_start3A_224 : memref<1x64x128xf32, #tpu.memory_space<vmem>> -> memref<64x128xf32, #tpu.memory_space<vmem>>
              %dma_start3A_226 = tpu.memref_slice %arg10[%mul3A_220] : memref<2112xi32, #tpu.memory_space<vmem>> -> memref<64xi32, #tpu.memory_space<vmem>>
              %dma_start3A_227 = arith.constant 0 : i32
              %dma_start3A_228 = arith.constant 0 : i32
              %dma_start3A_229 = tpu.memref_slice %arg6[%dma_start3A_227, %dma_start3A_228] : memref<10368x128xf32, #tpu.memory_space<vmem_shared>> -> memref<10368x128xf32, #tpu.memory_space<vmem_shared>>
              tpu.enqueue_indirect_dma source(%dma_start3A_225 : memref<64x128xf32, #tpu.memory_space<vmem>>) target(%dma_start3A_229 : memref<10368x128xf32, #tpu.memory_space<vmem_shared>>) offsets(%dma_start3A_226 : memref<64xi32, #tpu.memory_space<vmem>>) semaphore(%arg22 : memref<!tpu.dma_semaphore, #tpu.memory_space<semaphore_mem>>) {add = true}
            } else {
            }
            %add3A_201 = arith.constant 4 : i32
            %add3A_202 = arith.addi %while3A_178, %add3A_201 : i32
            %sub3A_203 = arith.constant 1 : i32
            %sub3A_204 = arith.subi %add3A_202, %sub3A_203 : i32
            %lt3A_205 = arith.cmpi slt, %sub3A_204, %shift_right_arithmetic3A_87 : i32
            %convert_element_type3A_206 = arith.extui %lt3A_205 : i1 to i32
            %cond3A_207 = arith.constant 0 : i32
            %cond3A_208 = arith.cmpi ne, %convert_element_type3A_206, %cond3A_207 : i32
            scf.if %cond3A_208 {
              %add3A_209 = arith.constant 4 : i32
              %add3A_210 = arith.addi %while3A_178, %add3A_209 : i32
              %sub3A_211 = arith.constant 1 : i32
              %sub3A_212 = arith.subi %add3A_210, %sub3A_211 : i32
              %and3A_213 = arith.constant 3 : i32
              %and3A_214 = arith.andi %sub3A_212, %and3A_213 : i32
              %eq3A_215 = arith.constant 0 : i32
              %eq3A_216 = arith.cmpi eq, %and3A_214, %eq3A_215 : i32
              %convert_element_type3A_217 = arith.extui %eq3A_216 : i1 to i32
              %cond3A_218 = arith.constant 0 : i32
              %cond3A_219 = arith.cmpi ne, %convert_element_type3A_217, %cond3A_218 : i32
              scf.if %cond3A_219 {
                %ge3A_235 = arith.constant 1 : i32
                %ge3A_236 = arith.cmpi sge, %while3A_178, %ge3A_235 : i32
                %convert_element_type3A_237 = arith.extui %ge3A_236 : i1 to i32
                %cond3A_238 = arith.constant 0 : i32
                %cond3A_239 = arith.cmpi ne, %convert_element_type3A_237, %cond3A_238 : i32
                scf.if %cond3A_239 {
                  %sub3A_255 = arith.constant 1 : i32
                  %sub3A_256 = arith.subi %while3A_178, %sub3A_255 : i32
                  %mul3A_257 = arith.constant 64 : i32
                  %mul3A_258 = arith.muli %sub3A_256, %mul3A_257 : i32
                  %dma_wait3A = arith.constant 0 : i32
                  %dma_wait3A_259 = arith.constant 0 : i32
                  %dma_wait3A_260 = arith.constant 0 : i32
                  %dma_wait3A_261 = tpu.memref_slice %arg11[%dma_wait3A, %dma_wait3A_259, %dma_wait3A_260] : memref<4x64x128xf32, #tpu.memory_space<vmem>> -> memref<1x64x128xf32, #tpu.memory_space<vmem>>
                  %dma_wait3A_262 = tpu.memref_squeeze %dma_wait3A_261 : memref<1x64x128xf32, #tpu.memory_space<vmem>> -> memref<64x128xf32, #tpu.memory_space<vmem>>
                  %dma_wait3A_263 = tpu.memref_slice %arg10[%mul3A_258] : memref<2112xi32, #tpu.memory_space<vmem>> -> memref<64xi32, #tpu.memory_space<vmem>>
                  %dma_wait3A_264 = arith.constant 0 : i32
                  %dma_wait3A_265 = arith.constant 0 : i32
                  %dma_wait3A_266 = tpu.memref_slice %arg6[%dma_wait3A_264, %dma_wait3A_265] : memref<10368x128xf32, #tpu.memory_space<vmem_shared>> -> memref<10368x128xf32, #tpu.memory_space<vmem_shared>>
                  tpu.wait_indirect_dma semaphore(%arg19 : memref<!tpu.dma_semaphore, #tpu.memory_space<semaphore_mem>>) src(%dma_wait3A_262 : memref<64x128xf32, #tpu.memory_space<vmem>>) dst(%dma_wait3A_266 : memref<10368x128xf32, #tpu.memory_space<vmem_shared>>)
                } else {
                }
                %add3A_240 = arith.constant 4 : i32
                %add3A_241 = arith.addi %while3A_178, %add3A_240 : i32
                %sub3A_242 = arith.constant 1 : i32
                %sub3A_243 = arith.subi %add3A_241, %sub3A_242 : i32
                %mul3A_244 = arith.constant 64 : i32
                %mul3A_245 = arith.muli %sub3A_243, %mul3A_244 : i32
                %dma_start3A_246 = arith.constant 0 : i32
                %dma_start3A_247 = arith.constant 0 : i32
                %dma_start3A_248 = arith.constant 0 : i32
                %dma_start3A_249 = tpu.memref_slice %arg11[%dma_start3A_246, %dma_start3A_247, %dma_start3A_248] : memref<4x64x128xf32, #tpu.memory_space<vmem>> -> memref<1x64x128xf32, #tpu.memory_space<vmem>>
                %dma_start3A_250 = tpu.memref_squeeze %dma_start3A_249 : memref<1x64x128xf32, #tpu.memory_space<vmem>> -> memref<64x128xf32, #tpu.memory_space<vmem>>
                %dma_start3A_251 = tpu.memref_slice %arg9[%mul3A_245] : memref<2112xi32, #tpu.memory_space<vmem>> -> memref<64xi32, #tpu.memory_space<vmem>>
                %dma_start3A_252 = arith.constant 0 : i32
                %dma_start3A_253 = arith.constant 0 : i32
                %dma_start3A_254 = tpu.memref_slice %arg2[%dma_start3A_252, %dma_start3A_253] : memref<122880x128xf32, #tpu.memory_space<hbm>> -> memref<122880x128xf32, #tpu.memory_space<hbm>>
                tpu.enqueue_indirect_dma source(%dma_start3A_254 : memref<122880x128xf32, #tpu.memory_space<hbm>>) target(%dma_start3A_250 : memref<64x128xf32, #tpu.memory_space<vmem>>) offsets(%dma_start3A_251 : memref<64xi32, #tpu.memory_space<vmem>>) semaphore(%arg15 : memref<!tpu.dma_semaphore, #tpu.memory_space<semaphore_mem>>)
              } else {
              }
              %eq3A_220 = arith.constant 1 : i32
              %eq3A_221 = arith.cmpi eq, %and3A_214, %eq3A_220 : i32
              %convert_element_type3A_222 = arith.extui %eq3A_221 : i1 to i32
              %cond3A_223 = arith.constant 0 : i32
              %cond3A_224 = arith.cmpi ne, %convert_element_type3A_222, %cond3A_223 : i32
              scf.if %cond3A_224 {
                %ge3A_235 = arith.constant 1 : i32
                %ge3A_236 = arith.cmpi sge, %while3A_178, %ge3A_235 : i32
                %convert_element_type3A_237 = arith.extui %ge3A_236 : i1 to i32
                %cond3A_238 = arith.constant 0 : i32
                %cond3A_239 = arith.cmpi ne, %convert_element_type3A_237, %cond3A_238 : i32
                scf.if %cond3A_239 {
                  %sub3A_255 = arith.constant 1 : i32
                  %sub3A_256 = arith.subi %while3A_178, %sub3A_255 : i32
                  %mul3A_257 = arith.constant 64 : i32
                  %mul3A_258 = arith.muli %sub3A_256, %mul3A_257 : i32
                  %dma_wait3A = arith.constant 1 : i32
                  %dma_wait3A_259 = arith.constant 0 : i32
                  %dma_wait3A_260 = arith.constant 0 : i32
                  %dma_wait3A_261 = tpu.memref_slice %arg11[%dma_wait3A, %dma_wait3A_259, %dma_wait3A_260] : memref<4x64x128xf32, #tpu.memory_space<vmem>> -> memref<1x64x128xf32, #tpu.memory_space<vmem>>
                  %dma_wait3A_262 = tpu.memref_squeeze %dma_wait3A_261 : memref<1x64x128xf32, #tpu.memory_space<vmem>> -> memref<64x128xf32, #tpu.memory_space<vmem>>
                  %dma_wait3A_263 = tpu.memref_slice %arg10[%mul3A_258] : memref<2112xi32, #tpu.memory_space<vmem>> -> memref<64xi32, #tpu.memory_space<vmem>>
                  %dma_wait3A_264 = arith.constant 0 : i32
                  %dma_wait3A_265 = arith.constant 0 : i32
                  %dma_wait3A_266 = tpu.memref_slice %arg6[%dma_wait3A_264, %dma_wait3A_265] : memref<10368x128xf32, #tpu.memory_space<vmem_shared>> -> memref<10368x128xf32, #tpu.memory_space<vmem_shared>>
                  tpu.wait_indirect_dma semaphore(%arg20 : memref<!tpu.dma_semaphore, #tpu.memory_space<semaphore_mem>>) src(%dma_wait3A_262 : memref<64x128xf32, #tpu.memory_space<vmem>>) dst(%dma_wait3A_266 : memref<10368x128xf32, #tpu.memory_space<vmem_shared>>)
                } else {
                }
                %add3A_240 = arith.constant 4 : i32
                %add3A_241 = arith.addi %while3A_178, %add3A_240 : i32
                %sub3A_242 = arith.constant 1 : i32
                %sub3A_243 = arith.subi %add3A_241, %sub3A_242 : i32
                %mul3A_244 = arith.constant 64 : i32
                %mul3A_245 = arith.muli %sub3A_243, %mul3A_244 : i32
                %dma_start3A_246 = arith.constant 1 : i32
                %dma_start3A_247 = arith.constant 0 : i32
                %dma_start3A_248 = arith.constant 0 : i32
                %dma_start3A_249 = tpu.memref_slice %arg11[%dma_start3A_246, %dma_start3A_247, %dma_start3A_248] : memref<4x64x128xf32, #tpu.memory_space<vmem>> -> memref<1x64x128xf32, #tpu.memory_space<vmem>>
                %dma_start3A_250 = tpu.memref_squeeze %dma_start3A_249 : memref<1x64x128xf32, #tpu.memory_space<vmem>> -> memref<64x128xf32, #tpu.memory_space<vmem>>
                %dma_start3A_251 = tpu.memref_slice %arg9[%mul3A_245] : memref<2112xi32, #tpu.memory_space<vmem>> -> memref<64xi32, #tpu.memory_space<vmem>>
                %dma_start3A_252 = arith.constant 0 : i32
                %dma_start3A_253 = arith.constant 0 : i32
                %dma_start3A_254 = tpu.memref_slice %arg2[%dma_start3A_252, %dma_start3A_253] : memref<122880x128xf32, #tpu.memory_space<hbm>> -> memref<122880x128xf32, #tpu.memory_space<hbm>>
                tpu.enqueue_indirect_dma source(%dma_start3A_254 : memref<122880x128xf32, #tpu.memory_space<hbm>>) target(%dma_start3A_250 : memref<64x128xf32, #tpu.memory_space<vmem>>) offsets(%dma_start3A_251 : memref<64xi32, #tpu.memory_space<vmem>>) semaphore(%arg16 : memref<!tpu.dma_semaphore, #tpu.memory_space<semaphore_mem>>)
              } else {
              }
              %eq3A_225 = arith.constant 2 : i32
              %eq3A_226 = arith.cmpi eq, %and3A_214, %eq3A_225 : i32
              %convert_element_type3A_227 = arith.extui %eq3A_226 : i1 to i32
              %cond3A_228 = arith.constant 0 : i32
              %cond3A_229 = arith.cmpi ne, %convert_element_type3A_227, %cond3A_228 : i32
              scf.if %cond3A_229 {
                %ge3A_235 = arith.constant 1 : i32
                %ge3A_236 = arith.cmpi sge, %while3A_178, %ge3A_235 : i32
                %convert_element_type3A_237 = arith.extui %ge3A_236 : i1 to i32
                %cond3A_238 = arith.constant 0 : i32
                %cond3A_239 = arith.cmpi ne, %convert_element_type3A_237, %cond3A_238 : i32
                scf.if %cond3A_239 {
                  %sub3A_255 = arith.constant 1 : i32
                  %sub3A_256 = arith.subi %while3A_178, %sub3A_255 : i32
                  %mul3A_257 = arith.constant 64 : i32
                  %mul3A_258 = arith.muli %sub3A_256, %mul3A_257 : i32
                  %dma_wait3A = arith.constant 2 : i32
                  %dma_wait3A_259 = arith.constant 0 : i32
                  %dma_wait3A_260 = arith.constant 0 : i32
                  %dma_wait3A_261 = tpu.memref_slice %arg11[%dma_wait3A, %dma_wait3A_259, %dma_wait3A_260] : memref<4x64x128xf32, #tpu.memory_space<vmem>> -> memref<1x64x128xf32, #tpu.memory_space<vmem>>
                  %dma_wait3A_262 = tpu.memref_squeeze %dma_wait3A_261 : memref<1x64x128xf32, #tpu.memory_space<vmem>> -> memref<64x128xf32, #tpu.memory_space<vmem>>
                  %dma_wait3A_263 = tpu.memref_slice %arg10[%mul3A_258] : memref<2112xi32, #tpu.memory_space<vmem>> -> memref<64xi32, #tpu.memory_space<vmem>>
                  %dma_wait3A_264 = arith.constant 0 : i32
                  %dma_wait3A_265 = arith.constant 0 : i32
                  %dma_wait3A_266 = tpu.memref_slice %arg6[%dma_wait3A_264, %dma_wait3A_265] : memref<10368x128xf32, #tpu.memory_space<vmem_shared>> -> memref<10368x128xf32, #tpu.memory_space<vmem_shared>>
                  tpu.wait_indirect_dma semaphore(%arg21 : memref<!tpu.dma_semaphore, #tpu.memory_space<semaphore_mem>>) src(%dma_wait3A_262 : memref<64x128xf32, #tpu.memory_space<vmem>>) dst(%dma_wait3A_266 : memref<10368x128xf32, #tpu.memory_space<vmem_shared>>)
                } else {
                }
                %add3A_240 = arith.constant 4 : i32
                %add3A_241 = arith.addi %while3A_178, %add3A_240 : i32
                %sub3A_242 = arith.constant 1 : i32
                %sub3A_243 = arith.subi %add3A_241, %sub3A_242 : i32
                %mul3A_244 = arith.constant 64 : i32
                %mul3A_245 = arith.muli %sub3A_243, %mul3A_244 : i32
                %dma_start3A_246 = arith.constant 2 : i32
                %dma_start3A_247 = arith.constant 0 : i32
                %dma_start3A_248 = arith.constant 0 : i32
                %dma_start3A_249 = tpu.memref_slice %arg11[%dma_start3A_246, %dma_start3A_247, %dma_start3A_248] : memref<4x64x128xf32, #tpu.memory_space<vmem>> -> memref<1x64x128xf32, #tpu.memory_space<vmem>>
                %dma_start3A_250 = tpu.memref_squeeze %dma_start3A_249 : memref<1x64x128xf32, #tpu.memory_space<vmem>> -> memref<64x128xf32, #tpu.memory_space<vmem>>
                %dma_start3A_251 = tpu.memref_slice %arg9[%mul3A_245] : memref<2112xi32, #tpu.memory_space<vmem>> -> memref<64xi32, #tpu.memory_space<vmem>>
                %dma_start3A_252 = arith.constant 0 : i32
                %dma_start3A_253 = arith.constant 0 : i32
                %dma_start3A_254 = tpu.memref_slice %arg2[%dma_start3A_252, %dma_start3A_253] : memref<122880x128xf32, #tpu.memory_space<hbm>> -> memref<122880x128xf32, #tpu.memory_space<hbm>>
                tpu.enqueue_indirect_dma source(%dma_start3A_254 : memref<122880x128xf32, #tpu.memory_space<hbm>>) target(%dma_start3A_250 : memref<64x128xf32, #tpu.memory_space<vmem>>) offsets(%dma_start3A_251 : memref<64xi32, #tpu.memory_space<vmem>>) semaphore(%arg17 : memref<!tpu.dma_semaphore, #tpu.memory_space<semaphore_mem>>)
              } else {
              }
              %eq3A_230 = arith.constant 3 : i32
              %eq3A_231 = arith.cmpi eq, %and3A_214, %eq3A_230 : i32
              %convert_element_type3A_232 = arith.extui %eq3A_231 : i1 to i32
              %cond3A_233 = arith.constant 0 : i32
              %cond3A_234 = arith.cmpi ne, %convert_element_type3A_232, %cond3A_233 : i32
              scf.if %cond3A_234 {
                %ge3A_235 = arith.constant 1 : i32
                %ge3A_236 = arith.cmpi sge, %while3A_178, %ge3A_235 : i32
                %convert_element_type3A_237 = arith.extui %ge3A_236 : i1 to i32
                %cond3A_238 = arith.constant 0 : i32
                %cond3A_239 = arith.cmpi ne, %convert_element_type3A_237, %cond3A_238 : i32
                scf.if %cond3A_239 {
                  %sub3A_255 = arith.constant 1 : i32
                  %sub3A_256 = arith.subi %while3A_178, %sub3A_255 : i32
                  %mul3A_257 = arith.constant 64 : i32
                  %mul3A_258 = arith.muli %sub3A_256, %mul3A_257 : i32
                  %dma_wait3A = arith.constant 3 : i32
                  %dma_wait3A_259 = arith.constant 0 : i32
                  %dma_wait3A_260 = arith.constant 0 : i32
                  %dma_wait3A_261 = tpu.memref_slice %arg11[%dma_wait3A, %dma_wait3A_259, %dma_wait3A_260] : memref<4x64x128xf32, #tpu.memory_space<vmem>> -> memref<1x64x128xf32, #tpu.memory_space<vmem>>
                  %dma_wait3A_262 = tpu.memref_squeeze %dma_wait3A_261 : memref<1x64x128xf32, #tpu.memory_space<vmem>> -> memref<64x128xf32, #tpu.memory_space<vmem>>
                  %dma_wait3A_263 = tpu.memref_slice %arg10[%mul3A_258] : memref<2112xi32, #tpu.memory_space<vmem>> -> memref<64xi32, #tpu.memory_space<vmem>>
                  %dma_wait3A_264 = arith.constant 0 : i32
                  %dma_wait3A_265 = arith.constant 0 : i32
                  %dma_wait3A_266 = tpu.memref_slice %arg6[%dma_wait3A_264, %dma_wait3A_265] : memref<10368x128xf32, #tpu.memory_space<vmem_shared>> -> memref<10368x128xf32, #tpu.memory_space<vmem_shared>>
                  tpu.wait_indirect_dma semaphore(%arg22 : memref<!tpu.dma_semaphore, #tpu.memory_space<semaphore_mem>>) src(%dma_wait3A_262 : memref<64x128xf32, #tpu.memory_space<vmem>>) dst(%dma_wait3A_266 : memref<10368x128xf32, #tpu.memory_space<vmem_shared>>)
                } else {
                }
                %add3A_240 = arith.constant 4 : i32
                %add3A_241 = arith.addi %while3A_178, %add3A_240 : i32
                %sub3A_242 = arith.constant 1 : i32
                %sub3A_243 = arith.subi %add3A_241, %sub3A_242 : i32
                %mul3A_244 = arith.constant 64 : i32
                %mul3A_245 = arith.muli %sub3A_243, %mul3A_244 : i32
                %dma_start3A_246 = arith.constant 3 : i32
                %dma_start3A_247 = arith.constant 0 : i32
                %dma_start3A_248 = arith.constant 0 : i32
                %dma_start3A_249 = tpu.memref_slice %arg11[%dma_start3A_246, %dma_start3A_247, %dma_start3A_248] : memref<4x64x128xf32, #tpu.memory_space<vmem>> -> memref<1x64x128xf32, #tpu.memory_space<vmem>>
                %dma_start3A_250 = tpu.memref_squeeze %dma_start3A_249 : memref<1x64x128xf32, #tpu.memory_space<vmem>> -> memref<64x128xf32, #tpu.memory_space<vmem>>
                %dma_start3A_251 = tpu.memref_slice %arg9[%mul3A_245] : memref<2112xi32, #tpu.memory_space<vmem>> -> memref<64xi32, #tpu.memory_space<vmem>>
                %dma_start3A_252 = arith.constant 0 : i32
                %dma_start3A_253 = arith.constant 0 : i32
                %dma_start3A_254 = tpu.memref_slice %arg2[%dma_start3A_252, %dma_start3A_253] : memref<122880x128xf32, #tpu.memory_space<hbm>> -> memref<122880x128xf32, #tpu.memory_space<hbm>>
                tpu.enqueue_indirect_dma source(%dma_start3A_254 : memref<122880x128xf32, #tpu.memory_space<hbm>>) target(%dma_start3A_250 : memref<64x128xf32, #tpu.memory_space<vmem>>) offsets(%dma_start3A_251 : memref<64xi32, #tpu.memory_space<vmem>>) semaphore(%arg18 : memref<!tpu.dma_semaphore, #tpu.memory_space<semaphore_mem>>)
              } else {
              }
            } else {
            }
          }
          %while3A_143 = arith.constant 1 : i32
          scf.for %while3A_178 = %while3A_141 to %while3A_137 step %while3A_143  : i32 {
            %and3A_179 = arith.constant 3 : i32
            %and3A_180 = arith.andi %while3A_178, %and3A_179 : i32
            %eq3A_181 = arith.constant 0 : i32
            %eq3A_182 = arith.cmpi eq, %and3A_180, %eq3A_181 : i32
            %convert_element_type3A_183 = arith.extui %eq3A_182 : i1 to i32
            %cond3A_184 = arith.constant 0 : i32
            %cond3A_185 = arith.cmpi ne, %convert_element_type3A_183, %cond3A_184 : i32
            scf.if %cond3A_185 {
              %mul3A_209 = arith.constant 64 : i32
              %mul3A_210 = arith.muli %while3A_178, %mul3A_209 : i32
              %dma_wait3A = arith.constant 0 : i32
              %dma_wait3A_211 = arith.constant 0 : i32
              %dma_wait3A_212 = arith.constant 0 : i32
              %dma_wait3A_213 = tpu.memref_slice %arg11[%dma_wait3A, %dma_wait3A_211, %dma_wait3A_212] : memref<4x64x128xf32, #tpu.memory_space<vmem>> -> memref<1x64x128xf32, #tpu.memory_space<vmem>>
              %dma_wait3A_214 = tpu.memref_squeeze %dma_wait3A_213 : memref<1x64x128xf32, #tpu.memory_space<vmem>> -> memref<64x128xf32, #tpu.memory_space<vmem>>
              %dma_wait3A_215 = tpu.memref_slice %arg9[%mul3A_210] : memref<2112xi32, #tpu.memory_space<vmem>> -> memref<64xi32, #tpu.memory_space<vmem>>
              %dma_wait3A_216 = arith.constant 0 : i32
              %dma_wait3A_217 = arith.constant 0 : i32
              %dma_wait3A_218 = tpu.memref_slice %arg2[%dma_wait3A_216, %dma_wait3A_217] : memref<122880x128xf32, #tpu.memory_space<hbm>> -> memref<122880x128xf32, #tpu.memory_space<hbm>>
              tpu.wait_indirect_dma semaphore(%arg15 : memref<!tpu.dma_semaphore, #tpu.memory_space<semaphore_mem>>) src(%dma_wait3A_218 : memref<122880x128xf32, #tpu.memory_space<hbm>>) dst(%dma_wait3A_214 : memref<64x128xf32, #tpu.memory_space<vmem>>)
              %mul3A_219 = arith.constant 64 : i32
              %mul3A_220 = arith.muli %while3A_178, %mul3A_219 : i32
              %dma_start3A_221 = arith.constant 0 : i32
              %dma_start3A_222 = arith.constant 0 : i32
              %dma_start3A_223 = arith.constant 0 : i32
              %dma_start3A_224 = tpu.memref_slice %arg11[%dma_start3A_221, %dma_start3A_222, %dma_start3A_223] : memref<4x64x128xf32, #tpu.memory_space<vmem>> -> memref<1x64x128xf32, #tpu.memory_space<vmem>>
              %dma_start3A_225 = tpu.memref_squeeze %dma_start3A_224 : memref<1x64x128xf32, #tpu.memory_space<vmem>> -> memref<64x128xf32, #tpu.memory_space<vmem>>
              %dma_start3A_226 = tpu.memref_slice %arg10[%mul3A_220] : memref<2112xi32, #tpu.memory_space<vmem>> -> memref<64xi32, #tpu.memory_space<vmem>>
              %dma_start3A_227 = arith.constant 0 : i32
              %dma_start3A_228 = arith.constant 0 : i32
              %dma_start3A_229 = tpu.memref_slice %arg6[%dma_start3A_227, %dma_start3A_228] : memref<10368x128xf32, #tpu.memory_space<vmem_shared>> -> memref<10368x128xf32, #tpu.memory_space<vmem_shared>>
              tpu.enqueue_indirect_dma source(%dma_start3A_225 : memref<64x128xf32, #tpu.memory_space<vmem>>) target(%dma_start3A_229 : memref<10368x128xf32, #tpu.memory_space<vmem_shared>>) offsets(%dma_start3A_226 : memref<64xi32, #tpu.memory_space<vmem>>) semaphore(%arg19 : memref<!tpu.dma_semaphore, #tpu.memory_space<semaphore_mem>>) {add = true}
            } else {
            }
            %eq3A_186 = arith.constant 1 : i32
            %eq3A_187 = arith.cmpi eq, %and3A_180, %eq3A_186 : i32
            %convert_element_type3A_188 = arith.extui %eq3A_187 : i1 to i32
            %cond3A_189 = arith.constant 0 : i32
            %cond3A_190 = arith.cmpi ne, %convert_element_type3A_188, %cond3A_189 : i32
            scf.if %cond3A_190 {
              %mul3A_209 = arith.constant 64 : i32
              %mul3A_210 = arith.muli %while3A_178, %mul3A_209 : i32
              %dma_wait3A = arith.constant 1 : i32
              %dma_wait3A_211 = arith.constant 0 : i32
              %dma_wait3A_212 = arith.constant 0 : i32
              %dma_wait3A_213 = tpu.memref_slice %arg11[%dma_wait3A, %dma_wait3A_211, %dma_wait3A_212] : memref<4x64x128xf32, #tpu.memory_space<vmem>> -> memref<1x64x128xf32, #tpu.memory_space<vmem>>
              %dma_wait3A_214 = tpu.memref_squeeze %dma_wait3A_213 : memref<1x64x128xf32, #tpu.memory_space<vmem>> -> memref<64x128xf32, #tpu.memory_space<vmem>>
              %dma_wait3A_215 = tpu.memref_slice %arg9[%mul3A_210] : memref<2112xi32, #tpu.memory_space<vmem>> -> memref<64xi32, #tpu.memory_space<vmem>>
              %dma_wait3A_216 = arith.constant 0 : i32
              %dma_wait3A_217 = arith.constant 0 : i32
              %dma_wait3A_218 = tpu.memref_slice %arg2[%dma_wait3A_216, %dma_wait3A_217] : memref<122880x128xf32, #tpu.memory_space<hbm>> -> memref<122880x128xf32, #tpu.memory_space<hbm>>
              tpu.wait_indirect_dma semaphore(%arg16 : memref<!tpu.dma_semaphore, #tpu.memory_space<semaphore_mem>>) src(%dma_wait3A_218 : memref<122880x128xf32, #tpu.memory_space<hbm>>) dst(%dma_wait3A_214 : memref<64x128xf32, #tpu.memory_space<vmem>>)
              %mul3A_219 = arith.constant 64 : i32
              %mul3A_220 = arith.muli %while3A_178, %mul3A_219 : i32
              %dma_start3A_221 = arith.constant 1 : i32
              %dma_start3A_222 = arith.constant 0 : i32
              %dma_start3A_223 = arith.constant 0 : i32
              %dma_start3A_224 = tpu.memref_slice %arg11[%dma_start3A_221, %dma_start3A_222, %dma_start3A_223] : memref<4x64x128xf32, #tpu.memory_space<vmem>> -> memref<1x64x128xf32, #tpu.memory_space<vmem>>
              %dma_start3A_225 = tpu.memref_squeeze %dma_start3A_224 : memref<1x64x128xf32, #tpu.memory_space<vmem>> -> memref<64x128xf32, #tpu.memory_space<vmem>>
              %dma_start3A_226 = tpu.memref_slice %arg10[%mul3A_220] : memref<2112xi32, #tpu.memory_space<vmem>> -> memref<64xi32, #tpu.memory_space<vmem>>
              %dma_start3A_227 = arith.constant 0 : i32
              %dma_start3A_228 = arith.constant 0 : i32
              %dma_start3A_229 = tpu.memref_slice %arg6[%dma_start3A_227, %dma_start3A_228] : memref<10368x128xf32, #tpu.memory_space<vmem_shared>> -> memref<10368x128xf32, #tpu.memory_space<vmem_shared>>
              tpu.enqueue_indirect_dma source(%dma_start3A_225 : memref<64x128xf32, #tpu.memory_space<vmem>>) target(%dma_start3A_229 : memref<10368x128xf32, #tpu.memory_space<vmem_shared>>) offsets(%dma_start3A_226 : memref<64xi32, #tpu.memory_space<vmem>>) semaphore(%arg20 : memref<!tpu.dma_semaphore, #tpu.memory_space<semaphore_mem>>) {add = true}
            } else {
            }
            %eq3A_191 = arith.constant 2 : i32
            %eq3A_192 = arith.cmpi eq, %and3A_180, %eq3A_191 : i32
            %convert_element_type3A_193 = arith.extui %eq3A_192 : i1 to i32
            %cond3A_194 = arith.constant 0 : i32
            %cond3A_195 = arith.cmpi ne, %convert_element_type3A_193, %cond3A_194 : i32
            scf.if %cond3A_195 {
              %mul3A_209 = arith.constant 64 : i32
              %mul3A_210 = arith.muli %while3A_178, %mul3A_209 : i32
              %dma_wait3A = arith.constant 2 : i32
              %dma_wait3A_211 = arith.constant 0 : i32
              %dma_wait3A_212 = arith.constant 0 : i32
              %dma_wait3A_213 = tpu.memref_slice %arg11[%dma_wait3A, %dma_wait3A_211, %dma_wait3A_212] : memref<4x64x128xf32, #tpu.memory_space<vmem>> -> memref<1x64x128xf32, #tpu.memory_space<vmem>>
              %dma_wait3A_214 = tpu.memref_squeeze %dma_wait3A_213 : memref<1x64x128xf32, #tpu.memory_space<vmem>> -> memref<64x128xf32, #tpu.memory_space<vmem>>
              %dma_wait3A_215 = tpu.memref_slice %arg9[%mul3A_210] : memref<2112xi32, #tpu.memory_space<vmem>> -> memref<64xi32, #tpu.memory_space<vmem>>
              %dma_wait3A_216 = arith.constant 0 : i32
              %dma_wait3A_217 = arith.constant 0 : i32
              %dma_wait3A_218 = tpu.memref_slice %arg2[%dma_wait3A_216, %dma_wait3A_217] : memref<122880x128xf32, #tpu.memory_space<hbm>> -> memref<122880x128xf32, #tpu.memory_space<hbm>>
              tpu.wait_indirect_dma semaphore(%arg17 : memref<!tpu.dma_semaphore, #tpu.memory_space<semaphore_mem>>) src(%dma_wait3A_218 : memref<122880x128xf32, #tpu.memory_space<hbm>>) dst(%dma_wait3A_214 : memref<64x128xf32, #tpu.memory_space<vmem>>)
              %mul3A_219 = arith.constant 64 : i32
              %mul3A_220 = arith.muli %while3A_178, %mul3A_219 : i32
              %dma_start3A_221 = arith.constant 2 : i32
              %dma_start3A_222 = arith.constant 0 : i32
              %dma_start3A_223 = arith.constant 0 : i32
              %dma_start3A_224 = tpu.memref_slice %arg11[%dma_start3A_221, %dma_start3A_222, %dma_start3A_223] : memref<4x64x128xf32, #tpu.memory_space<vmem>> -> memref<1x64x128xf32, #tpu.memory_space<vmem>>
              %dma_start3A_225 = tpu.memref_squeeze %dma_start3A_224 : memref<1x64x128xf32, #tpu.memory_space<vmem>> -> memref<64x128xf32, #tpu.memory_space<vmem>>
              %dma_start3A_226 = tpu.memref_slice %arg10[%mul3A_220] : memref<2112xi32, #tpu.memory_space<vmem>> -> memref<64xi32, #tpu.memory_space<vmem>>
              %dma_start3A_227 = arith.constant 0 : i32
              %dma_start3A_228 = arith.constant 0 : i32
              %dma_start3A_229 = tpu.memref_slice %arg6[%dma_start3A_227, %dma_start3A_228] : memref<10368x128xf32, #tpu.memory_space<vmem_shared>> -> memref<10368x128xf32, #tpu.memory_space<vmem_shared>>
              tpu.enqueue_indirect_dma source(%dma_start3A_225 : memref<64x128xf32, #tpu.memory_space<vmem>>) target(%dma_start3A_229 : memref<10368x128xf32, #tpu.memory_space<vmem_shared>>) offsets(%dma_start3A_226 : memref<64xi32, #tpu.memory_space<vmem>>) semaphore(%arg21 : memref<!tpu.dma_semaphore, #tpu.memory_space<semaphore_mem>>) {add = true}
            } else {
            }
            %eq3A_196 = arith.constant 3 : i32
            %eq3A_197 = arith.cmpi eq, %and3A_180, %eq3A_196 : i32
            %convert_element_type3A_198 = arith.extui %eq3A_197 : i1 to i32
            %cond3A_199 = arith.constant 0 : i32
            %cond3A_200 = arith.cmpi ne, %convert_element_type3A_198, %cond3A_199 : i32
            scf.if %cond3A_200 {
              %mul3A_209 = arith.constant 64 : i32
              %mul3A_210 = arith.muli %while3A_178, %mul3A_209 : i32
              %dma_wait3A = arith.constant 3 : i32
              %dma_wait3A_211 = arith.constant 0 : i32
              %dma_wait3A_212 = arith.constant 0 : i32
              %dma_wait3A_213 = tpu.memref_slice %arg11[%dma_wait3A, %dma_wait3A_211, %dma_wait3A_212] : memref<4x64x128xf32, #tpu.memory_space<vmem>> -> memref<1x64x128xf32, #tpu.memory_space<vmem>>
              %dma_wait3A_214 = tpu.memref_squeeze %dma_wait3A_213 : memref<1x64x128xf32, #tpu.memory_space<vmem>> -> memref<64x128xf32, #tpu.memory_space<vmem>>
              %dma_wait3A_215 = tpu.memref_slice %arg9[%mul3A_210] : memref<2112xi32, #tpu.memory_space<vmem>> -> memref<64xi32, #tpu.memory_space<vmem>>
              %dma_wait3A_216 = arith.constant 0 : i32
              %dma_wait3A_217 = arith.constant 0 : i32
              %dma_wait3A_218 = tpu.memref_slice %arg2[%dma_wait3A_216, %dma_wait3A_217] : memref<122880x128xf32, #tpu.memory_space<hbm>> -> memref<122880x128xf32, #tpu.memory_space<hbm>>
              tpu.wait_indirect_dma semaphore(%arg18 : memref<!tpu.dma_semaphore, #tpu.memory_space<semaphore_mem>>) src(%dma_wait3A_218 : memref<122880x128xf32, #tpu.memory_space<hbm>>) dst(%dma_wait3A_214 : memref<64x128xf32, #tpu.memory_space<vmem>>)
              %mul3A_219 = arith.constant 64 : i32
              %mul3A_220 = arith.muli %while3A_178, %mul3A_219 : i32
              %dma_start3A_221 = arith.constant 3 : i32
              %dma_start3A_222 = arith.constant 0 : i32
              %dma_start3A_223 = arith.constant 0 : i32
              %dma_start3A_224 = tpu.memref_slice %arg11[%dma_start3A_221, %dma_start3A_222, %dma_start3A_223] : memref<4x64x128xf32, #tpu.memory_space<vmem>> -> memref<1x64x128xf32, #tpu.memory_space<vmem>>
              %dma_start3A_225 = tpu.memref_squeeze %dma_start3A_224 : memref<1x64x128xf32, #tpu.memory_space<vmem>> -> memref<64x128xf32, #tpu.memory_space<vmem>>
              %dma_start3A_226 = tpu.memref_slice %arg10[%mul3A_220] : memref<2112xi32, #tpu.memory_space<vmem>> -> memref<64xi32, #tpu.memory_space<vmem>>
              %dma_start3A_227 = arith.constant 0 : i32
              %dma_start3A_228 = arith.constant 0 : i32
              %dma_start3A_229 = tpu.memref_slice %arg6[%dma_start3A_227, %dma_start3A_228] : memref<10368x128xf32, #tpu.memory_space<vmem_shared>> -> memref<10368x128xf32, #tpu.memory_space<vmem_shared>>
              tpu.enqueue_indirect_dma source(%dma_start3A_225 : memref<64x128xf32, #tpu.memory_space<vmem>>) target(%dma_start3A_229 : memref<10368x128xf32, #tpu.memory_space<vmem_shared>>) offsets(%dma_start3A_226 : memref<64xi32, #tpu.memory_space<vmem>>) semaphore(%arg22 : memref<!tpu.dma_semaphore, #tpu.memory_space<semaphore_mem>>) {add = true}
            } else {
            }
            %add3A_201 = arith.constant 4 : i32
            %add3A_202 = arith.addi %while3A_178, %add3A_201 : i32
            %sub3A_203 = arith.constant 1 : i32
            %sub3A_204 = arith.subi %add3A_202, %sub3A_203 : i32
            %lt3A_205 = arith.cmpi slt, %sub3A_204, %shift_right_arithmetic3A_87 : i32
            %convert_element_type3A_206 = arith.extui %lt3A_205 : i1 to i32
            %cond3A_207 = arith.constant 0 : i32
            %cond3A_208 = arith.cmpi ne, %convert_element_type3A_206, %cond3A_207 : i32
            scf.if %cond3A_208 {
              %add3A_209 = arith.constant 4 : i32
              %add3A_210 = arith.addi %while3A_178, %add3A_209 : i32
              %sub3A_211 = arith.constant 1 : i32
              %sub3A_212 = arith.subi %add3A_210, %sub3A_211 : i32
              %and3A_213 = arith.constant 3 : i32
              %and3A_214 = arith.andi %sub3A_212, %and3A_213 : i32
              %eq3A_215 = arith.constant 0 : i32
              %eq3A_216 = arith.cmpi eq, %and3A_214, %eq3A_215 : i32
              %convert_element_type3A_217 = arith.extui %eq3A_216 : i1 to i32
              %cond3A_218 = arith.constant 0 : i32
              %cond3A_219 = arith.cmpi ne, %convert_element_type3A_217, %cond3A_218 : i32
              scf.if %cond3A_219 {
                %ge3A_235 = arith.constant 1 : i32
                %ge3A_236 = arith.cmpi sge, %while3A_178, %ge3A_235 : i32
                %convert_element_type3A_237 = arith.extui %ge3A_236 : i1 to i32
                %cond3A_238 = arith.constant 0 : i32
                %cond3A_239 = arith.cmpi ne, %convert_element_type3A_237, %cond3A_238 : i32
                scf.if %cond3A_239 {
                  %sub3A_255 = arith.constant 1 : i32
                  %sub3A_256 = arith.subi %while3A_178, %sub3A_255 : i32
                  %mul3A_257 = arith.constant 64 : i32
                  %mul3A_258 = arith.muli %sub3A_256, %mul3A_257 : i32
                  %dma_wait3A = arith.constant 0 : i32
                  %dma_wait3A_259 = arith.constant 0 : i32
                  %dma_wait3A_260 = arith.constant 0 : i32
                  %dma_wait3A_261 = tpu.memref_slice %arg11[%dma_wait3A, %dma_wait3A_259, %dma_wait3A_260] : memref<4x64x128xf32, #tpu.memory_space<vmem>> -> memref<1x64x128xf32, #tpu.memory_space<vmem>>
                  %dma_wait3A_262 = tpu.memref_squeeze %dma_wait3A_261 : memref<1x64x128xf32, #tpu.memory_space<vmem>> -> memref<64x128xf32, #tpu.memory_space<vmem>>
                  %dma_wait3A_263 = tpu.memref_slice %arg10[%mul3A_258] : memref<2112xi32, #tpu.memory_space<vmem>> -> memref<64xi32, #tpu.memory_space<vmem>>
                  %dma_wait3A_264 = arith.constant 0 : i32
                  %dma_wait3A_265 = arith.constant 0 : i32
                  %dma_wait3A_266 = tpu.memref_slice %arg6[%dma_wait3A_264, %dma_wait3A_265] : memref<10368x128xf32, #tpu.memory_space<vmem_shared>> -> memref<10368x128xf32, #tpu.memory_space<vmem_shared>>
                  tpu.wait_indirect_dma semaphore(%arg19 : memref<!tpu.dma_semaphore, #tpu.memory_space<semaphore_mem>>) src(%dma_wait3A_262 : memref<64x128xf32, #tpu.memory_space<vmem>>) dst(%dma_wait3A_266 : memref<10368x128xf32, #tpu.memory_space<vmem_shared>>)
                } else {
                }
                %add3A_240 = arith.constant 4 : i32
                %add3A_241 = arith.addi %while3A_178, %add3A_240 : i32
                %sub3A_242 = arith.constant 1 : i32
                %sub3A_243 = arith.subi %add3A_241, %sub3A_242 : i32
                %mul3A_244 = arith.constant 64 : i32
                %mul3A_245 = arith.muli %sub3A_243, %mul3A_244 : i32
                %dma_start3A_246 = arith.constant 0 : i32
                %dma_start3A_247 = arith.constant 0 : i32
                %dma_start3A_248 = arith.constant 0 : i32
                %dma_start3A_249 = tpu.memref_slice %arg11[%dma_start3A_246, %dma_start3A_247, %dma_start3A_248] : memref<4x64x128xf32, #tpu.memory_space<vmem>> -> memref<1x64x128xf32, #tpu.memory_space<vmem>>
                %dma_start3A_250 = tpu.memref_squeeze %dma_start3A_249 : memref<1x64x128xf32, #tpu.memory_space<vmem>> -> memref<64x128xf32, #tpu.memory_space<vmem>>
                %dma_start3A_251 = tpu.memref_slice %arg9[%mul3A_245] : memref<2112xi32, #tpu.memory_space<vmem>> -> memref<64xi32, #tpu.memory_space<vmem>>
                %dma_start3A_252 = arith.constant 0 : i32
                %dma_start3A_253 = arith.constant 0 : i32
                %dma_start3A_254 = tpu.memref_slice %arg2[%dma_start3A_252, %dma_start3A_253] : memref<122880x128xf32, #tpu.memory_space<hbm>> -> memref<122880x128xf32, #tpu.memory_space<hbm>>
                tpu.enqueue_indirect_dma source(%dma_start3A_254 : memref<122880x128xf32, #tpu.memory_space<hbm>>) target(%dma_start3A_250 : memref<64x128xf32, #tpu.memory_space<vmem>>) offsets(%dma_start3A_251 : memref<64xi32, #tpu.memory_space<vmem>>) semaphore(%arg15 : memref<!tpu.dma_semaphore, #tpu.memory_space<semaphore_mem>>)
              } else {
              }
              %eq3A_220 = arith.constant 1 : i32
              %eq3A_221 = arith.cmpi eq, %and3A_214, %eq3A_220 : i32
              %convert_element_type3A_222 = arith.extui %eq3A_221 : i1 to i32
              %cond3A_223 = arith.constant 0 : i32
              %cond3A_224 = arith.cmpi ne, %convert_element_type3A_222, %cond3A_223 : i32
              scf.if %cond3A_224 {
                %ge3A_235 = arith.constant 1 : i32
                %ge3A_236 = arith.cmpi sge, %while3A_178, %ge3A_235 : i32
                %convert_element_type3A_237 = arith.extui %ge3A_236 : i1 to i32
                %cond3A_238 = arith.constant 0 : i32
                %cond3A_239 = arith.cmpi ne, %convert_element_type3A_237, %cond3A_238 : i32
                scf.if %cond3A_239 {
                  %sub3A_255 = arith.constant 1 : i32
                  %sub3A_256 = arith.subi %while3A_178, %sub3A_255 : i32
                  %mul3A_257 = arith.constant 64 : i32
                  %mul3A_258 = arith.muli %sub3A_256, %mul3A_257 : i32
                  %dma_wait3A = arith.constant 1 : i32
                  %dma_wait3A_259 = arith.constant 0 : i32
                  %dma_wait3A_260 = arith.constant 0 : i32
                  %dma_wait3A_261 = tpu.memref_slice %arg11[%dma_wait3A, %dma_wait3A_259, %dma_wait3A_260] : memref<4x64x128xf32, #tpu.memory_space<vmem>> -> memref<1x64x128xf32, #tpu.memory_space<vmem>>
                  %dma_wait3A_262 = tpu.memref_squeeze %dma_wait3A_261 : memref<1x64x128xf32, #tpu.memory_space<vmem>> -> memref<64x128xf32, #tpu.memory_space<vmem>>
                  %dma_wait3A_263 = tpu.memref_slice %arg10[%mul3A_258] : memref<2112xi32, #tpu.memory_space<vmem>> -> memref<64xi32, #tpu.memory_space<vmem>>
                  %dma_wait3A_264 = arith.constant 0 : i32
                  %dma_wait3A_265 = arith.constant 0 : i32
                  %dma_wait3A_266 = tpu.memref_slice %arg6[%dma_wait3A_264, %dma_wait3A_265] : memref<10368x128xf32, #tpu.memory_space<vmem_shared>> -> memref<10368x128xf32, #tpu.memory_space<vmem_shared>>
                  tpu.wait_indirect_dma semaphore(%arg20 : memref<!tpu.dma_semaphore, #tpu.memory_space<semaphore_mem>>) src(%dma_wait3A_262 : memref<64x128xf32, #tpu.memory_space<vmem>>) dst(%dma_wait3A_266 : memref<10368x128xf32, #tpu.memory_space<vmem_shared>>)
                } else {
                }
                %add3A_240 = arith.constant 4 : i32
                %add3A_241 = arith.addi %while3A_178, %add3A_240 : i32
                %sub3A_242 = arith.constant 1 : i32
                %sub3A_243 = arith.subi %add3A_241, %sub3A_242 : i32
                %mul3A_244 = arith.constant 64 : i32
                %mul3A_245 = arith.muli %sub3A_243, %mul3A_244 : i32
                %dma_start3A_246 = arith.constant 1 : i32
                %dma_start3A_247 = arith.constant 0 : i32
                %dma_start3A_248 = arith.constant 0 : i32
                %dma_start3A_249 = tpu.memref_slice %arg11[%dma_start3A_246, %dma_start3A_247, %dma_start3A_248] : memref<4x64x128xf32, #tpu.memory_space<vmem>> -> memref<1x64x128xf32, #tpu.memory_space<vmem>>
                %dma_start3A_250 = tpu.memref_squeeze %dma_start3A_249 : memref<1x64x128xf32, #tpu.memory_space<vmem>> -> memref<64x128xf32, #tpu.memory_space<vmem>>
                %dma_start3A_251 = tpu.memref_slice %arg9[%mul3A_245] : memref<2112xi32, #tpu.memory_space<vmem>> -> memref<64xi32, #tpu.memory_space<vmem>>
                %dma_start3A_252 = arith.constant 0 : i32
                %dma_start3A_253 = arith.constant 0 : i32
                %dma_start3A_254 = tpu.memref_slice %arg2[%dma_start3A_252, %dma_start3A_253] : memref<122880x128xf32, #tpu.memory_space<hbm>> -> memref<122880x128xf32, #tpu.memory_space<hbm>>
                tpu.enqueue_indirect_dma source(%dma_start3A_254 : memref<122880x128xf32, #tpu.memory_space<hbm>>) target(%dma_start3A_250 : memref<64x128xf32, #tpu.memory_space<vmem>>) offsets(%dma_start3A_251 : memref<64xi32, #tpu.memory_space<vmem>>) semaphore(%arg16 : memref<!tpu.dma_semaphore, #tpu.memory_space<semaphore_mem>>)
              } else {
              }
              %eq3A_225 = arith.constant 2 : i32
              %eq3A_226 = arith.cmpi eq, %and3A_214, %eq3A_225 : i32
              %convert_element_type3A_227 = arith.extui %eq3A_226 : i1 to i32
              %cond3A_228 = arith.constant 0 : i32
              %cond3A_229 = arith.cmpi ne, %convert_element_type3A_227, %cond3A_228 : i32
              scf.if %cond3A_229 {
                %ge3A_235 = arith.constant 1 : i32
                %ge3A_236 = arith.cmpi sge, %while3A_178, %ge3A_235 : i32
                %convert_element_type3A_237 = arith.extui %ge3A_236 : i1 to i32
                %cond3A_238 = arith.constant 0 : i32
                %cond3A_239 = arith.cmpi ne, %convert_element_type3A_237, %cond3A_238 : i32
                scf.if %cond3A_239 {
                  %sub3A_255 = arith.constant 1 : i32
                  %sub3A_256 = arith.subi %while3A_178, %sub3A_255 : i32
                  %mul3A_257 = arith.constant 64 : i32
                  %mul3A_258 = arith.muli %sub3A_256, %mul3A_257 : i32
                  %dma_wait3A = arith.constant 2 : i32
                  %dma_wait3A_259 = arith.constant 0 : i32
                  %dma_wait3A_260 = arith.constant 0 : i32
                  %dma_wait3A_261 = tpu.memref_slice %arg11[%dma_wait3A, %dma_wait3A_259, %dma_wait3A_260] : memref<4x64x128xf32, #tpu.memory_space<vmem>> -> memref<1x64x128xf32, #tpu.memory_space<vmem>>
                  %dma_wait3A_262 = tpu.memref_squeeze %dma_wait3A_261 : memref<1x64x128xf32, #tpu.memory_space<vmem>> -> memref<64x128xf32, #tpu.memory_space<vmem>>
                  %dma_wait3A_263 = tpu.memref_slice %arg10[%mul3A_258] : memref<2112xi32, #tpu.memory_space<vmem>> -> memref<64xi32, #tpu.memory_space<vmem>>
                  %dma_wait3A_264 = arith.constant 0 : i32
                  %dma_wait3A_265 = arith.constant 0 : i32
                  %dma_wait3A_266 = tpu.memref_slice %arg6[%dma_wait3A_264, %dma_wait3A_265] : memref<10368x128xf32, #tpu.memory_space<vmem_shared>> -> memref<10368x128xf32, #tpu.memory_space<vmem_shared>>
                  tpu.wait_indirect_dma semaphore(%arg21 : memref<!tpu.dma_semaphore, #tpu.memory_space<semaphore_mem>>) src(%dma_wait3A_262 : memref<64x128xf32, #tpu.memory_space<vmem>>) dst(%dma_wait3A_266 : memref<10368x128xf32, #tpu.memory_space<vmem_shared>>)
                } else {
                }
                %add3A_240 = arith.constant 4 : i32
                %add3A_241 = arith.addi %while3A_178, %add3A_240 : i32
                %sub3A_242 = arith.constant 1 : i32
                %sub3A_243 = arith.subi %add3A_241, %sub3A_242 : i32
                %mul3A_244 = arith.constant 64 : i32
                %mul3A_245 = arith.muli %sub3A_243, %mul3A_244 : i32
                %dma_start3A_246 = arith.constant 2 : i32
                %dma_start3A_247 = arith.constant 0 : i32
                %dma_start3A_248 = arith.constant 0 : i32
                %dma_start3A_249 = tpu.memref_slice %arg11[%dma_start3A_246, %dma_start3A_247, %dma_start3A_248] : memref<4x64x128xf32, #tpu.memory_space<vmem>> -> memref<1x64x128xf32, #tpu.memory_space<vmem>>
                %dma_start3A_250 = tpu.memref_squeeze %dma_start3A_249 : memref<1x64x128xf32, #tpu.memory_space<vmem>> -> memref<64x128xf32, #tpu.memory_space<vmem>>
                %dma_start3A_251 = tpu.memref_slice %arg9[%mul3A_245] : memref<2112xi32, #tpu.memory_space<vmem>> -> memref<64xi32, #tpu.memory_space<vmem>>
                %dma_start3A_252 = arith.constant 0 : i32
                %dma_start3A_253 = arith.constant 0 : i32
                %dma_start3A_254 = tpu.memref_slice %arg2[%dma_start3A_252, %dma_start3A_253] : memref<122880x128xf32, #tpu.memory_space<hbm>> -> memref<122880x128xf32, #tpu.memory_space<hbm>>
                tpu.enqueue_indirect_dma source(%dma_start3A_254 : memref<122880x128xf32, #tpu.memory_space<hbm>>) target(%dma_start3A_250 : memref<64x128xf32, #tpu.memory_space<vmem>>) offsets(%dma_start3A_251 : memref<64xi32, #tpu.memory_space<vmem>>) semaphore(%arg17 : memref<!tpu.dma_semaphore, #tpu.memory_space<semaphore_mem>>)
              } else {
              }
              %eq3A_230 = arith.constant 3 : i32
              %eq3A_231 = arith.cmpi eq, %and3A_214, %eq3A_230 : i32
              %convert_element_type3A_232 = arith.extui %eq3A_231 : i1 to i32
              %cond3A_233 = arith.constant 0 : i32
              %cond3A_234 = arith.cmpi ne, %convert_element_type3A_232, %cond3A_233 : i32
              scf.if %cond3A_234 {
                %ge3A_235 = arith.constant 1 : i32
                %ge3A_236 = arith.cmpi sge, %while3A_178, %ge3A_235 : i32
                %convert_element_type3A_237 = arith.extui %ge3A_236 : i1 to i32
                %cond3A_238 = arith.constant 0 : i32
                %cond3A_239 = arith.cmpi ne, %convert_element_type3A_237, %cond3A_238 : i32
                scf.if %cond3A_239 {
                  %sub3A_255 = arith.constant 1 : i32
                  %sub3A_256 = arith.subi %while3A_178, %sub3A_255 : i32
                  %mul3A_257 = arith.constant 64 : i32
                  %mul3A_258 = arith.muli %sub3A_256, %mul3A_257 : i32
                  %dma_wait3A = arith.constant 3 : i32
                  %dma_wait3A_259 = arith.constant 0 : i32
                  %dma_wait3A_260 = arith.constant 0 : i32
                  %dma_wait3A_261 = tpu.memref_slice %arg11[%dma_wait3A, %dma_wait3A_259, %dma_wait3A_260] : memref<4x64x128xf32, #tpu.memory_space<vmem>> -> memref<1x64x128xf32, #tpu.memory_space<vmem>>
                  %dma_wait3A_262 = tpu.memref_squeeze %dma_wait3A_261 : memref<1x64x128xf32, #tpu.memory_space<vmem>> -> memref<64x128xf32, #tpu.memory_space<vmem>>
                  %dma_wait3A_263 = tpu.memref_slice %arg10[%mul3A_258] : memref<2112xi32, #tpu.memory_space<vmem>> -> memref<64xi32, #tpu.memory_space<vmem>>
                  %dma_wait3A_264 = arith.constant 0 : i32
                  %dma_wait3A_265 = arith.constant 0 : i32
                  %dma_wait3A_266 = tpu.memref_slice %arg6[%dma_wait3A_264, %dma_wait3A_265] : memref<10368x128xf32, #tpu.memory_space<vmem_shared>> -> memref<10368x128xf32, #tpu.memory_space<vmem_shared>>
                  tpu.wait_indirect_dma semaphore(%arg22 : memref<!tpu.dma_semaphore, #tpu.memory_space<semaphore_mem>>) src(%dma_wait3A_262 : memref<64x128xf32, #tpu.memory_space<vmem>>) dst(%dma_wait3A_266 : memref<10368x128xf32, #tpu.memory_space<vmem_shared>>)
                } else {
                }
                %add3A_240 = arith.constant 4 : i32
                %add3A_241 = arith.addi %while3A_178, %add3A_240 : i32
                %sub3A_242 = arith.constant 1 : i32
                %sub3A_243 = arith.subi %add3A_241, %sub3A_242 : i32
                %mul3A_244 = arith.constant 64 : i32
                %mul3A_245 = arith.muli %sub3A_243, %mul3A_244 : i32
                %dma_start3A_246 = arith.constant 3 : i32
                %dma_start3A_247 = arith.constant 0 : i32
                %dma_start3A_248 = arith.constant 0 : i32
                %dma_start3A_249 = tpu.memref_slice %arg11[%dma_start3A_246, %dma_start3A_247, %dma_start3A_248] : memref<4x64x128xf32, #tpu.memory_space<vmem>> -> memref<1x64x128xf32, #tpu.memory_space<vmem>>
                %dma_start3A_250 = tpu.memref_squeeze %dma_start3A_249 : memref<1x64x128xf32, #tpu.memory_space<vmem>> -> memref<64x128xf32, #tpu.memory_space<vmem>>
                %dma_start3A_251 = tpu.memref_slice %arg9[%mul3A_245] : memref<2112xi32, #tpu.memory_space<vmem>> -> memref<64xi32, #tpu.memory_space<vmem>>
                %dma_start3A_252 = arith.constant 0 : i32
                %dma_start3A_253 = arith.constant 0 : i32
                %dma_start3A_254 = tpu.memref_slice %arg2[%dma_start3A_252, %dma_start3A_253] : memref<122880x128xf32, #tpu.memory_space<hbm>> -> memref<122880x128xf32, #tpu.memory_space<hbm>>
                tpu.enqueue_indirect_dma source(%dma_start3A_254 : memref<122880x128xf32, #tpu.memory_space<hbm>>) target(%dma_start3A_250 : memref<64x128xf32, #tpu.memory_space<vmem>>) offsets(%dma_start3A_251 : memref<64xi32, #tpu.memory_space<vmem>>) semaphore(%arg18 : memref<!tpu.dma_semaphore, #tpu.memory_space<semaphore_mem>>)
              } else {
              }
            } else {
            }
          }
          %sub3A = arith.constant 1 : i32
          %sub3A_144 = arith.subi %shift_right_arithmetic3A_87, %sub3A : i32
          %sub3A_145 = arith.constant 0 : i32
          %sub3A_146 = arith.subi %sub3A_144, %sub3A_145 : i32
          %ge3A = arith.constant 0 : i32
          %ge3A_147 = arith.cmpi sge, %sub3A_146, %ge3A : i32
          %convert_element_type3A_148 = arith.extui %ge3A_147 : i1 to i32
          %cond3A_149 = arith.constant 0 : i32
          %cond3A_150 = arith.cmpi ne, %convert_element_type3A_148, %cond3A_149 : i32
          scf.if %cond3A_150 {
            %sub3A_178 = arith.constant 1 : i32
            %sub3A_179 = arith.subi %shift_right_arithmetic3A_87, %sub3A_178 : i32
            %sub3A_180 = arith.constant 0 : i32
            %sub3A_181 = arith.subi %sub3A_179, %sub3A_180 : i32
            %and3A_182 = arith.constant 3 : i32
            %and3A_183 = arith.andi %sub3A_181, %and3A_182 : i32
            %eq3A_184 = arith.constant 0 : i32
            %eq3A_185 = arith.cmpi eq, %and3A_183, %eq3A_184 : i32
            %convert_element_type3A_186 = arith.extui %eq3A_185 : i1 to i32
            %cond3A_187 = arith.constant 0 : i32
            %cond3A_188 = arith.cmpi ne, %convert_element_type3A_186, %cond3A_187 : i32
            scf.if %cond3A_188 {
              %mul3A_204 = arith.constant 64 : i32
              %mul3A_205 = arith.muli %sub3A_181, %mul3A_204 : i32
              %dma_wait3A = arith.constant 0 : i32
              %dma_wait3A_206 = arith.constant 0 : i32
              %dma_wait3A_207 = arith.constant 0 : i32
              %dma_wait3A_208 = tpu.memref_slice %arg11[%dma_wait3A, %dma_wait3A_206, %dma_wait3A_207] : memref<4x64x128xf32, #tpu.memory_space<vmem>> -> memref<1x64x128xf32, #tpu.memory_space<vmem>>
              %dma_wait3A_209 = tpu.memref_squeeze %dma_wait3A_208 : memref<1x64x128xf32, #tpu.memory_space<vmem>> -> memref<64x128xf32, #tpu.memory_space<vmem>>
              %dma_wait3A_210 = tpu.memref_slice %arg10[%mul3A_205] : memref<2112xi32, #tpu.memory_space<vmem>> -> memref<64xi32, #tpu.memory_space<vmem>>
              %dma_wait3A_211 = arith.constant 0 : i32
              %dma_wait3A_212 = arith.constant 0 : i32
              %dma_wait3A_213 = tpu.memref_slice %arg6[%dma_wait3A_211, %dma_wait3A_212] : memref<10368x128xf32, #tpu.memory_space<vmem_shared>> -> memref<10368x128xf32, #tpu.memory_space<vmem_shared>>
              tpu.wait_indirect_dma semaphore(%arg19 : memref<!tpu.dma_semaphore, #tpu.memory_space<semaphore_mem>>) src(%dma_wait3A_209 : memref<64x128xf32, #tpu.memory_space<vmem>>) dst(%dma_wait3A_213 : memref<10368x128xf32, #tpu.memory_space<vmem_shared>>)
            } else {
            }
            %eq3A_189 = arith.constant 1 : i32
            %eq3A_190 = arith.cmpi eq, %and3A_183, %eq3A_189 : i32
            %convert_element_type3A_191 = arith.extui %eq3A_190 : i1 to i32
            %cond3A_192 = arith.constant 0 : i32
            %cond3A_193 = arith.cmpi ne, %convert_element_type3A_191, %cond3A_192 : i32
            scf.if %cond3A_193 {
              %mul3A_204 = arith.constant 64 : i32
              %mul3A_205 = arith.muli %sub3A_181, %mul3A_204 : i32
              %dma_wait3A = arith.constant 1 : i32
              %dma_wait3A_206 = arith.constant 0 : i32
              %dma_wait3A_207 = arith.constant 0 : i32
              %dma_wait3A_208 = tpu.memref_slice %arg11[%dma_wait3A, %dma_wait3A_206, %dma_wait3A_207] : memref<4x64x128xf32, #tpu.memory_space<vmem>> -> memref<1x64x128xf32, #tpu.memory_space<vmem>>
              %dma_wait3A_209 = tpu.memref_squeeze %dma_wait3A_208 : memref<1x64x128xf32, #tpu.memory_space<vmem>> -> memref<64x128xf32, #tpu.memory_space<vmem>>
              %dma_wait3A_210 = tpu.memref_slice %arg10[%mul3A_205] : memref<2112xi32, #tpu.memory_space<vmem>> -> memref<64xi32, #tpu.memory_space<vmem>>
              %dma_wait3A_211 = arith.constant 0 : i32
              %dma_wait3A_212 = arith.constant 0 : i32
              %dma_wait3A_213 = tpu.memref_slice %arg6[%dma_wait3A_211, %dma_wait3A_212] : memref<10368x128xf32, #tpu.memory_space<vmem_shared>> -> memref<10368x128xf32, #tpu.memory_space<vmem_shared>>
              tpu.wait_indirect_dma semaphore(%arg20 : memref<!tpu.dma_semaphore, #tpu.memory_space<semaphore_mem>>) src(%dma_wait3A_209 : memref<64x128xf32, #tpu.memory_space<vmem>>) dst(%dma_wait3A_213 : memref<10368x128xf32, #tpu.memory_space<vmem_shared>>)
            } else {
            }
            %eq3A_194 = arith.constant 2 : i32
            %eq3A_195 = arith.cmpi eq, %and3A_183, %eq3A_194 : i32
            %convert_element_type3A_196 = arith.extui %eq3A_195 : i1 to i32
            %cond3A_197 = arith.constant 0 : i32
            %cond3A_198 = arith.cmpi ne, %convert_element_type3A_196, %cond3A_197 : i32
            scf.if %cond3A_198 {
              %mul3A_204 = arith.constant 64 : i32
              %mul3A_205 = arith.muli %sub3A_181, %mul3A_204 : i32
              %dma_wait3A = arith.constant 2 : i32
              %dma_wait3A_206 = arith.constant 0 : i32
              %dma_wait3A_207 = arith.constant 0 : i32
              %dma_wait3A_208 = tpu.memref_slice %arg11[%dma_wait3A, %dma_wait3A_206, %dma_wait3A_207] : memref<4x64x128xf32, #tpu.memory_space<vmem>> -> memref<1x64x128xf32, #tpu.memory_space<vmem>>
              %dma_wait3A_209 = tpu.memref_squeeze %dma_wait3A_208 : memref<1x64x128xf32, #tpu.memory_space<vmem>> -> memref<64x128xf32, #tpu.memory_space<vmem>>
              %dma_wait3A_210 = tpu.memref_slice %arg10[%mul3A_205] : memref<2112xi32, #tpu.memory_space<vmem>> -> memref<64xi32, #tpu.memory_space<vmem>>
              %dma_wait3A_211 = arith.constant 0 : i32
              %dma_wait3A_212 = arith.constant 0 : i32
              %dma_wait3A_213 = tpu.memref_slice %arg6[%dma_wait3A_211, %dma_wait3A_212] : memref<10368x128xf32, #tpu.memory_space<vmem_shared>> -> memref<10368x128xf32, #tpu.memory_space<vmem_shared>>
              tpu.wait_indirect_dma semaphore(%arg21 : memref<!tpu.dma_semaphore, #tpu.memory_space<semaphore_mem>>) src(%dma_wait3A_209 : memref<64x128xf32, #tpu.memory_space<vmem>>) dst(%dma_wait3A_213 : memref<10368x128xf32, #tpu.memory_space<vmem_shared>>)
            } else {
            }
            %eq3A_199 = arith.constant 3 : i32
            %eq3A_200 = arith.cmpi eq, %and3A_183, %eq3A_199 : i32
            %convert_element_type3A_201 = arith.extui %eq3A_200 : i1 to i32
            %cond3A_202 = arith.constant 0 : i32
            %cond3A_203 = arith.cmpi ne, %convert_element_type3A_201, %cond3A_202 : i32
            scf.if %cond3A_203 {
              %mul3A_204 = arith.constant 64 : i32
              %mul3A_205 = arith.muli %sub3A_181, %mul3A_204 : i32
              %dma_wait3A = arith.constant 3 : i32
              %dma_wait3A_206 = arith.constant 0 : i32
              %dma_wait3A_207 = arith.constant 0 : i32
              %dma_wait3A_208 = tpu.memref_slice %arg11[%dma_wait3A, %dma_wait3A_206, %dma_wait3A_207] : memref<4x64x128xf32, #tpu.memory_space<vmem>> -> memref<1x64x128xf32, #tpu.memory_space<vmem>>
              %dma_wait3A_209 = tpu.memref_squeeze %dma_wait3A_208 : memref<1x64x128xf32, #tpu.memory_space<vmem>> -> memref<64x128xf32, #tpu.memory_space<vmem>>
              %dma_wait3A_210 = tpu.memref_slice %arg10[%mul3A_205] : memref<2112xi32, #tpu.memory_space<vmem>> -> memref<64xi32, #tpu.memory_space<vmem>>
              %dma_wait3A_211 = arith.constant 0 : i32
              %dma_wait3A_212 = arith.constant 0 : i32
              %dma_wait3A_213 = tpu.memref_slice %arg6[%dma_wait3A_211, %dma_wait3A_212] : memref<10368x128xf32, #tpu.memory_space<vmem_shared>> -> memref<10368x128xf32, #tpu.memory_space<vmem_shared>>
              tpu.wait_indirect_dma semaphore(%arg22 : memref<!tpu.dma_semaphore, #tpu.memory_space<semaphore_mem>>) src(%dma_wait3A_209 : memref<64x128xf32, #tpu.memory_space<vmem>>) dst(%dma_wait3A_213 : memref<10368x128xf32, #tpu.memory_space<vmem_shared>>)
            } else {
            }
          } else {
          }
          %sub3A_151 = arith.constant 1 : i32
          %sub3A_152 = arith.subi %shift_right_arithmetic3A_87, %sub3A_151 : i32
          %sub3A_153 = arith.constant 1 : i32
          %sub3A_154 = arith.subi %sub3A_152, %sub3A_153 : i32
          %ge3A_155 = arith.constant 0 : i32
          %ge3A_156 = arith.cmpi sge, %sub3A_154, %ge3A_155 : i32
          %convert_element_type3A_157 = arith.extui %ge3A_156 : i1 to i32
          %cond3A_158 = arith.constant 0 : i32
          %cond3A_159 = arith.cmpi ne, %convert_element_type3A_157, %cond3A_158 : i32
          scf.if %cond3A_159 {
            %sub3A_178 = arith.constant 1 : i32
            %sub3A_179 = arith.subi %shift_right_arithmetic3A_87, %sub3A_178 : i32
            %sub3A_180 = arith.constant 1 : i32
            %sub3A_181 = arith.subi %sub3A_179, %sub3A_180 : i32
            %and3A_182 = arith.constant 3 : i32
            %and3A_183 = arith.andi %sub3A_181, %and3A_182 : i32
            %eq3A_184 = arith.constant 0 : i32
            %eq3A_185 = arith.cmpi eq, %and3A_183, %eq3A_184 : i32
            %convert_element_type3A_186 = arith.extui %eq3A_185 : i1 to i32
            %cond3A_187 = arith.constant 0 : i32
            %cond3A_188 = arith.cmpi ne, %convert_element_type3A_186, %cond3A_187 : i32
            scf.if %cond3A_188 {
              %mul3A_204 = arith.constant 64 : i32
              %mul3A_205 = arith.muli %sub3A_181, %mul3A_204 : i32
              %dma_wait3A = arith.constant 0 : i32
              %dma_wait3A_206 = arith.constant 0 : i32
              %dma_wait3A_207 = arith.constant 0 : i32
              %dma_wait3A_208 = tpu.memref_slice %arg11[%dma_wait3A, %dma_wait3A_206, %dma_wait3A_207] : memref<4x64x128xf32, #tpu.memory_space<vmem>> -> memref<1x64x128xf32, #tpu.memory_space<vmem>>
              %dma_wait3A_209 = tpu.memref_squeeze %dma_wait3A_208 : memref<1x64x128xf32, #tpu.memory_space<vmem>> -> memref<64x128xf32, #tpu.memory_space<vmem>>
              %dma_wait3A_210 = tpu.memref_slice %arg10[%mul3A_205] : memref<2112xi32, #tpu.memory_space<vmem>> -> memref<64xi32, #tpu.memory_space<vmem>>
              %dma_wait3A_211 = arith.constant 0 : i32
              %dma_wait3A_212 = arith.constant 0 : i32
              %dma_wait3A_213 = tpu.memref_slice %arg6[%dma_wait3A_211, %dma_wait3A_212] : memref<10368x128xf32, #tpu.memory_space<vmem_shared>> -> memref<10368x128xf32, #tpu.memory_space<vmem_shared>>
              tpu.wait_indirect_dma semaphore(%arg19 : memref<!tpu.dma_semaphore, #tpu.memory_space<semaphore_mem>>) src(%dma_wait3A_209 : memref<64x128xf32, #tpu.memory_space<vmem>>) dst(%dma_wait3A_213 : memref<10368x128xf32, #tpu.memory_space<vmem_shared>>)
            } else {
            }
            %eq3A_189 = arith.constant 1 : i32
            %eq3A_190 = arith.cmpi eq, %and3A_183, %eq3A_189 : i32
            %convert_element_type3A_191 = arith.extui %eq3A_190 : i1 to i32
            %cond3A_192 = arith.constant 0 : i32
            %cond3A_193 = arith.cmpi ne, %convert_element_type3A_191, %cond3A_192 : i32
            scf.if %cond3A_193 {
              %mul3A_204 = arith.constant 64 : i32
              %mul3A_205 = arith.muli %sub3A_181, %mul3A_204 : i32
              %dma_wait3A = arith.constant 1 : i32
              %dma_wait3A_206 = arith.constant 0 : i32
              %dma_wait3A_207 = arith.constant 0 : i32
              %dma_wait3A_208 = tpu.memref_slice %arg11[%dma_wait3A, %dma_wait3A_206, %dma_wait3A_207] : memref<4x64x128xf32, #tpu.memory_space<vmem>> -> memref<1x64x128xf32, #tpu.memory_space<vmem>>
              %dma_wait3A_209 = tpu.memref_squeeze %dma_wait3A_208 : memref<1x64x128xf32, #tpu.memory_space<vmem>> -> memref<64x128xf32, #tpu.memory_space<vmem>>
              %dma_wait3A_210 = tpu.memref_slice %arg10[%mul3A_205] : memref<2112xi32, #tpu.memory_space<vmem>> -> memref<64xi32, #tpu.memory_space<vmem>>
              %dma_wait3A_211 = arith.constant 0 : i32
              %dma_wait3A_212 = arith.constant 0 : i32
              %dma_wait3A_213 = tpu.memref_slice %arg6[%dma_wait3A_211, %dma_wait3A_212] : memref<10368x128xf32, #tpu.memory_space<vmem_shared>> -> memref<10368x128xf32, #tpu.memory_space<vmem_shared>>
              tpu.wait_indirect_dma semaphore(%arg20 : memref<!tpu.dma_semaphore, #tpu.memory_space<semaphore_mem>>) src(%dma_wait3A_209 : memref<64x128xf32, #tpu.memory_space<vmem>>) dst(%dma_wait3A_213 : memref<10368x128xf32, #tpu.memory_space<vmem_shared>>)
            } else {
            }
            %eq3A_194 = arith.constant 2 : i32
            %eq3A_195 = arith.cmpi eq, %and3A_183, %eq3A_194 : i32
            %convert_element_type3A_196 = arith.extui %eq3A_195 : i1 to i32
            %cond3A_197 = arith.constant 0 : i32
            %cond3A_198 = arith.cmpi ne, %convert_element_type3A_196, %cond3A_197 : i32
            scf.if %cond3A_198 {
              %mul3A_204 = arith.constant 64 : i32
              %mul3A_205 = arith.muli %sub3A_181, %mul3A_204 : i32
              %dma_wait3A = arith.constant 2 : i32
              %dma_wait3A_206 = arith.constant 0 : i32
              %dma_wait3A_207 = arith.constant 0 : i32
              %dma_wait3A_208 = tpu.memref_slice %arg11[%dma_wait3A, %dma_wait3A_206, %dma_wait3A_207] : memref<4x64x128xf32, #tpu.memory_space<vmem>> -> memref<1x64x128xf32, #tpu.memory_space<vmem>>
              %dma_wait3A_209 = tpu.memref_squeeze %dma_wait3A_208 : memref<1x64x128xf32, #tpu.memory_space<vmem>> -> memref<64x128xf32, #tpu.memory_space<vmem>>
              %dma_wait3A_210 = tpu.memref_slice %arg10[%mul3A_205] : memref<2112xi32, #tpu.memory_space<vmem>> -> memref<64xi32, #tpu.memory_space<vmem>>
              %dma_wait3A_211 = arith.constant 0 : i32
              %dma_wait3A_212 = arith.constant 0 : i32
              %dma_wait3A_213 = tpu.memref_slice %arg6[%dma_wait3A_211, %dma_wait3A_212] : memref<10368x128xf32, #tpu.memory_space<vmem_shared>> -> memref<10368x128xf32, #tpu.memory_space<vmem_shared>>
              tpu.wait_indirect_dma semaphore(%arg21 : memref<!tpu.dma_semaphore, #tpu.memory_space<semaphore_mem>>) src(%dma_wait3A_209 : memref<64x128xf32, #tpu.memory_space<vmem>>) dst(%dma_wait3A_213 : memref<10368x128xf32, #tpu.memory_space<vmem_shared>>)
            } else {
            }
            %eq3A_199 = arith.constant 3 : i32
            %eq3A_200 = arith.cmpi eq, %and3A_183, %eq3A_199 : i32
            %convert_element_type3A_201 = arith.extui %eq3A_200 : i1 to i32
            %cond3A_202 = arith.constant 0 : i32
            %cond3A_203 = arith.cmpi ne, %convert_element_type3A_201, %cond3A_202 : i32
            scf.if %cond3A_203 {
              %mul3A_204 = arith.constant 64 : i32
              %mul3A_205 = arith.muli %sub3A_181, %mul3A_204 : i32
              %dma_wait3A = arith.constant 3 : i32
              %dma_wait3A_206 = arith.constant 0 : i32
              %dma_wait3A_207 = arith.constant 0 : i32
              %dma_wait3A_208 = tpu.memref_slice %arg11[%dma_wait3A, %dma_wait3A_206, %dma_wait3A_207] : memref<4x64x128xf32, #tpu.memory_space<vmem>> -> memref<1x64x128xf32, #tpu.memory_space<vmem>>
              %dma_wait3A_209 = tpu.memref_squeeze %dma_wait3A_208 : memref<1x64x128xf32, #tpu.memory_space<vmem>> -> memref<64x128xf32, #tpu.memory_space<vmem>>
              %dma_wait3A_210 = tpu.memref_slice %arg10[%mul3A_205] : memref<2112xi32, #tpu.memory_space<vmem>> -> memref<64xi32, #tpu.memory_space<vmem>>
              %dma_wait3A_211 = arith.constant 0 : i32
              %dma_wait3A_212 = arith.constant 0 : i32
              %dma_wait3A_213 = tpu.memref_slice %arg6[%dma_wait3A_211, %dma_wait3A_212] : memref<10368x128xf32, #tpu.memory_space<vmem_shared>> -> memref<10368x128xf32, #tpu.memory_space<vmem_shared>>
              tpu.wait_indirect_dma semaphore(%arg22 : memref<!tpu.dma_semaphore, #tpu.memory_space<semaphore_mem>>) src(%dma_wait3A_209 : memref<64x128xf32, #tpu.memory_space<vmem>>) dst(%dma_wait3A_213 : memref<10368x128xf32, #tpu.memory_space<vmem_shared>>)
            } else {
            }
          } else {
          }
          %sub3A_160 = arith.constant 1 : i32
          %sub3A_161 = arith.subi %shift_right_arithmetic3A_87, %sub3A_160 : i32
          %sub3A_162 = arith.constant 2 : i32
          %sub3A_163 = arith.subi %sub3A_161, %sub3A_162 : i32
          %ge3A_164 = arith.constant 0 : i32
          %ge3A_165 = arith.cmpi sge, %sub3A_163, %ge3A_164 : i32
          %convert_element_type3A_166 = arith.extui %ge3A_165 : i1 to i32
          %cond3A_167 = arith.constant 0 : i32
          %cond3A_168 = arith.cmpi ne, %convert_element_type3A_166, %cond3A_167 : i32
          scf.if %cond3A_168 {
            %sub3A_178 = arith.constant 1 : i32
            %sub3A_179 = arith.subi %shift_right_arithmetic3A_87, %sub3A_178 : i32
            %sub3A_180 = arith.constant 2 : i32
            %sub3A_181 = arith.subi %sub3A_179, %sub3A_180 : i32
            %and3A_182 = arith.constant 3 : i32
            %and3A_183 = arith.andi %sub3A_181, %and3A_182 : i32
            %eq3A_184 = arith.constant 0 : i32
            %eq3A_185 = arith.cmpi eq, %and3A_183, %eq3A_184 : i32
            %convert_element_type3A_186 = arith.extui %eq3A_185 : i1 to i32
            %cond3A_187 = arith.constant 0 : i32
            %cond3A_188 = arith.cmpi ne, %convert_element_type3A_186, %cond3A_187 : i32
            scf.if %cond3A_188 {
              %mul3A_204 = arith.constant 64 : i32
              %mul3A_205 = arith.muli %sub3A_181, %mul3A_204 : i32
              %dma_wait3A = arith.constant 0 : i32
              %dma_wait3A_206 = arith.constant 0 : i32
              %dma_wait3A_207 = arith.constant 0 : i32
              %dma_wait3A_208 = tpu.memref_slice %arg11[%dma_wait3A, %dma_wait3A_206, %dma_wait3A_207] : memref<4x64x128xf32, #tpu.memory_space<vmem>> -> memref<1x64x128xf32, #tpu.memory_space<vmem>>
              %dma_wait3A_209 = tpu.memref_squeeze %dma_wait3A_208 : memref<1x64x128xf32, #tpu.memory_space<vmem>> -> memref<64x128xf32, #tpu.memory_space<vmem>>
              %dma_wait3A_210 = tpu.memref_slice %arg10[%mul3A_205] : memref<2112xi32, #tpu.memory_space<vmem>> -> memref<64xi32, #tpu.memory_space<vmem>>
              %dma_wait3A_211 = arith.constant 0 : i32
              %dma_wait3A_212 = arith.constant 0 : i32
              %dma_wait3A_213 = tpu.memref_slice %arg6[%dma_wait3A_211, %dma_wait3A_212] : memref<10368x128xf32, #tpu.memory_space<vmem_shared>> -> memref<10368x128xf32, #tpu.memory_space<vmem_shared>>
              tpu.wait_indirect_dma semaphore(%arg19 : memref<!tpu.dma_semaphore, #tpu.memory_space<semaphore_mem>>) src(%dma_wait3A_209 : memref<64x128xf32, #tpu.memory_space<vmem>>) dst(%dma_wait3A_213 : memref<10368x128xf32, #tpu.memory_space<vmem_shared>>)
            } else {
            }
            %eq3A_189 = arith.constant 1 : i32
            %eq3A_190 = arith.cmpi eq, %and3A_183, %eq3A_189 : i32
            %convert_element_type3A_191 = arith.extui %eq3A_190 : i1 to i32
            %cond3A_192 = arith.constant 0 : i32
            %cond3A_193 = arith.cmpi ne, %convert_element_type3A_191, %cond3A_192 : i32
            scf.if %cond3A_193 {
              %mul3A_204 = arith.constant 64 : i32
              %mul3A_205 = arith.muli %sub3A_181, %mul3A_204 : i32
              %dma_wait3A = arith.constant 1 : i32
              %dma_wait3A_206 = arith.constant 0 : i32
              %dma_wait3A_207 = arith.constant 0 : i32
              %dma_wait3A_208 = tpu.memref_slice %arg11[%dma_wait3A, %dma_wait3A_206, %dma_wait3A_207] : memref<4x64x128xf32, #tpu.memory_space<vmem>> -> memref<1x64x128xf32, #tpu.memory_space<vmem>>
              %dma_wait3A_209 = tpu.memref_squeeze %dma_wait3A_208 : memref<1x64x128xf32, #tpu.memory_space<vmem>> -> memref<64x128xf32, #tpu.memory_space<vmem>>
              %dma_wait3A_210 = tpu.memref_slice %arg10[%mul3A_205] : memref<2112xi32, #tpu.memory_space<vmem>> -> memref<64xi32, #tpu.memory_space<vmem>>
              %dma_wait3A_211 = arith.constant 0 : i32
              %dma_wait3A_212 = arith.constant 0 : i32
              %dma_wait3A_213 = tpu.memref_slice %arg6[%dma_wait3A_211, %dma_wait3A_212] : memref<10368x128xf32, #tpu.memory_space<vmem_shared>> -> memref<10368x128xf32, #tpu.memory_space<vmem_shared>>
              tpu.wait_indirect_dma semaphore(%arg20 : memref<!tpu.dma_semaphore, #tpu.memory_space<semaphore_mem>>) src(%dma_wait3A_209 : memref<64x128xf32, #tpu.memory_space<vmem>>) dst(%dma_wait3A_213 : memref<10368x128xf32, #tpu.memory_space<vmem_shared>>)
            } else {
            }
            %eq3A_194 = arith.constant 2 : i32
            %eq3A_195 = arith.cmpi eq, %and3A_183, %eq3A_194 : i32
            %convert_element_type3A_196 = arith.extui %eq3A_195 : i1 to i32
            %cond3A_197 = arith.constant 0 : i32
            %cond3A_198 = arith.cmpi ne, %convert_element_type3A_196, %cond3A_197 : i32
            scf.if %cond3A_198 {
              %mul3A_204 = arith.constant 64 : i32
              %mul3A_205 = arith.muli %sub3A_181, %mul3A_204 : i32
              %dma_wait3A = arith.constant 2 : i32
              %dma_wait3A_206 = arith.constant 0 : i32
              %dma_wait3A_207 = arith.constant 0 : i32
              %dma_wait3A_208 = tpu.memref_slice %arg11[%dma_wait3A, %dma_wait3A_206, %dma_wait3A_207] : memref<4x64x128xf32, #tpu.memory_space<vmem>> -> memref<1x64x128xf32, #tpu.memory_space<vmem>>
              %dma_wait3A_209 = tpu.memref_squeeze %dma_wait3A_208 : memref<1x64x128xf32, #tpu.memory_space<vmem>> -> memref<64x128xf32, #tpu.memory_space<vmem>>
              %dma_wait3A_210 = tpu.memref_slice %arg10[%mul3A_205] : memref<2112xi32, #tpu.memory_space<vmem>> -> memref<64xi32, #tpu.memory_space<vmem>>
              %dma_wait3A_211 = arith.constant 0 : i32
              %dma_wait3A_212 = arith.constant 0 : i32
              %dma_wait3A_213 = tpu.memref_slice %arg6[%dma_wait3A_211, %dma_wait3A_212] : memref<10368x128xf32, #tpu.memory_space<vmem_shared>> -> memref<10368x128xf32, #tpu.memory_space<vmem_shared>>
              tpu.wait_indirect_dma semaphore(%arg21 : memref<!tpu.dma_semaphore, #tpu.memory_space<semaphore_mem>>) src(%dma_wait3A_209 : memref<64x128xf32, #tpu.memory_space<vmem>>) dst(%dma_wait3A_213 : memref<10368x128xf32, #tpu.memory_space<vmem_shared>>)
            } else {
            }
            %eq3A_199 = arith.constant 3 : i32
            %eq3A_200 = arith.cmpi eq, %and3A_183, %eq3A_199 : i32
            %convert_element_type3A_201 = arith.extui %eq3A_200 : i1 to i32
            %cond3A_202 = arith.constant 0 : i32
            %cond3A_203 = arith.cmpi ne, %convert_element_type3A_201, %cond3A_202 : i32
            scf.if %cond3A_203 {
              %mul3A_204 = arith.constant 64 : i32
              %mul3A_205 = arith.muli %sub3A_181, %mul3A_204 : i32
              %dma_wait3A = arith.constant 3 : i32
              %dma_wait3A_206 = arith.constant 0 : i32
              %dma_wait3A_207 = arith.constant 0 : i32
              %dma_wait3A_208 = tpu.memref_slice %arg11[%dma_wait3A, %dma_wait3A_206, %dma_wait3A_207] : memref<4x64x128xf32, #tpu.memory_space<vmem>> -> memref<1x64x128xf32, #tpu.memory_space<vmem>>
              %dma_wait3A_209 = tpu.memref_squeeze %dma_wait3A_208 : memref<1x64x128xf32, #tpu.memory_space<vmem>> -> memref<64x128xf32, #tpu.memory_space<vmem>>
              %dma_wait3A_210 = tpu.memref_slice %arg10[%mul3A_205] : memref<2112xi32, #tpu.memory_space<vmem>> -> memref<64xi32, #tpu.memory_space<vmem>>
              %dma_wait3A_211 = arith.constant 0 : i32
              %dma_wait3A_212 = arith.constant 0 : i32
              %dma_wait3A_213 = tpu.memref_slice %arg6[%dma_wait3A_211, %dma_wait3A_212] : memref<10368x128xf32, #tpu.memory_space<vmem_shared>> -> memref<10368x128xf32, #tpu.memory_space<vmem_shared>>
              tpu.wait_indirect_dma semaphore(%arg22 : memref<!tpu.dma_semaphore, #tpu.memory_space<semaphore_mem>>) src(%dma_wait3A_209 : memref<64x128xf32, #tpu.memory_space<vmem>>) dst(%dma_wait3A_213 : memref<10368x128xf32, #tpu.memory_space<vmem_shared>>)
            } else {
            }
          } else {
          }
          %sub3A_169 = arith.constant 1 : i32
          %sub3A_170 = arith.subi %shift_right_arithmetic3A_87, %sub3A_169 : i32
          %sub3A_171 = arith.constant 3 : i32
          %sub3A_172 = arith.subi %sub3A_170, %sub3A_171 : i32
          %ge3A_173 = arith.constant 0 : i32
          %ge3A_174 = arith.cmpi sge, %sub3A_172, %ge3A_173 : i32
          %convert_element_type3A_175 = arith.extui %ge3A_174 : i1 to i32
          %cond3A_176 = arith.constant 0 : i32
          %cond3A_177 = arith.cmpi ne, %convert_element_type3A_175, %cond3A_176 : i32
          scf.if %cond3A_177 {
            %sub3A_178 = arith.constant 1 : i32
            %sub3A_179 = arith.subi %shift_right_arithmetic3A_87, %sub3A_178 : i32
            %sub3A_180 = arith.constant 3 : i32
            %sub3A_181 = arith.subi %sub3A_179, %sub3A_180 : i32
            %and3A_182 = arith.constant 3 : i32
            %and3A_183 = arith.andi %sub3A_181, %and3A_182 : i32
            %eq3A_184 = arith.constant 0 : i32
            %eq3A_185 = arith.cmpi eq, %and3A_183, %eq3A_184 : i32
            %convert_element_type3A_186 = arith.extui %eq3A_185 : i1 to i32
            %cond3A_187 = arith.constant 0 : i32
            %cond3A_188 = arith.cmpi ne, %convert_element_type3A_186, %cond3A_187 : i32
            scf.if %cond3A_188 {
              %mul3A_204 = arith.constant 64 : i32
              %mul3A_205 = arith.muli %sub3A_181, %mul3A_204 : i32
              %dma_wait3A = arith.constant 0 : i32
              %dma_wait3A_206 = arith.constant 0 : i32
              %dma_wait3A_207 = arith.constant 0 : i32
              %dma_wait3A_208 = tpu.memref_slice %arg11[%dma_wait3A, %dma_wait3A_206, %dma_wait3A_207] : memref<4x64x128xf32, #tpu.memory_space<vmem>> -> memref<1x64x128xf32, #tpu.memory_space<vmem>>
              %dma_wait3A_209 = tpu.memref_squeeze %dma_wait3A_208 : memref<1x64x128xf32, #tpu.memory_space<vmem>> -> memref<64x128xf32, #tpu.memory_space<vmem>>
              %dma_wait3A_210 = tpu.memref_slice %arg10[%mul3A_205] : memref<2112xi32, #tpu.memory_space<vmem>> -> memref<64xi32, #tpu.memory_space<vmem>>
              %dma_wait3A_211 = arith.constant 0 : i32
              %dma_wait3A_212 = arith.constant 0 : i32
              %dma_wait3A_213 = tpu.memref_slice %arg6[%dma_wait3A_211, %dma_wait3A_212] : memref<10368x128xf32, #tpu.memory_space<vmem_shared>> -> memref<10368x128xf32, #tpu.memory_space<vmem_shared>>
              tpu.wait_indirect_dma semaphore(%arg19 : memref<!tpu.dma_semaphore, #tpu.memory_space<semaphore_mem>>) src(%dma_wait3A_209 : memref<64x128xf32, #tpu.memory_space<vmem>>) dst(%dma_wait3A_213 : memref<10368x128xf32, #tpu.memory_space<vmem_shared>>)
            } else {
            }
            %eq3A_189 = arith.constant 1 : i32
            %eq3A_190 = arith.cmpi eq, %and3A_183, %eq3A_189 : i32
            %convert_element_type3A_191 = arith.extui %eq3A_190 : i1 to i32
            %cond3A_192 = arith.constant 0 : i32
            %cond3A_193 = arith.cmpi ne, %convert_element_type3A_191, %cond3A_192 : i32
            scf.if %cond3A_193 {
              %mul3A_204 = arith.constant 64 : i32
              %mul3A_205 = arith.muli %sub3A_181, %mul3A_204 : i32
              %dma_wait3A = arith.constant 1 : i32
              %dma_wait3A_206 = arith.constant 0 : i32
              %dma_wait3A_207 = arith.constant 0 : i32
              %dma_wait3A_208 = tpu.memref_slice %arg11[%dma_wait3A, %dma_wait3A_206, %dma_wait3A_207] : memref<4x64x128xf32, #tpu.memory_space<vmem>> -> memref<1x64x128xf32, #tpu.memory_space<vmem>>
              %dma_wait3A_209 = tpu.memref_squeeze %dma_wait3A_208 : memref<1x64x128xf32, #tpu.memory_space<vmem>> -> memref<64x128xf32, #tpu.memory_space<vmem>>
              %dma_wait3A_210 = tpu.memref_slice %arg10[%mul3A_205] : memref<2112xi32, #tpu.memory_space<vmem>> -> memref<64xi32, #tpu.memory_space<vmem>>
              %dma_wait3A_211 = arith.constant 0 : i32
              %dma_wait3A_212 = arith.constant 0 : i32
              %dma_wait3A_213 = tpu.memref_slice %arg6[%dma_wait3A_211, %dma_wait3A_212] : memref<10368x128xf32, #tpu.memory_space<vmem_shared>> -> memref<10368x128xf32, #tpu.memory_space<vmem_shared>>
              tpu.wait_indirect_dma semaphore(%arg20 : memref<!tpu.dma_semaphore, #tpu.memory_space<semaphore_mem>>) src(%dma_wait3A_209 : memref<64x128xf32, #tpu.memory_space<vmem>>) dst(%dma_wait3A_213 : memref<10368x128xf32, #tpu.memory_space<vmem_shared>>)
            } else {
            }
            %eq3A_194 = arith.constant 2 : i32
            %eq3A_195 = arith.cmpi eq, %and3A_183, %eq3A_194 : i32
            %convert_element_type3A_196 = arith.extui %eq3A_195 : i1 to i32
            %cond3A_197 = arith.constant 0 : i32
            %cond3A_198 = arith.cmpi ne, %convert_element_type3A_196, %cond3A_197 : i32
            scf.if %cond3A_198 {
              %mul3A_204 = arith.constant 64 : i32
              %mul3A_205 = arith.muli %sub3A_181, %mul3A_204 : i32
              %dma_wait3A = arith.constant 2 : i32
              %dma_wait3A_206 = arith.constant 0 : i32
              %dma_wait3A_207 = arith.constant 0 : i32
              %dma_wait3A_208 = tpu.memref_slice %arg11[%dma_wait3A, %dma_wait3A_206, %dma_wait3A_207] : memref<4x64x128xf32, #tpu.memory_space<vmem>> -> memref<1x64x128xf32, #tpu.memory_space<vmem>>
              %dma_wait3A_209 = tpu.memref_squeeze %dma_wait3A_208 : memref<1x64x128xf32, #tpu.memory_space<vmem>> -> memref<64x128xf32, #tpu.memory_space<vmem>>
              %dma_wait3A_210 = tpu.memref_slice %arg10[%mul3A_205] : memref<2112xi32, #tpu.memory_space<vmem>> -> memref<64xi32, #tpu.memory_space<vmem>>
              %dma_wait3A_211 = arith.constant 0 : i32
              %dma_wait3A_212 = arith.constant 0 : i32
              %dma_wait3A_213 = tpu.memref_slice %arg6[%dma_wait3A_211, %dma_wait3A_212] : memref<10368x128xf32, #tpu.memory_space<vmem_shared>> -> memref<10368x128xf32, #tpu.memory_space<vmem_shared>>
              tpu.wait_indirect_dma semaphore(%arg21 : memref<!tpu.dma_semaphore, #tpu.memory_space<semaphore_mem>>) src(%dma_wait3A_209 : memref<64x128xf32, #tpu.memory_space<vmem>>) dst(%dma_wait3A_213 : memref<10368x128xf32, #tpu.memory_space<vmem_shared>>)
            } else {
            }
            %eq3A_199 = arith.constant 3 : i32
            %eq3A_200 = arith.cmpi eq, %and3A_183, %eq3A_199 : i32
            %convert_element_type3A_201 = arith.extui %eq3A_200 : i1 to i32
            %cond3A_202 = arith.constant 0 : i32
            %cond3A_203 = arith.cmpi ne, %convert_element_type3A_201, %cond3A_202 : i32
            scf.if %cond3A_203 {
              %mul3A_204 = arith.constant 64 : i32
              %mul3A_205 = arith.muli %sub3A_181, %mul3A_204 : i32
              %dma_wait3A = arith.constant 3 : i32
              %dma_wait3A_206 = arith.constant 0 : i32
              %dma_wait3A_207 = arith.constant 0 : i32
              %dma_wait3A_208 = tpu.memref_slice %arg11[%dma_wait3A, %dma_wait3A_206, %dma_wait3A_207] : memref<4x64x128xf32, #tpu.memory_space<vmem>> -> memref<1x64x128xf32, #tpu.memory_space<vmem>>
              %dma_wait3A_209 = tpu.memref_squeeze %dma_wait3A_208 : memref<1x64x128xf32, #tpu.memory_space<vmem>> -> memref<64x128xf32, #tpu.memory_space<vmem>>
              %dma_wait3A_210 = tpu.memref_slice %arg10[%mul3A_205] : memref<2112xi32, #tpu.memory_space<vmem>> -> memref<64xi32, #tpu.memory_space<vmem>>
              %dma_wait3A_211 = arith.constant 0 : i32
              %dma_wait3A_212 = arith.constant 0 : i32
              %dma_wait3A_213 = tpu.memref_slice %arg6[%dma_wait3A_211, %dma_wait3A_212] : memref<10368x128xf32, #tpu.memory_space<vmem_shared>> -> memref<10368x128xf32, #tpu.memory_space<vmem_shared>>
              tpu.wait_indirect_dma semaphore(%arg22 : memref<!tpu.dma_semaphore, #tpu.memory_space<semaphore_mem>>) src(%dma_wait3A_209 : memref<64x128xf32, #tpu.memory_space<vmem>>) dst(%dma_wait3A_213 : memref<10368x128xf32, #tpu.memory_space<vmem_shared>>)
            } else {
            }
          } else {
          }
        }
        %scan3A_62 = arith.constant 19 : i32
        %barrier3A_63 = arith.constant 0 : index
        tpu.barrier barrier_id(%barrier3A_63)
        %mul3A_64 = arith.constant 640 : i32
        %mul3A_65 = arith.muli %arg1, %mul3A_64 : i32
        %mul3A_66 = arith.constant 640 : i32
        %mul3A_67 = arith.muli %arg1, %mul3A_66 : i32
        %add3A_68 = arith.addi %mul3A_23, %mul3A_67 : i32
        "tpu.region"() ({
          %run_scoped3A = tpu.sem_alloc : memref<!tpu.dma_semaphore, #tpu.memory_space<semaphore_mem>>
          %dma_start3A_70 = arith.constant 0 : i32
          %dma_start3A_71 = tpu.memref_slice %arg5[%add3A_68, %dma_start3A_70] : memref<122880x128xf32, #tpu.memory_space<hbm>> -> memref<640x128xf32, #tpu.memory_space<hbm>>
          %dma_start3A_72 = arith.constant 0 : i32
          %dma_start3A_73 = tpu.memref_slice %arg6[%mul3A_65, %dma_start3A_72] : memref<10368x128xf32, #tpu.memory_space<vmem_shared>> -> memref<640x128xf32, #tpu.memory_space<vmem_shared>>
          tpu.enqueue_dma source(%dma_start3A_73 : memref<640x128xf32, #tpu.memory_space<vmem_shared>>) target(%dma_start3A_71 : memref<640x128xf32, #tpu.memory_space<hbm>>) target_semaphore(%run_scoped3A : memref<!tpu.dma_semaphore, #tpu.memory_space<semaphore_mem>>)
          %dma_wait3A = arith.constant 0 : i32
          %dma_wait3A_74 = tpu.memref_slice %arg5[%add3A_68, %dma_wait3A] : memref<122880x128xf32, #tpu.memory_space<hbm>> -> memref<640x128xf32, #tpu.memory_space<hbm>>
          %dma_wait3A_75 = arith.constant 0 : i32
          %dma_wait3A_76 = tpu.memref_slice %arg6[%mul3A_65, %dma_wait3A_75] : memref<10368x128xf32, #tpu.memory_space<vmem_shared>> -> memref<640x128xf32, #tpu.memory_space<vmem_shared>>
          tpu.wait_dma2 semaphore(%run_scoped3A : memref<!tpu.dma_semaphore, #tpu.memory_space<semaphore_mem>>) src(%dma_wait3A_76 : memref<640x128xf32, #tpu.memory_space<vmem_shared>>) dst(%dma_wait3A_74 : memref<640x128xf32, #tpu.memory_space<hbm>>)
          tpu.yield
        }) : () -> ()
        %barrier3A_69 = arith.constant 0 : index
        tpu.barrier barrier_id(%barrier3A_69)
      } else {
      }
    }
    %scan3A_17 = arith.constant 6 : i32
    return
  }
}

#map = affine_map<(d0, d1) -> (0)>
#map1 = affine_map<(d0, d1) -> (0, 0)>
module attributes {stable_mosaic.version = 14 : i64} {
  func.func @deg(%arg0: i32, %arg1: i32, %arg2: memref<622592xi32, #tpu.memory_space<hbm>>, %arg3: memref<32x123392xf32, #tpu.memory_space<hbm>>, %arg4: memref<123392xf32, #tpu.memory_space<vmem>>, %arg5: memref<2x2048xi32, #tpu.memory_space<vmem>>, %arg6: memref<!tpu.dma_semaphore, #tpu.memory_space<semaphore_mem>>, %arg7: memref<!tpu.dma_semaphore, #tpu.memory_space<semaphore_mem>>) attributes {dimension_semantics = [#tpu.dimension_semantics<core_parallel>, #tpu.dimension_semantics<subcore_parallel>], iteration_bounds = array<i64: 2, 16>, scalar_prefetch = 0 : i64, scratch_operands = 4 : i64, tpu.core_type = #tpu.core_type<sc_vector_subcore>, window_params = [{transform_indices = #map}, {transform_indices = #map1}]} {
    %broadcast_in_dim3A = arith.constant 0.000000e+00 : f32
    %broadcast_in_dim3A_0 = vector.broadcast %broadcast_in_dim3A : f32 to vector<16xf32>
    %broadcast_in_dim3A_1 = arith.constant 1.000000e+00 : f32
    %broadcast_in_dim3A_2 = vector.broadcast %broadcast_in_dim3A_1 : f32 to vector<16xf32>
    %mul3A = arith.constant 38912 : i32
    %mul3A_3 = arith.muli %arg1, %mul3A : i32
    %parallel_loop3A = arith.constant 0 : i32
    %parallel_loop3A_4 = arith.constant 7712 : i32
    %parallel_loop3A_5 = arith.constant 1 : i32
    scf.for %parallel_loop3A_23 = %parallel_loop3A to %parallel_loop3A_4 step %parallel_loop3A_5  : i32 {
      %parallel_loop3A_24 = arith.constant 16 : i32
      %parallel_loop3A_25 = arith.muli %parallel_loop3A_23, %parallel_loop3A_24 : i32
      %parallel_loop3A_26 = arith.index_cast %parallel_loop3A_25 : i32 to index
      %parallel_loop3A_27 = tpu.vector_load %arg4[%parallel_loop3A_26] {strides = array<i32>} : memref<123392xf32, #tpu.memory_space<vmem>>, vector<16xf32>,
      tpu.vector_store %arg4[%parallel_loop3A_26], %broadcast_in_dim3A_0 {strides = array<i32>} : memref<123392xf32, #tpu.memory_space<vmem>>, vector<16xf32>,
    } {sc.loop_unroll_factor = 8 : i64, sc.parallel_access}
    %add3A = arith.constant 0 : i32
    %add3A_6 = arith.addi %mul3A_3, %add3A : i32
    %dma_start3A = arith.constant 0 : i32
    %dma_start3A_7 = arith.constant 0 : i32
    %dma_start3A_8 = tpu.memref_slice %arg5[%dma_start3A, %dma_start3A_7] : memref<2x2048xi32, #tpu.memory_space<vmem>> -> memref<1x2048xi32, #tpu.memory_space<vmem>>
    %dma_start3A_9 = tpu.memref_squeeze %dma_start3A_8 : memref<1x2048xi32, #tpu.memory_space<vmem>> -> memref<2048xi32, #tpu.memory_space<vmem>>
    %dma_start3A_10 = tpu.memref_slice %arg2[%add3A_6] : memref<622592xi32, #tpu.memory_space<hbm>> -> memref<2048xi32, #tpu.memory_space<hbm>>
    %dma_start3A_11 = arith.constant 0 : i32
    %dma_start3A_12 = tpu.memref_slice %arg5[%dma_start3A, %dma_start3A_11] : memref<2x2048xi32, #tpu.memory_space<vmem>> -> memref<1x2048xi32, #tpu.memory_space<vmem>>
    %dma_start3A_13 = tpu.memref_squeeze %dma_start3A_12 : memref<1x2048xi32, #tpu.memory_space<vmem>> -> memref<2048xi32, #tpu.memory_space<vmem>>
    %dma_start3A_14 = tpu.memref_slice %arg2[%add3A_6] : memref<622592xi32, #tpu.memory_space<hbm>> -> memref<2048xi32, #tpu.memory_space<hbm>>
    tpu.enqueue_dma source(%dma_start3A_14 : memref<2048xi32, #tpu.memory_space<hbm>>) target(%dma_start3A_13 : memref<2048xi32, #tpu.memory_space<vmem>>) target_semaphore(%arg6 : memref<!tpu.dma_semaphore, #tpu.memory_space<semaphore_mem>>)
    %scan3A = arith.constant 0 : i32
    %scan3A_15 = arith.constant 0 : i32
    %scan3A_16 = arith.constant 19 : i32
    %scan3A_17 = arith.addi %scan3A_15, %scan3A_16 : i32
    %scan3A_18 = arith.constant 1 : i32
    scf.for %scan3A_23 = %scan3A_15 to %scan3A_17 step %scan3A_18  : i32 {
      %and3A = arith.constant 1 : i32
      %and3A_24 = arith.andi %scan3A_23, %and3A : i32
      %eq3A = arith.constant 0 : i32
      %eq3A_25 = arith.cmpi eq, %and3A_24, %eq3A : i32
      %convert_element_type3A = arith.extui %eq3A_25 : i1 to i32
      %cond3A = arith.constant 0 : i32
      %cond3A_26 = arith.cmpi ne, %convert_element_type3A, %cond3A : i32
      scf.if %cond3A_26 {
        %mul3A_38 = arith.constant 2048 : i32
        %mul3A_39 = arith.muli %scan3A_23, %mul3A_38 : i32
        %add3A_40 = arith.addi %mul3A_3, %mul3A_39 : i32
        %dma_wait3A = arith.constant 0 : i32
        %dma_wait3A_41 = arith.constant 0 : i32
        %dma_wait3A_42 = tpu.memref_slice %arg5[%dma_wait3A, %dma_wait3A_41] : memref<2x2048xi32, #tpu.memory_space<vmem>> -> memref<1x2048xi32, #tpu.memory_space<vmem>>
        %dma_wait3A_43 = tpu.memref_squeeze %dma_wait3A_42 : memref<1x2048xi32, #tpu.memory_space<vmem>> -> memref<2048xi32, #tpu.memory_space<vmem>>
        %dma_wait3A_44 = tpu.memref_slice %arg2[%add3A_40] : memref<622592xi32, #tpu.memory_space<hbm>> -> memref<2048xi32, #tpu.memory_space<hbm>>
        %dma_wait3A_45 = arith.constant 0 : i32
        %dma_wait3A_46 = tpu.memref_slice %arg5[%dma_wait3A, %dma_wait3A_45] : memref<2x2048xi32, #tpu.memory_space<vmem>> -> memref<1x2048xi32, #tpu.memory_space<vmem>>
        %dma_wait3A_47 = tpu.memref_squeeze %dma_wait3A_46 : memref<1x2048xi32, #tpu.memory_space<vmem>> -> memref<2048xi32, #tpu.memory_space<vmem>>
        %dma_wait3A_48 = tpu.memref_slice %arg2[%add3A_40] : memref<622592xi32, #tpu.memory_space<hbm>> -> memref<2048xi32, #tpu.memory_space<hbm>>
        tpu.wait_dma2 semaphore(%arg6 : memref<!tpu.dma_semaphore, #tpu.memory_space<semaphore_mem>>) src(%dma_wait3A_48 : memref<2048xi32, #tpu.memory_space<hbm>>) dst(%dma_wait3A_47 : memref<2048xi32, #tpu.memory_space<vmem>>)
        %add3A_49 = arith.constant 1 : i32
        %add3A_50 = arith.addi %scan3A_23, %add3A_49 : i32
        %lt3A = arith.constant 19 : i32
        %lt3A_51 = arith.cmpi slt, %add3A_50, %lt3A : i32
        %convert_element_type3A_52 = arith.extui %lt3A_51 : i1 to i32
        %cond3A_53 = arith.constant 0 : i32
        %cond3A_54 = arith.cmpi ne, %convert_element_type3A_52, %cond3A_53 : i32
        scf.if %cond3A_54 {
          %add3A_55 = arith.constant 1 : i32
          %add3A_56 = arith.addi %scan3A_23, %add3A_55 : i32
          %mul3A_57 = arith.constant 2048 : i32
          %mul3A_58 = arith.muli %add3A_56, %mul3A_57 : i32
          %add3A_59 = arith.addi %mul3A_3, %mul3A_58 : i32
          %dma_start3A_60 = arith.constant 1 : i32
          %dma_start3A_61 = arith.constant 0 : i32
          %dma_start3A_62 = tpu.memref_slice %arg5[%dma_start3A_60, %dma_start3A_61] : memref<2x2048xi32, #tpu.memory_space<vmem>> -> memref<1x2048xi32, #tpu.memory_space<vmem>>
          %dma_start3A_63 = tpu.memref_squeeze %dma_start3A_62 : memref<1x2048xi32, #tpu.memory_space<vmem>> -> memref<2048xi32, #tpu.memory_space<vmem>>
          %dma_start3A_64 = tpu.memref_slice %arg2[%add3A_59] : memref<622592xi32, #tpu.memory_space<hbm>> -> memref<2048xi32, #tpu.memory_space<hbm>>
          %dma_start3A_65 = arith.constant 0 : i32
          %dma_start3A_66 = tpu.memref_slice %arg5[%dma_start3A_60, %dma_start3A_65] : memref<2x2048xi32, #tpu.memory_space<vmem>> -> memref<1x2048xi32, #tpu.memory_space<vmem>>
          %dma_start3A_67 = tpu.memref_squeeze %dma_start3A_66 : memref<1x2048xi32, #tpu.memory_space<vmem>> -> memref<2048xi32, #tpu.memory_space<vmem>>
          %dma_start3A_68 = tpu.memref_slice %arg2[%add3A_59] : memref<622592xi32, #tpu.memory_space<hbm>> -> memref<2048xi32, #tpu.memory_space<hbm>>
          tpu.enqueue_dma source(%dma_start3A_68 : memref<2048xi32, #tpu.memory_space<hbm>>) target(%dma_start3A_67 : memref<2048xi32, #tpu.memory_space<vmem>>) target_semaphore(%arg7 : memref<!tpu.dma_semaphore, #tpu.memory_space<semaphore_mem>>)
        } else {
        }
      } else {
      }
      %eq3A_27 = arith.constant 1 : i32
      %eq3A_28 = arith.cmpi eq, %and3A_24, %eq3A_27 : i32
      %convert_element_type3A_29 = arith.extui %eq3A_28 : i1 to i32
      %cond3A_30 = arith.constant 0 : i32
      %cond3A_31 = arith.cmpi ne, %convert_element_type3A_29, %cond3A_30 : i32
      scf.if %cond3A_31 {
        %mul3A_38 = arith.constant 2048 : i32
        %mul3A_39 = arith.muli %scan3A_23, %mul3A_38 : i32
        %add3A_40 = arith.addi %mul3A_3, %mul3A_39 : i32
        %dma_wait3A = arith.constant 1 : i32
        %dma_wait3A_41 = arith.constant 0 : i32
        %dma_wait3A_42 = tpu.memref_slice %arg5[%dma_wait3A, %dma_wait3A_41] : memref<2x2048xi32, #tpu.memory_space<vmem>> -> memref<1x2048xi32, #tpu.memory_space<vmem>>
        %dma_wait3A_43 = tpu.memref_squeeze %dma_wait3A_42 : memref<1x2048xi32, #tpu.memory_space<vmem>> -> memref<2048xi32, #tpu.memory_space<vmem>>
        %dma_wait3A_44 = tpu.memref_slice %arg2[%add3A_40] : memref<622592xi32, #tpu.memory_space<hbm>> -> memref<2048xi32, #tpu.memory_space<hbm>>
        %dma_wait3A_45 = arith.constant 0 : i32
        %dma_wait3A_46 = tpu.memref_slice %arg5[%dma_wait3A, %dma_wait3A_45] : memref<2x2048xi32, #tpu.memory_space<vmem>> -> memref<1x2048xi32, #tpu.memory_space<vmem>>
        %dma_wait3A_47 = tpu.memref_squeeze %dma_wait3A_46 : memref<1x2048xi32, #tpu.memory_space<vmem>> -> memref<2048xi32, #tpu.memory_space<vmem>>
        %dma_wait3A_48 = tpu.memref_slice %arg2[%add3A_40] : memref<622592xi32, #tpu.memory_space<hbm>> -> memref<2048xi32, #tpu.memory_space<hbm>>
        tpu.wait_dma2 semaphore(%arg7 : memref<!tpu.dma_semaphore, #tpu.memory_space<semaphore_mem>>) src(%dma_wait3A_48 : memref<2048xi32, #tpu.memory_space<hbm>>) dst(%dma_wait3A_47 : memref<2048xi32, #tpu.memory_space<vmem>>)
        %add3A_49 = arith.constant 1 : i32
        %add3A_50 = arith.addi %scan3A_23, %add3A_49 : i32
        %lt3A = arith.constant 19 : i32
        %lt3A_51 = arith.cmpi slt, %add3A_50, %lt3A : i32
        %convert_element_type3A_52 = arith.extui %lt3A_51 : i1 to i32
        %cond3A_53 = arith.constant 0 : i32
        %cond3A_54 = arith.cmpi ne, %convert_element_type3A_52, %cond3A_53 : i32
        scf.if %cond3A_54 {
          %add3A_55 = arith.constant 1 : i32
          %add3A_56 = arith.addi %scan3A_23, %add3A_55 : i32
          %mul3A_57 = arith.constant 2048 : i32
          %mul3A_58 = arith.muli %add3A_56, %mul3A_57 : i32
          %add3A_59 = arith.addi %mul3A_3, %mul3A_58 : i32
          %dma_start3A_60 = arith.constant 0 : i32
          %dma_start3A_61 = arith.constant 0 : i32
          %dma_start3A_62 = tpu.memref_slice %arg5[%dma_start3A_60, %dma_start3A_61] : memref<2x2048xi32, #tpu.memory_space<vmem>> -> memref<1x2048xi32, #tpu.memory_space<vmem>>
          %dma_start3A_63 = tpu.memref_squeeze %dma_start3A_62 : memref<1x2048xi32, #tpu.memory_space<vmem>> -> memref<2048xi32, #tpu.memory_space<vmem>>
          %dma_start3A_64 = tpu.memref_slice %arg2[%add3A_59] : memref<622592xi32, #tpu.memory_space<hbm>> -> memref<2048xi32, #tpu.memory_space<hbm>>
          %dma_start3A_65 = arith.constant 0 : i32
          %dma_start3A_66 = tpu.memref_slice %arg5[%dma_start3A_60, %dma_start3A_65] : memref<2x2048xi32, #tpu.memory_space<vmem>> -> memref<1x2048xi32, #tpu.memory_space<vmem>>
          %dma_start3A_67 = tpu.memref_squeeze %dma_start3A_66 : memref<1x2048xi32, #tpu.memory_space<vmem>> -> memref<2048xi32, #tpu.memory_space<vmem>>
          %dma_start3A_68 = tpu.memref_slice %arg2[%add3A_59] : memref<622592xi32, #tpu.memory_space<hbm>> -> memref<2048xi32, #tpu.memory_space<hbm>>
          tpu.enqueue_dma source(%dma_start3A_68 : memref<2048xi32, #tpu.memory_space<hbm>>) target(%dma_start3A_67 : memref<2048xi32, #tpu.memory_space<vmem>>) target_semaphore(%arg6 : memref<!tpu.dma_semaphore, #tpu.memory_space<semaphore_mem>>)
        } else {
        }
      } else {
      }
      %scan3A_32 = arith.constant 0 : i32
      %scan3A_33 = arith.constant 0 : i32
      %scan3A_34 = arith.constant 128 : i32
      %scan3A_35 = arith.addi %scan3A_33, %scan3A_34 : i32
      %scan3A_36 = arith.constant 1 : i32
      scf.for %scan3A_38 = %scan3A_33 to %scan3A_35 step %scan3A_36  : i32 {
        %mul3A_39 = arith.constant 16 : i32
        %mul3A_40 = arith.muli %scan3A_38, %mul3A_39 : i32
        %get3A = arith.index_cast %and3A_24 : i32 to index
        %get3A_41 = arith.index_cast %mul3A_40 : i32 to index
        %get3A_42 = tpu.vector_load %arg5[%get3A, %get3A_41] {strides = array<i32>} : memref<2x2048xi32, #tpu.memory_space<vmem>>, vector<16xi32>,
        tpu.vector_store_idx %arg4[%get3A_42], %broadcast_in_dim3A_2 {add = true} : memref<123392xf32, #tpu.memory_space<vmem>>[vector<16xi32>], vector<16xf32>,
      }
      %scan3A_37 = arith.constant 128 : i32
    }
    %scan3A_19 = arith.constant 19 : i32
    %mul3A_20 = arith.constant 16 : i32
    %mul3A_21 = arith.muli %arg0, %mul3A_20 : i32
    %add3A_22 = arith.addi %mul3A_21, %arg1 : i32
    "tpu.region"() ({
      %run_scoped3A = tpu.sem_alloc : memref<!tpu.dma_semaphore, #tpu.memory_space<semaphore_mem>>
      %dma_start3A_23 = arith.constant 0 : i32
      %dma_start3A_24 = tpu.memref_slice %arg3[%add3A_22, %dma_start3A_23] : memref<32x123392xf32, #tpu.memory_space<hbm>> -> memref<1x123392xf32, #tpu.memory_space<hbm>>
      %dma_start3A_25 = tpu.memref_squeeze %dma_start3A_24 : memref<1x123392xf32, #tpu.memory_space<hbm>> -> memref<123392xf32, #tpu.memory_space<hbm>>
      %dma_start3A_26 = arith.constant 0 : i32
      %dma_start3A_27 = tpu.memref_slice %arg3[%add3A_22, %dma_start3A_26] : memref<32x123392xf32, #tpu.memory_space<hbm>> -> memref<1x123392xf32, #tpu.memory_space<hbm>>
      %dma_start3A_28 = tpu.memref_squeeze %dma_start3A_27 : memref<1x123392xf32, #tpu.memory_space<hbm>> -> memref<123392xf32, #tpu.memory_space<hbm>>
      tpu.enqueue_dma source(%arg4 : memref<123392xf32, #tpu.memory_space<vmem>>) target(%dma_start3A_28 : memref<123392xf32, #tpu.memory_space<hbm>>) target_semaphore(%run_scoped3A : memref<!tpu.dma_semaphore, #tpu.memory_space<semaphore_mem>>)
      %dma_wait3A = arith.constant 0 : i32
      %dma_wait3A_29 = tpu.memref_slice %arg3[%add3A_22, %dma_wait3A] : memref<32x123392xf32, #tpu.memory_space<hbm>> -> memref<1x123392xf32, #tpu.memory_space<hbm>>
      %dma_wait3A_30 = tpu.memref_squeeze %dma_wait3A_29 : memref<1x123392xf32, #tpu.memory_space<hbm>> -> memref<123392xf32, #tpu.memory_space<hbm>>
      %dma_wait3A_31 = arith.constant 0 : i32
      %dma_wait3A_32 = tpu.memref_slice %arg3[%add3A_22, %dma_wait3A_31] : memref<32x123392xf32, #tpu.memory_space<hbm>> -> memref<1x123392xf32, #tpu.memory_space<hbm>>
      %dma_wait3A_33 = tpu.memref_squeeze %dma_wait3A_32 : memref<1x123392xf32, #tpu.memory_space<hbm>> -> memref<123392xf32, #tpu.memory_space<hbm>>
      tpu.wait_dma2 semaphore(%run_scoped3A : memref<!tpu.dma_semaphore, #tpu.memory_space<semaphore_mem>>) src(%arg4 : memref<123392xf32, #tpu.memory_space<vmem>>) dst(%dma_wait3A_33 : memref<123392xf32, #tpu.memory_space<hbm>>)
      tpu.yield
    }) : () -> ()
    return
  }
}

module attributes {stable_mosaic.version = 14 : i64} {
  func.func @_fuse_mm(%arg0: i32, %arg1: memref<512x384xf32, #tpu.memory_space<vmem>>, %arg2: memref<384x128xf32, #tpu.memory_space<vmem>>, %arg3: memref<512x128xf32, #tpu.memory_space<vmem>>) attributes {dimension_semantics = [#tpu.dimension_semantics<arbitrary>], iteration_bounds = array<i64: 149>, scalar_prefetch = 0 : i64, scratch_operands = 0 : i64, tpu.core_type = #tpu.core_type<tc>, window_params = [{transform_indices = @transform_0, window_bounds = array<i64: 512, 384>}, {pipeline_mode = #tpu.pipeline_mode<synchronous>, transform_indices = @transform_1, window_bounds = array<i64: 384, 128>}, {transform_indices = @transform_2, window_bounds = array<i64: 512, 128>}]} {
    %get3A = arith.constant 0 : index
    %get3A_0 = arith.constant 0 : index
    %get3A_1 = vector.load %arg1[%get3A, %get3A_0] : memref<512x384xf32, #tpu.memory_space<vmem>>, vector<512x384xf32>
    %get3A_2 = arith.constant 0 : index
    %get3A_3 = arith.constant 0 : index
    %get3A_4 = vector.load %arg2[%get3A_2, %get3A_3] : memref<384x128xf32, #tpu.memory_space<vmem>>, vector<384x128xf32>
    %dot_general3A = arith.constant dense<0.000000e+00> : vector<512x128xf32>
    %dot_general3A_5 = tpu.matmul %get3A_1, %get3A_4, %dot_general3A {dimension_numbers = #tpu.dot_dimension_numbers<[1], [0], [0], [1], [0, 0, 1, 1], [], []>, transpose_lhs_hint = false} : vector<512x384xf32>, vector<384x128xf32>, vector<512x128xf32> -> vector<512x128xf32>
    %swap3A = arith.constant 0 : index
    %swap3A_6 = arith.constant 0 : index
    %swap3A_7 = vector.load %arg3[%swap3A, %swap3A_6] : memref<512x128xf32, #tpu.memory_space<vmem>>, vector<512x128xf32>
    tpu.vector_store %arg3[%swap3A, %swap3A_6], %dot_general3A_5 {strides = array<i32>} : memref<512x128xf32, #tpu.memory_space<vmem>>, vector<512x128xf32>,
    return
  }
  func.func @transform_0(%arg0: i32) -> (i32, i32) {
    %c0_i32 = arith.constant 0 : i32
    %c0_i32_0 = arith.constant 0 : i32
    return %arg0, %c0_i32 : i32, i32
  }
  func.func @transform_1(%arg0: i32) -> (i32, i32) {
    %c0_i32 = arith.constant 0 : i32
    %c0_i32_0 = arith.constant 0 : i32
    %c0_i32_1 = arith.constant 0 : i32
    return %c0_i32, %c0_i32_0 : i32, i32
  }
  func.func @transform_2(%arg0: i32) -> (i32, i32) {
    %c0_i32 = arith.constant 0 : i32
    %c0_i32_0 = arith.constant 0 : i32
    return %arg0, %c0_i32 : i32, i32
  }
}

module attributes {stable_mosaic.version = 14 : i64} {
  func.func @_layer1_body(%arg0: i32, %arg1: memref<512x128xf32, #tpu.memory_space<vmem>>, %arg2: memref<32x512xf32, #tpu.memory_space<vmem>>, %arg3: memref<512x128xf32, #tpu.memory_space<vmem>>, %arg4: memref<128x128xf32, #tpu.memory_space<vmem>>, %arg5: memref<1x128xf32, #tpu.memory_space<vmem>>, %arg6: memref<128x128xf32, #tpu.memory_space<vmem>>, %arg7: memref<128x64xf32, #tpu.memory_space<vmem>>, %arg8: memref<128x64xf32, #tpu.memory_space<vmem>>, %arg9: memref<1x64xf32, #tpu.memory_space<vmem>>, %arg10: memref<512x64xf32, #tpu.memory_space<vmem>>, %arg11: memref<512x64xf32, #tpu.memory_space<vmem>>) attributes {dimension_semantics = [#tpu.dimension_semantics<arbitrary>], iteration_bounds = array<i64: 240>, scalar_prefetch = 0 : i64, scratch_operands = 0 : i64, tpu.core_type = #tpu.core_type<tc>, window_params = [{transform_indices = @transform_0, window_bounds = array<i64: 512, 128>}, {transform_indices = @transform_1, window_bounds = array<i64: 32, 512>}, {transform_indices = @transform_2, window_bounds = array<i64: 512, 128>}, {pipeline_mode = #tpu.pipeline_mode<synchronous>, transform_indices = @transform_3, window_bounds = array<i64: 128, 128>}, {pipeline_mode = #tpu.pipeline_mode<synchronous>, transform_indices = @transform_4, window_bounds = array<i64: 1, 128>}, {pipeline_mode = #tpu.pipeline_mode<synchronous>, transform_indices = @transform_5, window_bounds = array<i64: 128, 128>}, {pipeline_mode = #tpu.pipeline_mode<synchronous>, transform_indices = @transform_6, window_bounds = array<i64: 128, 64>}, {pipeline_mode = #tpu.pipeline_mode<synchronous>, transform_indices = @transform_7, window_bounds = array<i64: 128, 64>}, {pipeline_mode = #tpu.pipeline_mode<synchronous>, transform_indices = @transform_8, window_bounds = array<i64: 1, 64>}, {transform_indices = @transform_9, window_bounds = array<i64: 512, 64>}, {transform_indices = @transform_10, window_bounds = array<i64: 512, 64>}]} {
    %get3A = arith.constant 0 : index
    %get3A_0 = arith.constant 0 : index
    %get3A_1 = vector.load %arg2[%get3A, %get3A_0] : memref<32x512xf32, #tpu.memory_space<vmem>>, vector<32x512xf32>
    %reduce_sum3A = arith.constant dense<0.000000e+00> : vector<512xf32>
    %reduce_sum3A_2 = vector.multi_reduction <add>, %get3A_1, %reduce_sum3A [0] : vector<32x512xf32> to vector<512xf32>
    %max3A = arith.constant 2.000000e+00 : f32
    %max3A_3 = vector.broadcast %max3A : f32 to vector<512xf32>
    %max3A_4 = arith.maximumf %reduce_sum3A_2, %max3A_3 : vector<512xf32>
    %div3A = arith.constant 2.000000e+00 : f32
    %div3A_5 = vector.broadcast %div3A : f32 to vector<512xf32>
    %div3A_6 = arith.divf %div3A_5, %max3A_4 : vector<512xf32>
    %broadcast_in_dim3A = vector.shape_cast %div3A_6 : vector<512xf32> to vector<512x1xf32>
    %get3A_7 = arith.constant 0 : index
    %get3A_8 = arith.constant 0 : index
    %get3A_9 = vector.load %arg1[%get3A_7, %get3A_8] : memref<512x128xf32, #tpu.memory_space<vmem>>, vector<512x128xf32>
    %mul3A = vector.broadcast %broadcast_in_dim3A : vector<512x1xf32> to vector<512x128xf32>
    %mul3A_10 = arith.mulf %get3A_9, %mul3A : vector<512x128xf32>
    %get3A_11 = arith.constant 0 : index
    %get3A_12 = arith.constant 0 : index
    %get3A_13 = vector.load %arg4[%get3A_11, %get3A_12] : memref<128x128xf32, #tpu.memory_space<vmem>>, vector<128x128xf32>
    %dot_general3A = arith.constant dense<0.000000e+00> : vector<512x128xf32>
    %dot_general3A_14 = tpu.matmul %mul3A_10, %get3A_13, %dot_general3A {dimension_numbers = #tpu.dot_dimension_numbers<[1], [0], [0], [1], [0, 0, 1, 1], [], []>, transpose_lhs_hint = false} : vector<512x128xf32>, vector<128x128xf32>, vector<512x128xf32> -> vector<512x128xf32>
    %get3A_15 = arith.constant 0 : index
    %get3A_16 = arith.constant 0 : index
    %get3A_17 = vector.load %arg5[%get3A_15, %get3A_16] : memref<1x128xf32, #tpu.memory_space<vmem>>, vector<1x128xf32>
    %add3A = vector.broadcast %get3A_17 : vector<1x128xf32> to vector<512x128xf32>
    %add3A_18 = arith.addf %dot_general3A_14, %add3A : vector<512x128xf32>
    %get3A_19 = arith.constant 0 : index
    %get3A_20 = arith.constant 0 : index
    %get3A_21 = vector.load %arg3[%get3A_19, %get3A_20] : memref<512x128xf32, #tpu.memory_space<vmem>>, vector<512x128xf32>
    %get3A_22 = arith.constant 0 : index
    %get3A_23 = arith.constant 0 : index
    %get3A_24 = vector.load %arg6[%get3A_22, %get3A_23] : memref<128x128xf32, #tpu.memory_space<vmem>>, vector<128x128xf32>
    %dot_general3A_25 = arith.constant dense<0.000000e+00> : vector<512x128xf32>
    %dot_general3A_26 = tpu.matmul %get3A_21, %get3A_24, %dot_general3A_25 {dimension_numbers = #tpu.dot_dimension_numbers<[1], [0], [0], [1], [0, 0, 1, 1], [], []>, transpose_lhs_hint = false} : vector<512x128xf32>, vector<128x128xf32>, vector<512x128xf32> -> vector<512x128xf32>
    %add3A_27 = arith.addf %add3A_18, %dot_general3A_26 : vector<512x128xf32>
    %gt3A = arith.constant 0.000000e+00 : f32
    %gt3A_28 = vector.broadcast %gt3A : f32 to vector<512x128xf32>
    %gt3A_29 = arith.cmpf ogt, %add3A_27, %gt3A_28 : vector<512x128xf32>
    %mul3A_30 = arith.constant 0.00999999977 : f32
    %mul3A_31 = vector.broadcast %mul3A_30 : f32 to vector<512x128xf32>
    %mul3A_32 = arith.mulf %mul3A_31, %add3A_27 : vector<512x128xf32>
    %select_n3A = arith.select %gt3A_29, %add3A_27, %mul3A_32 : vector<512x128xi1>, vector<512x128xf32>
    %get3A_33 = arith.constant 0 : index
    %get3A_34 = arith.constant 0 : index
    %get3A_35 = vector.load %arg7[%get3A_33, %get3A_34] : memref<128x64xf32, #tpu.memory_space<vmem>>, vector<128x64xf32>
    %dot_general3A_36 = arith.constant dense<0.000000e+00> : vector<512x64xf32>
    %dot_general3A_37 = tpu.matmul %select_n3A, %get3A_35, %dot_general3A_36 {dimension_numbers = #tpu.dot_dimension_numbers<[1], [0], [0], [1], [0, 0, 1, 1], [], []>, transpose_lhs_hint = false} : vector<512x128xf32>, vector<128x64xf32>, vector<512x64xf32> -> vector<512x64xf32>
    %swap3A = arith.constant 0 : index
    %swap3A_38 = arith.constant 0 : index
    %swap3A_39 = vector.load %arg10[%swap3A, %swap3A_38] : memref<512x64xf32, #tpu.memory_space<vmem>>, vector<512x64xf32>
    tpu.vector_store %arg10[%swap3A, %swap3A_38], %dot_general3A_37 {strides = array<i32>} : memref<512x64xf32, #tpu.memory_space<vmem>>, vector<512x64xf32>,
    %get3A_40 = arith.constant 0 : index
    %get3A_41 = arith.constant 0 : index
    %get3A_42 = vector.load %arg8[%get3A_40, %get3A_41] : memref<128x64xf32, #tpu.memory_space<vmem>>, vector<128x64xf32>
    %dot_general3A_43 = arith.constant dense<0.000000e+00> : vector<512x64xf32>
    %dot_general3A_44 = tpu.matmul %select_n3A, %get3A_42, %dot_general3A_43 {dimension_numbers = #tpu.dot_dimension_numbers<[1], [0], [0], [1], [0, 0, 1, 1], [], []>, transpose_lhs_hint = false} : vector<512x128xf32>, vector<128x64xf32>, vector<512x64xf32> -> vector<512x64xf32>
    %get3A_45 = arith.constant 0 : index
    %get3A_46 = arith.constant 0 : index
    %get3A_47 = vector.load %arg9[%get3A_45, %get3A_46] : memref<1x64xf32, #tpu.memory_space<vmem>>, vector<1x64xf32>
    %add3A_48 = vector.broadcast %get3A_47 : vector<1x64xf32> to vector<512x64xf32>
    %add3A_49 = arith.addf %dot_general3A_44, %add3A_48 : vector<512x64xf32>
    %swap3A_50 = arith.constant 0 : index
    %swap3A_51 = arith.constant 0 : index
    %swap3A_52 = vector.load %arg11[%swap3A_50, %swap3A_51] : memref<512x64xf32, #tpu.memory_space<vmem>>, vector<512x64xf32>
    tpu.vector_store %arg11[%swap3A_50, %swap3A_51], %add3A_49 {strides = array<i32>} : memref<512x64xf32, #tpu.memory_space<vmem>>, vector<512x64xf32>,
    return
  }
  func.func @transform_0(%arg0: i32) -> (i32, i32) {
    %c0_i32 = arith.constant 0 : i32
    %c0_i32_0 = arith.constant 0 : i32
    return %arg0, %c0_i32 : i32, i32
  }
  func.func @transform_1(%arg0: i32) -> (i32, i32) {
    %c0_i32 = arith.constant 0 : i32
    %c0_i32_0 = arith.constant 0 : i32
    return %c0_i32, %arg0 : i32, i32
  }
  func.func @transform_2(%arg0: i32) -> (i32, i32) {
    %c0_i32 = arith.constant 0 : i32
    %c0_i32_0 = arith.constant 0 : i32
    return %arg0, %c0_i32 : i32, i32
  }
  func.func @transform_3(%arg0: i32) -> (i32, i32) {
    %c0_i32 = arith.constant 0 : i32
    %c0_i32_0 = arith.constant 0 : i32
    %c0_i32_1 = arith.constant 0 : i32
    return %c0_i32, %c0_i32_0 : i32, i32
  }
  func.func @transform_4(%arg0: i32) -> (i32, i32) {
    %c0_i32 = arith.constant 0 : i32
    %c0_i32_0 = arith.constant 0 : i32
    %c0_i32_1 = arith.constant 0 : i32
    return %c0_i32, %c0_i32_0 : i32, i32
  }
  func.func @transform_5(%arg0: i32) -> (i32, i32) {
    %c0_i32 = arith.constant 0 : i32
    %c0_i32_0 = arith.constant 0 : i32
    %c0_i32_1 = arith.constant 0 : i32
    return %c0_i32, %c0_i32_0 : i32, i32
  }
  func.func @transform_6(%arg0: i32) -> (i32, i32) {
    %c0_i32 = arith.constant 0 : i32
    %c0_i32_0 = arith.constant 0 : i32
    %c0_i32_1 = arith.constant 0 : i32
    return %c0_i32, %c0_i32_0 : i32, i32
  }
  func.func @transform_7(%arg0: i32) -> (i32, i32) {
    %c0_i32 = arith.constant 0 : i32
    %c0_i32_0 = arith.constant 0 : i32
    %c0_i32_1 = arith.constant 0 : i32
    return %c0_i32, %c0_i32_0 : i32, i32
  }
  func.func @transform_8(%arg0: i32) -> (i32, i32) {
    %c0_i32 = arith.constant 0 : i32
    %c0_i32_0 = arith.constant 0 : i32
    %c0_i32_1 = arith.constant 0 : i32
    return %c0_i32, %c0_i32_0 : i32, i32
  }
  func.func @transform_9(%arg0: i32) -> (i32, i32) {
    %c0_i32 = arith.constant 0 : i32
    %c0_i32_0 = arith.constant 0 : i32
    return %arg0, %c0_i32 : i32, i32
  }
  func.func @transform_10(%arg0: i32) -> (i32, i32) {
    %c0_i32 = arith.constant 0 : i32
    %c0_i32_0 = arith.constant 0 : i32
    return %arg0, %c0_i32 : i32, i32
  }
}

module attributes {stable_mosaic.version = 14 : i64} {
  func.func @_layer2_body(%arg0: i32, %arg1: memref<512x64xf32, #tpu.memory_space<vmem>>, %arg2: memref<32x512xf32, #tpu.memory_space<vmem>>, %arg3: memref<512x64xf32, #tpu.memory_space<vmem>>, %arg4: memref<512x64xf32, #tpu.memory_space<vmem>>) attributes {dimension_semantics = [#tpu.dimension_semantics<arbitrary>], iteration_bounds = array<i64: 240>, scalar_prefetch = 0 : i64, scratch_operands = 0 : i64, tpu.core_type = #tpu.core_type<tc>, window_params = [{transform_indices = @transform_0, window_bounds = array<i64: 512, 64>}, {transform_indices = @transform_1, window_bounds = array<i64: 32, 512>}, {transform_indices = @transform_2, window_bounds = array<i64: 512, 64>}, {transform_indices = @transform_3, window_bounds = array<i64: 512, 64>}]} {
    %get3A = arith.constant 0 : index
    %get3A_0 = arith.constant 0 : index
    %get3A_1 = vector.load %arg2[%get3A, %get3A_0] : memref<32x512xf32, #tpu.memory_space<vmem>>, vector<32x512xf32>
    %reduce_sum3A = arith.constant dense<0.000000e+00> : vector<512xf32>
    %reduce_sum3A_2 = vector.multi_reduction <add>, %get3A_1, %reduce_sum3A [0] : vector<32x512xf32> to vector<512xf32>
    %max3A = arith.constant 2.000000e+00 : f32
    %max3A_3 = vector.broadcast %max3A : f32 to vector<512xf32>
    %max3A_4 = arith.maximumf %reduce_sum3A_2, %max3A_3 : vector<512xf32>
    %div3A = arith.constant 2.000000e+00 : f32
    %div3A_5 = vector.broadcast %div3A : f32 to vector<512xf32>
    %div3A_6 = arith.divf %div3A_5, %max3A_4 : vector<512xf32>
    %broadcast_in_dim3A = vector.shape_cast %div3A_6 : vector<512xf32> to vector<512x1xf32>
    %get3A_7 = arith.constant 0 : index
    %get3A_8 = arith.constant 0 : index
    %get3A_9 = vector.load %arg1[%get3A_7, %get3A_8] : memref<512x64xf32, #tpu.memory_space<vmem>>, vector<512x64xf32>
    %mul3A = vector.broadcast %broadcast_in_dim3A : vector<512x1xf32> to vector<512x64xf32>
    %mul3A_10 = arith.mulf %get3A_9, %mul3A : vector<512x64xf32>
    %get3A_11 = arith.constant 0 : index
    %get3A_12 = arith.constant 0 : index
    %get3A_13 = vector.load %arg3[%get3A_11, %get3A_12] : memref<512x64xf32, #tpu.memory_space<vmem>>, vector<512x64xf32>
    %add3A = arith.addf %mul3A_10, %get3A_13 : vector<512x64xf32>
    %swap3A = arith.constant 0 : index
    %swap3A_14 = arith.constant 0 : index
    %swap3A_15 = vector.load %arg4[%swap3A, %swap3A_14] : memref<512x64xf32, #tpu.memory_space<vmem>>, vector<512x64xf32>
    tpu.vector_store %arg4[%swap3A, %swap3A_14], %add3A {strides = array<i32>} : memref<512x64xf32, #tpu.memory_space<vmem>>, vector<512x64xf32>,
    return
  }
  func.func @transform_0(%arg0: i32) -> (i32, i32) {
    %c0_i32 = arith.constant 0 : i32
    %c0_i32_0 = arith.constant 0 : i32
    return %arg0, %c0_i32 : i32, i32
  }
  func.func @transform_1(%arg0: i32) -> (i32, i32) {
    %c0_i32 = arith.constant 0 : i32
    %c0_i32_0 = arith.constant 0 : i32
    return %c0_i32, %arg0 : i32, i32
  }
  func.func @transform_2(%arg0: i32) -> (i32, i32) {
    %c0_i32 = arith.constant 0 : i32
    %c0_i32_0 = arith.constant 0 : i32
    return %arg0, %c0_i32 : i32, i32
  }
  func.func @transform_3(%arg0: i32) -> (i32, i32) {
    %c0_i32 = arith.constant 0 : i32
    %c0_i32_0 = arith.constant 0 : i32
    return %arg0, %c0_i32 : i32, i32
  }
}

</mosaic_0001>

<sc_bundles>
// kernel: kernel.11.cloned.1.call-start
scs
__scs_entry_jumppad:
0x0: {  	(pc) =	sbr.rel $0x88, $3  }
0x1: {  	(tag) =	ssettag $0x0;
	lr =	simm.s32 $0x1  }
0x2: {  	[smem:$0x3F97] =	sst lr;
	_ =	strace $0xD0000000  }
0x3: {  	_ = 	snop  }
0x4: {  	_ = 	snop  }
0x5: {  	_ = 	snop  }
0x6: {  	_ = 	snop  }
0x7: {  	_ = 	snop  }
__scs_overlays_trampoline_lowered:
0x8: {  	[smem:$0x3FA6] =	sst s0  }
0x9: {  	[smem:$0x3FA7] =	sst s1  }
0xa: {  	[smem:$0x3FA8] =	sst s2  }
0xb: {  	[smem:$0x3FA9] =	sst s3  }
0xc: {  	[smem:$0x3FAA] =	sst s4  }
0xd: {  	[smem:$0x3FAB] =	sst s5  }
0xe: {  	[smem:$0x3FAC] =	sst s6  }
0xf: {  	[smem:$0x3FAD] =	sst s7  }
0x10: {  	[smem:$0x3FAE] =	sst s8  }
0x11: {  	[smem:$0x3FAF] =	sst s9;
	s0 =	simm.s32 @!p0 $0x0  }
0x12: {  	s1 =	sld [smem:$0x3F95];
	s0 =	simm.s32 @p0 $0x1  }
0x13: {  	[smem:$0x3FB0] =	sst s0;
	s0 =	simm.s32 @!p1 $0x0  }
0x14: {  	s2 =	sld [smem:$0x3F94];
	s0 =	simm.s32 @p1 $0x1  }
0x15: {  	[smem:$0x3FB1] =	sst s0;
	s0 =	simm.s32 @!p2 $0x0  }
0x16: {  	s3 =	sld [smem:$0x3FDB];
	s0 =	simm.s32 @p2 $0x1  }
0x17: {  	s4 =	simm.s32 $0x1BF5;
	[smem:$0x3FB3] =	sst s0  }
0x18: {  	s0 =	sld [smem:$0x3F96];
	_ =	swait.ge [sflag:s4], $0x0  }
0x19: {  	s7 =	sld [smem:$0x3F97]  }
0x1a: {  	s8 =	sadd.s32 $0xFFFFE003, lr  }
0x1b: {  	s9 =	sadd.s32 $0xFFFFFEF7, lr;
	s5 =	simm.s32 $0xFFFFFFFF;
	p2 =	slt.u32 s8, $0xFFFFF086  }
0x1c: {  	p1 =	slt.u32 s9, $0xF7A;
	s5 =	simm.s32 @!p2 $0x0  }
0x1d: {  	s5 =	simm.s32 @p1 $0x1;
	p0 =	seq.s32 s7, s2  }
0x1e: {  	s7 =	smul.u32 @!p0 $0xF7A, s2;
	p2 =	seq.s32 @!p0 s5, $0x0  }
0x1f: {  	s9 =	smul.u32 $0xF7A, s1;
	s8 =	simm.s32 @!p0 $0x1BF5;
	p2 =	por !p2, p0  }
0x20: {  	[sflag:s8] =	ssyncset.s32 @!p0 $0xFFFFF086;
	s6 =	sadd.s32 @!p0 s3, s7;
	s7 =	simm.s32 @!p0 $0x108  }
0x21: {  	s3 =	sadd.s32 s3, s9;
	s6 =	sadd.s32 @!p0 $0x88, s6;
	s7 =	simm.s32 @p2 $0x1082  }
0x22: {  	[simem:s7], [sflag:s8] =	dma.local @!p0 [hbm:s6], $0xF7A  }
0x23: {  	s9 =	sor.u32 $0xD0000000, s2;
	s6 =	simm.s32 $0x108;
	_ =	swait.ge @!p0 [sflag:s8], $0x0  }
0x24: {  	s3 =	sadd.s32 $0x88, s3;
	s6 =	simm.s32 @!p1 $0x1082;
	[sflag:s4] =	ssyncset.s32 $0xFFFFF086  }
0x25: {  	[simem:s6], [sflag:s4] =	dma.local [hbm:s3], $0xF7A  }
0x26: {  	[smem:$0x3F97] =	sst s1;
	(tag) =	ssettag s2;
	_ =	strace s9  }
0x27: {  	s1 =	sld [smem:$0x3FA7]  }
0x28: {  	s2 =	sld [smem:$0x3FA8]  }
0x29: {  	s4 =	sld [smem:$0x3FAA]  }
0x2a: {  	p0 =	seq.s32 s5, $0x0;
	s5 =	sld [smem:$0x3FAB]  }
0x2b: {  	s6 =	sld [smem:$0x3FAC]  }
0x2c: {  	s7 =	sld [smem:$0x3FAD]  }
0x2d: {  	s3 =	simm.s32 $0x108;
	s8 =	sld [smem:$0x3FAE]  }
0x2e: {  	s3 =	simm.s32 @!p0 $0x1082;
	s9 =	sld [smem:$0x3FAF]  }
0x2f: {  	lr =	sadd.s32 s0, s3;
	s0 =	sld [smem:$0x3FA6]  }
0x30: {  	s3 =	sld [smem:$0x3FA9]  }
0x31: {  	[smem:$0x3FB2] =	sst s10  }
0x32: {  	s10 =	sld [smem:$0x3FB0];
	_ =	sdelay $0x3  }
0x33: {  	p0 =	seq.s32 s10, $0x1;
	s10 =	sld [smem:$0x3FB2];
	_ =	sdelay $0x3  }
0x34: {  	[smem:$0x3FB2] =	sst s10  }
0x35: {  	s10 =	sld [smem:$0x3FB1];
	_ =	sdelay $0x3  }
0x36: {  	p1 =	seq.s32 s10, $0x1;
	s10 =	sld [smem:$0x3FB2];
	_ =	sdelay $0x3  }
0x37: {  	[smem:$0x3FB2] =	sst s10  }
0x38: {  	s10 =	sld [smem:$0x3FB3]  }
0x39: {  	_ = 	snop;
	(pc) =	sbr.ind lr, $3  }
0x3a: {  	_ = 	snop  }
0x3b: {  	_ = 	snop  }
0x3c: {  	p2 =	seq.s32 s10, $0x1;
	s10 =	sld [smem:$0x3FB2]  }
0x3d: {  	_ =	shalt  }
0x3e: {  	_ =	shalt  }
0x3f: {  	_ =	shalt  }
0x40: {  	_ =	shalt  }
0x41: {  	_ =	shalt  }
0x42: {  	_ =	shalt  }
0x43: {  	_ =	shalt  }
0x44: {  	_ =	shalt  }
0x45: {  	_ =	shalt  }
0x46: {  	_ =	shalt  }
0x47: {  	_ =	shalt  }
0x48: {  	_ =	shalt  }
0x49: {  	_ =	shalt  }
0x4a: {  	_ =	shalt  }
0x4b: {  	_ =	shalt  }
0x4c: {  	_ =	shalt  }
0x4d: {  	_ =	shalt  }
0x4e: {  	_ =	shalt  }
0x4f: {  	_ =	shalt  }
0x50: {  	_ =	shalt  }
0x51: {  	_ =	shalt  }
0x52: {  	_ =	shalt  }
0x53: {  	_ =	shalt  }
0x54: {  	_ =	shalt  }
0x55: {  	_ =	shalt  }
0x56: {  	_ =	shalt  }
0x57: {  	_ =	shalt  }
0x58: {  	_ =	shalt  }
0x59: {  	_ =	shalt  }
0x5a: {  	_ =	shalt  }
0x5b: {  	_ =	shalt  }
0x5c: {  	_ =	shalt  }
0x5d: {  	_ =	shalt  }
0x5e: {  	_ =	shalt  }
0x5f: {  	_ =	shalt  }
0x60: {  	_ =	shalt  }
0x61: {  	_ =	shalt  }
0x62: {  	_ =	shalt  }
0x63: {  	_ =	shalt  }
0x64: {  	_ =	shalt  }
0x65: {  	_ =	shalt  }
0x66: {  	_ =	shalt  }
0x67: {  	_ =	shalt  }
0x68: {  	_ =	shalt  }
0x69: {  	_ =	shalt  }
0x6a: {  	_ =	shalt  }
0x6b: {  	_ =	shalt  }
0x6c: {  	_ =	shalt  }
0x6d: {  	_ =	shalt  }
0x6e: {  	_ =	shalt  }
0x6f: {  	_ =	shalt  }
0x70: {  	_ =	shalt  }
0x71: {  	_ =	shalt  }
0x72: {  	_ =	shalt  }
0x73: {  	_ =	shalt  }
0x74: {  	_ =	shalt  }
0x75: {  	_ =	shalt  }
0x76: {  	_ =	shalt  }
0x77: {  	_ =	shalt  }
0x78: {  	_ =	shalt  }
0x79: {  	_ =	shalt  }
0x7a: {  	_ =	shalt  }
0x7b: {  	_ =	shalt  }
0x7c: {  	_ =	shalt  }
0x7d: {  	_ =	shalt  }
0x7e: {  	_ =	shalt  }
0x7f: {  	_ =	shalt  }
0x80: {  	_ =	shalt  }
0x81: {  	_ =	shalt  }
0x82: {  	_ =	shalt  }
0x83: {  	_ =	shalt  }
0x84: {  	_ =	shalt  }
0x85: {  	_ =	shalt  }
0x86: {  	_ =	shalt  }
0x87: {  	_ =	shalt  }
.Lfunc_end0:
.L_simem_size_0:
called_computation.1_lowered:
.L_overlay_start_0:
0x88: {  	s2 =	sld [smem:$0x3FD9]  }
0x89: {  	s3 =	sld [smem:$0x3FFE];
	_ =	sdelay $0x1  }
0x8a: {  	s1 =	srdreg.scid  }
0x8b: {  	s0 =	sand.u32 $0x1, s1  }
0x8c: {  	s17 =	sshll.u32 s0, $0xA;
	s2 =	sadd.s32 s3, s2  }
0x8d: {  	s2 =	sadd.s32 s2, s17  }
0x8e: {  	[smem:$0x3FBE] =	sst s2  }
0x8f: {  	_ = 	snop  }
0x90: {  	(tm) =	ssettm $0x1  }
0x91: {  	s18 =	sld [smem:$0x3FFB];
	_ =	sdelay $0x3  }
0x92: {  	_ =	strace s18  }
0x93: {  	s2 =	sld [smem:$0x3FFC];
	_ =	sdelay $0x3  }
0x94: {  	_ =	strace s2  }
0x95: {  	s2 =	sld [smem:$0x3FFD];
	_ =	sdelay $0x3  }
0x96: {  	_ =	strace s2  }
0x97: {  	_ =	strace $0x8FFFFFFF  }
0x98: {  	s19 =	sld [smem:$0x3FDB];
	_ =	sdelay $0x1  }
0x99: {  	s20 =	simm.s32 $_scs_section_size  }
0x9a: {  	s4 =	simm.s32 $_size__tile_overlayer_lowered;
	s5 =	simm.s32 $_tile_overlayer_lowered  }
0x9b: {  	s6 =	simm.s32 $0x1BFF;
	s21 =	sshll.u32 s5, $0x1;
	s3 =	sadd.s32 s20, s19  }
0x9c: {  	s22 =	simm.s32 $0x0;
	s4 =	sshll.u32 s4, $0x1;
	s5 =	sadd.s32 s21, s3  }
0x9d: {  	[timem:s22], [sflag:s6] =	dma.local [hbm:s5], s4  }
0x9e: {  	_ =	swait.ge [sflag:s6], s4  }
0x9f: {  	s4 =	ssub.s32 $0x0, s4;
	[sflag:s6] =	ssyncset.done $0x0  }
0xa0: {  	[sflag:s6] =	ssyncadd.s32 s4;
	_ =	sdelay $0x1  }
0xa1: {  	s23 =	simm.s32 $0x1B8B  }
0xa2: {  	_ =	swait.ge [sflag:s23], $0x1  }
0xa3: {  	[sflag:s23] =	ssyncset.done $0x0  }
0xa4: {  	[sflag:s23] =	ssyncadd.s32 $0xFFFFFFFF  }
0xa5: {  	s4 =	sld [smem:$0x0]  }
0xa6: {  	s5 =	sand.u32 $0xFFFFFFFE, s1  }
0xa7: {  	p0 =	sne.s32 s1, s5  }
0xa8: {  	s5 =	sshll.u32 @p0 s5, $0xE  }
0xa9: {  	s5 =	sadd.s32 @p0 $0x11B8D, s5;
	s6 =	sshll.u32 @p0 s4, $0x11  }
0xaa: {  	s5 =	sor.u32 @p0 s6, s5  }
0xab: {  	[sflag:s5] =	ssyncadd.remote.s32 @p0 $0x1;
	_ =	sdelay $0x1  }
0xac: {  	s5 =	simm.s32 @p0 $0x1B8D  }
0xad: {  	_ =	swait.eq @p0 [sflag:s5], $0x1  }
0xae: {  	[sflag:s5] =	ssyncadd.s32 @p0 $0xFFFFFFFF  }
0xaf: {  	s6 =	sshll.u32 @!p0 s1, $0xE  }
0xb0: {  	s6 =	sor.u32 @!p0 $0x4000, s6;
	s5 =	simm.s32 @!p0 $0x1B8D  }
0xb1: {  	s4 =	sshll.u32 @!p0 s4, $0x11;
	s6 =	sadd.s32 @!p0 $0x11B8D, s6;
	_ =	swait.eq @!p0 [sflag:s5], $0x1  }
0xb2: {  	s4 =	sor.u32 @!p0 s4, s6;
	[sflag:s5] =	ssyncadd.s32 @!p0 $0xFFFFFFFF  }
0xb3: {  	s25 =	simm.s32 $0x1B8E;
	s24 =	sld [smem:$0x3FFE];
	[sflag:s4] =	ssyncadd.remote.s32 @!p0 $0x1  }
0xb4: {  	s26 =	simm.s32 $execute0_lowered;
	[smem:$0x3FD2] =	sst s25  }
0xb5: {  	s5 =	sshll.u32 s26, $0x1;
	_ =	strace $0x80000049;
	[dreg:$0x1] =	wrdreg $0xFFFFFFFF  }
0xb6: {  	s28 =	simm.s32 $_size_execute0_lowered;
	s3 =	sadd.s32 s3, s5;
	[dreg:$0x0] =	wrdreg $0x0  }
0xb7: {  	s5 =	sshll.u32 s28, $0x1;
	[dreg:$0x2] =	wrdreg s3  }
0xb8: {  	[dreg:$0x3] =	wrdreg s5  }
0xb9: {  	[dreg:$0x4] =	wrdreg $0xC0  }
0xba: {  	_ =	task [dreg:s22], $0x5FFFF  }
0xbb: {  	[dreg:$0x1] =	wrdreg $0xFFFFFFFF  }
0xbc: {  	[dreg:$0x0] =	wrdreg $0x60  }
0xbd: {  	[dreg:$0x2] =	wrdreg s24  }
0xbe: {  	[dreg:$0x3] =	wrdreg $0x0  }
0xbf: {  	[dreg:$0x4] =	wrdreg $0xA  }
0xc0: {  	_ =	task.clear_ibuf [dreg:s22], $0x5FFFF;
	_ =	strace $0x90000049  }
0xc1: {  	s29 =	simm.s32 $0xA;
	_ =	strace $0x8000004B  }
0xc2: {  	_ =	swait.ge [sflag:s29], $0x1  }
0xc3: {  	[sflag:s29] =	ssyncadd.s32 $0xFFFFFFFF  }
0xc4: {  	_ =	strace $0x9000004B  }
0xc5: {  	_ =	sfence  }
0xc6: {  	s30 =	sld [smem:$0x0];
	_ =	sdelay $0x2  }
0xc7: {  	s31 =	sshll.u32 s1, $0xD;
	s1 =	sshrl.u32 s1, $0x2  }
0xc8: {  	s4 =	sand.u32 $0x4000, s31;
	s1 =	sadd.s32 s1, s30  }
0xc9: {  	s0 =	sor.u32 s4, s0;
	s1 =	sshll.u32 s1, $0x11  }
0xca: {  	s0 =	sor.u32 s1, s0  }
0xcb: {  	s0 =	sadd.s32 $0x8F2B, s0  }
0xcc: {  	[sflag:s0] =	ssyncadd.remote.s32 $0x1  }
0xcd: {  	_ =	sfence.sel $0xFFFF  }
0xce: {  	[dreg:$0x0] =	wrdreg $0xFFFFFFFF;
	(pc) =	sbr.abs _section_cstart, $3  }
0xcf: {  	[dreg:$0x1] =	wrdreg $0xFFFFFFFF  }
0xd0: {  	_ =	task.clear_ibuf [dreg:s22], $0x2FFFF;
	_ =	strace $0x9FFFFFFF  }
0xd1: {  	(tm) =	ssettm $0x7FFFFFFF  }
tec
execute0_lowered:
.L_overlay_start_1:
0x0: {  	(tag) =	ssettag $0x1  }
0x1: {  	s0 =	rddreg [dreg:$0x0]  }
0x2: {  	s1 =	rddreg [dreg:$0x1]  }
0x3: {  	s3 =	simm.s32 $0x0;
	s2 =	simm.s32 $0x0;
	s15 =	srdreg.scid  }
0x4: {  	s13 =	stileid.u32;
	s19 =	simm.s32 $0x16400;
	s20 =	simm.s32 $0x16C40  }
0x5: {  	s21 =	simm.s32 $0x40;
	s22 =	simm.s32 $0x17480;
	s23 =	simm.s32 $0x3  }
0x6: {  	s14 =	simm.s32 $0x2;
	[dreg:$0x3] =	wrdreg s2;
	s4 =	sadd.s32 $0x164E00, s0  }
0x7: {  	[smem:$0x7FF] =	sst s3;
	s5 =	sadd.s32 $0x151E00, s0;
	s7 =	smul.u32 $0x9800, s13  }
0x8: {  	s2 =	sand.u32 $0x1, s15;
	s6 =	sadd.s32 $0x15A00, s0;
	s10 =	smul.u32 $0x51000, s13  }
0x9: {  	s9 =	sshll.u32 s13, $0x3;
	s0 =	sadd.s32 $0x344E00, s0;
	s11 =	smul.u32 $0x50000, s13  }
0xa: {  	s30 =	smul.u32 $0x280, s13;
	_ =	strace $0x8000004A;
	s16 =	ssub.s32 $0x2, s2  }
0xb: {  	[dreg:$0x4] =	wrdreg s0;
	s18 =	sor.u32 $0x2800, s9;
	s2 =	smul.u32 $0x6, s2  }
0xc: {  	s8 =	sshrl.u32 s16, $0x1;
	s24 =	sshrl.u32 s10, $0x2;
	s25 =	sshrl.u32 s7, $0x3  }
0xd: {  	s12 =	sadd.s32 $0x800, s7;
	s29 =	sshrl.u32 s11, $0x2;
	[dreg:$0x8] =	wrdreg s30  }
.Ltmp0:
0xe: {  	[dreg:$0x5] =	wrdreg s2;
	s26 =	sadd.s32 s6, s25;
	(pc) =	sbr.rel .LBB2_1-.Ltmp0, $4  }
0xf: {  	s17 =	ssub.s32 s16, s8;
	s28 =	sadd.s32 s5, s25;
	[dreg:$0x6] =	wrdreg s26  }
0x10: {  	s2 =	sadd.s32 s29, s1;
	[dreg:$0x7] =	wrdreg s28;
	s0 =	smax.u32 s17, $0x1  }
0x11: {  	v1 =	vimm.f32 $0.0e+00;
	s7 =	simm.s32 $0x1F480;
	s31 =	sshrl.u32 s2, $0x3;
	[dreg:$0x9] =	wrdreg s0  }
0x12: {  	v2 =	vlaneseq.u32;
	v3 =	vimm.s32 $0x0;
	v0 =	vmov s18;
	s9 =	sadd.s32 s24, s1;
	s16 =	simm.s32 $0xB;
	[dreg:$0xa] =	wrdreg s31  }
.LBB2_30:
0x13: {  	s0 =	rddreg [dreg:$0x3]  }
0x14: {  	s2 =	rddreg [dreg:$0x9];
	s0 =	sadd.s32 $0x1, s0  }
0x15: {  	p0 =	sne.s32 s0, s2  }
.Ltmp1:
0x16: {  	_ = 	snop;
	(pc) =	sbr.rel @!p0 .LBB2_31-.Ltmp1, $2  }
0x17: {  	_ =	sdelay $0x2  }
0x18: {  	[dreg:$0x3] =	wrdreg s0  }
.LBB2_1:
0x19: {  	[tilespmem:$0x1F480] =	vst v1  }
0x1a: {  	[tilespmem:$0x1F490] =	vst v1  }
0x1b: {  	[tilespmem:$0x1F4A0] =	vst v1  }
0x1c: {  	[tilespmem:$0x1F4B0] =	vst v1  }
0x1d: {  	[tilespmem:$0x1F4C0] =	vst v1  }
0x1e: {  	[tilespmem:$0x1F4D0] =	vst v1  }
0x1f: {  	[tilespmem:$0x1F4E0] =	vst v1  }
0x20: {  	[tilespmem:$0x1F4F0] =	vst v1  }
0x21: {  	[tilespmem:$0x1F500] =	vst v1  }
0x22: {  	[tilespmem:$0x1F510] =	vst v1  }
0x23: {  	[tilespmem:$0x1F520] =	vst v1  }
0x24: {  	[tilespmem:$0x1F530] =	vst v1  }
0x25: {  	[tilespmem:$0x1F540] =	vst v1  }
0x26: {  	[tilespmem:$0x1F550] =	vst v1  }
0x27: {  	[tilespmem:$0x1F560] =	vst v1  }
0x28: {  	[tilespmem:$0x1F570] =	vst v1  }
0x29: {  	[tilespmem:$0x1F580] =	vst v1  }
0x2a: {  	[tilespmem:$0x1F590] =	vst v1  }
0x2b: {  	[tilespmem:$0x1F5A0] =	vst v1  }
0x2c: {  	[tilespmem:$0x1F5B0] =	vst v1  }
0x2d: {  	[tilespmem:$0x1F5C0] =	vst v1  }
0x2e: {  	[tilespmem:$0x1F5D0] =	vst v1  }
0x2f: {  	[tilespmem:$0x1F5E0] =	vst v1  }
0x30: {  	[tilespmem:$0x1F5F0] =	vst v1  }
0x31: {  	[tilespmem:$0x1F600] =	vst v1  }
0x32: {  	[tilespmem:$0x1F610] =	vst v1  }
0x33: {  	[tilespmem:$0x1F620] =	vst v1  }
0x34: {  	[tilespmem:$0x1F630] =	vst v1  }
0x35: {  	[tilespmem:$0x1F640] =	vst v1  }
0x36: {  	[tilespmem:$0x1F650] =	vst v1  }
0x37: {  	[tilespmem:$0x1F660] =	vst v1  }
0x38: {  	[tilespmem:$0x1F670] =	vst v1  }
0x39: {  	[tilespmem:$0x1F680] =	vst v1  }
0x3a: {  	[tilespmem:$0x1F690] =	vst v1  }
0x3b: {  	[tilespmem:$0x1F6A0] =	vst v1  }
0x3c: {  	[tilespmem:$0x1F6B0] =	vst v1  }
0x3d: {  	[tilespmem:$0x1F6C0] =	vst v1  }
0x3e: {  	[tilespmem:$0x1F6D0] =	vst v1  }
0x3f: {  	[tilespmem:$0x1F6E0] =	vst v1  }
0x40: {  	[tilespmem:$0x1F6F0] =	vst v1  }
0x41: {  	[tilespmem:$0x1F700] =	vst v1  }
0x42: {  	[tilespmem:$0x1F710] =	vst v1  }
0x43: {  	[tilespmem:$0x1F720] =	vst v1  }
0x44: {  	[tilespmem:$0x1F730] =	vst v1  }
0x45: {  	[tilespmem:$0x1F740] =	vst v1  }
0x46: {  	[tilespmem:$0x1F750] =	vst v1  }
0x47: {  	[tilespmem:$0x1F760] =	vst v1  }
0x48: {  	[tilespmem:$0x1F770] =	vst v1  }
0x49: {  	[tilespmem:$0x1F780] =	vst v1  }
0x4a: {  	[tilespmem:$0x1F790] =	vst v1  }
0x4b: {  	[tilespmem:$0x1F7A0] =	vst v1  }
0x4c: {  	[tilespmem:$0x1F7B0] =	vst v1  }
0x4d: {  	[tilespmem:$0x1F7C0] =	vst v1  }
0x4e: {  	[tilespmem:$0x1F7D0] =	vst v1  }
0x4f: {  	[tilespmem:$0x1F7E0] =	vst v1  }
0x50: {  	[tilespmem:$0x1F7F0] =	vst v1  }
0x51: {  	[tilespmem:$0x1F800] =	vst v1  }
0x52: {  	[tilespmem:$0x1F810] =	vst v1  }
0x53: {  	[tilespmem:$0x1F820] =	vst v1  }
.Ltmp2:
0x54: {  	[tilespmem:$0x1F830] =	vst v1;
	(pc) =	sbr.rel .LBB2_2-.Ltmp2, $4  }
0x55: {  	[tilespmem:$0x1F840] =	vst v1  }
0x56: {  	[tilespmem:$0x1F850] =	vst v1  }
0x57: {  	[tilespmem:$0x1F860] =	vst v1  }
0x58: {  	[tilespmem:$0x1F870] =	vst v1;
	s3 =	simm.s32 $0x0  }
.LBB2_29:
0x59: {  	s0 =	rddreg [dreg:$0x8]  }
0x5a: {  	s2 =	rddreg [dreg:$0xc];
	s28 =	stileid.u32  }
0x5b: {  	[bflag:$0x0] =	sbarrier.arrive $0xFFFF;
	s30 =	simm.s32 $0xC;
	s0 =	sadd.s32 s0, s2  }
0x5c: {  	s2 =	sshll.u32 s28, $0x6;
	s3 =	rddreg [dreg:$0x4];
	s0 =	sshll.u32 s0, $0x4  }
0x5d: {  	s29 =	rddreg [dreg:$0xa];
	s2 =	sor.u32 $0x1C0C, s2;
	s0 =	sadd.s32 s3, s0  }
0x5e: {  	[hbm:s0], [sflag:s2] =	dma.local [spmem:s29], $0x2800  }
0x5f: {  	_ =	swait.ge [sflag:s30], $0x2800  }
0x60: {  	s31 =	rddreg [dreg:$0xb]  }
0x61: {  	s3 =	sadd.s32 $0x1, s31  }
0x62: {  	p0 =	sne.s32 s3, $0x6  }
.Ltmp3:
0x63: {  	_ = 	snop;
	(pc) =	sbr.rel @!p0 .LBB2_30-.Ltmp3, $4  }
0x64: {  	[sflag:s30] =	ssyncset.done $0x0  }
0x65: {  	[sflag:s30] =	ssyncadd.s32 $0xFFFFD800  }
0x66: {  	[bflag:$0x0] =	sbarrier.arrive $0xFFFF  }
0x67: {  	s7 =	simm.s32 $0x1F480  }
.LBB2_2:
0x68: {  	s0 =	simm.s32 $0x0  }
.LBB2_3:
0x69: {  	p0 =	sne.s32 s0, $0x50000  }
.Ltmp4:
0x6a: {  	_ = 	snop;
	(pc) =	sbr.rel @p0 .LBB2_3-.Ltmp4, $4  }
0x6b: {  	_ = 	snop  }
0x6c: {  	s2 =	sshra.s32 s0, $0x2  }
0x6d: {  	s0 =	sadd.s32 $0x1000, s0;
	s2 =	sadd.s32 s2, s9  }
0x6e: {  	[spmem:s2] =	stream.linear.scatter [tilespmem:s7], [sflag:$0xB], $0x400, $0x38;
	[tilespmem:$0x1F880] =	vst v63  }
0x6f: {  	_ =	swait.ge [sflag:s16], $0x400  }
0x70: {  	s0 =	simm.s32 $0x50;
	[sflag:s16] =	ssyncset.done $0x0  }
.LBB2_5:
0x71: {  	p0 =	sne.s32 s0, $0x1;
	s0 =	sadd.s32 $0xFFFFFFFF, s0;
	[sflag:s16] =	ssyncadd.s32 $0xFFFFFC00  }
.Ltmp5:
0x72: {  	(pc) =	sbr.rel @p0 .LBB2_5-.Ltmp5, $3  }
0x73: {  	_ =	sdelay $0x1  }
0x74: {  	_ =	swait.ge [sflag:s16], $0x400  }
0x75: {  	[sflag:s16] =	ssyncset.done $0x0  }
0x76: {  	[sflag:s16] =	ssyncadd.s32 $0xFFFFFC00;
	[dreg:$0xb] =	wrdreg s3  }
0x77: {  	s0 =	rddreg [dreg:$0x5];
	s7 =	simm.s32 $0x14400;
	[bflag:$0x0] =	sbarrier.arrive $0xFFFF  }
.Ltmp6:
0x78: {  	s0 =	sadd.s32 s0, s3;
	s2 =	rddreg [dreg:$0x6];
	(pc) =	sbr.rel .LBB2_7-.Ltmp6, $4  }
0x79: {  	s3 =	simm.s32 $0x0;
	s29 =	smul.u32 $0x2800, s0;
	s30 =	rddreg [dreg:$0x7]  }
0x7a: {  	[tilespmem:s7], [sflag:$0x1] =	stream.linear.gather [hbm4b:s2+s3], $0x800, $0x38;
	[tilespmem:$0x1F880] =	vst v63  }
0x7b: {  	s31 =	simm.s32 $0x15400;
	p3 =	por $0x0, $0x0;
	[dreg:$0xc] =	wrdreg s29  }
0x7c: {  	v4 =	vmov s29;
	[tilespmem:s31], [sflag:$0x1] =	stream.linear.gather [hbm4b:s30+s3], $0x800, $0x38;
	[tilespmem:$0x1F880] =	vst v63  }
.LBB2_26:
0x7d: {  	s0 =	sadd.s32 $0x1, s7  }
0x7e: {  	s0 =	sand.u32 $0x3, s0  }
0x7f: {  	p0 =	sgt.s32 s0, $0x1  }
0x80: {  	p1 =	seq.s32 @p0 s0, $0x2  }
0x81: {  	p2 =	seq.s32 @!p0 s0, $0x0;
	p1 =	por !p1, !p0  }
0x82: {  	s2 =	simm.s32 $0x7;
	p2 =	por !p2, p0;
	s0 =	simm.s32 @!p1 $0x9  }
0x83: {  	s2 =	simm.s32 @p2 $0x8;
	s0 =	simm.s32 @p1 $0xA  }
0x84: {  	s2 =	smov.u32 @p0 s0  }
0x85: {  	_ =	swait.ge [sflag:s2], $0x2000  }
0x86: {  	[sflag:s2] =	ssyncset.done $0x0  }
0x87: {  	[sflag:s2] =	ssyncadd.s32 $0xFFFFE000  }
.LBB2_27:
0x88: {  	p0 =	slt.s32 s7, $0x4  }
0x89: {  	s0 =	sand.u32 @!p0 $0x3, s7  }
0x8a: {  	p2 =	sgt.s32 @!p0 s0, $0x1  }
0x8b: {  	p1 =	por !p2, p0  }
0x8c: {  	p3 =	seq.s32 @!p1 s0, $0x2  }
0x8d: {  	p5 =	por p2, p0;
	p4 =	por @!p0 p3, !p2  }
0x8e: {  	p5 =	seq.s32 @!p5 s0, $0x0;
	p4 =	por p4, p0  }
0x8f: {  	s0 =	simm.s32 @!p4 $0xA;
	p4 =	por @!p0 p5, p2  }
0x90: {  	p3 =	por @!p0 !p3, !p2;
	p2 =	por @!p0 !p5, p2;
	p4 =	por p4, p0  }
0x91: {  	p3 =	por !p3, p0;
	p2 =	por !p2, p0;
	s2 =	simm.s32 @!p4 $0x8  }
0x92: {  	s0 =	simm.s32 @p3 $0x9;
	s2 =	simm.s32 @p2 $0x7  }
0x93: {  	s0 =	smov.u32 @p1 s2  }
0x94: {  	_ =	swait.ge @!p0 [sflag:s0], $0x2000  }
0x95: {  	[sflag:s0] =	ssyncset.done @!p0 $0x0  }
0x96: {  	[sflag:s0] =	ssyncadd.s32 @!p0 $0xFFFFE000  }
.LBB2_28:
0x97: {  	s3 =	sadd.s32 $0x1, s3  }
0x98: {  	p0 =	sne.s32 s3, $0x13  }
.Ltmp7:
0x99: {  	s0 =	sld [smem:$0x7F8];
	(pc) =	sbr.rel @!p0 .LBB2_29-.Ltmp7, $3  }
0x9a: {  	_ =	sdelay $0x1  }
0x9b: {  	p3 =	seq.s32 s0, $0x1  }
0x9c: {  	p3 =	por !p3, !p3  }
.LBB2_7:
0x9d: {  	s0 =	sand.u32 $0x1, s3  }
0x9e: {  	p0 =	seq.s32 s0, $0x1  }
0x9f: {  	s2 =	simm.s32 @!p0 $0x1  }
0xa0: {  	_ =	swait.ge @!p0 [sflag:s2], $0x800  }
0xa1: {  	p1 =	seq.s32 @!p0 s3, $0x12;
	[sflag:s2] =	ssyncset.done @!p0 $0x0  }
0xa2: {  	p2 =	por p1, p0;
	[sflag:s2] =	ssyncadd.s32 @!p0 $0xFFFFF800  }
0xa3: {  	s7 =	sshll.u32 @!p2 s3, $0xB;
	_ =	swait.ge @!p0 [sflag:s2], $0x800  }
0xa4: {  	s7 =	sadd.s32 @!p2 s7, s12;
	[sflag:s2] =	ssyncset.done @!p0 $0x0  }
0xa5: {  	[sflag:s2] =	ssyncadd.s32 @!p0 $0xFFFFF800;
	s2 =	sshrl.u32 @!p2 s7, $0x3  }
0xa6: {  	s8 =	simm.s32 @!p2 $0x0;
	s10 =	simm.s32 @!p2 $0x14C00;
	s7 =	sadd.s32 @!p2 s6, s2  }
0xa7: {  	[tilespmem:s10], [sflag:$0x2] =	stream.linear.gather @!p2 [hbm4b:s7+s8], $0x800, $0x38;
	[tilespmem:$0x1F880] =	vst v63  }
0xa8: {  	s2 =	sadd.s32 @!p2 s5, s2;
	s7 =	simm.s32 @!p2 $0x15C00  }
0xa9: {  	[tilespmem:s7], [sflag:$0x2] =	stream.linear.gather @!p2 [hbm4b:s2+s8], $0x800, $0x38;
	[tilespmem:$0x1F880] =	vst v63  }
0xaa: {  	p2 =	seq.s32 @!p2 s0, $0x0  }
0xab: {  	p1 =	por @!p0 p1, p2  }
0xac: {  	p0 =	por p0, !p1  }
.Ltmp8:
0xad: {  	_ = 	snop;
	(pc) =	sbr.rel @!p0 .LBB2_9-.Ltmp8, $1  }
0xae: {  	_ =	sdelay $0x3  }
0xaf: {  	_ =	swait.ge [sflag:s14], $0x800  }
0xb0: {  	p0 =	seq.s32 s3, $0x12;
	[sflag:s14] =	ssyncset.done $0x0  }
0xb1: {  	s0 =	sshll.u32 @!p0 s3, $0xB;
	[sflag:s14] =	ssyncadd.s32 $0xFFFFF800  }
0xb2: {  	s0 =	sadd.s32 @!p0 s0, s12;
	_ =	swait.ge [sflag:s14], $0x800  }
0xb3: {  	s7 =	simm.s32 @!p0 $0x0;
	s0 =	sshrl.u32 @!p0 s0, $0x3;
	[sflag:s14] =	ssyncset.done $0x0  }
0xb4: {  	s8 =	simm.s32 @!p0 $0x14400;
	s2 =	sadd.s32 @!p0 s6, s0;
	[sflag:s14] =	ssyncadd.s32 $0xFFFFF800  }
0xb5: {  	[tilespmem:s8], [sflag:$0x1] =	stream.linear.gather @!p0 [hbm4b:s2+s7], $0x800, $0x38;
	[tilespmem:$0x1F880] =	vst v63  }
0xb6: {  	s0 =	sadd.s32 @!p0 s5, s0;
	s2 =	simm.s32 @!p0 $0x15400  }
0xb7: {  	[tilespmem:s2], [sflag:$0x1] =	stream.linear.gather @!p0 [hbm4b:s0+s7], $0x800, $0x38;
	[tilespmem:$0x1F880] =	vst v63  }
.LBB2_9:
0xb8: {  	s0 =	simm.s32 $0x1  }
0xb9: {  	s2 =	simm.s32 @!p3 $0x0;
	s0 =	simm.s32 @!p3 $0x0  }
0xba: {  	s2 =	simm.s32 @p3 $0x1;
	s0 =	sshll.u32 s0, $0xB  }
0xbb: {  	[smem:$0x7F8] =	sst s2;
	s26 =	sor.u32 $0x14440, s0  }
0xbc: {  	v5 =	vld [tilespmem:s26+$0xFFFFFFC0]  }
0xbd: {  	v6 =	vld [tilespmem:s26+$0xFFFFFFD0]  }
0xbe: {  	v7 =	vld [tilespmem:s26+$0xFFFFFFE0]  }
0xbf: {  	v8 =	vld [tilespmem:s26+$0xFFFFFFF0]  }
0xc0: {  	v9 =	vld [tilespmem:s26+$0x0]  }
0xc1: {  	v10 =	vld [tilespmem:s26+$0x10];
	v14 =	vsub.s32 v5, v4  }
0xc2: {  	v5 =	vld [tilespmem:s26+$0x20];
	v25 =	vsub.s32 v6, v4;
	vm0 =	vlt.u32 v14, $0x2800  }
0xc3: {  	v6 =	vld [tilespmem:s26+$0x30];
	v12 =	vmpcnt.ones.xlane vm0;
	vm0 =	vlt.u32 v25, $0x2800  }
0xc4: {  	v28 =	vsub.s32 v7, v4;
	v7 =	vmpcnt.ones.xlane vm0  }
0xc5: {  	v16 =	vsub.s32 v8, v4;
	v11 =	vsub.s32 v9, v4;
	(v2sf) =	vpush v12, $0x0  }
0xc6: {  	v9 =	vsub.s32 v10, v4;
	vm0 =	vlt.u32 v28, $0x2800;
	(v2sf) =	vpush v7, $0x0  }
0xc7: {  	v7 =	vsub.s32 v5, v4;
	v5 =	vmpcnt.ones.xlane vm0;
	vm0 =	vlt.u32 v16, $0x2800  }
0xc8: {  	v19 =	vsub.s32 v6, v4;
	v6 =	vmpcnt.ones.xlane vm0;
	vm0 =	vlt.u32 v11, $0x2800  }
0xc9: {  	v8 =	vmpcnt.ones.xlane vm0;
	vm0 =	vlt.u32 v9, $0x2800;
	(v2sf) =	vpush v5, $0x0  }
0xca: {  	v5 =	vmpcnt.ones.xlane vm0;
	vm0 =	vlt.u32 v7, $0x2800;
	(v2sf) =	vpush v6, $0x0  }
0xcb: {  	v6 =	vmpcnt.ones.xlane vm0;
	vm0 =	vlt.u32 v19, $0x2800;
	(v2sf) =	vpush v8, $0x0  }
0xcc: {  	v8 =	vmpcnt.ones.xlane vm0;
	(v2sf) =	vpush v5, $0x0  }
0xcd: {  	(v2sf) =	vpush v6, $0x0  }
0xce: {  	(v2sf) =	vpush v8, $0x0  }
0xcf: {  	s7 =	sadd.s32 $0x80, s26  }
0xd0: {  	v5 =	vld [tilespmem:s7+$0xFFFFFFC0]  }
0xd1: {  	v10 =	vld [tilespmem:s7+$0xFFFFFFD0]  }
0xd2: {  	v6 =	vld [tilespmem:s7+$0xFFFFFFE0]  }
0xd3: {  	v8 =	vld [tilespmem:s7+$0xFFFFFFF0]  }
0xd4: {  	v15 =	vld [tilespmem:s7+$0x20]  }
0xd5: {  	v21 =	vsub.s32 v5, v4;
	v5 =	vld [tilespmem:s7+$0x0];
	s8 =	spop (v2sf)  }
0xd6: {  	v20 =	vsub.s32 v10, v4;
	v10 =	vld [tilespmem:s7+$0x10];
	vm0 =	vlt.u32 v21, $0x2800;
	s29 =	spop (v2sf)  }
0xd7: {  	s2 =	sor.u32 $0x15440, s0;
	s25 =	sadd.s32 $0x80, s7;
	v13 =	vsub.s32 v6, v4;
	v6 =	vmpcnt.ones.xlane vm0;
	vm0 =	vlt.u32 v20, $0x2800;
	p3 =	slt.s32 s29, $0x1  }
0xd8: {  	v17 =	vld [tilespmem:s7+$0x30];
	v12 =	vsub.s32 v8, v4;
	v8 =	vmpcnt.ones.xlane vm0;
	vm0 =	vlt.u32 v13, $0x2800;
	p2 =	slt.s32 s8, $0x1;
	s7 =	simm.s32 @!p3 $0x0;
	s30 =	spop (v2sf)  }
0xd9: {  	v18 =	vmpcnt.ones.xlane vm0;
	vm0 =	vlt.u32 v12, $0x2800;
	(v2sf) =	vpush v6, $0x0;
	v23 =	vld @!p2 [tilespmem:s2+$0xFFFFFFC0];
	s7 =	simm.s32 @p3 $0x1;
	s10 =	spop (v2sf)  }
0xda: {  	v22 =	vmpcnt.ones.xlane vm0;
	(v2sf) =	vpush v8, $0x0;
	v6 =	vsub.s32 v5, v4;
	v26 =	vld @!p3 [tilespmem:s2+$0xFFFFFFD0];
	[smem:$0x7FA] =	sst s7;
	s13 =	spop (v2sf)  }
0xdb: {  	v8 =	vsub.s32 v10, v4;
	v5 =	vsub.s32 v15, v4;
	vm0 =	vlt.u32 v6, $0x2800;
	v10 =	vld [tilespmem:s25+$0xFFFFFFD0];
	s31 =	spop (v2sf)  }
0xdc: {  	(v2sf) =	vpush v18, $0x0;
	v15 =	vmpcnt.ones.xlane vm0;
	vm0 =	vlt.u32 v8, $0x2800;
	v24 =	vld [tilespmem:s25+$0xFFFFFFE0];
	s26 =	spop (v2sf)  }
0xdd: {  	v18 =	vsub.s32 v17, v4;
	(v2sf) =	vpush v22, $0x0;
	v17 =	vmpcnt.ones.xlane vm0;
	v27 =	vld [tilespmem:s25+$0xFFFFFFF0];
	s18 =	spop (v2sf)  }
0xde: {  	(v2sf) =	vpush v15, $0x0;
	v15 =	vld [tilespmem:s25+$0x0];
	p6 =	slt.s32 s18, $0x1  }
0xdf: {  	(v2sf) =	vpush v17, $0x0;
	v17 =	vld [tilespmem:s25+$0xFFFFFFC0];
	s17 =	simm.s32 @!p6 $0x0  }
0xe0: {  	v30 =	vld [tilespmem:s25+$0x10];
	s17 =	simm.s32 @p6 $0x1  }
0xe1: {  	s24 =	simm.s32 $0x0;
	s15 =	sadd.s32 $0x0, s8;
	vm7 =	vlt.u32 @!p2 v14, $0x2800;
	v31 =	vld [tilespmem:s25+$0x20];
	[smem:$0x7FD] =	sst s17  }
0xe2: {  	s11 =	sadd.s32 s15, s29;
	p5 =	slt.s32 s30, $0x1;
	p1 =	slt.s32 s10, $0x1;
	[tilespmem:s24+$0x16400] =	vst.msk @!p2 vm7, v23  }
0xe3: {  	vm6 =	vlt.u32 @!p3 v25, $0x2800;
	p0 =	slt.s32 s13, $0x1;
	p3 =	slt.s32 s31, $0x1;
	s17 =	sadd.s32 s11, s30;
	[tilespmem:s24+$0x16C40] =	vst.msk @!p2 vm7, v14  }
0xe4: {  	vm0 =	vlt.u32 v5, $0x2800;
	vm2 =	vlt.u32 @!p0 v11, $0x2800;
	p0 =	por p0, p0;
	s10 =	sadd.s32 s17, s10;
	s29 =	sld [smem:$0x7FA]  }
0xe5: {  	v22 =	vmpcnt.ones.xlane vm0;
	vm0 =	vlt.u32 v18, $0x2800;
	p4 =	slt.s32 s26, $0x1;
	v32 =	vld [tilespmem:s25+$0x30];
	s7 =	sadd.s32 s10, s13;
	s13 =	simm.s32 @!p0 $0x0  }
0xe6: {  	v29 =	vmpcnt.ones.xlane vm0;
	v33 =	vld @!p5 [tilespmem:s2+$0xFFFFFFE0];
	p2 =	por p3, p3;
	s8 =	sadd.s32 s7, s31;
	s13 =	simm.s32 @p0 $0x1  }
0xe7: {  	(v2sf) =	vpush v22, $0x0;
	vm1 =	vlt.u32 @!p3 v9, $0x2800;
	v34 =	vld @!p1 [tilespmem:s2+$0xFFFFFFF0];
	s0 =	simm.s32 @!p2 $0x0;
	[smem:$0x7F9] =	sst s13;
	p3 =	seq.s32 s29, $0x1  }
0xe8: {  	vm5 =	vlt.u32 @!p5 v28, $0x2800;
	(v2sf) =	vpush v29, $0x0;
	s13 =	sadd.s32 s8, s26;
	s0 =	simm.s32 @p2 $0x1;
	v29 =	vld @!p0 [tilespmem:s2+$0x0];
	p0 =	por p4, p4;
	[tilespmem:s15+$0x16400] =	vst.msk @!p3 vm6, v26  }
0xe9: {  	vm4 =	vlt.u32 @!p1 v16, $0x2800;
	vm2 =	vmmov vm2;
	vm0 =	vlt.u32 @!p4 v7, $0x2800;
	[smem:$0x7FB] =	sst s0;
	s0 =	sadd.s32 s13, s18;
	s18 =	simm.s32 @!p0 $0x0  }
0xea: {  	vm3 =	vlt.u32 @!p6 v19, $0x2800;
	v22 =	vsub.s32 v10, v4;
	v23 =	vsub.s32 v17, v4;
	[tilespmem:s15+$0x16C40] =	vst.msk @!p3 vm6, v25;
	s18 =	simm.s32 @p0 $0x1  }
0xeb: {  	v17 =	vsub.s32 v24, v4;
	v24 =	vsub.s32 v27, v4;
	vm7 =	vlt.u32 v23, $0x2800;
	v27 =	vld @!p2 [tilespmem:s2+$0x10];
	[smem:$0x7FC] =	sst s18  }
0xec: {  	v10 =	vsub.s32 v30, v4;
	v30 =	vmpcnt.ones.xlane vm7;
	vm7 =	vlt.u32 v22, $0x2800;
	[tilespmem:s11+$0x16400] =	vst.msk @!p5 vm5, v33  }
0xed: {  	vm0 =	vmmov vm0;
	v15 =	vsub.s32 v15, v4;
	s25 =	sadd.s32 $0x80, s25;
	s30 =	spop (v2sf);
	v35 =	vmpcnt.ones.xlane vm7;
	s28 =	sld [smem:$0x7FD]  }
0xee: {  	v14 =	vsub.s32 v31, v4;
	s31 =	spop (v2sf);
	(v2sf) =	vpush v30, $0x0;
	p4 =	slt.s32 s30, $0x1;
	vm6 =	vlt.u32 v17, $0x2800;
	s18 =	sadd.s32 $0x80, s2;
	v26 =	vld @!p0 [tilespmem:s2+$0x20]  }
0xef: {  	s24 =	simm.s32 $0x10;
	(v2sf) =	vpush v35, $0x0;
	s26 =	sadd.s32 s0, s30;
	p2 =	slt.s32 s31, $0x1;
	v36 =	vmpcnt.ones.xlane vm6;
	vm6 =	vlt.u32 v24, $0x2800;
	v30 =	vld @!p4 [tilespmem:s18+$0xFFFFFFC0]  }
0xf0: {  	v25 =	vsub.s32 v32, v4;
	v32 =	vmpcnt.ones.xlane vm6;
	vm6 =	vlt.u32 v15, $0x2800;
	[tilespmem:s11+$0x16C40] =	vst.msk @!p5 vm5, v28;
	s11 =	sadd.s32 s26, s31;
	v28 =	vld @!p2 [tilespmem:s18+$0xFFFFFFD0];
	p0 =	seq.s32 s28, $0x1;
	s28 =	spop (v2sf)  }
0xf1: {  	v33 =	vmpcnt.ones.xlane vm6;
	vm5 =	vlt.u32 v10, $0x2800;
	[tilespmem:s17+$0x16400] =	vst.msk @!p1 vm4, v34;
	(v2sf) =	vpush v36, $0x0;
	v31 =	vld @!p0 [tilespmem:s2+$0x30];
	p5 =	por p0, p0;
	s2 =	sadd.s32 s11, s28;
	s15 =	spop (v2sf)  }
.LBB2_10:
0xf2: {  	_ = 	snop  }
0xf3: {  	s29 =	sld [smem:$0x7F9]  }
0xf4: {  	p0 =	slt.s32 s28, $0x1  }
0xf5: {  	s28 =	simm.s32 @!p0 $0x0  }
0xf6: {  	s30 =	sadd.s32 s2, s15;
	s28 =	simm.s32 @p0 $0x1;
	p6 =	seq.s32 s29, $0x1  }
0xf7: {  	[tilespmem:s17+$0x16C40] =	vst.msk @!p1 vm4, v16;
	[smem:$0x7F4] =	sst s28;
	s28 =	spop (v2sf);
	s17 =	simm.s32 @!p6 $0x0  }
0xf8: {  	v35 =	vmpcnt.ones.xlane vm5;
	vm5 =	vlt.u32 v14, $0x2800;
	s24 =	sadd.s32 $0x8, s24;
	p1 =	slt.s32 s28, $0x1;
	s17 =	simm.s32 @p6 $0x1  }
0xf9: {  	v60 =	vmpcnt.ones.xlane vm5;
	vm5 =	vlt.u32 @!p0 v13, $0x2800;
	p0 =	slt.u32 s24, $0x78;
	[smem:$0x7F9] =	sst s17;
	s17 =	simm.s32 @!p1 $0x0  }
0xfa: {  	[tilespmem:s13+$0x16400] =	vst.msk @!p5 vm3, v31;
	s29 =	sadd.s32 s30, s28;
	s17 =	simm.s32 @p1 $0x1;
	s31 =	spop (v2sf)  }
0xfb: {  	vm7 =	vlt.u32 @!p2 v20, $0x2800;
	[tilespmem:s13+$0x16C40] =	vst.msk @!p5 vm3, v19;
	[smem:$0x7F5] =	sst s17;
	s28 =	sadd.s32 s29, s31;
	s17 =	spop (v2sf)  }
0xfc: {  	v34 =	vld [tilespmem:s25+$0xFFFFFFD0];
	[tilespmem:s26+$0x16400] =	vst.msk @!p2 vm7, v28;
	vm9 =	vlt.u32 @!p1 v6, $0x2800;
	s13 =	sadd.s32 s28, s17;
	p1 =	slt.s32 s17, $0x1;
	s17 =	simm.s32 @!p0 $0x0  }
0xfd: {  	[tilespmem:s26+$0x16C40] =	vst.msk @!p2 vm7, v20;
	s26 =	sld [smem:$0x7F4];
	s17 =	simm.s32 @p0 $0x1  }
0xfe: {  	v16 =	vmov v12;
	v12 =	vmov v24;
	v24 =	vld [tilespmem:s25+$0xFFFFFFE0];
	[smem:$0x7F7] =	sst s17  }
0xff: {  	v62 =	vld [tilespmem:s25+$0x20];
	s17 =	smov.u32 s2;
	s2 =	sld [smem:$0x7FC]  }
0x100: {  	vm4 =	vlt.u32 v25, $0x2800;
	p3 =	slt.s32 s15, $0x1;
	v19 =	vmov v18;
	v18 =	vmov v25;
	v25 =	vld [tilespmem:s25+$0xFFFFFFC0]  }
0x101: {  	vm6 =	vlt.u32 @!p4 v21, $0x2800;
	[tilespmem:s10+$0x16400] =	vst.msk @!p6 vm2, v29;
	v29 =	vld [tilespmem:s25+$0xFFFFFFF0];
	p2 =	seq.s32 s26, $0x1;
	s26 =	sld [smem:$0x7F9];
	p6 =	slt.s32 s31, $0x1  }
0x102: {  	(v2sf) =	vpush v32, $0x0;
	[tilespmem:s0+$0x16400] =	vst.msk @!p4 vm6, v30;
	v30 =	vld [tilespmem:s25+$0x10];
	s15 =	simm.s32 @!p6 $0x0;
	s31 =	spop (v2sf);
	p0 =	seq.s32 s2, $0x1  }
0x103: {  	v61 =	vmpcnt.ones.xlane vm4;
	v31 =	vld [tilespmem:s25+$0x0];
	[tilespmem:s0+$0x16C40] =	vst.msk @!p4 vm6, v21;
	s15 =	simm.s32 @p6 $0x1;
	p4 =	por p0, p0;
	p0 =	por p1, p1  }
0x104: {  	vm4 =	vlt.u32 @!p3 v16, $0x2800;
	(v2sf) =	vpush v33, $0x0;
	v33 =	vld @!p2 [tilespmem:s18+$0xFFFFFFE0];
	vm10 =	vlt.u32 @!p1 v5, $0x2800;
	p1 =	por p3, p3;
	p3 =	seq.s32 s26, $0x1;
	s26 =	sld [smem:$0x7F5]  }
0x105: {  	v28 =	vld [tilespmem:s25+$0x30];
	s25 =	sadd.s32 $0x80, s25;
	p5 =	slt.s32 s31, $0x1;
	[smem:$0x7F6] =	sst s15  }
0x106: {  	vm6 =	vmmov vm0;
	s15 =	sadd.s32 s13, s31;
	[tilespmem:s10+$0x16C40] =	vst.msk @!p3 vm2, v11;
	s10 =	smov.u32 s30;
	s30 =	sld [smem:$0x7FB]  }
0x107: {  	vm8 =	vmmov vm1;
	v21 =	vmov v23;
	s31 =	smov.u32 s18;
	[tilespmem:s8+$0x16400] =	vst.msk @!p4 vm6, v26;
	p3 =	seq.s32 s26, $0x1;
	s26 =	sld [smem:$0x7F6]  }
0x108: {  	v20 =	vmovc v22;
	v22 =	vsub.s32 v34, v4;
	v63 =	vsub.s32 v24, v4;
	vm1 =	vlt.u32 @!p6 v8, $0x2800;
	s0 =	smov.u32 s15;
	v26 =	vld @!p0 [tilespmem:s31+$0x20];
	[tilespmem:s8+$0x16C40] =	vst.msk @!p4 vm6, v7;
	s8 =	smov.u32 s28;
	p6 =	por p3, p3  }
0x109: {  	v23 =	vsub.s32 v25, v4;
	[tilespmem:s11+$0x16400] =	vst.msk @!p2 vm5, v33;
	v11 =	vmovc v6;
	v6 =	vmov v15;
	v15 =	vsub.s32 v31, v4;
	v31 =	vld @!p5 [tilespmem:s31+$0x30];
	s31 =	sld [smem:$0x7F7];
	p3 =	seq.s32 s30, $0x1;
	s2 =	simm.s32 @!p6 $0x0  }
0x10a: {  	vm7 =	vlt.u32 v23, $0x2800;
	(v2sf) =	vpush v35, $0x0;
	v24 =	vsub.s32 v29, v4;
	[tilespmem:s7+$0x16400] =	vst.msk @!p3 vm8, v27;
	v29 =	vld @!p6 [tilespmem:s18+$0x0];
	s2 =	simm.s32 @p6 $0x1;
	p6 =	seq.s32 s26, $0x1;
	s26 =	simm.s32 @!p0 $0x0  }
0x10b: {  	v25 =	vsub.s32 v30, v4;
	v30 =	vmpcnt.ones.xlane vm7;
	vm7 =	vlt.u32 v22, $0x2800;
	[tilespmem:s7+$0x16C40] =	vst.msk @!p3 vm8, v9;
	s7 =	smov.u32 s29;
	s26 =	simm.s32 @p0 $0x1;
	p0 =	por p2, p2  }
0x10c: {  	v32 =	vsub.s32 v62, v4;
	(v2sf) =	vpush v60, $0x0;
	v36 =	vmpcnt.ones.xlane vm7;
	v35 =	vld @!p1 [tilespmem:s18+$0xFFFFFFF0];
	s29 =	spop (v2sf);
	[smem:$0x7F9] =	sst s2;
	[tilespmem:s11+$0x16C40] =	vst.msk @!p0 vm5, v13;
	p0 =	seq.s32 s31, $0x1  }
.Ltmp9:
0x10d: {  	vm7 =	vlt.u32 v63, $0x2800;
	(v2sf) =	vpush v61, $0x0;
	vm3 =	vlt.u32 @!p5 v19, $0x2800;
	p3 =	por p6, p6;
	p4 =	slt.s32 s29, $0x1;
	(pc) =	sbr.rel @p0 .LBB2_10-.Ltmp9, $4  }
0x10e: {  	vm0 =	vmmov vm10;
	vm2 =	vmmov vm9;
	v7 =	vmovc v5;
	vm6 =	vlt.u32 v24, $0x2800;
	v9 =	vmovc v8;
	s30 =	spop (v2sf);
	s2 =	simm.s32 @!p3 $0x0;
	[smem:$0x7FC] =	sst s26  }
0x10f: {  	v8 =	vmovc v10;
	v10 =	vmovc v25;
	v25 =	vsub.s32 v28, v4;
	v28 =	vmpcnt.ones.xlane vm7;
	(v2sf) =	vpush v30, $0x0;
	v27 =	vld @!p3 [tilespmem:s18+$0x10];
	s18 =	sadd.s32 $0x80, s18;
	s26 =	sadd.s32 s15, s29;
	p2 =	slt.s32 s30, $0x1  }
0x110: {  	v5 =	vmovc v14;
	v14 =	vmovc v32;
	v32 =	vmpcnt.ones.xlane vm6;
	vm6 =	vlt.u32 v15, $0x2800;
	(v2sf) =	vpush v36, $0x0;
	s28 =	spop (v2sf);
	s2 =	simm.s32 @p3 $0x1;
	v30 =	vld @!p4 [tilespmem:s18+$0xFFFFFFC0];
	s11 =	sadd.s32 s26, s30  }
0x111: {  	v33 =	vmpcnt.ones.xlane vm6;
	[tilespmem:s17+$0x16400] =	vst.msk @!p1 vm4, v35;
	v13 =	vmovc v17;
	v17 =	vmovc v63;
	vm5 =	vlt.u32 v10, $0x2800;
	(v2sf) =	vpush v28, $0x0;
	v28 =	vld @!p2 [tilespmem:s18+$0xFFFFFFD0];
	s15 =	spop (v2sf);
	[smem:$0x7FB] =	sst s2;
	s2 =	sadd.s32 s11, s28  }
0x112: {  	[tilespmem:s17+$0x16C40] =	vst.msk @!p1 vm4, v16  }
0x113: {  	s17 =	sld [smem:$0x7F9];
	[tilespmem:s13+$0x16400] =	vst.msk @!p5 vm3, v31  }
0x114: {  	vm4 =	vlt.u32 @!p4 v21, $0x2800;
	[tilespmem:s13+$0x16C40] =	vst.msk @!p5 vm3, v19  }
0x115: {  	[tilespmem:s0+$0x16400] =	vst.msk @!p4 vm4, v30  }
0x116: {  	vm3 =	vlt.u32 @!p2 v20, $0x2800;
	[tilespmem:s0+$0x16C40] =	vst.msk @!p4 vm4, v21  }
0x117: {  	p0 =	seq.s32 s17, $0x1;
	[tilespmem:s26+$0x16400] =	vst.msk @!p2 vm3, v28  }
0x118: {  	[tilespmem:s10+$0x16400] =	vst.msk @!p0 vm2, v29  }
0x119: {  	[tilespmem:s26+$0x16C40] =	vst.msk @!p2 vm3, v20  }
0x11a: {  	[tilespmem:s10+$0x16C40] =	vst.msk @!p0 vm2, v11  }
0x11b: {  	s0 =	sld [smem:$0x7FB];
	_ =	sdelay $0x2  }
0x11c: {  	vm1 =	vmmov vm1;
	p3 =	seq.s32 s0, $0x1  }
0x11d: {  	[tilespmem:s7+$0x16400] =	vst.msk @!p3 vm1, v27  }
0x11e: {  	s30 =	sld [smem:$0x7FC]  }
0x11f: {  	vm9 =	vlt.u32 v14, $0x2800;
	v60 =	vmpcnt.ones.xlane vm5;
	(v2sf) =	vpush v32, $0x0;
	p1 =	slt.s32 s28, $0x1;
	s25 =	spop (v2sf)  }
0x120: {  	vm10 =	vlt.u32 v25, $0x2800;
	v61 =	vmpcnt.ones.xlane vm9;
	(v2sf) =	vpush v33, $0x0;
	v20 =	vld @!p1 [tilespmem:s18+$0xFFFFFFE0];
	s28 =	spop (v2sf)  }
0x121: {  	v62 =	vmpcnt.ones.xlane vm10;
	p2 =	slt.s32 s15, $0x1;
	(v2sf) =	vpush v60, $0x0;
	s29 =	spop (v2sf);
	p6 =	seq.s32 s30, $0x1  }
0x122: {  	vm0 =	vmmov vm0;
	v16 =	vld @!p2 [tilespmem:s18+$0xFFFFFFF0];
	(v2sf) =	vpush v61, $0x0;
	s24 =	spop (v2sf);
	[tilespmem:s7+$0x16C40] =	vst.msk @!p3 vm1, v9;
	p0 =	por p6, p6  }
0x123: {  	(v2sf) =	vpush v62, $0x0;
	p3 =	slt.s32 s24, $0x1;
	s31 =	spop (v2sf);
	[tilespmem:s8+$0x16400] =	vst.msk @!p0 vm0, v26  }
0x124: {  	s0 =	sadd.s32 $0x80, s18;
	vm1 =	vlt.u32 @!p1 v13, $0x2800;
	p4 =	slt.s32 s31, $0x1;
	[tilespmem:s8+$0x16C40] =	vst.msk @!p0 vm0, v7;
	v7 =	vld @!p3 [tilespmem:s18+$0x30]  }
0x125: {  	[tilespmem:s11+$0x16400] =	vst.msk @!p1 vm1, v20;
	v9 =	vld @!p4 [tilespmem:s0+$0xFFFFFFC0];
	s8 =	sadd.s32 s2, s15  }
0x126: {  	s13 =	spop (v2sf);
	[tilespmem:s11+$0x16C40] =	vst.msk @!p1 vm1, v13;
	vm0 =	vlt.u32 @!p2 v12, $0x2800;
	s15 =	sadd.s32 s8, s25  }
0x127: {  	p5 =	slt.s32 s13, $0x1;
	p6 =	slt.s32 s25, $0x1;
	[tilespmem:s2+$0x16400] =	vst.msk @!p2 vm0, v16;
	s11 =	sadd.s32 s15, s28  }
0x128: {  	vm1 =	vlt.u32 @!p3 v18, $0x2800;
	p0 =	por p6, p6;
	[tilespmem:s2+$0x16C40] =	vst.msk @!p2 vm0, v12;
	v12 =	vld @!p5 [tilespmem:s0+$0xFFFFFFD0];
	s25 =	sadd.s32 s11, s29  }
0x129: {  	v11 =	vld @!p0 [tilespmem:s18+$0x0];
	vm0 =	vlt.u32 @!p4 v23, $0x2800;
	s2 =	sadd.s32 s25, s24;
	[tilespmem:s25+$0x16400] =	vst.msk @!p3 vm1, v7  }
0x12a: {  	p1 =	slt.s32 s28, $0x1;
	[tilespmem:s2+$0x16400] =	vst.msk @!p4 vm0, v9  }
0x12b: {  	p2 =	por p1, p1;
	[tilespmem:s25+$0x16C40] =	vst.msk @!p3 vm1, v18  }
0x12c: {  	v7 =	vld @!p2 [tilespmem:s18+$0x10];
	vm1 =	vlt.u32 @!p6 v6, $0x2800;
	p3 =	slt.s32 s29, $0x1;
	[tilespmem:s2+$0x16C40] =	vst.msk @!p4 vm0, v23;
	s2 =	sadd.s32 s2, s31;
	vm0 =	vlt.u32 @!p5 v22, $0x2800  }
0x12d: {  	s26 =	spop (v2sf);
	vm1 =	vmmov vm1;
	p4 =	por p3, p3;
	[tilespmem:s2+$0x16400] =	vst.msk @!p5 vm0, v12  }
0x12e: {  	s28 =	spop (v2sf);
	[tilespmem:s8+$0x16400] =	vst.msk @!p0 vm1, v11;
	v9 =	vld @!p4 [tilespmem:s18+$0x20]  }
0x12f: {  	vm2 =	vlt.u32 @!p1 v8, $0x2800;
	p1 =	slt.s32 s26, $0x1;
	s29 =	spop (v2sf);
	[tilespmem:s2+$0x16C40] =	vst.msk @!p5 vm0, v22  }
0x130: {  	vm2 =	vmmov vm2;
	s30 =	spop (v2sf);
	vm0 =	vlt.u32 @!p3 v5, $0x2800;
	v11 =	vld @!p1 [tilespmem:s0+$0xFFFFFFE0];
	[tilespmem:s8+$0x16C40] =	vst.msk @!p0 vm1, v6  }
0x131: {  	p3 =	slt.s32 s28, $0x1;
	s31 =	spop (v2sf);
	vm0 =	vmmov vm0;
	[tilespmem:s15+$0x16400] =	vst.msk @!p2 vm2, v7  }
0x132: {  	s2 =	sadd.s32 s2, s13;
	s24 =	spop (v2sf);
	p0 =	por p4, p4;
	v6 =	vld @!p3 [tilespmem:s0+$0xFFFFFFF0];
	vm0 =	vmmov vm0;
	[tilespmem:s15+$0x16C40] =	vst.msk @!p2 vm2, v8  }
0x133: {  	s7 =	sadd.s32 s2, s26;
	p2 =	slt.s32 s24, $0x1;
	[tilespmem:s11+$0x16400] =	vst.msk @!p0 vm0, v9  }
0x134: {  	p5 =	slt.s32 s29, $0x1;
	vm1 =	vlt.u32 @!p1 v17, $0x2800;
	s10 =	sadd.s32 s7, s28;
	[tilespmem:s11+$0x16C40] =	vst.msk @!p0 vm0, v5;
	v5 =	vld @!p2 [tilespmem:s0+$0x30]  }
0x135: {  	[tilespmem:s2+$0x16400] =	vst.msk @!p1 vm1, v11;
	s11 =	sadd.s32 s10, s29;
	p0 =	por p5, p5  }
0x136: {  	p4 =	slt.s32 s30, $0x1;
	vm0 =	vlt.u32 @!p3 v24, $0x2800;
	[tilespmem:s2+$0x16C40] =	vst.msk @!p1 vm1, v17;
	s15 =	sadd.s32 s11, s30;
	v7 =	vld @!p0 [tilespmem:s0+$0x0]  }
0x137: {  	p1 =	por p4, p4;
	[tilespmem:s7+$0x16400] =	vst.msk @!p3 vm0, v6;
	s2 =	sadd.s32 s15, s31  }
0x138: {  	p6 =	slt.s32 s31, $0x1;
	v6 =	vld @!p1 [tilespmem:s0+$0x10];
	[tilespmem:s7+$0x16C40] =	vst.msk @!p3 vm0, v24;
	vm0 =	vlt.u32 @!p2 v25, $0x2800;
	s25 =	sadd.s32 s2, s24  }
0x139: {  	vm1 =	vlt.u32 @!p5 v15, $0x2800;
	p3 =	por p6, p6;
	s26 =	sadd.s32 $0x3F, s25;
	[tilespmem:s2+$0x16400] =	vst.msk @!p2 vm0, v5  }
0x13a: {  	v63 =	vadd.s32 s25, v2;
	v5 =	vld @!p3 [tilespmem:s0+$0x20];
	s28 =	sand.u32 $0xFFFFFFC0, s26;
	[tilespmem:s2+$0x16C40] =	vst.msk @!p2 vm0, v25;
	vm0 =	vmmov vm1  }
0x13b: {  	s29 =	sadd.s32 $0x10, s25;
	vm1 =	vlt.u32 @!p4 v10, $0x2800;
	vm11 =	vlt.s32 v63, s28;
	[tilespmem:s10+$0x16400] =	vst.msk @!p0 vm0, v7  }
0x13c: {  	vm3 =	vlt.u32 @!p6 v14, $0x2800;
	v7 =	vadd.s32 s29, v2;
	[tilespmem:s10+$0x16C40] =	vst.msk @!p0 vm0, v15;
	vm0 =	vmmov vm1  }
0x13d: {  	vm12 =	vmmov vm3;
	s30 =	sadd.s32 $0x20, s25;
	vm13 =	vlt.s32 v7, s28;
	[tilespmem:s11+$0x16400] =	vst.msk @!p1 vm0, v6  }
0x13e: {  	p0 =	por p3, p3;
	v6 =	vadd.s32 s30, v2;
	[tilespmem:s11+$0x16C40] =	vst.msk @!p1 vm0, v10;
	vm0 =	vmmov vm12  }
0x13f: {  	s31 =	sadd.s32 $0x30, s25;
	vm14 =	vlt.s32 v6, s28;
	[tilespmem:s15+$0x16400] =	vst.msk @!p0 vm0, v5  }
0x140: {  	v5 =	vadd.s32 s31, v2;
	[tilespmem:s15+$0x16C40] =	vst.msk @!p0 vm0, v14  }
0x141: {  	vm15 =	vlt.s32 v5, s28;
	[tilespmem:v63+s19+$0x0] =	vst.idx.msk vm11, v3  }
0x142: {  	s7 =	sshra.s32 s26, $0x6;
	[tilespmem:v63+s20+$0x0] =	vst.idx.msk vm11, v0  }
0x143: {  	p0 =	slt.s32 s7, $0x1;
	[tilespmem:v7+s19+$0x0] =	vst.idx.msk vm13, v3  }
.Ltmp10:
0x144: {  	[tilespmem:v7+s20+$0x0] =	vst.idx.msk vm13, v0;
	(pc) =	sbr.rel @p0 .LBB2_28-.Ltmp10, $4  }
0x145: {  	[tilespmem:v6+s19+$0x0] =	vst.idx.msk vm14, v3  }
0x146: {  	[tilespmem:v6+s20+$0x0] =	vst.idx.msk vm14, v0  }
0x147: {  	[tilespmem:v5+s19+$0x0] =	vst.idx.msk vm15, v3  }
0x148: {  	[tilespmem:v5+s20+$0x0] =	vst.idx.msk vm15, v0  }
0x149: {  	[tilespmem:s22], [sflag:$0x3] =	stream.indirect.gather [hbm4b:s4+s21], $0x80, s19, s21, $0xb8;
	[tilespmem:$0x1F880] =	vst v63  }
0x14a: {  	p2 =	seq.s32 s7, $0x1  }
0x14b: {  	s0 =	simm.s32 @!p2 $0x40  }
0x14c: {  	s2 =	simm.s32 @!p2 $0x16440;
	s8 =	simm.s32 @!p2 $0x19480;
	p0 =	slt.u32 @!p2 s7, $0x3  }
0x14d: {  	[tilespmem:s8], [sflag:$0x4] =	stream.indirect.gather @!p2 [hbm4b:s4+s0], $0x80, s2, s0, $0xb8;
	[tilespmem:$0x1F880] =	vst v63  }
0x14e: {  	p1 =	por p0, p2  }
0x14f: {  	p3 =	por @!p2 $0x0, $0x0;
	p0 =	por !p0, p2;
	s0 =	simm.s32 @!p1 $0x40  }
0x150: {  	s2 =	simm.s32 @!p1 $0x16480;
	s8 =	simm.s32 @!p1 $0x1B480;
	p4 =	por @!p1 $0x1, $0x1  }
0x151: {  	[tilespmem:s8], [sflag:$0x5] =	stream.indirect.gather @!p1 [hbm4b:s4+s0], $0x80, s2, s0, $0xb8;
	[tilespmem:$0x1F880] =	vst v63  }
0x152: {  	p4 =	por @!p0 p3, p3;
	p0 =	slt.u32 s7, $0x4  }
.Ltmp11:
0x153: {  	_ = 	snop;
	(pc) =	sbr.rel @p0 .LBB2_14-.Ltmp11, $4  }
0x154: {  	_ =	swait.ge [sflag:s23], $0x2000  }
0x155: {  	p1 =	por $0x0, $0x0;
	[sflag:s23] =	ssyncset.done $0x0  }
0x156: {  	p1 =	por @!p2 p4, p4;
	[sflag:s23] =	ssyncadd.s32 $0xFFFFE000  }
0x157: {  	[spmem:s1] =	stream.indirect.scatter.add.f32 [tilespmem:s22], [sflag:$0x7], $0x80, s20, s21, $0xb8;
	[tilespmem:$0x1F880] =	vst v63  }
.Ltmp12:
0x158: {  	(pc) =	sbr.rel .LBB2_15-.Ltmp12, $3  }
0x159: {  	_ =	sdelay $0x1  }
0x15a: {  	s0 =	simm.s32 $0x164C0;
	s2 =	simm.s32 $0x1D480  }
0x15b: {  	[tilespmem:s2], [sflag:$0x6] =	stream.indirect.gather [hbm4b:s4+s21], $0x80, s0, s21, $0xb8;
	[tilespmem:$0x1F880] =	vst v63  }
.LBB2_14:
.Ltmp13:
0x15c: {  	(pc) =	sbr.rel @p2 .LBB2_19-.Ltmp13, $1  }
0x15d: {  	_ =	sdelay $0x3  }
.LBB2_15:
0x15e: {  	s0 =	sadd.s32 $0xFFFFFFFF, s7  }
0x15f: {  	s11 =	simm.s32 $0x0;
	s2 =	simm.s32 $0x16500;
	s8 =	simm.s32 $0x16C80  }
.LBB2_16:
0x160: {  	s10 =	sadd.s32 $0x1, s11  }
0x161: {  	s13 =	sand.u32 $0x3, s10  }
0x162: {  	p0 =	sgt.s32 s13, $0x1  }
0x163: {  	p3 =	seq.s32 @p0 s13, $0x2  }
0x164: {  	p4 =	por !p3, !p0  }
0x165: {  	s15 =	simm.s32 @!p4 $0x5  }
0x166: {  	_ =	swait.ge @!p4 [sflag:s15], $0x2000  }
0x167: {  	p3 =	por p3, !p0;
	[sflag:s15] =	ssyncset.done @!p4 $0x0  }
0x168: {  	s17 =	simm.s32 @!p4 $0x1B480;
	[sflag:s15] =	ssyncadd.s32 @!p4 $0xFFFFE000;
	s15 =	simm.s32 @!p4 $0x40  }
0x169: {  	[spmem:s1] =	stream.indirect.scatter.add.f32 @!p4 [tilespmem:s17], [sflag:$0x9], $0x80, s8, s15, $0xb8;
	[tilespmem:$0x1F880] =	vst v63  }
0x16a: {  	s15 =	simm.s32 @!p3 $0x6  }
0x16b: {  	_ =	swait.ge @!p3 [sflag:s15], $0x2000  }
0x16c: {  	[sflag:s15] =	ssyncset.done @!p3 $0x0  }
0x16d: {  	s17 =	simm.s32 @!p3 $0x1D480;
	[sflag:s15] =	ssyncadd.s32 @!p3 $0xFFFFE000;
	s15 =	simm.s32 @!p3 $0x40  }
0x16e: {  	[spmem:s1] =	stream.indirect.scatter.add.f32 @!p3 [tilespmem:s17], [sflag:$0xA], $0x80, s8, s15, $0xb8;
	[tilespmem:$0x1F880] =	vst v63  }
0x16f: {  	p3 =	seq.s32 @!p0 s13, $0x0  }
0x170: {  	p4 =	por !p3, p0  }
0x171: {  	s13 =	simm.s32 @!p4 $0x3  }
0x172: {  	_ =	swait.ge @!p4 [sflag:s13], $0x2000  }
0x173: {  	p0 =	por p3, p0;
	[sflag:s13] =	ssyncset.done @!p4 $0x0  }
0x174: {  	s15 =	simm.s32 @!p4 $0x17480;
	[sflag:s13] =	ssyncadd.s32 @!p4 $0xFFFFE000;
	s13 =	simm.s32 @!p4 $0x40  }
0x175: {  	[spmem:s1] =	stream.indirect.scatter.add.f32 @!p4 [tilespmem:s15], [sflag:$0x7], $0x80, s8, s13, $0xb8;
	[tilespmem:$0x1F880] =	vst v63  }
0x176: {  	s13 =	simm.s32 @!p0 $0x4  }
0x177: {  	_ =	swait.ge @!p0 [sflag:s13], $0x2000  }
0x178: {  	s11 =	sadd.s32 $0x4, s11;
	[sflag:s13] =	ssyncset.done @!p0 $0x0  }
0x179: {  	s15 =	simm.s32 @!p0 $0x19480;
	[sflag:s13] =	ssyncadd.s32 @!p0 $0xFFFFE000;
	s13 =	simm.s32 @!p0 $0x40  }
0x17a: {  	[spmem:s1] =	stream.indirect.scatter.add.f32 @!p0 [tilespmem:s15], [sflag:$0x8], $0x80, s8, s13, $0xb8;
	[tilespmem:$0x1F880] =	vst v63  }
0x17b: {  	p0 =	sge.s32 s11, s7  }
0x17c: {  	s11 =	sand.u32 @!p0 $0x3, s11  }
0x17d: {  	p3 =	sgt.s32 @!p0 s11, $0x1  }
0x17e: {  	p4 =	por !p3, p0  }
0x17f: {  	p4 =	seq.s32 @!p4 s11, $0x2  }
0x180: {  	p5 =	por @!p0 !p4, !p3  }
0x181: {  	p5 =	por p5, p0  }
0x182: {  	s13 =	simm.s32 @!p5 $0x9  }
0x183: {  	p4 =	por @!p0 p4, !p3;
	_ =	swait.ge @!p5 [sflag:s13], $0x2000  }
0x184: {  	p4 =	por p4, p0;
	[sflag:s13] =	ssyncset.done @!p5 $0x0  }
0x185: {  	s15 =	simm.s32 @!p5 $0x1B480;
	[sflag:s13] =	ssyncadd.s32 @!p5 $0xFFFFE000;
	s13 =	simm.s32 @!p5 $0x40  }
0x186: {  	[tilespmem:s15], [sflag:$0x5] =	stream.indirect.gather @!p5 [hbm4b:s4+s13], $0x80, s2, s13, $0xb8;
	[tilespmem:$0x1F880] =	vst v63  }
0x187: {  	s13 =	simm.s32 @!p4 $0xA  }
0x188: {  	_ =	swait.ge @!p4 [sflag:s13], $0x2000  }
0x189: {  	[sflag:s13] =	ssyncset.done @!p4 $0x0  }
0x18a: {  	s15 =	simm.s32 @!p4 $0x1D480;
	[sflag:s13] =	ssyncadd.s32 @!p4 $0xFFFFE000;
	s13 =	simm.s32 @!p4 $0x40  }
0x18b: {  	[tilespmem:s15], [sflag:$0x6] =	stream.indirect.gather @!p4 [hbm4b:s4+s13], $0x80, s2, s13, $0xb8;
	[tilespmem:$0x1F880] =	vst v63  }
0x18c: {  	p4 =	por p3, p0  }
0x18d: {  	p4 =	seq.s32 @!p4 s11, $0x0  }
0x18e: {  	p5 =	por @!p0 !p4, p3  }
0x18f: {  	p5 =	por p5, p0  }
0x190: {  	s11 =	simm.s32 @!p5 $0x7  }
0x191: {  	p3 =	por @!p0 p4, p3;
	_ =	swait.ge @!p5 [sflag:s11], $0x2000  }
0x192: {  	p0 =	por p3, p0;
	[sflag:s11] =	ssyncset.done @!p5 $0x0  }
0x193: {  	s13 =	simm.s32 @!p5 $0x17480;
	[sflag:s11] =	ssyncadd.s32 @!p5 $0xFFFFE000;
	s11 =	simm.s32 @!p5 $0x40  }
0x194: {  	[tilespmem:s13], [sflag:$0x3] =	stream.indirect.gather @!p5 [hbm4b:s4+s11], $0x80, s2, s11, $0xb8;
	[tilespmem:$0x1F880] =	vst v63  }
0x195: {  	s11 =	simm.s32 @!p0 $0x8  }
0x196: {  	_ =	swait.ge @!p0 [sflag:s11], $0x2000  }
0x197: {  	[sflag:s11] =	ssyncset.done @!p0 $0x0  }
0x198: {  	s13 =	simm.s32 @!p0 $0x19480;
	[sflag:s11] =	ssyncadd.s32 @!p0 $0xFFFFE000;
	s11 =	simm.s32 @!p0 $0x40  }
0x199: {  	[tilespmem:s13], [sflag:$0x4] =	stream.indirect.gather @!p0 [hbm4b:s4+s11], $0x80, s2, s11, $0xb8;
	[tilespmem:$0x1F880] =	vst v63  }
0x19a: {  	p0 =	sne.s32 s0, s10  }
.Ltmp14:
0x19b: {  	_ = 	snop;
	(pc) =	sbr.rel @p0 .LBB2_16-.Ltmp14, $2  }
0x19c: {  	_ =	sdelay $0x2  }
0x19d: {  	s8 =	sadd.s32 $0x40, s8;
	s2 =	sadd.s32 $0x40, s2;
	s11 =	smov.u32 s10  }
0x19e: {  	s0 =	sand.u32 $0x3, s0  }
0x19f: {  	p0 =	sgt.s32 s0, $0x1  }
.Ltmp15:
0x1a0: {  	_ = 	snop;
	(pc) =	sbr.rel @p0 .LBB2_20-.Ltmp15, $1  }
0x1a1: {  	_ =	sdelay $0x3  }
0x1a2: {  	p0 =	seq.s32 s0, $0x0  }
.Ltmp16:
0x1a3: {  	_ = 	snop;
	(pc) =	sbr.rel @!p0 .LBB2_24-.Ltmp16, $1  }
0x1a4: {  	_ =	sdelay $0x3  }
.LBB2_19:
.Ltmp17:
0x1a5: {  	(pc) =	sbr.rel @p2 .LBB2_25-.Ltmp17, $4  }
0x1a6: {  	s0 =	simm.s32 $0x7  }
0x1a7: {  	_ =	swait.ge [sflag:s0], $0x2000  }
0x1a8: {  	[sflag:s0] =	ssyncset.done $0x0  }
0x1a9: {  	[sflag:s0] =	ssyncadd.s32 $0xFFFFE000  }
.LBB2_21:
0x1aa: {  	s0 =	sand.u32 $0x3, s7  }
0x1ab: {  	p0 =	sgt.s32 s0, $0x1  }
.Ltmp18:
0x1ac: {  	_ = 	snop;
	(pc) =	sbr.rel @p0 .LBB2_23-.Ltmp18, $1  }
0x1ad: {  	_ =	sdelay $0x3  }
0x1ae: {  	p0 =	seq.s32 s0, $0x0  }
.Ltmp19:
0x1af: {  	s0 =	simm.s32 @!p0 $0xA;
	(pc) =	sbr.rel @p1 .LBB2_26-.Ltmp19, $4  }
.Ltmp20:
0x1b0: {  	s0 =	simm.s32 @p0 $0x9;
	(pc) =	sbr.rel @!p1 .LBB2_27-.Ltmp20, $4  }
0x1b1: {  	_ =	swait.ge [sflag:s0], $0x2000  }
0x1b2: {  	[sflag:s0] =	ssyncset.done $0x0  }
0x1b3: {  	[sflag:s0] =	ssyncadd.s32 $0xFFFFE000  }
0x1b4: {  	_ = 	snop  }
.LBB2_20:
0x1b5: {  	p0 =	seq.s32 s0, $0x2  }
.Ltmp21:
0x1b6: {  	s0 =	simm.s32 @!p0 $0xA;
	(pc) =	sbr.rel @!p2 .LBB2_21-.Ltmp21, $4  }
0x1b7: {  	s0 =	simm.s32 @p0 $0x9  }
0x1b8: {  	_ =	swait.ge [sflag:s0], $0x2000  }
0x1b9: {  	[sflag:s0] =	ssyncset.done $0x0  }
0x1ba: {  	[sflag:s0] =	ssyncadd.s32 $0xFFFFE000  }
.LBB2_25:
.Ltmp22:
0x1bb: {  	(pc) =	sbr.rel @!p1 .LBB2_27-.Ltmp22, $4  }
.Ltmp23:
0x1bc: {  	(pc) =	sbr.rel @p1 .LBB2_26-.Ltmp23, $4  }
0x1bd: {  	_ = 	snop  }
0x1be: {  	_ = 	snop  }
0x1bf: {  	_ = 	snop  }
0x1c0: {  	_ = 	snop  }
.LBB2_23:
0x1c1: {  	p0 =	seq.s32 s0, $0x3  }
.Ltmp24:
0x1c2: {  	s0 =	simm.s32 @p0 $0x8;
	(pc) =	sbr.rel @p1 .LBB2_26-.Ltmp24, $4  }
.Ltmp25:
0x1c3: {  	s0 =	simm.s32 @!p0 $0x7;
	(pc) =	sbr.rel @!p1 .LBB2_27-.Ltmp25, $4  }
0x1c4: {  	_ =	swait.ge [sflag:s0], $0x2000  }
0x1c5: {  	[sflag:s0] =	ssyncset.done $0x0  }
0x1c6: {  	[sflag:s0] =	ssyncadd.s32 $0xFFFFE000  }
0x1c7: {  	_ = 	snop  }
.LBB2_24:
.Ltmp26:
0x1c8: {  	(pc) =	sbr.rel @!p2 .LBB2_21-.Ltmp26, $4  }
.Ltmp27:
0x1c9: {  	s0 =	simm.s32 $0x8;
	(pc) =	sbr.rel @p2 .LBB2_25-.Ltmp27, $4  }
0x1ca: {  	_ =	swait.ge [sflag:s0], $0x2000  }
0x1cb: {  	[sflag:s0] =	ssyncset.done $0x0  }
0x1cc: {  	[sflag:s0] =	ssyncadd.s32 $0xFFFFE000  }
0x1cd: {  	_ = 	snop  }
.LBB2_31:
0x1ce: {  	_ =	sfence.sel $0x180000  }
0x1cf: {  	[bflag:$0x0] =	sbarrier.arrive $0xFFFF  }
0x1d0: {  	_ =	strace $0x9000004A  }
0x1d1: {  	s0 =	stileid.u32;
	[bflag:$0x2] =	sbarrier.arrive $0xFFFF  }
0x1d2: {  	p0 =	sne.s32 s0, $0x0;
	s0 =	rddreg [dreg:$0x2]  }
0x1d3: {  	s0 =	sadd.s32 @!p0 $0x100000, s0  }
0x1d4: {  	[sflag:s0] =	ssyncadd.tile.s32 @!p0 $0x1;
	_ =	shalt  }
.Lfunc_end2:
_tile_overlayer_lowered:
.L_overlay_start_2:
0x1d5: {  	(tag) =	ssettag $0x2  }
0x1d6: {  	s0 =	rddreg [dreg:$0x0];
	s2 =	stileid.u32  }
0x1d7: {  	s1 =	rddreg [dreg:$0x1];
	p0 =	sne.s32 s2, $0x0  }
0x1d8: {  	s3 =	rddreg [dreg:$0x2];
	[bflag:$0x3] =	sbarrier.arrive $0xFFFF;
	s2 =	simm.s32 @!p0 $0x1C0C  }
0x1d9: {  	[timem:s3], [sflag:s2] =	dma.local @!p0 [hbm:s0], s1  }
0x1da: {  	s0 =	simm.s32 @!p0 $0xC  }
0x1db: {  	_ =	swait.ge @!p0 [sflag:s0], s1  }
0x1dc: {  	s1 =	ssub.s32 @!p0 $0x0, s1;
	[sflag:s0] =	ssyncset.done @!p0 $0x0  }
0x1dd: {  	[sflag:s0] =	ssyncadd.s32 @!p0 s1  }
0x1de: {  	[bflag:$0x3] =	sbarrier.arrive $0xFFFF  }
0x1df: {  	_ =	shalt  }

// kernel: kernel.14.cloned.1.call-start
scs
__scs_entry_jumppad:
0x0: {  	(pc) =	sbr.rel $0x88, $3  }
0x1: {  	(tag) =	ssettag $0x0;
	lr =	simm.s32 $0x1  }
0x2: {  	[smem:$0x3F97] =	sst lr;
	_ =	strace $0xD0000000  }
0x3: {  	_ = 	snop  }
0x4: {  	_ = 	snop  }
0x5: {  	_ = 	snop  }
0x6: {  	_ = 	snop  }
0x7: {  	_ = 	snop  }
__scs_overlays_trampoline_lowered:
0x8: {  	[smem:$0x3FA6] =	sst s0  }
0x9: {  	[smem:$0x3FA7] =	sst s1  }
0xa: {  	[smem:$0x3FA8] =	sst s2  }
0xb: {  	[smem:$0x3FA9] =	sst s3  }
0xc: {  	[smem:$0x3FAA] =	sst s4  }
0xd: {  	[smem:$0x3FAB] =	sst s5  }
0xe: {  	[smem:$0x3FAC] =	sst s6  }
0xf: {  	[smem:$0x3FAD] =	sst s7  }
0x10: {  	[smem:$0x3FAE] =	sst s8  }
0x11: {  	[smem:$0x3FAF] =	sst s9;
	s0 =	simm.s32 @!p0 $0x0  }
0x12: {  	s1 =	sld [smem:$0x3F95];
	s0 =	simm.s32 @p0 $0x1  }
0x13: {  	[smem:$0x3FB0] =	sst s0;
	s0 =	simm.s32 @!p1 $0x0  }
0x14: {  	s2 =	sld [smem:$0x3F94];
	s0 =	simm.s32 @p1 $0x1  }
0x15: {  	[smem:$0x3FB1] =	sst s0;
	s0 =	simm.s32 @!p2 $0x0  }
0x16: {  	s3 =	sld [smem:$0x3FDB];
	s0 =	simm.s32 @p2 $0x1  }
0x17: {  	s4 =	simm.s32 $0x1BF5;
	[smem:$0x3FB3] =	sst s0  }
0x18: {  	s0 =	sld [smem:$0x3F96];
	_ =	swait.ge [sflag:s4], $0x0  }
0x19: {  	s7 =	sld [smem:$0x3F97]  }
0x1a: {  	s8 =	sadd.s32 $0xFFFFE003, lr  }
0x1b: {  	s9 =	sadd.s32 $0xFFFFFEF7, lr;
	s5 =	simm.s32 $0xFFFFFFFF;
	p2 =	slt.u32 s8, $0xFFFFF086  }
0x1c: {  	p1 =	slt.u32 s9, $0xF7A;
	s5 =	simm.s32 @!p2 $0x0  }
0x1d: {  	s5 =	simm.s32 @p1 $0x1;
	p0 =	seq.s32 s7, s2  }
0x1e: {  	s7 =	smul.u32 @!p0 $0xF7A, s2;
	p2 =	seq.s32 @!p0 s5, $0x0  }
0x1f: {  	s9 =	smul.u32 $0xF7A, s1;
	s8 =	simm.s32 @!p0 $0x1BF5;
	p2 =	por !p2, p0  }
0x20: {  	[sflag:s8] =	ssyncset.s32 @!p0 $0xFFFFF086;
	s6 =	sadd.s32 @!p0 s3, s7;
	s7 =	simm.s32 @!p0 $0x108  }
0x21: {  	s3 =	sadd.s32 s3, s9;
	s6 =	sadd.s32 @!p0 $0x88, s6;
	s7 =	simm.s32 @p2 $0x1082  }
0x22: {  	[simem:s7], [sflag:s8] =	dma.local @!p0 [hbm:s6], $0xF7A  }
0x23: {  	s9 =	sor.u32 $0xD0000000, s2;
	s6 =	simm.s32 $0x108;
	_ =	swait.ge @!p0 [sflag:s8], $0x0  }
0x24: {  	s3 =	sadd.s32 $0x88, s3;
	s6 =	simm.s32 @!p1 $0x1082;
	[sflag:s4] =	ssyncset.s32 $0xFFFFF086  }
0x25: {  	[simem:s6], [sflag:s4] =	dma.local [hbm:s3], $0xF7A  }
0x26: {  	[smem:$0x3F97] =	sst s1;
	(tag) =	ssettag s2;
	_ =	strace s9  }
0x27: {  	s1 =	sld [smem:$0x3FA7]  }
0x28: {  	s2 =	sld [smem:$0x3FA8]  }
0x29: {  	s4 =	sld [smem:$0x3FAA]  }
0x2a: {  	p0 =	seq.s32 s5, $0x0;
	s5 =	sld [smem:$0x3FAB]  }
0x2b: {  	s6 =	sld [smem:$0x3FAC]  }
0x2c: {  	s7 =	sld [smem:$0x3FAD]  }
0x2d: {  	s3 =	simm.s32 $0x108;
	s8 =	sld [smem:$0x3FAE]  }
0x2e: {  	s3 =	simm.s32 @!p0 $0x1082;
	s9 =	sld [smem:$0x3FAF]  }
0x2f: {  	lr =	sadd.s32 s0, s3;
	s0 =	sld [smem:$0x3FA6]  }
0x30: {  	s3 =	sld [smem:$0x3FA9]  }
0x31: {  	[smem:$0x3FB2] =	sst s10  }
0x32: {  	s10 =	sld [smem:$0x3FB0];
	_ =	sdelay $0x3  }
0x33: {  	p0 =	seq.s32 s10, $0x1;
	s10 =	sld [smem:$0x3FB2];
	_ =	sdelay $0x3  }
0x34: {  	[smem:$0x3FB2] =	sst s10  }
0x35: {  	s10 =	sld [smem:$0x3FB1];
	_ =	sdelay $0x3  }
0x36: {  	p1 =	seq.s32 s10, $0x1;
	s10 =	sld [smem:$0x3FB2];
	_ =	sdelay $0x3  }
0x37: {  	[smem:$0x3FB2] =	sst s10  }
0x38: {  	s10 =	sld [smem:$0x3FB3]  }
0x39: {  	_ = 	snop;
	(pc) =	sbr.ind lr, $3  }
0x3a: {  	_ = 	snop  }
0x3b: {  	_ = 	snop  }
0x3c: {  	p2 =	seq.s32 s10, $0x1;
	s10 =	sld [smem:$0x3FB2]  }
0x3d: {  	_ =	shalt  }
0x3e: {  	_ =	shalt  }
0x3f: {  	_ =	shalt  }
0x40: {  	_ =	shalt  }
0x41: {  	_ =	shalt  }
0x42: {  	_ =	shalt  }
0x43: {  	_ =	shalt  }
0x44: {  	_ =	shalt  }
0x45: {  	_ =	shalt  }
0x46: {  	_ =	shalt  }
0x47: {  	_ =	shalt  }
0x48: {  	_ =	shalt  }
0x49: {  	_ =	shalt  }
0x4a: {  	_ =	shalt  }
0x4b: {  	_ =	shalt  }
0x4c: {  	_ =	shalt  }
0x4d: {  	_ =	shalt  }
0x4e: {  	_ =	shalt  }
0x4f: {  	_ =	shalt  }
0x50: {  	_ =	shalt  }
0x51: {  	_ =	shalt  }
0x52: {  	_ =	shalt  }
0x53: {  	_ =	shalt  }
0x54: {  	_ =	shalt  }
0x55: {  	_ =	shalt  }
0x56: {  	_ =	shalt  }
0x57: {  	_ =	shalt  }
0x58: {  	_ =	shalt  }
0x59: {  	_ =	shalt  }
0x5a: {  	_ =	shalt  }
0x5b: {  	_ =	shalt  }
0x5c: {  	_ =	shalt  }
0x5d: {  	_ =	shalt  }
0x5e: {  	_ =	shalt  }
0x5f: {  	_ =	shalt  }
0x60: {  	_ =	shalt  }
0x61: {  	_ =	shalt  }
0x62: {  	_ =	shalt  }
0x63: {  	_ =	shalt  }
0x64: {  	_ =	shalt  }
0x65: {  	_ =	shalt  }
0x66: {  	_ =	shalt  }
0x67: {  	_ =	shalt  }
0x68: {  	_ =	shalt  }
0x69: {  	_ =	shalt  }
0x6a: {  	_ =	shalt  }
0x6b: {  	_ =	shalt  }
0x6c: {  	_ =	shalt  }
0x6d: {  	_ =	shalt  }
0x6e: {  	_ =	shalt  }
0x6f: {  	_ =	shalt  }
0x70: {  	_ =	shalt  }
0x71: {  	_ =	shalt  }
0x72: {  	_ =	shalt  }
0x73: {  	_ =	shalt  }
0x74: {  	_ =	shalt  }
0x75: {  	_ =	shalt  }
0x76: {  	_ =	shalt  }
0x77: {  	_ =	shalt  }
0x78: {  	_ =	shalt  }
0x79: {  	_ =	shalt  }
0x7a: {  	_ =	shalt  }
0x7b: {  	_ =	shalt  }
0x7c: {  	_ =	shalt  }
0x7d: {  	_ =	shalt  }
0x7e: {  	_ =	shalt  }
0x7f: {  	_ =	shalt  }
0x80: {  	_ =	shalt  }
0x81: {  	_ =	shalt  }
0x82: {  	_ =	shalt  }
0x83: {  	_ =	shalt  }
0x84: {  	_ =	shalt  }
0x85: {  	_ =	shalt  }
0x86: {  	_ =	shalt  }
0x87: {  	_ =	shalt  }
.Lfunc_end0:
.L_simem_size_0:
called_computation.2_lowered:
.L_overlay_start_0:
0x88: {  	s2 =	sld [smem:$0x3FD9]  }
0x89: {  	s3 =	sld [smem:$0x3FFE];
	_ =	sdelay $0x1  }
0x8a: {  	s1 =	srdreg.scid  }
0x8b: {  	s0 =	sand.u32 $0x1, s1  }
0x8c: {  	s16 =	sshll.u32 s0, $0xA;
	s2 =	sadd.s32 s3, s2  }
0x8d: {  	s2 =	sadd.s32 s2, s16  }
0x8e: {  	[smem:$0x3FBE] =	sst s2  }
0x8f: {  	_ = 	snop  }
0x90: {  	(tm) =	ssettm $0x1  }
0x91: {  	s17 =	sld [smem:$0x3FFB];
	_ =	sdelay $0x3  }
0x92: {  	_ =	strace s17  }
0x93: {  	s2 =	sld [smem:$0x3FFC];
	_ =	sdelay $0x3  }
0x94: {  	_ =	strace s2  }
0x95: {  	s2 =	sld [smem:$0x3FFD];
	_ =	sdelay $0x3  }
0x96: {  	_ =	strace s2  }
0x97: {  	_ =	strace $0x8FFFFFFF  }
0x98: {  	s18 =	sld [smem:$0x3FDB];
	_ =	sdelay $0x1  }
0x99: {  	s19 =	simm.s32 $_scs_section_size  }
0x9a: {  	s4 =	simm.s32 $_size__tile_overlayer_lowered;
	s5 =	simm.s32 $_tile_overlayer_lowered  }
0x9b: {  	s22 =	simm.s32 $0x1BFF;
	s21 =	sshll.u32 s5, $0x1;
	s2 =	sadd.s32 s19, s18  }
0x9c: {  	s6 =	simm.s32 $0x0;
	s20 =	sshll.u32 s4, $0x1;
	s4 =	sadd.s32 s21, s2  }
0x9d: {  	[timem:s6], [sflag:s22] =	dma.local [hbm:s4], s20  }
0x9e: {  	_ =	swait.ge [sflag:s22], s20  }
0x9f: {  	s3 =	ssub.s32 $0x0, s20;
	[sflag:s22] =	ssyncset.done $0x0  }
0xa0: {  	[sflag:s22] =	ssyncadd.s32 s3;
	_ =	sdelay $0x1  }
0xa1: {  	s23 =	simm.s32 $0x1B8B  }
0xa2: {  	_ =	swait.ge [sflag:s23], $0x1  }
0xa3: {  	[sflag:s23] =	ssyncset.done $0x0  }
0xa4: {  	s25 =	simm.s32 $0x1B8E;
	s24 =	sld [smem:$0x3FFE];
	[sflag:s23] =	ssyncadd.s32 $0xFFFFFFFF  }
0xa5: {  	s26 =	simm.s32 $execute0_lowered;
	[smem:$0x3FD2] =	sst s25  }
0xa6: {  	s4 =	sshll.u32 s26, $0x1;
	_ =	strace $0x8000004C;
	[dreg:$0x1] =	wrdreg $0xFFFFFFFF  }
0xa7: {  	s28 =	simm.s32 $_size_execute0_lowered;
	s2 =	sadd.s32 s2, s4;
	[dreg:$0x0] =	wrdreg $0x0  }
0xa8: {  	s4 =	sshll.u32 s28, $0x1;
	[dreg:$0x2] =	wrdreg s2  }
0xa9: {  	[dreg:$0x3] =	wrdreg s4  }
0xaa: {  	[dreg:$0x4] =	wrdreg $0xC0  }
0xab: {  	_ =	task [dreg:s6], $0x5FFFF  }
0xac: {  	[dreg:$0x1] =	wrdreg $0xFFFFFFFF  }
0xad: {  	[dreg:$0x0] =	wrdreg $0x60  }
0xae: {  	[dreg:$0x2] =	wrdreg s24  }
0xaf: {  	[dreg:$0x3] =	wrdreg $0x0  }
0xb0: {  	[dreg:$0x4] =	wrdreg $0x9  }
0xb1: {  	_ =	task.clear_ibuf [dreg:s6], $0x5FFFF;
	_ =	strace $0x9000004C  }
0xb2: {  	s29 =	simm.s32 $0x9;
	_ =	strace $0x8000004E  }
0xb3: {  	_ =	swait.ge [sflag:s29], $0x1  }
0xb4: {  	[sflag:s29] =	ssyncadd.s32 $0xFFFFFFFF  }
0xb5: {  	_ =	strace $0x9000004E  }
0xb6: {  	_ =	sfence  }
0xb7: {  	s30 =	sld [smem:$0x0];
	_ =	sdelay $0x2  }
0xb8: {  	s31 =	sshll.u32 s1, $0xD;
	s1 =	sshrl.u32 s1, $0x2  }
0xb9: {  	s3 =	sand.u32 $0x4000, s31;
	s1 =	sadd.s32 s1, s30  }
0xba: {  	s0 =	sor.u32 s3, s0;
	s1 =	sshll.u32 s1, $0x11  }
0xbb: {  	s0 =	sor.u32 s1, s0  }
0xbc: {  	s0 =	sadd.s32 $0x8F2B, s0  }
0xbd: {  	[sflag:s0] =	ssyncadd.remote.s32 $0x1  }
0xbe: {  	_ =	sfence.sel $0xFFFF  }
0xbf: {  	[dreg:$0x0] =	wrdreg $0xFFFFFFFF;
	(pc) =	sbr.abs _section_cstart, $3  }
0xc0: {  	[dreg:$0x1] =	wrdreg $0xFFFFFFFF  }
0xc1: {  	_ =	task.clear_ibuf [dreg:s6], $0x2FFFF;
	_ =	strace $0x9FFFFFFF  }
0xc2: {  	(tm) =	ssettm $0x7FFFFFFF  }
0xc3: {  	_ =	shalt  }
tec
execute0_lowered:
.L_overlay_start_1:
0x0: {  	(tag) =	ssettag $0x1  }
0x1: {  	s0 =	rddreg [dreg:$0x0]  }
0x2: {  	s1 =	rddreg [dreg:$0x1]  }
0x3: {  	s3 =	simm.s32 $0x0;
	s2 =	simm.s32 $0x0;
	s15 =	srdreg.scid  }
0x4: {  	s13 =	stileid.u32;
	s19 =	simm.s32 $0x16200;
	s20 =	simm.s32 $0x16A40  }
0x5: {  	s21 =	simm.s32 $0x40;
	s22 =	simm.s32 $0x17280;
	[dreg:$0x3] =	wrdreg s2  }
0x6: {  	s23 =	simm.s32 $0x3;
	s14 =	simm.s32 $0x2;
	[smem:$0x7FF] =	sst s3  }
0x7: {  	s4 =	sadd.s32 $0x28A00, s0;
	s5 =	sadd.s32 $0x151E00, s0;
	s7 =	smul.u32 $0x9800, s13  }
0x8: {  	s2 =	sand.u32 $0x1, s15;
	s6 =	sadd.s32 $0x15A00, s0;
	s10 =	smul.u32 $0x50800, s13  }
0x9: {  	s9 =	sshll.u32 s13, $0x3;
	s0 =	sadd.s32 $0x164E00, s0;
	s11 =	smul.u32 $0x50000, s13  }
0xa: {  	s30 =	smul.u32 $0x500, s13;
	_ =	strace $0x8000004D;
	s16 =	ssub.s32 $0x2, s2  }
0xb: {  	[dreg:$0x4] =	wrdreg s0;
	s18 =	sor.u32 $0x5000, s9;
	s2 =	smul.u32 $0x3, s2  }
0xc: {  	s8 =	sshrl.u32 s16, $0x1;
	s24 =	sshrl.u32 s10, $0x2;
	s25 =	sshrl.u32 s7, $0x3  }
0xd: {  	s12 =	sadd.s32 $0x800, s7;
	s29 =	sshrl.u32 s11, $0x2;
	[dreg:$0x8] =	wrdreg s30  }
.Ltmp0:
0xe: {  	[dreg:$0x5] =	wrdreg s2;
	s26 =	sadd.s32 s6, s25;
	(pc) =	sbr.rel .LBB2_1-.Ltmp0, $4  }
0xf: {  	s17 =	ssub.s32 s16, s8;
	s28 =	sadd.s32 s5, s25;
	[dreg:$0x6] =	wrdreg s26  }
0x10: {  	s2 =	sadd.s32 s29, s1;
	[dreg:$0x7] =	wrdreg s28;
	s0 =	smax.u32 s17, $0x1  }
0x11: {  	v1 =	vimm.f32 $0.0e+00;
	s7 =	simm.s32 $0x1B280;
	s31 =	sshrl.u32 s2, $0x3;
	[dreg:$0x9] =	wrdreg s0  }
0x12: {  	v2 =	vlaneseq.u32;
	v3 =	vimm.s32 $0x0;
	v0 =	vmov s18;
	s9 =	sadd.s32 s24, s1;
	s16 =	simm.s32 $0xB;
	[dreg:$0xa] =	wrdreg s31  }
.LBB2_30:
0x13: {  	s0 =	rddreg [dreg:$0x3]  }
0x14: {  	s2 =	rddreg [dreg:$0x9];
	s0 =	sadd.s32 $0x1, s0  }
0x15: {  	p0 =	sne.s32 s0, s2  }
.Ltmp1:
0x16: {  	_ = 	snop;
	(pc) =	sbr.rel @!p0 .LBB2_31-.Ltmp1, $2  }
0x17: {  	_ =	sdelay $0x2  }
0x18: {  	[dreg:$0x3] =	wrdreg s0  }
.LBB2_1:
0x19: {  	[tilespmem:$0x1B280] =	vst v1  }
0x1a: {  	[tilespmem:$0x1B290] =	vst v1  }
0x1b: {  	[tilespmem:$0x1B2A0] =	vst v1  }
0x1c: {  	[tilespmem:$0x1B2B0] =	vst v1  }
0x1d: {  	[tilespmem:$0x1B2C0] =	vst v1  }
0x1e: {  	[tilespmem:$0x1B2D0] =	vst v1  }
0x1f: {  	[tilespmem:$0x1B2E0] =	vst v1  }
0x20: {  	[tilespmem:$0x1B2F0] =	vst v1  }
0x21: {  	[tilespmem:$0x1B300] =	vst v1  }
0x22: {  	[tilespmem:$0x1B310] =	vst v1  }
0x23: {  	[tilespmem:$0x1B320] =	vst v1  }
0x24: {  	[tilespmem:$0x1B330] =	vst v1  }
0x25: {  	[tilespmem:$0x1B340] =	vst v1  }
0x26: {  	[tilespmem:$0x1B350] =	vst v1  }
0x27: {  	[tilespmem:$0x1B360] =	vst v1  }
0x28: {  	[tilespmem:$0x1B370] =	vst v1  }
0x29: {  	[tilespmem:$0x1B380] =	vst v1  }
0x2a: {  	[tilespmem:$0x1B390] =	vst v1  }
0x2b: {  	[tilespmem:$0x1B3A0] =	vst v1  }
0x2c: {  	[tilespmem:$0x1B3B0] =	vst v1  }
0x2d: {  	[tilespmem:$0x1B3C0] =	vst v1  }
0x2e: {  	[tilespmem:$0x1B3D0] =	vst v1  }
0x2f: {  	[tilespmem:$0x1B3E0] =	vst v1  }
0x30: {  	[tilespmem:$0x1B3F0] =	vst v1  }
0x31: {  	[tilespmem:$0x1B400] =	vst v1  }
0x32: {  	[tilespmem:$0x1B410] =	vst v1  }
0x33: {  	[tilespmem:$0x1B420] =	vst v1  }
.Ltmp2:
0x34: {  	[tilespmem:$0x1B430] =	vst v1;
	(pc) =	sbr.rel .LBB2_2-.Ltmp2, $4  }
0x35: {  	[tilespmem:$0x1B440] =	vst v1  }
0x36: {  	[tilespmem:$0x1B450] =	vst v1  }
0x37: {  	[tilespmem:$0x1B460] =	vst v1  }
0x38: {  	[tilespmem:$0x1B470] =	vst v1;
	s3 =	simm.s32 $0x0  }
.LBB2_29:
0x39: {  	s0 =	rddreg [dreg:$0x8]  }
0x3a: {  	s2 =	rddreg [dreg:$0xc];
	s28 =	stileid.u32  }
0x3b: {  	[bflag:$0x0] =	sbarrier.arrive $0xFFFF;
	s30 =	simm.s32 $0xC;
	s0 =	sadd.s32 s0, s2  }
0x3c: {  	s2 =	sshll.u32 s28, $0x6;
	s3 =	rddreg [dreg:$0x4];
	s0 =	sshll.u32 s0, $0x3  }
0x3d: {  	s29 =	rddreg [dreg:$0xa];
	s2 =	sor.u32 $0x1C0C, s2;
	s0 =	sadd.s32 s3, s0  }
0x3e: {  	[hbm:s0], [sflag:s2] =	dma.local [spmem:s29], $0x2800  }
0x3f: {  	_ =	swait.ge [sflag:s30], $0x2800  }
0x40: {  	s31 =	rddreg [dreg:$0xb]  }
0x41: {  	s3 =	sadd.s32 $0x1, s31  }
0x42: {  	p0 =	sne.s32 s3, $0x3  }
.Ltmp3:
0x43: {  	_ = 	snop;
	(pc) =	sbr.rel @!p0 .LBB2_30-.Ltmp3, $4  }
0x44: {  	[sflag:s30] =	ssyncset.done $0x0  }
0x45: {  	[sflag:s30] =	ssyncadd.s32 $0xFFFFD800  }
0x46: {  	[bflag:$0x0] =	sbarrier.arrive $0xFFFF  }
0x47: {  	s7 =	simm.s32 $0x1B280  }
.LBB2_2:
0x48: {  	s0 =	simm.s32 $0x0  }
.LBB2_3:
0x49: {  	p0 =	sne.s32 s0, $0x50000  }
.Ltmp4:
0x4a: {  	_ = 	snop;
	(pc) =	sbr.rel @p0 .LBB2_3-.Ltmp4, $4  }
0x4b: {  	_ = 	snop  }
0x4c: {  	s2 =	sshra.s32 s0, $0x2  }
0x4d: {  	s0 =	sadd.s32 $0x800, s0;
	s2 =	sadd.s32 s2, s9  }
0x4e: {  	[spmem:s2] =	stream.linear.scatter [tilespmem:s7], [sflag:$0xB], $0x200, $0x38;
	[tilespmem:$0x1B480] =	vst v63  }
0x4f: {  	_ =	swait.ge [sflag:s16], $0x200  }
0x50: {  	s0 =	simm.s32 $0xA0;
	[sflag:s16] =	ssyncset.done $0x0  }
.LBB2_5:
0x51: {  	p0 =	sne.s32 s0, $0x1;
	s0 =	sadd.s32 $0xFFFFFFFF, s0;
	[sflag:s16] =	ssyncadd.s32 $0xFFFFFE00  }
.Ltmp5:
0x52: {  	(pc) =	sbr.rel @p0 .LBB2_5-.Ltmp5, $3  }
0x53: {  	_ =	sdelay $0x1  }
0x54: {  	_ =	swait.ge [sflag:s16], $0x200  }
0x55: {  	[sflag:s16] =	ssyncset.done $0x0  }
0x56: {  	[sflag:s16] =	ssyncadd.s32 $0xFFFFFE00;
	[dreg:$0xb] =	wrdreg s3  }
0x57: {  	s0 =	rddreg [dreg:$0x5];
	s7 =	simm.s32 $0x14200;
	[bflag:$0x0] =	sbarrier.arrive $0xFFFF  }
.Ltmp6:
0x58: {  	s0 =	sadd.s32 s0, s3;
	s2 =	rddreg [dreg:$0x6];
	(pc) =	sbr.rel .LBB2_7-.Ltmp6, $4  }
0x59: {  	s3 =	simm.s32 $0x0;
	s29 =	smul.u32 $0x5000, s0;
	s30 =	rddreg [dreg:$0x7]  }
0x5a: {  	[tilespmem:s7], [sflag:$0x1] =	stream.linear.gather [hbm4b:s2+s3], $0x800, $0x38;
	[tilespmem:$0x1B480] =	vst v63  }
0x5b: {  	s31 =	simm.s32 $0x15200;
	p3 =	por $0x0, $0x0;
	[dreg:$0xc] =	wrdreg s29  }
0x5c: {  	v4 =	vmov s29;
	[tilespmem:s31], [sflag:$0x1] =	stream.linear.gather [hbm4b:s30+s3], $0x800, $0x38;
	[tilespmem:$0x1B480] =	vst v63  }
.LBB2_26:
0x5d: {  	s0 =	sadd.s32 $0x1, s7  }
0x5e: {  	s0 =	sand.u32 $0x3, s0  }
0x5f: {  	p0 =	sgt.s32 s0, $0x1  }
0x60: {  	p1 =	seq.s32 @p0 s0, $0x2  }
0x61: {  	p2 =	seq.s32 @!p0 s0, $0x0;
	p1 =	por !p1, !p0  }
0x62: {  	s2 =	simm.s32 $0x7;
	p2 =	por !p2, p0;
	s0 =	simm.s32 @!p1 $0x9  }
0x63: {  	s2 =	simm.s32 @p2 $0x8;
	s0 =	simm.s32 @p1 $0xA  }
0x64: {  	s2 =	smov.u32 @p0 s0  }
0x65: {  	_ =	swait.ge [sflag:s2], $0x1000  }
0x66: {  	[sflag:s2] =	ssyncset.done $0x0  }
0x67: {  	[sflag:s2] =	ssyncadd.s32 $0xFFFFF000  }
.LBB2_27:
0x68: {  	p0 =	slt.s32 s7, $0x4  }
0x69: {  	s0 =	sand.u32 @!p0 $0x3, s7  }
0x6a: {  	p2 =	sgt.s32 @!p0 s0, $0x1  }
0x6b: {  	p1 =	por !p2, p0  }
0x6c: {  	p3 =	seq.s32 @!p1 s0, $0x2  }
0x6d: {  	p5 =	por p2, p0;
	p4 =	por @!p0 p3, !p2  }
0x6e: {  	p5 =	seq.s32 @!p5 s0, $0x0;
	p4 =	por p4, p0  }
0x6f: {  	s0 =	simm.s32 @!p4 $0xA;
	p4 =	por @!p0 p5, p2  }
0x70: {  	p3 =	por @!p0 !p3, !p2;
	p2 =	por @!p0 !p5, p2;
	p4 =	por p4, p0  }
0x71: {  	p3 =	por !p3, p0;
	p2 =	por !p2, p0;
	s2 =	simm.s32 @!p4 $0x8  }
0x72: {  	s0 =	simm.s32 @p3 $0x9;
	s2 =	simm.s32 @p2 $0x7  }
0x73: {  	s0 =	smov.u32 @p1 s2  }
0x74: {  	_ =	swait.ge @!p0 [sflag:s0], $0x1000  }
0x75: {  	[sflag:s0] =	ssyncset.done @!p0 $0x0  }
0x76: {  	[sflag:s0] =	ssyncadd.s32 @!p0 $0xFFFFF000  }
.LBB2_28:
0x77: {  	s3 =	sadd.s32 $0x1, s3  }
0x78: {  	p0 =	sne.s32 s3, $0x13  }
.Ltmp7:
0x79: {  	s0 =	sld [smem:$0x7F8];
	(pc) =	sbr.rel @!p0 .LBB2_29-.Ltmp7, $3  }
0x7a: {  	_ =	sdelay $0x1  }
0x7b: {  	p3 =	seq.s32 s0, $0x1  }
0x7c: {  	p3 =	por !p3, !p3  }
.LBB2_7:
0x7d: {  	s0 =	sand.u32 $0x1, s3  }
0x7e: {  	p0 =	seq.s32 s0, $0x1  }
0x7f: {  	s2 =	simm.s32 @!p0 $0x1  }
0x80: {  	_ =	swait.ge @!p0 [sflag:s2], $0x800  }
0x81: {  	p1 =	seq.s32 @!p0 s3, $0x12;
	[sflag:s2] =	ssyncset.done @!p0 $0x0  }
0x82: {  	p2 =	por p1, p0;
	[sflag:s2] =	ssyncadd.s32 @!p0 $0xFFFFF800  }
0x83: {  	s7 =	sshll.u32 @!p2 s3, $0xB;
	_ =	swait.ge @!p0 [sflag:s2], $0x800  }
0x84: {  	s7 =	sadd.s32 @!p2 s7, s12;
	[sflag:s2] =	ssyncset.done @!p0 $0x0  }
0x85: {  	[sflag:s2] =	ssyncadd.s32 @!p0 $0xFFFFF800;
	s2 =	sshrl.u32 @!p2 s7, $0x3  }
0x86: {  	s8 =	simm.s32 @!p2 $0x0;
	s10 =	simm.s32 @!p2 $0x14A00;
	s7 =	sadd.s32 @!p2 s6, s2  }
0x87: {  	[tilespmem:s10], [sflag:$0x2] =	stream.linear.gather @!p2 [hbm4b:s7+s8], $0x800, $0x38;
	[tilespmem:$0x1B480] =	vst v63  }
0x88: {  	s2 =	sadd.s32 @!p2 s5, s2;
	s7 =	simm.s32 @!p2 $0x15A00  }
0x89: {  	[tilespmem:s7], [sflag:$0x2] =	stream.linear.gather @!p2 [hbm4b:s2+s8], $0x800, $0x38;
	[tilespmem:$0x1B480] =	vst v63  }
0x8a: {  	p2 =	seq.s32 @!p2 s0, $0x0  }
0x8b: {  	p1 =	por @!p0 p1, p2  }
0x8c: {  	p0 =	por p0, !p1  }
.Ltmp8:
0x8d: {  	_ = 	snop;
	(pc) =	sbr.rel @!p0 .LBB2_9-.Ltmp8, $1  }
0x8e: {  	_ =	sdelay $0x3  }
0x8f: {  	_ =	swait.ge [sflag:s14], $0x800  }
0x90: {  	p0 =	seq.s32 s3, $0x12;
	[sflag:s14] =	ssyncset.done $0x0  }
0x91: {  	s0 =	sshll.u32 @!p0 s3, $0xB;
	[sflag:s14] =	ssyncadd.s32 $0xFFFFF800  }
0x92: {  	s0 =	sadd.s32 @!p0 s0, s12;
	_ =	swait.ge [sflag:s14], $0x800  }
0x93: {  	s7 =	simm.s32 @!p0 $0x0;
	s0 =	sshrl.u32 @!p0 s0, $0x3;
	[sflag:s14] =	ssyncset.done $0x0  }
0x94: {  	s8 =	simm.s32 @!p0 $0x14200;
	s2 =	sadd.s32 @!p0 s6, s0;
	[sflag:s14] =	ssyncadd.s32 $0xFFFFF800  }
0x95: {  	[tilespmem:s8], [sflag:$0x1] =	stream.linear.gather @!p0 [hbm4b:s2+s7], $0x800, $0x38;
	[tilespmem:$0x1B480] =	vst v63  }
0x96: {  	s0 =	sadd.s32 @!p0 s5, s0;
	s2 =	simm.s32 @!p0 $0x15200  }
0x97: {  	[tilespmem:s2], [sflag:$0x1] =	stream.linear.gather @!p0 [hbm4b:s0+s7], $0x800, $0x38;
	[tilespmem:$0x1B480] =	vst v63  }
.LBB2_9:
0x98: {  	s0 =	simm.s32 $0x1  }
0x99: {  	s2 =	simm.s32 @!p3 $0x0;
	s0 =	simm.s32 @!p3 $0x0  }
0x9a: {  	s2 =	simm.s32 @p3 $0x1;
	s0 =	sshll.u32 s0, $0xB  }
0x9b: {  	[smem:$0x7F8] =	sst s2;
	s26 =	sor.u32 $0x14240, s0  }
0x9c: {  	v5 =	vld [tilespmem:s26+$0xFFFFFFC0]  }
0x9d: {  	v6 =	vld [tilespmem:s26+$0xFFFFFFD0]  }
0x9e: {  	v7 =	vld [tilespmem:s26+$0xFFFFFFE0]  }
0x9f: {  	v8 =	vld [tilespmem:s26+$0xFFFFFFF0]  }
0xa0: {  	v9 =	vld [tilespmem:s26+$0x0]  }
0xa1: {  	v10 =	vld [tilespmem:s26+$0x10];
	v14 =	vsub.s32 v5, v4  }
0xa2: {  	v5 =	vld [tilespmem:s26+$0x20];
	v25 =	vsub.s32 v6, v4;
	vm0 =	vlt.u32 v14, $0x5000  }
0xa3: {  	v6 =	vld [tilespmem:s26+$0x30];
	v12 =	vmpcnt.ones.xlane vm0;
	vm0 =	vlt.u32 v25, $0x5000  }
0xa4: {  	v28 =	vsub.s32 v7, v4;
	v7 =	vmpcnt.ones.xlane vm0  }
0xa5: {  	v16 =	vsub.s32 v8, v4;
	v11 =	vsub.s32 v9, v4;
	(v2sf) =	vpush v12, $0x0  }
0xa6: {  	v9 =	vsub.s32 v10, v4;
	vm0 =	vlt.u32 v28, $0x5000;
	(v2sf) =	vpush v7, $0x0  }
0xa7: {  	v7 =	vsub.s32 v5, v4;
	v5 =	vmpcnt.ones.xlane vm0;
	vm0 =	vlt.u32 v16, $0x5000  }
0xa8: {  	v19 =	vsub.s32 v6, v4;
	v6 =	vmpcnt.ones.xlane vm0;
	vm0 =	vlt.u32 v11, $0x5000  }
0xa9: {  	v8 =	vmpcnt.ones.xlane vm0;
	vm0 =	vlt.u32 v9, $0x5000;
	(v2sf) =	vpush v5, $0x0  }
0xaa: {  	v5 =	vmpcnt.ones.xlane vm0;
	vm0 =	vlt.u32 v7, $0x5000;
	(v2sf) =	vpush v6, $0x0  }
0xab: {  	v6 =	vmpcnt.ones.xlane vm0;
	vm0 =	vlt.u32 v19, $0x5000;
	(v2sf) =	vpush v8, $0x0  }
0xac: {  	v8 =	vmpcnt.ones.xlane vm0;
	(v2sf) =	vpush v5, $0x0  }
0xad: {  	(v2sf) =	vpush v6, $0x0  }
0xae: {  	(v2sf) =	vpush v8, $0x0  }
0xaf: {  	s7 =	sadd.s32 $0x80, s26  }
0xb0: {  	v5 =	vld [tilespmem:s7+$0xFFFFFFC0]  }
0xb1: {  	v10 =	vld [tilespmem:s7+$0xFFFFFFD0]  }
0xb2: {  	v6 =	vld [tilespmem:s7+$0xFFFFFFE0]  }
0xb3: {  	v8 =	vld [tilespmem:s7+$0xFFFFFFF0]  }
0xb4: {  	v15 =	vld [tilespmem:s7+$0x20]  }
0xb5: {  	v21 =	vsub.s32 v5, v4;
	v5 =	vld [tilespmem:s7+$0x0];
	s8 =	spop (v2sf)  }
0xb6: {  	v20 =	vsub.s32 v10, v4;
	v10 =	vld [tilespmem:s7+$0x10];
	vm0 =	vlt.u32 v21, $0x5000;
	s29 =	spop (v2sf)  }
0xb7: {  	s2 =	sor.u32 $0x15240, s0;
	s25 =	sadd.s32 $0x80, s7;
	v13 =	vsub.s32 v6, v4;
	v6 =	vmpcnt.ones.xlane vm0;
	vm0 =	vlt.u32 v20, $0x5000;
	p3 =	slt.s32 s29, $0x1  }
0xb8: {  	v17 =	vld [tilespmem:s7+$0x30];
	v12 =	vsub.s32 v8, v4;
	v8 =	vmpcnt.ones.xlane vm0;
	vm0 =	vlt.u32 v13, $0x5000;
	p2 =	slt.s32 s8, $0x1;
	s7 =	simm.s32 @!p3 $0x0;
	s30 =	spop (v2sf)  }
0xb9: {  	v18 =	vmpcnt.ones.xlane vm0;
	vm0 =	vlt.u32 v12, $0x5000;
	(v2sf) =	vpush v6, $0x0;
	v23 =	vld @!p2 [tilespmem:s2+$0xFFFFFFC0];
	s7 =	simm.s32 @p3 $0x1;
	s10 =	spop (v2sf)  }
0xba: {  	v22 =	vmpcnt.ones.xlane vm0;
	(v2sf) =	vpush v8, $0x0;
	v6 =	vsub.s32 v5, v4;
	v26 =	vld @!p3 [tilespmem:s2+$0xFFFFFFD0];
	[smem:$0x7FA] =	sst s7;
	s13 =	spop (v2sf)  }
0xbb: {  	v8 =	vsub.s32 v10, v4;
	v5 =	vsub.s32 v15, v4;
	vm0 =	vlt.u32 v6, $0x5000;
	v10 =	vld [tilespmem:s25+$0xFFFFFFD0];
	s31 =	spop (v2sf)  }
0xbc: {  	(v2sf) =	vpush v18, $0x0;
	v15 =	vmpcnt.ones.xlane vm0;
	vm0 =	vlt.u32 v8, $0x5000;
	v24 =	vld [tilespmem:s25+$0xFFFFFFE0];
	s26 =	spop (v2sf)  }
0xbd: {  	v18 =	vsub.s32 v17, v4;
	(v2sf) =	vpush v22, $0x0;
	v17 =	vmpcnt.ones.xlane vm0;
	v27 =	vld [tilespmem:s25+$0xFFFFFFF0];
	s18 =	spop (v2sf)  }
0xbe: {  	(v2sf) =	vpush v15, $0x0;
	v15 =	vld [tilespmem:s25+$0x0];
	p6 =	slt.s32 s18, $0x1  }
0xbf: {  	(v2sf) =	vpush v17, $0x0;
	v17 =	vld [tilespmem:s25+$0xFFFFFFC0];
	s17 =	simm.s32 @!p6 $0x0  }
0xc0: {  	v30 =	vld [tilespmem:s25+$0x10];
	s17 =	simm.s32 @p6 $0x1  }
0xc1: {  	s24 =	simm.s32 $0x0;
	s15 =	sadd.s32 $0x0, s8;
	vm7 =	vlt.u32 @!p2 v14, $0x5000;
	v31 =	vld [tilespmem:s25+$0x20];
	[smem:$0x7FD] =	sst s17  }
0xc2: {  	s11 =	sadd.s32 s15, s29;
	p5 =	slt.s32 s30, $0x1;
	p1 =	slt.s32 s10, $0x1;
	[tilespmem:s24+$0x16200] =	vst.msk @!p2 vm7, v23  }
0xc3: {  	vm6 =	vlt.u32 @!p3 v25, $0x5000;
	p0 =	slt.s32 s13, $0x1;
	p3 =	slt.s32 s31, $0x1;
	s17 =	sadd.s32 s11, s30;
	[tilespmem:s24+$0x16A40] =	vst.msk @!p2 vm7, v14  }
0xc4: {  	vm0 =	vlt.u32 v5, $0x5000;
	vm2 =	vlt.u32 @!p0 v11, $0x5000;
	p0 =	por p0, p0;
	s10 =	sadd.s32 s17, s10;
	s29 =	sld [smem:$0x7FA]  }
0xc5: {  	v22 =	vmpcnt.ones.xlane vm0;
	vm0 =	vlt.u32 v18, $0x5000;
	p4 =	slt.s32 s26, $0x1;
	v32 =	vld [tilespmem:s25+$0x30];
	s7 =	sadd.s32 s10, s13;
	s13 =	simm.s32 @!p0 $0x0  }
0xc6: {  	v29 =	vmpcnt.ones.xlane vm0;
	v33 =	vld @!p5 [tilespmem:s2+$0xFFFFFFE0];
	p2 =	por p3, p3;
	s8 =	sadd.s32 s7, s31;
	s13 =	simm.s32 @p0 $0x1  }
0xc7: {  	(v2sf) =	vpush v22, $0x0;
	vm1 =	vlt.u32 @!p3 v9, $0x5000;
	v34 =	vld @!p1 [tilespmem:s2+$0xFFFFFFF0];
	s0 =	simm.s32 @!p2 $0x0;
	[smem:$0x7F9] =	sst s13;
	p3 =	seq.s32 s29, $0x1  }
0xc8: {  	vm5 =	vlt.u32 @!p5 v28, $0x5000;
	(v2sf) =	vpush v29, $0x0;
	s13 =	sadd.s32 s8, s26;
	s0 =	simm.s32 @p2 $0x1;
	v29 =	vld @!p0 [tilespmem:s2+$0x0];
	p0 =	por p4, p4;
	[tilespmem:s15+$0x16200] =	vst.msk @!p3 vm6, v26  }
0xc9: {  	vm4 =	vlt.u32 @!p1 v16, $0x5000;
	vm2 =	vmmov vm2;
	vm0 =	vlt.u32 @!p4 v7, $0x5000;
	[smem:$0x7FB] =	sst s0;
	s0 =	sadd.s32 s13, s18;
	s18 =	simm.s32 @!p0 $0x0  }
0xca: {  	vm3 =	vlt.u32 @!p6 v19, $0x5000;
	v22 =	vsub.s32 v10, v4;
	v23 =	vsub.s32 v17, v4;
	[tilespmem:s15+$0x16A40] =	vst.msk @!p3 vm6, v25;
	s18 =	simm.s32 @p0 $0x1  }
0xcb: {  	v17 =	vsub.s32 v24, v4;
	v24 =	vsub.s32 v27, v4;
	vm7 =	vlt.u32 v23, $0x5000;
	v27 =	vld @!p2 [tilespmem:s2+$0x10];
	[smem:$0x7FC] =	sst s18  }
0xcc: {  	v10 =	vsub.s32 v30, v4;
	v30 =	vmpcnt.ones.xlane vm7;
	vm7 =	vlt.u32 v22, $0x5000;
	[tilespmem:s11+$0x16200] =	vst.msk @!p5 vm5, v33  }
0xcd: {  	vm0 =	vmmov vm0;
	v15 =	vsub.s32 v15, v4;
	s25 =	sadd.s32 $0x80, s25;
	s30 =	spop (v2sf);
	v35 =	vmpcnt.ones.xlane vm7;
	s28 =	sld [smem:$0x7FD]  }
0xce: {  	v14 =	vsub.s32 v31, v4;
	s31 =	spop (v2sf);
	(v2sf) =	vpush v30, $0x0;
	p4 =	slt.s32 s30, $0x1;
	vm6 =	vlt.u32 v17, $0x5000;
	s18 =	sadd.s32 $0x80, s2;
	v26 =	vld @!p0 [tilespmem:s2+$0x20]  }
0xcf: {  	s24 =	simm.s32 $0x10;
	(v2sf) =	vpush v35, $0x0;
	s26 =	sadd.s32 s0, s30;
	p2 =	slt.s32 s31, $0x1;
	v36 =	vmpcnt.ones.xlane vm6;
	vm6 =	vlt.u32 v24, $0x5000;
	v30 =	vld @!p4 [tilespmem:s18+$0xFFFFFFC0]  }
0xd0: {  	v25 =	vsub.s32 v32, v4;
	v32 =	vmpcnt.ones.xlane vm6;
	vm6 =	vlt.u32 v15, $0x5000;
	[tilespmem:s11+$0x16A40] =	vst.msk @!p5 vm5, v28;
	s11 =	sadd.s32 s26, s31;
	v28 =	vld @!p2 [tilespmem:s18+$0xFFFFFFD0];
	p0 =	seq.s32 s28, $0x1;
	s28 =	spop (v2sf)  }
0xd1: {  	v33 =	vmpcnt.ones.xlane vm6;
	vm5 =	vlt.u32 v10, $0x5000;
	[tilespmem:s17+$0x16200] =	vst.msk @!p1 vm4, v34;
	(v2sf) =	vpush v36, $0x0;
	v31 =	vld @!p0 [tilespmem:s2+$0x30];
	p5 =	por p0, p0;
	s2 =	sadd.s32 s11, s28;
	s15 =	spop (v2sf)  }
.LBB2_10:
0xd2: {  	_ = 	snop  }
0xd3: {  	s29 =	sld [smem:$0x7F9]  }
0xd4: {  	p0 =	slt.s32 s28, $0x1  }
0xd5: {  	s28 =	simm.s32 @!p0 $0x0  }
0xd6: {  	s30 =	sadd.s32 s2, s15;
	s28 =	simm.s32 @p0 $0x1;
	p6 =	seq.s32 s29, $0x1  }
0xd7: {  	[tilespmem:s17+$0x16A40] =	vst.msk @!p1 vm4, v16;
	[smem:$0x7F4] =	sst s28;
	s28 =	spop (v2sf);
	s17 =	simm.s32 @!p6 $0x0  }
0xd8: {  	v35 =	vmpcnt.ones.xlane vm5;
	vm5 =	vlt.u32 v14, $0x5000;
	s24 =	sadd.s32 $0x8, s24;
	p1 =	slt.s32 s28, $0x1;
	s17 =	simm.s32 @p6 $0x1  }
0xd9: {  	v60 =	vmpcnt.ones.xlane vm5;
	vm5 =	vlt.u32 @!p0 v13, $0x5000;
	p0 =	slt.u32 s24, $0x78;
	[smem:$0x7F9] =	sst s17;
	s17 =	simm.s32 @!p1 $0x0  }
0xda: {  	[tilespmem:s13+$0x16200] =	vst.msk @!p5 vm3, v31;
	s29 =	sadd.s32 s30, s28;
	s17 =	simm.s32 @p1 $0x1;
	s31 =	spop (v2sf)  }
0xdb: {  	vm7 =	vlt.u32 @!p2 v20, $0x5000;
	[tilespmem:s13+$0x16A40] =	vst.msk @!p5 vm3, v19;
	[smem:$0x7F5] =	sst s17;
	s28 =	sadd.s32 s29, s31;
	s17 =	spop (v2sf)  }
0xdc: {  	v34 =	vld [tilespmem:s25+$0xFFFFFFD0];
	[tilespmem:s26+$0x16200] =	vst.msk @!p2 vm7, v28;
	vm9 =	vlt.u32 @!p1 v6, $0x5000;
	s13 =	sadd.s32 s28, s17;
	p1 =	slt.s32 s17, $0x1;
	s17 =	simm.s32 @!p0 $0x0  }
0xdd: {  	[tilespmem:s26+$0x16A40] =	vst.msk @!p2 vm7, v20;
	s26 =	sld [smem:$0x7F4];
	s17 =	simm.s32 @p0 $0x1  }
0xde: {  	v16 =	vmov v12;
	v12 =	vmov v24;
	v24 =	vld [tilespmem:s25+$0xFFFFFFE0];
	[smem:$0x7F7] =	sst s17  }
0xdf: {  	v62 =	vld [tilespmem:s25+$0x20];
	s17 =	smov.u32 s2;
	s2 =	sld [smem:$0x7FC]  }
0xe0: {  	vm4 =	vlt.u32 v25, $0x5000;
	p3 =	slt.s32 s15, $0x1;
	v19 =	vmov v18;
	v18 =	vmov v25;
	v25 =	vld [tilespmem:s25+$0xFFFFFFC0]  }
0xe1: {  	vm6 =	vlt.u32 @!p4 v21, $0x5000;
	[tilespmem:s10+$0x16200] =	vst.msk @!p6 vm2, v29;
	v29 =	vld [tilespmem:s25+$0xFFFFFFF0];
	p2 =	seq.s32 s26, $0x1;
	s26 =	sld [smem:$0x7F9];
	p6 =	slt.s32 s31, $0x1  }
0xe2: {  	(v2sf) =	vpush v32, $0x0;
	[tilespmem:s0+$0x16200] =	vst.msk @!p4 vm6, v30;
	v30 =	vld [tilespmem:s25+$0x10];
	s15 =	simm.s32 @!p6 $0x0;
	s31 =	spop (v2sf);
	p0 =	seq.s32 s2, $0x1  }
0xe3: {  	v61 =	vmpcnt.ones.xlane vm4;
	v31 =	vld [tilespmem:s25+$0x0];
	[tilespmem:s0+$0x16A40] =	vst.msk @!p4 vm6, v21;
	s15 =	simm.s32 @p6 $0x1;
	p4 =	por p0, p0;
	p0 =	por p1, p1  }
0xe4: {  	vm4 =	vlt.u32 @!p3 v16, $0x5000;
	(v2sf) =	vpush v33, $0x0;
	v33 =	vld @!p2 [tilespmem:s18+$0xFFFFFFE0];
	vm10 =	vlt.u32 @!p1 v5, $0x5000;
	p1 =	por p3, p3;
	p3 =	seq.s32 s26, $0x1;
	s26 =	sld [smem:$0x7F5]  }
0xe5: {  	v28 =	vld [tilespmem:s25+$0x30];
	s25 =	sadd.s32 $0x80, s25;
	p5 =	slt.s32 s31, $0x1;
	[smem:$0x7F6] =	sst s15  }
0xe6: {  	vm6 =	vmmov vm0;
	s15 =	sadd.s32 s13, s31;
	[tilespmem:s10+$0x16A40] =	vst.msk @!p3 vm2, v11;
	s10 =	smov.u32 s30;
	s30 =	sld [smem:$0x7FB]  }
0xe7: {  	vm8 =	vmmov vm1;
	v21 =	vmov v23;
	s31 =	smov.u32 s18;
	[tilespmem:s8+$0x16200] =	vst.msk @!p4 vm6, v26;
	p3 =	seq.s32 s26, $0x1;
	s26 =	sld [smem:$0x7F6]  }
0xe8: {  	v20 =	vmovc v22;
	v22 =	vsub.s32 v34, v4;
	v63 =	vsub.s32 v24, v4;
	vm1 =	vlt.u32 @!p6 v8, $0x5000;
	s0 =	smov.u32 s15;
	v26 =	vld @!p0 [tilespmem:s31+$0x20];
	[tilespmem:s8+$0x16A40] =	vst.msk @!p4 vm6, v7;
	s8 =	smov.u32 s28;
	p6 =	por p3, p3  }
0xe9: {  	v23 =	vsub.s32 v25, v4;
	[tilespmem:s11+$0x16200] =	vst.msk @!p2 vm5, v33;
	v11 =	vmovc v6;
	v6 =	vmov v15;
	v15 =	vsub.s32 v31, v4;
	v31 =	vld @!p5 [tilespmem:s31+$0x30];
	s31 =	sld [smem:$0x7F7];
	p3 =	seq.s32 s30, $0x1;
	s2 =	simm.s32 @!p6 $0x0  }
0xea: {  	vm7 =	vlt.u32 v23, $0x5000;
	(v2sf) =	vpush v35, $0x0;
	v24 =	vsub.s32 v29, v4;
	[tilespmem:s7+$0x16200] =	vst.msk @!p3 vm8, v27;
	v29 =	vld @!p6 [tilespmem:s18+$0x0];
	s2 =	simm.s32 @p6 $0x1;
	p6 =	seq.s32 s26, $0x1;
	s26 =	simm.s32 @!p0 $0x0  }
0xeb: {  	v25 =	vsub.s32 v30, v4;
	v30 =	vmpcnt.ones.xlane vm7;
	vm7 =	vlt.u32 v22, $0x5000;
	[tilespmem:s7+$0x16A40] =	vst.msk @!p3 vm8, v9;
	s7 =	smov.u32 s29;
	s26 =	simm.s32 @p0 $0x1;
	p0 =	por p2, p2  }
0xec: {  	v32 =	vsub.s32 v62, v4;
	(v2sf) =	vpush v60, $0x0;
	v36 =	vmpcnt.ones.xlane vm7;
	v35 =	vld @!p1 [tilespmem:s18+$0xFFFFFFF0];
	s29 =	spop (v2sf);
	[smem:$0x7F9] =	sst s2;
	[tilespmem:s11+$0x16A40] =	vst.msk @!p0 vm5, v13;
	p0 =	seq.s32 s31, $0x1  }
.Ltmp9:
0xed: {  	vm7 =	vlt.u32 v63, $0x5000;
	(v2sf) =	vpush v61, $0x0;
	vm3 =	vlt.u32 @!p5 v19, $0x5000;
	p3 =	por p6, p6;
	p4 =	slt.s32 s29, $0x1;
	(pc) =	sbr.rel @p0 .LBB2_10-.Ltmp9, $4  }
0xee: {  	vm0 =	vmmov vm10;
	vm2 =	vmmov vm9;
	v7 =	vmovc v5;
	vm6 =	vlt.u32 v24, $0x5000;
	v9 =	vmovc v8;
	s30 =	spop (v2sf);
	s2 =	simm.s32 @!p3 $0x0;
	[smem:$0x7FC] =	sst s26  }
0xef: {  	v8 =	vmovc v10;
	v10 =	vmovc v25;
	v25 =	vsub.s32 v28, v4;
	v28 =	vmpcnt.ones.xlane vm7;
	(v2sf) =	vpush v30, $0x0;
	v27 =	vld @!p3 [tilespmem:s18+$0x10];
	s18 =	sadd.s32 $0x80, s18;
	s26 =	sadd.s32 s15, s29;
	p2 =	slt.s32 s30, $0x1  }
0xf0: {  	v5 =	vmovc v14;
	v14 =	vmovc v32;
	v32 =	vmpcnt.ones.xlane vm6;
	vm6 =	vlt.u32 v15, $0x5000;
	(v2sf) =	vpush v36, $0x0;
	s28 =	spop (v2sf);
	s2 =	simm.s32 @p3 $0x1;
	v30 =	vld @!p4 [tilespmem:s18+$0xFFFFFFC0];
	s11 =	sadd.s32 s26, s30  }
0xf1: {  	v33 =	vmpcnt.ones.xlane vm6;
	[tilespmem:s17+$0x16200] =	vst.msk @!p1 vm4, v35;
	v13 =	vmovc v17;
	v17 =	vmovc v63;
	vm5 =	vlt.u32 v10, $0x5000;
	(v2sf) =	vpush v28, $0x0;
	v28 =	vld @!p2 [tilespmem:s18+$0xFFFFFFD0];
	s15 =	spop (v2sf);
	[smem:$0x7FB] =	sst s2;
	s2 =	sadd.s32 s11, s28  }
0xf2: {  	[tilespmem:s17+$0x16A40] =	vst.msk @!p1 vm4, v16  }
0xf3: {  	s17 =	sld [smem:$0x7F9];
	[tilespmem:s13+$0x16200] =	vst.msk @!p5 vm3, v31  }
0xf4: {  	vm4 =	vlt.u32 @!p4 v21, $0x5000;
	[tilespmem:s13+$0x16A40] =	vst.msk @!p5 vm3, v19  }
0xf5: {  	[tilespmem:s0+$0x16200] =	vst.msk @!p4 vm4, v30  }
0xf6: {  	vm3 =	vlt.u32 @!p2 v20, $0x5000;
	[tilespmem:s0+$0x16A40] =	vst.msk @!p4 vm4, v21  }
0xf7: {  	p0 =	seq.s32 s17, $0x1;
	[tilespmem:s26+$0x16200] =	vst.msk @!p2 vm3, v28  }
0xf8: {  	[tilespmem:s10+$0x16200] =	vst.msk @!p0 vm2, v29  }
0xf9: {  	[tilespmem:s26+$0x16A40] =	vst.msk @!p2 vm3, v20  }
0xfa: {  	[tilespmem:s10+$0x16A40] =	vst.msk @!p0 vm2, v11  }
0xfb: {  	s0 =	sld [smem:$0x7FB];
	_ =	sdelay $0x2  }
0xfc: {  	vm1 =	vmmov vm1;
	p3 =	seq.s32 s0, $0x1  }
0xfd: {  	[tilespmem:s7+$0x16200] =	vst.msk @!p3 vm1, v27  }
0xfe: {  	s30 =	sld [smem:$0x7FC]  }
0xff: {  	vm9 =	vlt.u32 v14, $0x5000;
	v60 =	vmpcnt.ones.xlane vm5;
	(v2sf) =	vpush v32, $0x0;
	p1 =	slt.s32 s28, $0x1;
	s25 =	spop (v2sf)  }
0x100: {  	vm10 =	vlt.u32 v25, $0x5000;
	v61 =	vmpcnt.ones.xlane vm9;
	(v2sf) =	vpush v33, $0x0;
	v20 =	vld @!p1 [tilespmem:s18+$0xFFFFFFE0];
	s28 =	spop (v2sf)  }
0x101: {  	v62 =	vmpcnt.ones.xlane vm10;
	p2 =	slt.s32 s15, $0x1;
	(v2sf) =	vpush v60, $0x0;
	s29 =	spop (v2sf);
	p6 =	seq.s32 s30, $0x1  }
0x102: {  	vm0 =	vmmov vm0;
	v16 =	vld @!p2 [tilespmem:s18+$0xFFFFFFF0];
	(v2sf) =	vpush v61, $0x0;
	s24 =	spop (v2sf);
	[tilespmem:s7+$0x16A40] =	vst.msk @!p3 vm1, v9;
	p0 =	por p6, p6  }
0x103: {  	(v2sf) =	vpush v62, $0x0;
	p3 =	slt.s32 s24, $0x1;
	s31 =	spop (v2sf);
	[tilespmem:s8+$0x16200] =	vst.msk @!p0 vm0, v26  }
0x104: {  	s0 =	sadd.s32 $0x80, s18;
	vm1 =	vlt.u32 @!p1 v13, $0x5000;
	p4 =	slt.s32 s31, $0x1;
	[tilespmem:s8+$0x16A40] =	vst.msk @!p0 vm0, v7;
	v7 =	vld @!p3 [tilespmem:s18+$0x30]  }
0x105: {  	[tilespmem:s11+$0x16200] =	vst.msk @!p1 vm1, v20;
	v9 =	vld @!p4 [tilespmem:s0+$0xFFFFFFC0];
	s8 =	sadd.s32 s2, s15  }
0x106: {  	s13 =	spop (v2sf);
	[tilespmem:s11+$0x16A40] =	vst.msk @!p1 vm1, v13;
	vm0 =	vlt.u32 @!p2 v12, $0x5000;
	s15 =	sadd.s32 s8, s25  }
0x107: {  	p5 =	slt.s32 s13, $0x1;
	p6 =	slt.s32 s25, $0x1;
	[tilespmem:s2+$0x16200] =	vst.msk @!p2 vm0, v16;
	s11 =	sadd.s32 s15, s28  }
0x108: {  	vm1 =	vlt.u32 @!p3 v18, $0x5000;
	p0 =	por p6, p6;
	[tilespmem:s2+$0x16A40] =	vst.msk @!p2 vm0, v12;
	v12 =	vld @!p5 [tilespmem:s0+$0xFFFFFFD0];
	s25 =	sadd.s32 s11, s29  }
0x109: {  	v11 =	vld @!p0 [tilespmem:s18+$0x0];
	vm0 =	vlt.u32 @!p4 v23, $0x5000;
	s2 =	sadd.s32 s25, s24;
	[tilespmem:s25+$0x16200] =	vst.msk @!p3 vm1, v7  }
0x10a: {  	p1 =	slt.s32 s28, $0x1;
	[tilespmem:s2+$0x16200] =	vst.msk @!p4 vm0, v9  }
0x10b: {  	p2 =	por p1, p1;
	[tilespmem:s25+$0x16A40] =	vst.msk @!p3 vm1, v18  }
0x10c: {  	v7 =	vld @!p2 [tilespmem:s18+$0x10];
	vm1 =	vlt.u32 @!p6 v6, $0x5000;
	p3 =	slt.s32 s29, $0x1;
	[tilespmem:s2+$0x16A40] =	vst.msk @!p4 vm0, v23;
	s2 =	sadd.s32 s2, s31;
	vm0 =	vlt.u32 @!p5 v22, $0x5000  }
0x10d: {  	s26 =	spop (v2sf);
	vm1 =	vmmov vm1;
	p4 =	por p3, p3;
	[tilespmem:s2+$0x16200] =	vst.msk @!p5 vm0, v12  }
0x10e: {  	s28 =	spop (v2sf);
	[tilespmem:s8+$0x16200] =	vst.msk @!p0 vm1, v11;
	v9 =	vld @!p4 [tilespmem:s18+$0x20]  }
0x10f: {  	vm2 =	vlt.u32 @!p1 v8, $0x5000;
	p1 =	slt.s32 s26, $0x1;
	s29 =	spop (v2sf);
	[tilespmem:s2+$0x16A40] =	vst.msk @!p5 vm0, v22  }
0x110: {  	vm2 =	vmmov vm2;
	s30 =	spop (v2sf);
	vm0 =	vlt.u32 @!p3 v5, $0x5000;
	v11 =	vld @!p1 [tilespmem:s0+$0xFFFFFFE0];
	[tilespmem:s8+$0x16A40] =	vst.msk @!p0 vm1, v6  }
0x111: {  	p3 =	slt.s32 s28, $0x1;
	s31 =	spop (v2sf);
	vm0 =	vmmov vm0;
	[tilespmem:s15+$0x16200] =	vst.msk @!p2 vm2, v7  }
0x112: {  	s2 =	sadd.s32 s2, s13;
	s24 =	spop (v2sf);
	p0 =	por p4, p4;
	v6 =	vld @!p3 [tilespmem:s0+$0xFFFFFFF0];
	vm0 =	vmmov vm0;
	[tilespmem:s15+$0x16A40] =	vst.msk @!p2 vm2, v8  }
0x113: {  	s7 =	sadd.s32 s2, s26;
	p2 =	slt.s32 s24, $0x1;
	[tilespmem:s11+$0x16200] =	vst.msk @!p0 vm0, v9  }
0x114: {  	p5 =	slt.s32 s29, $0x1;
	vm1 =	vlt.u32 @!p1 v17, $0x5000;
	s10 =	sadd.s32 s7, s28;
	[tilespmem:s11+$0x16A40] =	vst.msk @!p0 vm0, v5;
	v5 =	vld @!p2 [tilespmem:s0+$0x30]  }
0x115: {  	[tilespmem:s2+$0x16200] =	vst.msk @!p1 vm1, v11;
	s11 =	sadd.s32 s10, s29;
	p0 =	por p5, p5  }
0x116: {  	p4 =	slt.s32 s30, $0x1;
	vm0 =	vlt.u32 @!p3 v24, $0x5000;
	[tilespmem:s2+$0x16A40] =	vst.msk @!p1 vm1, v17;
	s15 =	sadd.s32 s11, s30;
	v7 =	vld @!p0 [tilespmem:s0+$0x0]  }
0x117: {  	p1 =	por p4, p4;
	[tilespmem:s7+$0x16200] =	vst.msk @!p3 vm0, v6;
	s2 =	sadd.s32 s15, s31  }
0x118: {  	p6 =	slt.s32 s31, $0x1;
	v6 =	vld @!p1 [tilespmem:s0+$0x10];
	[tilespmem:s7+$0x16A40] =	vst.msk @!p3 vm0, v24;
	vm0 =	vlt.u32 @!p2 v25, $0x5000;
	s25 =	sadd.s32 s2, s24  }
0x119: {  	vm1 =	vlt.u32 @!p5 v15, $0x5000;
	p3 =	por p6, p6;
	s26 =	sadd.s32 $0x3F, s25;
	[tilespmem:s2+$0x16200] =	vst.msk @!p2 vm0, v5  }
0x11a: {  	v63 =	vadd.s32 s25, v2;
	v5 =	vld @!p3 [tilespmem:s0+$0x20];
	s28 =	sand.u32 $0xFFFFFFC0, s26;
	[tilespmem:s2+$0x16A40] =	vst.msk @!p2 vm0, v25;
	vm0 =	vmmov vm1  }
0x11b: {  	s29 =	sadd.s32 $0x10, s25;
	vm1 =	vlt.u32 @!p4 v10, $0x5000;
	vm11 =	vlt.s32 v63, s28;
	[tilespmem:s10+$0x16200] =	vst.msk @!p0 vm0, v7  }
0x11c: {  	vm3 =	vlt.u32 @!p6 v14, $0x5000;
	v7 =	vadd.s32 s29, v2;
	[tilespmem:s10+$0x16A40] =	vst.msk @!p0 vm0, v15;
	vm0 =	vmmov vm1  }
0x11d: {  	vm12 =	vmmov vm3;
	s30 =	sadd.s32 $0x20, s25;
	vm13 =	vlt.s32 v7, s28;
	[tilespmem:s11+$0x16200] =	vst.msk @!p1 vm0, v6  }
0x11e: {  	p0 =	por p3, p3;
	v6 =	vadd.s32 s30, v2;
	[tilespmem:s11+$0x16A40] =	vst.msk @!p1 vm0, v10;
	vm0 =	vmmov vm12  }
0x11f: {  	s31 =	sadd.s32 $0x30, s25;
	vm14 =	vlt.s32 v6, s28;
	[tilespmem:s15+$0x16200] =	vst.msk @!p0 vm0, v5  }
0x120: {  	v5 =	vadd.s32 s31, v2;
	[tilespmem:s15+$0x16A40] =	vst.msk @!p0 vm0, v14  }
0x121: {  	vm15 =	vlt.s32 v5, s28;
	[tilespmem:v63+s19+$0x0] =	vst.idx.msk vm11, v3  }
0x122: {  	s7 =	sshra.s32 s26, $0x6;
	[tilespmem:v63+s20+$0x0] =	vst.idx.msk vm11, v0  }
0x123: {  	p0 =	slt.s32 s7, $0x1;
	[tilespmem:v7+s19+$0x0] =	vst.idx.msk vm13, v3  }
.Ltmp10:
0x124: {  	[tilespmem:v7+s20+$0x0] =	vst.idx.msk vm13, v0;
	(pc) =	sbr.rel @p0 .LBB2_28-.Ltmp10, $4  }
0x125: {  	[tilespmem:v6+s19+$0x0] =	vst.idx.msk vm14, v3  }
0x126: {  	[tilespmem:v6+s20+$0x0] =	vst.idx.msk vm14, v0  }
0x127: {  	[tilespmem:v5+s19+$0x0] =	vst.idx.msk vm15, v3  }
0x128: {  	[tilespmem:v5+s20+$0x0] =	vst.idx.msk vm15, v0  }
0x129: {  	[tilespmem:s22], [sflag:$0x3] =	stream.indirect.gather [hbm4b:s4+s21], $0x40, s19, s21, $0xb8;
	[tilespmem:$0x1B480] =	vst v63  }
0x12a: {  	p2 =	seq.s32 s7, $0x1  }
0x12b: {  	s0 =	simm.s32 @!p2 $0x40  }
0x12c: {  	s2 =	simm.s32 @!p2 $0x16240;
	s8 =	simm.s32 @!p2 $0x18280;
	p0 =	slt.u32 @!p2 s7, $0x3  }
0x12d: {  	[tilespmem:s8], [sflag:$0x4] =	stream.indirect.gather @!p2 [hbm4b:s4+s0], $0x40, s2, s0, $0xb8;
	[tilespmem:$0x1B480] =	vst v63  }
0x12e: {  	p1 =	por p0, p2  }
0x12f: {  	p3 =	por @!p2 $0x0, $0x0;
	p0 =	por !p0, p2;
	s0 =	simm.s32 @!p1 $0x40  }
0x130: {  	s2 =	simm.s32 @!p1 $0x16280;
	s8 =	simm.s32 @!p1 $0x19280;
	p4 =	por @!p1 $0x1, $0x1  }
0x131: {  	[tilespmem:s8], [sflag:$0x5] =	stream.indirect.gather @!p1 [hbm4b:s4+s0], $0x40, s2, s0, $0xb8;
	[tilespmem:$0x1B480] =	vst v63  }
0x132: {  	p4 =	por @!p0 p3, p3;
	p0 =	slt.u32 s7, $0x4  }
.Ltmp11:
0x133: {  	_ = 	snop;
	(pc) =	sbr.rel @p0 .LBB2_14-.Ltmp11, $4  }
0x134: {  	_ =	swait.ge [sflag:s23], $0x1000  }
0x135: {  	p1 =	por $0x0, $0x0;
	[sflag:s23] =	ssyncset.done $0x0  }
0x136: {  	p1 =	por @!p2 p4, p4;
	[sflag:s23] =	ssyncadd.s32 $0xFFFFF000  }
0x137: {  	[spmem:s1] =	stream.indirect.scatter.add.f32 [tilespmem:s22], [sflag:$0x7], $0x40, s20, s21, $0xb8;
	[tilespmem:$0x1B480] =	vst v63  }
.Ltmp12:
0x138: {  	(pc) =	sbr.rel .LBB2_15-.Ltmp12, $3  }
0x139: {  	_ =	sdelay $0x1  }
0x13a: {  	s0 =	simm.s32 $0x162C0;
	s2 =	simm.s32 $0x1A280  }
0x13b: {  	[tilespmem:s2], [sflag:$0x6] =	stream.indirect.gather [hbm4b:s4+s21], $0x40, s0, s21, $0xb8;
	[tilespmem:$0x1B480] =	vst v63  }
.LBB2_14:
.Ltmp13:
0x13c: {  	(pc) =	sbr.rel @p2 .LBB2_19-.Ltmp13, $1  }
0x13d: {  	_ =	sdelay $0x3  }
.LBB2_15:
0x13e: {  	s0 =	sadd.s32 $0xFFFFFFFF, s7  }
0x13f: {  	s11 =	simm.s32 $0x0;
	s2 =	simm.s32 $0x16300;
	s8 =	simm.s32 $0x16A80  }
.LBB2_16:
0x140: {  	s10 =	sadd.s32 $0x1, s11  }
0x141: {  	s13 =	sand.u32 $0x3, s10  }
0x142: {  	p0 =	sgt.s32 s13, $0x1  }
0x143: {  	p3 =	seq.s32 @p0 s13, $0x2  }
0x144: {  	p4 =	por !p3, !p0  }
0x145: {  	s15 =	simm.s32 @!p4 $0x5  }
0x146: {  	_ =	swait.ge @!p4 [sflag:s15], $0x1000  }
0x147: {  	p3 =	por p3, !p0;
	[sflag:s15] =	ssyncset.done @!p4 $0x0  }
0x148: {  	s17 =	simm.s32 @!p4 $0x19280;
	[sflag:s15] =	ssyncadd.s32 @!p4 $0xFFFFF000;
	s15 =	simm.s32 @!p4 $0x40  }
0x149: {  	[spmem:s1] =	stream.indirect.scatter.add.f32 @!p4 [tilespmem:s17], [sflag:$0x9], $0x40, s8, s15, $0xb8;
	[tilespmem:$0x1B480] =	vst v63  }
0x14a: {  	s15 =	simm.s32 @!p3 $0x6  }
0x14b: {  	_ =	swait.ge @!p3 [sflag:s15], $0x1000  }
0x14c: {  	[sflag:s15] =	ssyncset.done @!p3 $0x0  }
0x14d: {  	s17 =	simm.s32 @!p3 $0x1A280;
	[sflag:s15] =	ssyncadd.s32 @!p3 $0xFFFFF000;
	s15 =	simm.s32 @!p3 $0x40  }
0x14e: {  	[spmem:s1] =	stream.indirect.scatter.add.f32 @!p3 [tilespmem:s17], [sflag:$0xA], $0x40, s8, s15, $0xb8;
	[tilespmem:$0x1B480] =	vst v63  }
0x14f: {  	p3 =	seq.s32 @!p0 s13, $0x0  }
0x150: {  	p4 =	por !p3, p0  }
0x151: {  	s13 =	simm.s32 @!p4 $0x3  }
0x152: {  	_ =	swait.ge @!p4 [sflag:s13], $0x1000  }
0x153: {  	p0 =	por p3, p0;
	[sflag:s13] =	ssyncset.done @!p4 $0x0  }
0x154: {  	s15 =	simm.s32 @!p4 $0x17280;
	[sflag:s13] =	ssyncadd.s32 @!p4 $0xFFFFF000;
	s13 =	simm.s32 @!p4 $0x40  }
0x155: {  	[spmem:s1] =	stream.indirect.scatter.add.f32 @!p4 [tilespmem:s15], [sflag:$0x7], $0x40, s8, s13, $0xb8;
	[tilespmem:$0x1B480] =	vst v63  }
0x156: {  	s13 =	simm.s32 @!p0 $0x4  }
0x157: {  	_ =	swait.ge @!p0 [sflag:s13], $0x1000  }
0x158: {  	s11 =	sadd.s32 $0x4, s11;
	[sflag:s13] =	ssyncset.done @!p0 $0x0  }
0x159: {  	s15 =	simm.s32 @!p0 $0x18280;
	[sflag:s13] =	ssyncadd.s32 @!p0 $0xFFFFF000;
	s13 =	simm.s32 @!p0 $0x40  }
0x15a: {  	[spmem:s1] =	stream.indirect.scatter.add.f32 @!p0 [tilespmem:s15], [sflag:$0x8], $0x40, s8, s13, $0xb8;
	[tilespmem:$0x1B480] =	vst v63  }
0x15b: {  	p0 =	sge.s32 s11, s7  }
0x15c: {  	s11 =	sand.u32 @!p0 $0x3, s11  }
0x15d: {  	p3 =	sgt.s32 @!p0 s11, $0x1  }
0x15e: {  	p4 =	por !p3, p0  }
0x15f: {  	p4 =	seq.s32 @!p4 s11, $0x2  }
0x160: {  	p5 =	por @!p0 !p4, !p3  }
0x161: {  	p5 =	por p5, p0  }
0x162: {  	s13 =	simm.s32 @!p5 $0x9  }
0x163: {  	p4 =	por @!p0 p4, !p3;
	_ =	swait.ge @!p5 [sflag:s13], $0x1000  }
0x164: {  	p4 =	por p4, p0;
	[sflag:s13] =	ssyncset.done @!p5 $0x0  }
0x165: {  	s15 =	simm.s32 @!p5 $0x19280;
	[sflag:s13] =	ssyncadd.s32 @!p5 $0xFFFFF000;
	s13 =	simm.s32 @!p5 $0x40  }
0x166: {  	[tilespmem:s15], [sflag:$0x5] =	stream.indirect.gather @!p5 [hbm4b:s4+s13], $0x40, s2, s13, $0xb8;
	[tilespmem:$0x1B480] =	vst v63  }
0x167: {  	s13 =	simm.s32 @!p4 $0xA  }
0x168: {  	_ =	swait.ge @!p4 [sflag:s13], $0x1000  }
0x169: {  	[sflag:s13] =	ssyncset.done @!p4 $0x0  }
0x16a: {  	s15 =	simm.s32 @!p4 $0x1A280;
	[sflag:s13] =	ssyncadd.s32 @!p4 $0xFFFFF000;
	s13 =	simm.s32 @!p4 $0x40  }
0x16b: {  	[tilespmem:s15], [sflag:$0x6] =	stream.indirect.gather @!p4 [hbm4b:s4+s13], $0x40, s2, s13, $0xb8;
	[tilespmem:$0x1B480] =	vst v63  }
0x16c: {  	p4 =	por p3, p0  }
0x16d: {  	p4 =	seq.s32 @!p4 s11, $0x0  }
0x16e: {  	p5 =	por @!p0 !p4, p3  }
0x16f: {  	p5 =	por p5, p0  }
0x170: {  	s11 =	simm.s32 @!p5 $0x7  }
0x171: {  	p3 =	por @!p0 p4, p3;
	_ =	swait.ge @!p5 [sflag:s11], $0x1000  }
0x172: {  	p0 =	por p3, p0;
	[sflag:s11] =	ssyncset.done @!p5 $0x0  }
0x173: {  	s13 =	simm.s32 @!p5 $0x17280;
	[sflag:s11] =	ssyncadd.s32 @!p5 $0xFFFFF000;
	s11 =	simm.s32 @!p5 $0x40  }
0x174: {  	[tilespmem:s13], [sflag:$0x3] =	stream.indirect.gather @!p5 [hbm4b:s4+s11], $0x40, s2, s11, $0xb8;
	[tilespmem:$0x1B480] =	vst v63  }
0x175: {  	s11 =	simm.s32 @!p0 $0x8  }
0x176: {  	_ =	swait.ge @!p0 [sflag:s11], $0x1000  }
0x177: {  	[sflag:s11] =	ssyncset.done @!p0 $0x0  }
0x178: {  	s13 =	simm.s32 @!p0 $0x18280;
	[sflag:s11] =	ssyncadd.s32 @!p0 $0xFFFFF000;
	s11 =	simm.s32 @!p0 $0x40  }
0x179: {  	[tilespmem:s13], [sflag:$0x4] =	stream.indirect.gather @!p0 [hbm4b:s4+s11], $0x40, s2, s11, $0xb8;
	[tilespmem:$0x1B480] =	vst v63  }
0x17a: {  	p0 =	sne.s32 s0, s10  }
.Ltmp14:
0x17b: {  	_ = 	snop;
	(pc) =	sbr.rel @p0 .LBB2_16-.Ltmp14, $2  }
0x17c: {  	_ =	sdelay $0x2  }
0x17d: {  	s8 =	sadd.s32 $0x40, s8;
	s2 =	sadd.s32 $0x40, s2;
	s11 =	smov.u32 s10  }
0x17e: {  	s0 =	sand.u32 $0x3, s0  }
0x17f: {  	p0 =	sgt.s32 s0, $0x1  }
.Ltmp15:
0x180: {  	_ = 	snop;
	(pc) =	sbr.rel @p0 .LBB2_20-.Ltmp15, $1  }
0x181: {  	_ =	sdelay $0x3  }
0x182: {  	p0 =	seq.s32 s0, $0x0  }
.Ltmp16:
0x183: {  	_ = 	snop;
	(pc) =	sbr.rel @!p0 .LBB2_24-.Ltmp16, $1  }
0x184: {  	_ =	sdelay $0x3  }
.LBB2_19:
.Ltmp17:
0x185: {  	(pc) =	sbr.rel @p2 .LBB2_25-.Ltmp17, $4  }
0x186: {  	s0 =	simm.s32 $0x7  }
0x187: {  	_ =	swait.ge [sflag:s0], $0x1000  }
0x188: {  	[sflag:s0] =	ssyncset.done $0x0  }
0x189: {  	[sflag:s0] =	ssyncadd.s32 $0xFFFFF000  }
.LBB2_21:
0x18a: {  	s0 =	sand.u32 $0x3, s7  }
0x18b: {  	p0 =	sgt.s32 s0, $0x1  }
.Ltmp18:
0x18c: {  	_ = 	snop;
	(pc) =	sbr.rel @p0 .LBB2_23-.Ltmp18, $1  }
0x18d: {  	_ =	sdelay $0x3  }
0x18e: {  	p0 =	seq.s32 s0, $0x0  }
.Ltmp19:
0x18f: {  	s0 =	simm.s32 @!p0 $0xA;
	(pc) =	sbr.rel @p1 .LBB2_26-.Ltmp19, $4  }
.Ltmp20:
0x190: {  	s0 =	simm.s32 @p0 $0x9;
	(pc) =	sbr.rel @!p1 .LBB2_27-.Ltmp20, $4  }
0x191: {  	_ =	swait.ge [sflag:s0], $0x1000  }
0x192: {  	[sflag:s0] =	ssyncset.done $0x0  }
0x193: {  	[sflag:s0] =	ssyncadd.s32 $0xFFFFF000  }
0x194: {  	_ = 	snop  }
.LBB2_20:
0x195: {  	p0 =	seq.s32 s0, $0x2  }
.Ltmp21:
0x196: {  	s0 =	simm.s32 @!p0 $0xA;
	(pc) =	sbr.rel @!p2 .LBB2_21-.Ltmp21, $4  }
0x197: {  	s0 =	simm.s32 @p0 $0x9  }
0x198: {  	_ =	swait.ge [sflag:s0], $0x1000  }
0x199: {  	[sflag:s0] =	ssyncset.done $0x0  }
0x19a: {  	[sflag:s0] =	ssyncadd.s32 $0xFFFFF000  }
.LBB2_25:
.Ltmp22:
0x19b: {  	(pc) =	sbr.rel @!p1 .LBB2_27-.Ltmp22, $4  }
.Ltmp23:
0x19c: {  	(pc) =	sbr.rel @p1 .LBB2_26-.Ltmp23, $4  }
0x19d: {  	_ = 	snop  }
0x19e: {  	_ = 	snop  }
0x19f: {  	_ = 	snop  }
0x1a0: {  	_ = 	snop  }
.LBB2_23:
0x1a1: {  	p0 =	seq.s32 s0, $0x3  }
.Ltmp24:
0x1a2: {  	s0 =	simm.s32 @p0 $0x8;
	(pc) =	sbr.rel @p1 .LBB2_26-.Ltmp24, $4  }
.Ltmp25:
0x1a3: {  	s0 =	simm.s32 @!p0 $0x7;
	(pc) =	sbr.rel @!p1 .LBB2_27-.Ltmp25, $4  }
0x1a4: {  	_ =	swait.ge [sflag:s0], $0x1000  }
0x1a5: {  	[sflag:s0] =	ssyncset.done $0x0  }
0x1a6: {  	[sflag:s0] =	ssyncadd.s32 $0xFFFFF000  }
0x1a7: {  	_ = 	snop  }
.LBB2_24:
.Ltmp26:
0x1a8: {  	(pc) =	sbr.rel @!p2 .LBB2_21-.Ltmp26, $4  }
.Ltmp27:
0x1a9: {  	s0 =	simm.s32 $0x8;
	(pc) =	sbr.rel @p2 .LBB2_25-.Ltmp27, $4  }
0x1aa: {  	_ =	swait.ge [sflag:s0], $0x1000  }
0x1ab: {  	[sflag:s0] =	ssyncset.done $0x0  }
0x1ac: {  	[sflag:s0] =	ssyncadd.s32 $0xFFFFF000  }
0x1ad: {  	_ = 	snop  }
.LBB2_31:
0x1ae: {  	_ =	sfence.sel $0x180000  }
0x1af: {  	[bflag:$0x0] =	sbarrier.arrive $0xFFFF  }
0x1b0: {  	_ =	strace $0x9000004D  }
0x1b1: {  	s0 =	stileid.u32;
	[bflag:$0x2] =	sbarrier.arrive $0xFFFF  }
0x1b2: {  	p0 =	sne.s32 s0, $0x0;
	s0 =	rddreg [dreg:$0x2]  }
0x1b3: {  	s0 =	sadd.s32 @!p0 $0x100000, s0  }
0x1b4: {  	[sflag:s0] =	ssyncadd.tile.s32 @!p0 $0x1;
	_ =	shalt  }
.Lfunc_end2:
_tile_overlayer_lowered:
.L_overlay_start_2:
0x1b5: {  	(tag) =	ssettag $0x2  }
0x1b6: {  	s0 =	rddreg [dreg:$0x0];
	s2 =	stileid.u32  }
0x1b7: {  	s1 =	rddreg [dreg:$0x1];
	p0 =	sne.s32 s2, $0x0  }
0x1b8: {  	s3 =	rddreg [dreg:$0x2];
	[bflag:$0x3] =	sbarrier.arrive $0xFFFF;
	s2 =	simm.s32 @!p0 $0x1C0C  }
0x1b9: {  	[timem:s3], [sflag:s2] =	dma.local @!p0 [hbm:s0], s1  }
0x1ba: {  	s0 =	simm.s32 @!p0 $0xC  }
0x1bb: {  	_ =	swait.ge @!p0 [sflag:s0], s1  }
0x1bc: {  	s1 =	ssub.s32 @!p0 $0x0, s1;
	[sflag:s0] =	ssyncset.done @!p0 $0x0  }
0x1bd: {  	[sflag:s0] =	ssyncadd.s32 @!p0 s1  }
0x1be: {  	[bflag:$0x3] =	sbarrier.arrive $0xFFFF  }
0x1bf: {  	_ =	shalt  }

// kernel: kernel.8.cloned.1.call-start
scs
__scs_entry_jumppad:
0x0: {  	(pc) =	sbr.rel $0x88, $3  }
0x1: {  	(tag) =	ssettag $0x0;
	lr =	simm.s32 $0x1  }
0x2: {  	[smem:$0x3F97] =	sst lr;
	_ =	strace $0xD0000000  }
0x3: {  	_ = 	snop  }
0x4: {  	_ = 	snop  }
0x5: {  	_ = 	snop  }
0x6: {  	_ = 	snop  }
0x7: {  	_ = 	snop  }
__scs_overlays_trampoline_lowered:
0x8: {  	[smem:$0x3FA6] =	sst s0  }
0x9: {  	[smem:$0x3FA7] =	sst s1  }
0xa: {  	[smem:$0x3FA8] =	sst s2  }
0xb: {  	[smem:$0x3FA9] =	sst s3  }
0xc: {  	[smem:$0x3FAA] =	sst s4  }
0xd: {  	[smem:$0x3FAB] =	sst s5  }
0xe: {  	[smem:$0x3FAC] =	sst s6  }
0xf: {  	[smem:$0x3FAD] =	sst s7  }
0x10: {  	[smem:$0x3FAE] =	sst s8  }
0x11: {  	[smem:$0x3FAF] =	sst s9;
	s0 =	simm.s32 @!p0 $0x0  }
0x12: {  	s1 =	sld [smem:$0x3F95];
	s0 =	simm.s32 @p0 $0x1  }
0x13: {  	[smem:$0x3FB0] =	sst s0;
	s0 =	simm.s32 @!p1 $0x0  }
0x14: {  	s2 =	sld [smem:$0x3F94];
	s0 =	simm.s32 @p1 $0x1  }
0x15: {  	[smem:$0x3FB1] =	sst s0;
	s0 =	simm.s32 @!p2 $0x0  }
0x16: {  	s3 =	sld [smem:$0x3FDB];
	s0 =	simm.s32 @p2 $0x1  }
0x17: {  	s4 =	simm.s32 $0x1BF5;
	[smem:$0x3FB3] =	sst s0  }
0x18: {  	s0 =	sld [smem:$0x3F96];
	_ =	swait.ge [sflag:s4], $0x0  }
0x19: {  	s7 =	sld [smem:$0x3F97]  }
0x1a: {  	s8 =	sadd.s32 $0xFFFFE003, lr  }
0x1b: {  	s9 =	sadd.s32 $0xFFFFFEF7, lr;
	s5 =	simm.s32 $0xFFFFFFFF;
	p2 =	slt.u32 s8, $0xFFFFF086  }
0x1c: {  	p1 =	slt.u32 s9, $0xF7A;
	s5 =	simm.s32 @!p2 $0x0  }
0x1d: {  	s5 =	simm.s32 @p1 $0x1;
	p0 =	seq.s32 s7, s2  }
0x1e: {  	s7 =	smul.u32 @!p0 $0xF7A, s2;
	p2 =	seq.s32 @!p0 s5, $0x0  }
0x1f: {  	s9 =	smul.u32 $0xF7A, s1;
	s8 =	simm.s32 @!p0 $0x1BF5;
	p2 =	por !p2, p0  }
0x20: {  	[sflag:s8] =	ssyncset.s32 @!p0 $0xFFFFF086;
	s6 =	sadd.s32 @!p0 s3, s7;
	s7 =	simm.s32 @!p0 $0x108  }
0x21: {  	s3 =	sadd.s32 s3, s9;
	s6 =	sadd.s32 @!p0 $0x88, s6;
	s7 =	simm.s32 @p2 $0x1082  }
0x22: {  	[simem:s7], [sflag:s8] =	dma.local @!p0 [hbm:s6], $0xF7A  }
0x23: {  	s9 =	sor.u32 $0xD0000000, s2;
	s6 =	simm.s32 $0x108;
	_ =	swait.ge @!p0 [sflag:s8], $0x0  }
0x24: {  	s3 =	sadd.s32 $0x88, s3;
	s6 =	simm.s32 @!p1 $0x1082;
	[sflag:s4] =	ssyncset.s32 $0xFFFFF086  }
0x25: {  	[simem:s6], [sflag:s4] =	dma.local [hbm:s3], $0xF7A  }
0x26: {  	[smem:$0x3F97] =	sst s1;
	(tag) =	ssettag s2;
	_ =	strace s9  }
0x27: {  	s1 =	sld [smem:$0x3FA7]  }
0x28: {  	s2 =	sld [smem:$0x3FA8]  }
0x29: {  	s4 =	sld [smem:$0x3FAA]  }
0x2a: {  	p0 =	seq.s32 s5, $0x0;
	s5 =	sld [smem:$0x3FAB]  }
0x2b: {  	s6 =	sld [smem:$0x3FAC]  }
0x2c: {  	s7 =	sld [smem:$0x3FAD]  }
0x2d: {  	s3 =	simm.s32 $0x108;
	s8 =	sld [smem:$0x3FAE]  }
0x2e: {  	s3 =	simm.s32 @!p0 $0x1082;
	s9 =	sld [smem:$0x3FAF]  }
0x2f: {  	lr =	sadd.s32 s0, s3;
	s0 =	sld [smem:$0x3FA6]  }
0x30: {  	s3 =	sld [smem:$0x3FA9]  }
0x31: {  	[smem:$0x3FB2] =	sst s10  }
0x32: {  	s10 =	sld [smem:$0x3FB0];
	_ =	sdelay $0x3  }
0x33: {  	p0 =	seq.s32 s10, $0x1;
	s10 =	sld [smem:$0x3FB2];
	_ =	sdelay $0x3  }
0x34: {  	[smem:$0x3FB2] =	sst s10  }
0x35: {  	s10 =	sld [smem:$0x3FB1];
	_ =	sdelay $0x3  }
0x36: {  	p1 =	seq.s32 s10, $0x1;
	s10 =	sld [smem:$0x3FB2];
	_ =	sdelay $0x3  }
0x37: {  	[smem:$0x3FB2] =	sst s10  }
0x38: {  	s10 =	sld [smem:$0x3FB3]  }
0x39: {  	_ = 	snop;
	(pc) =	sbr.ind lr, $3  }
0x3a: {  	_ = 	snop  }
0x3b: {  	_ = 	snop  }
0x3c: {  	p2 =	seq.s32 s10, $0x1;
	s10 =	sld [smem:$0x3FB2]  }
0x3d: {  	_ =	shalt  }
0x3e: {  	_ =	shalt  }
0x3f: {  	_ =	shalt  }
0x40: {  	_ =	shalt  }
0x41: {  	_ =	shalt  }
0x42: {  	_ =	shalt  }
0x43: {  	_ =	shalt  }
0x44: {  	_ =	shalt  }
0x45: {  	_ =	shalt  }
0x46: {  	_ =	shalt  }
0x47: {  	_ =	shalt  }
0x48: {  	_ =	shalt  }
0x49: {  	_ =	shalt  }
0x4a: {  	_ =	shalt  }
0x4b: {  	_ =	shalt  }
0x4c: {  	_ =	shalt  }
0x4d: {  	_ =	shalt  }
0x4e: {  	_ =	shalt  }
0x4f: {  	_ =	shalt  }
0x50: {  	_ =	shalt  }
0x51: {  	_ =	shalt  }
0x52: {  	_ =	shalt  }
0x53: {  	_ =	shalt  }
0x54: {  	_ =	shalt  }
0x55: {  	_ =	shalt  }
0x56: {  	_ =	shalt  }
0x57: {  	_ =	shalt  }
0x58: {  	_ =	shalt  }
0x59: {  	_ =	shalt  }
0x5a: {  	_ =	shalt  }
0x5b: {  	_ =	shalt  }
0x5c: {  	_ =	shalt  }
0x5d: {  	_ =	shalt  }
0x5e: {  	_ =	shalt  }
0x5f: {  	_ =	shalt  }
0x60: {  	_ =	shalt  }
0x61: {  	_ =	shalt  }
0x62: {  	_ =	shalt  }
0x63: {  	_ =	shalt  }
0x64: {  	_ =	shalt  }
0x65: {  	_ =	shalt  }
0x66: {  	_ =	shalt  }
0x67: {  	_ =	shalt  }
0x68: {  	_ =	shalt  }
0x69: {  	_ =	shalt  }
0x6a: {  	_ =	shalt  }
0x6b: {  	_ =	shalt  }
0x6c: {  	_ =	shalt  }
0x6d: {  	_ =	shalt  }
0x6e: {  	_ =	shalt  }
0x6f: {  	_ =	shalt  }
0x70: {  	_ =	shalt  }
0x71: {  	_ =	shalt  }
0x72: {  	_ =	shalt  }
0x73: {  	_ =	shalt  }
0x74: {  	_ =	shalt  }
0x75: {  	_ =	shalt  }
0x76: {  	_ =	shalt  }
0x77: {  	_ =	shalt  }
0x78: {  	_ =	shalt  }
0x79: {  	_ =	shalt  }
0x7a: {  	_ =	shalt  }
0x7b: {  	_ =	shalt  }
0x7c: {  	_ =	shalt  }
0x7d: {  	_ =	shalt  }
0x7e: {  	_ =	shalt  }
0x7f: {  	_ =	shalt  }
0x80: {  	_ =	shalt  }
0x81: {  	_ =	shalt  }
0x82: {  	_ =	shalt  }
0x83: {  	_ =	shalt  }
0x84: {  	_ =	shalt  }
0x85: {  	_ =	shalt  }
0x86: {  	_ =	shalt  }
0x87: {  	_ =	shalt  }
.Lfunc_end0:
.L_simem_size_0:
called_computation_lowered:
.L_overlay_start_0:
0x88: {  	s2 =	sld [smem:$0x3FD9]  }
0x89: {  	s3 =	sld [smem:$0x3FFE];
	_ =	sdelay $0x1  }
0x8a: {  	s1 =	srdreg.scid  }
0x8b: {  	s0 =	sand.u32 $0x1, s1  }
0x8c: {  	s17 =	sshll.u32 s0, $0xA;
	s2 =	sadd.s32 s3, s2  }
0x8d: {  	s2 =	sadd.s32 s2, s17  }
0x8e: {  	[smem:$0x3FBE] =	sst s2  }
0x8f: {  	_ = 	snop  }
0x90: {  	s2 =	sld [smem:$0x3FD0];
	(tm) =	ssettm $0x1  }
0x91: {  	s18 =	sld [smem:$0x3FFB];
	_ =	sdelay $0x3  }
0x92: {  	_ =	strace s18  }
0x93: {  	s3 =	sld [smem:$0x3FFC];
	_ =	sdelay $0x3  }
0x94: {  	_ =	strace s3  }
0x95: {  	s3 =	sld [smem:$0x3FFD];
	_ =	sdelay $0x3  }
0x96: {  	_ =	strace s3  }
0x97: {  	_ =	strace $0x8FFFFFFF  }
0x98: {  	s19 =	sld [smem:$0x3FDB];
	_ =	sdelay $0x1  }
0x99: {  	s4 =	simm.s32 $_scs_section_size  }
0x9a: {  	s5 =	simm.s32 $_size__tile_overlayer_lowered;
	s6 =	simm.s32 $_tile_overlayer_lowered  }
0x9b: {  	s22 =	simm.s32 $0x1BFF;
	s21 =	sshll.u32 s6, $0x1;
	s3 =	sadd.s32 s4, s19  }
0x9c: {  	s7 =	simm.s32 $0x0;
	s20 =	sshll.u32 s5, $0x1;
	s5 =	sadd.s32 s21, s3  }
0x9d: {  	[timem:s7], [sflag:s22] =	dma.local [hbm:s5], s20  }
0x9e: {  	_ =	swait.ge [sflag:s22], s20  }
0x9f: {  	s4 =	ssub.s32 $0x0, s20;
	[sflag:s22] =	ssyncset.done $0x0  }
0xa0: {  	[sflag:s22] =	ssyncadd.s32 s4;
	_ =	sdelay $0x1  }
0xa1: {  	s23 =	simm.s32 $0x1B8B  }
0xa2: {  	_ =	swait.ge [sflag:s23], $0x1  }
0xa3: {  	[sflag:s23] =	ssyncset.done $0x0  }
0xa4: {  	s25 =	simm.s32 $0x1B8E;
	s24 =	sld [smem:$0x3FFE];
	[sflag:s23] =	ssyncadd.s32 $0xFFFFFFFF  }
0xa5: {  	s26 =	simm.s32 $execute0_lowered;
	[smem:$0x3FD2] =	sst s25  }
0xa6: {  	s5 =	sshll.u32 s26, $0x1;
	_ =	strace $0x80000046;
	[dreg:$0x1] =	wrdreg $0xFFFFFFFF  }
0xa7: {  	s28 =	simm.s32 $_size_execute0_lowered;
	s3 =	sadd.s32 s3, s5;
	[dreg:$0x0] =	wrdreg $0x0  }
0xa8: {  	s5 =	sshll.u32 s28, $0x1;
	[dreg:$0x2] =	wrdreg s3  }
0xa9: {  	[dreg:$0x3] =	wrdreg s5  }
0xaa: {  	[dreg:$0x4] =	wrdreg $0xC0  }
0xab: {  	_ =	task [dreg:s7], $0x5FFFF  }
0xac: {  	[dreg:$0x1] =	wrdreg $0xFFFFFFFF  }
0xad: {  	[dreg:$0x0] =	wrdreg $0x60  }
0xae: {  	[dreg:$0x2] =	wrdreg s24  }
0xaf: {  	[dreg:$0x3] =	wrdreg s2  }
0xb0: {  	[dreg:$0x4] =	wrdreg $0x9  }
0xb1: {  	_ =	task.clear_ibuf [dreg:s7], $0x5FFFF;
	_ =	strace $0x90000046  }
0xb2: {  	s29 =	simm.s32 $0x9;
	_ =	strace $0x80000048  }
0xb3: {  	_ =	swait.ge [sflag:s29], $0x1  }
0xb4: {  	[sflag:s29] =	ssyncadd.s32 $0xFFFFFFFF  }
0xb5: {  	_ =	strace $0x90000048  }
0xb6: {  	_ =	sfence  }
0xb7: {  	s30 =	sld [smem:$0x0];
	_ =	sdelay $0x2  }
0xb8: {  	s31 =	sshll.u32 s1, $0xD;
	s1 =	sshrl.u32 s1, $0x2  }
0xb9: {  	s3 =	sand.u32 $0x4000, s31;
	s1 =	sadd.s32 s1, s30  }
0xba: {  	s0 =	sor.u32 s3, s0;
	s1 =	sshll.u32 s1, $0x11  }
0xbb: {  	s0 =	sor.u32 s1, s0  }
0xbc: {  	s0 =	sadd.s32 $0x8F2B, s0  }
0xbd: {  	[sflag:s0] =	ssyncadd.remote.s32 $0x1  }
0xbe: {  	_ =	sfence.sel $0xFFFF  }
0xbf: {  	[dreg:$0x0] =	wrdreg $0xFFFFFFFF;
	(pc) =	sbr.abs _section_cstart, $3  }
0xc0: {  	[dreg:$0x1] =	wrdreg $0xFFFFFFFF  }
0xc1: {  	_ =	task.clear_ibuf [dreg:s7], $0x2FFFF;
	_ =	strace $0x9FFFFFFF  }
0xc2: {  	(tm) =	ssettm $0x7FFFFFFF  }
0xc3: {  	_ =	shalt  }
tec
execute0_lowered:
.L_overlay_start_1:
0x0: {  	(tag) =	ssettag $0x1  }
0x1: {  	s3 =	rddreg [dreg:$0x0]  }
0x2: {  	s6 =	rddreg [dreg:$0x1]  }
0x3: {  	s0 =	rddreg [dreg:$0x2];
	s2 =	simm.s32 $0x0;
	s4 =	srdreg.scid  }
0x4: {  	s1 =	stileid.u32;
	s10 =	simm.s32 $0x2;
	s11 =	simm.s32 $0x0  }
0x5: {  	[smem:$0x7FF] =	sst s2;
	s4 =	sand.u32 $0x1, s4;
	s5 =	smul.u32 $0x9800, s1  }
0x6: {  	s3 =	sadd.s32 $0x15A00, s3;
	s7 =	sshll.u32 s4, $0x4;
	s4 =	ssub.s32 $0x2, s4  }
0x7: {  	_ =	strace $0x80000047;
	s7 =	sor.u32 s1, s7;
	s8 =	sshrl.u32 s4, $0x1  }
0x8: {  	s9 =	sshrl.u32 s5, $0x3;
	s5 =	sadd.s32 $0x800, s5;
	s7 =	smul.u32 $0x3C40, s7  }
0x9: {  	s8 =	ssub.s32 s4, s8;
	s4 =	sadd.s32 s3, s9;
	s9 =	simm.s32 $0x3  }
0xa: {  	v0 =	vimm.f32 $0.0e+00;
	v1 =	vimm.f32 $1.000000000e+00;
	s6 =	sadd.s32 s6, s7;
	s7 =	smax.u32 s8, $0x1;
	s8 =	simm.s32 $0x1E200  }
.LBB2_1:
0xb: {  	s12 =	simm.s32 $0x40  }
0xc: {  	[tilespmem:s12+$0xFFFFFFC0] =	vst v0  }
0xd: {  	[tilespmem:s12+$0x30] =	vst v0  }
0xe: {  	[tilespmem:s12+$0x20] =	vst v0  }
0xf: {  	[tilespmem:s12+$0x10] =	vst v0  }
0x10: {  	[tilespmem:s12+$0x0] =	vst v0  }
0x11: {  	[tilespmem:s12+$0xFFFFFFF0] =	vst v0  }
0x12: {  	s13 =	simm.s32 $0x0;
	[tilespmem:s12+$0xFFFFFFE0] =	vst v0  }
.LBB2_2:
0x13: {  	s13 =	sadd.s32 $0x8, s13;
	[tilespmem:s12+$0xFFFFFFD0] =	vst v0;
	s12 =	sadd.s32 $0x80, s12  }
0x14: {  	[tilespmem:s12+$0xFFFFFFC0] =	vst v0;
	p0 =	slt.u32 s13, $0x1E18  }
0x15: {  	[tilespmem:s12+$0x30] =	vst v0  }
.Ltmp0:
0x16: {  	[tilespmem:s12+$0x20] =	vst v0;
	(pc) =	sbr.rel @p0 .LBB2_2-.Ltmp0, $4  }
0x17: {  	[tilespmem:s12+$0x10] =	vst v0  }
0x18: {  	[tilespmem:s12+$0x0] =	vst v0  }
0x19: {  	[tilespmem:s12+$0xFFFFFFF0] =	vst v0  }
0x1a: {  	[tilespmem:s12+$0xFFFFFFE0] =	vst v0  }
0x1b: {  	[tilespmem:s12+$0xFFFFFFD0] =	vst v0;
	s12 =	simm.s32 $0x0;
	p0 =	por $0x0, $0x0  }
0x1c: {  	[tilespmem:s8], [sflag:$0x1] =	stream.linear.gather [hbm4b:s4+s12], $0x800, $0x38;
	[tilespmem:$0x1F200] =	vst v63  }
.LBB2_4:
0x1d: {  	s13 =	sand.u32 $0x1, s12  }
0x1e: {  	p1 =	seq.s32 s13, $0x1  }
0x1f: {  	p2 =	seq.s32 @!p1 s12, $0x12  }
0x20: {  	s14 =	simm.s32 @!p1 $0x1;
	p3 =	por p2, p1  }
0x21: {  	_ =	swait.ge @!p1 [sflag:s14], $0x800;
	s15 =	sshll.u32 @!p3 s12, $0xB  }
0x22: {  	[sflag:s14] =	ssyncset.done @!p1 $0x0;
	s15 =	sadd.s32 @!p3 s15, s5  }
0x23: {  	[sflag:s14] =	ssyncadd.s32 @!p1 $0xFFFFF800;
	s14 =	sshrl.u32 @!p3 s15, $0x3  }
0x24: {  	s16 =	simm.s32 @!p3 $0x1EA00;
	s15 =	simm.s32 @!p3 $0x0;
	s14 =	sadd.s32 @!p3 s3, s14  }
0x25: {  	[tilespmem:s16], [sflag:$0x2] =	stream.linear.gather @!p3 [hbm4b:s14+s15], $0x800, $0x38;
	[tilespmem:$0x1F200] =	vst v63  }
0x26: {  	p3 =	seq.s32 @!p3 s13, $0x0  }
0x27: {  	p2 =	por @!p1 p2, p3  }
0x28: {  	p1 =	por p1, !p2  }
.Ltmp1:
0x29: {  	_ = 	snop;
	(pc) =	sbr.rel @!p1 .LBB2_6-.Ltmp1, $1  }
0x2a: {  	_ =	sdelay $0x3  }
0x2b: {  	p1 =	seq.s32 s12, $0x12  }
0x2c: {  	s13 =	sshll.u32 @!p1 s12, $0xB  }
0x2d: {  	_ =	swait.ge [sflag:s10], $0x800;
	s13 =	sadd.s32 @!p1 s13, s5  }
0x2e: {  	[sflag:s10] =	ssyncset.done $0x0;
	s14 =	simm.s32 @!p1 $0x0;
	s13 =	sshrl.u32 @!p1 s13, $0x3  }
0x2f: {  	s15 =	simm.s32 @!p1 $0x1E200;
	[sflag:s10] =	ssyncadd.s32 $0xFFFFF800;
	s13 =	sadd.s32 @!p1 s3, s13  }
0x30: {  	[tilespmem:s15], [sflag:$0x1] =	stream.linear.gather @!p1 [hbm4b:s13+s14], $0x800, $0x38;
	[tilespmem:$0x1F200] =	vst v63  }
.LBB2_6:
0x31: {  	s13 =	simm.s32 $0x1  }
0x32: {  	s13 =	simm.s32 @!p0 $0x0  }
0x33: {  	s13 =	sshll.u32 s13, $0xB  }
0x34: {  	s13 =	sor.u32 $0x1E200, s13  }
0x35: {  	v2 =	vmov s13;
	_ =	sdelay $0x3  }
0x36: {  	s14 =	simm.s32 $0x0;
	s13 =	simm.s32 $0x40  }
.LBB2_7:
0x37: {  	p1 =	sne.s32 s13, $0x1FC0;
	v3 =	vld.idx.msk [tilespmem:v2+s14+$0x0 ss:$0x1], $0xffff;
	_ =	sdelay $0x3  }
.Ltmp2:
0x38: {  	(pc) =	sbr.rel @p1 .LBB2_7-.Ltmp2, $2  }
0x39: {  	_ =	sdelay $0x2  }
0x3a: {  	s14 =	sshra.s32 s13, $0x2;
	s13 =	sadd.s32 $0x40, s13;
	[tilespmem:v3+s2+$0x0] =	vst.idx.add.f32.msk $0xffff, v1  }
0x3b: {  	_ =	sdelay $0x3  }
0x3c: {  	v2 =	vld.idx.msk [tilespmem:v2+s14+$0x0 ss:$0x1], $0xffff;
	_ =	sdelay $0x1  }
0x3d: {  	s12 =	sadd.s32 $0x1, s12  }
0x3e: {  	p1 =	sne.s32 s12, $0x13  }
.Ltmp3:
0x3f: {  	_ = 	snop;
	(pc) =	sbr.rel @p1 .LBB2_4-.Ltmp3, $2  }
0x40: {  	_ =	sdelay $0x2  }
0x41: {  	p0 =	por !p0, !p0;
	[tilespmem:v2+s2+$0x0] =	vst.idx.add.f32.msk $0xffff, v1  }
0x42: {  	s11 =	sadd.s32 $0x1, s11  }
0x43: {  	p0 =	sne.s32 s11, s7  }
.Ltmp4:
0x44: {  	_ = 	snop;
	(pc) =	sbr.rel @p0 .LBB2_1-.Ltmp4, $4  }
0x45: {  	[hbm4b:s6+s2] =	stream.linear.scatter [tilespmem:s2], [sflag:$0x3], $0x1E200, $0x38;
	[tilespmem:$0x1F200] =	vst v63  }
0x46: {  	_ =	swait.ge [sflag:s9], $0x1E200  }
0x47: {  	[sflag:s9] =	ssyncset.done $0x0  }
0x48: {  	[sflag:s9] =	ssyncadd.s32 $0xFFFE1E00  }
0x49: {  	_ =	sfence.sel $0x180000  }
0x4a: {  	[bflag:$0x0] =	sbarrier.arrive $0xFFFF  }
0x4b: {  	p0 =	sne.s32 s1, $0x0;
	_ =	strace $0x90000047  }
0x4c: {  	s0 =	sadd.s32 @!p0 $0x100000, s0;
	[bflag:$0x2] =	sbarrier.arrive $0xFFFF  }
0x4d: {  	[sflag:s0] =	ssyncadd.tile.s32 @!p0 $0x1;
	_ =	shalt  }
.Lfunc_end2:
_tile_overlayer_lowered:
.L_overlay_start_2:
0x4e: {  	(tag) =	ssettag $0x2  }
0x4f: {  	s0 =	rddreg [dreg:$0x0];
	s2 =	stileid.u32  }
0x50: {  	s1 =	rddreg [dreg:$0x1];
	p0 =	sne.s32 s2, $0x0  }
0x51: {  	s3 =	rddreg [dreg:$0x2];
	[bflag:$0x3] =	sbarrier.arrive $0xFFFF;
	s2 =	simm.s32 @!p0 $0x1C03  }
0x52: {  	[timem:s3], [sflag:s2] =	dma.local @!p0 [hbm:s0], s1  }
0x53: {  	s0 =	simm.s32 @!p0 $0x3  }
0x54: {  	_ =	swait.ge @!p0 [sflag:s0], s1  }
0x55: {  	s1 =	ssub.s32 @!p0 $0x0, s1;
	[sflag:s0] =	ssyncset.done @!p0 $0x0  }
0x56: {  	[sflag:s0] =	ssyncadd.s32 @!p0 s1  }
0x57: {  	[bflag:$0x3] =	sbarrier.arrive $0xFFFF  }
0x58: {  	_ =	shalt  }

</sc_bundles>
